<compile_context>
chip_gen: v7x
topology: tpu7x:2x2x1
jax: 0.10.2.dev20260603
libtpu: 0.0.44.dev20260713+nightly
codegen_flags: <defaults>
</compile_context>

<pallas_src>
import functools

import jax
import jax.numpy as jnp
from jax import lax
from jax.experimental import pallas as pl
from jax.experimental.pallas import tpu as pltpu
from jax.experimental.pallas import tpu_sc as plsc

D_MODEL = 768
NUM_CORES = 2
NUM_SUBCORES = 16
NUM_WORKERS = NUM_CORES * NUM_SUBCORES
CHUNK = 32
LANES = 16


def _build_sc_call(n_chunks):
    mesh = plsc.VectorSubcoreMesh(core_axis_name="c", subcore_axis_name="s")
    n_half = n_chunks // 2

    @functools.partial(
        pl.kernel,
        out_type=jax.ShapeDtypeStruct(
            (NUM_WORKERS, n_chunks, CHUNK, D_MODEL), jnp.float32
        ),
        mesh=mesh,
        scratch_types=[
            pltpu.VMEM((n_chunks, CHUNK), jnp.int32),
            pltpu.VMEM((2, CHUNK, D_MODEL), jnp.float32),
            pltpu.VMEM((2, CHUNK, D_MODEL), jnp.float32),
            pltpu.SemaphoreType.DMA,
            pltpu.SemaphoreType.DMA,
            pltpu.SemaphoreType.DMA,
            pltpu.SemaphoreType.DMA,
            pltpu.SemaphoreType.DMA,
            pltpu.SemaphoreType.DMA,
        ],
    )
    def sc_call(x_hbm, pos_hbm, tab_hbm, out_hbm, idx_v, rows_v, xb_v,
                gsem0, gsem1, xsem0, xsem1, osem0, osem1):
        gsem = (gsem0, gsem1)
        xsem = (xsem0, xsem1)
        osem = (osem0, osem1)
        wid = lax.axis_index("s") * NUM_CORES + lax.axis_index("c")
        pltpu.sync_copy(pos_hbm.at[wid], idx_v)

        def start_gather(slot, c):
            pltpu.async_copy(tab_hbm.at[idx_v.at[c]], rows_v.at[slot],
                             gsem[slot])

        def start_xload(slot, c):
            pltpu.async_copy(x_hbm.at[wid, c], xb_v.at[slot], xsem[slot])

        def start_store(slot, c):
            pltpu.async_copy(xb_v.at[slot], out_hbm.at[wid, c],
                             osem[slot])

        def wait_load(slot, c):
            pltpu.make_async_copy(tab_hbm.at[idx_v.at[c]], rows_v.at[slot],
                                  gsem[slot]).wait()
            pltpu.make_async_copy(x_hbm.at[wid, c], xb_v.at[slot],
                                  xsem[slot]).wait()

        def wait_store(slot, c):
            pltpu.make_async_copy(xb_v.at[slot], out_hbm.at[wid, c],
                                  osem[slot]).wait()

        def accumulate(slot):
            def tok_body(t, _):
                for d in range(D_MODEL // LANES):
                    sl = pl.ds(d * LANES, LANES)
                    plsc.addupdate(xb_v.at[slot, t, sl], rows_v[slot, t, sl])
                return 0

            lax.fori_loop(0, CHUNK, tok_body, 0)

        for slot in (0, 1):
            start_gather(slot, slot)
            start_xload(slot, slot)

        def pipe_body(i, _):
            c0 = 2 * i
            for slot in (0, 1):
                c = c0 + slot
                wait_load(slot, c)
                accumulate(slot)
                start_store(slot, c)
                start_gather(slot, c + 2)
                wait_store(slot, c)
                start_xload(slot, c + 2)
            return 0

        lax.fori_loop(0, n_half - 1, pipe_body, 0)

        for slot in (0, 1):
            c = n_chunks - 2 + slot
            wait_load(slot, c)
            accumulate(slot)
            start_store(slot, c)
        for slot in (0, 1):
            wait_store(slot, n_chunks - 2 + slot)

    return sc_call


def kernel(x, positions, position_embeddings):
    b, s, d = x.shape
    assert d == D_MODEL
    total = b * s
    tokens_per_worker = total // NUM_WORKERS
    n_chunks = tokens_per_worker // CHUNK

    xf = x.reshape(NUM_WORKERS, n_chunks, CHUNK, d)
    posf = positions.reshape(NUM_WORKERS, n_chunks, CHUNK).astype(jnp.int32)

    sc_call = _build_sc_call(n_chunks)
    out = sc_call(xf, posf, position_embeddings)
    return out.reshape(b, s, d)

# --- scband reference (transcript-rebuilt; emitter-appended) ---
"""Pipeline reference for scband-genomic-positional-encoding-48713519072046 (READ-ONLY COPY).

The authoritative reference and input builder live on the scoring server;
editing this copy changes nothing except your own understanding.
"""

import jax, jax.numpy as jnp
import numpy as np

D_MODEL = 768
MAX_LEN = 100000
BATCH = 4
SEQ_LEN = 8192

def setup_inputs(seed: int = 0) -> dict:
    key = jax.random.key(seed)
    k_x, k_pos, k_tab = jax.random.split(key, 3)
    x = jax.random.normal(k_x, (BATCH, SEQ_LEN, D_MODEL), dtype=jnp.float32)
    positions = jax.random.randint(k_pos, (BATCH, SEQ_LEN), 0, MAX_LEN, dtype=jnp.int64)
    # learned position embedding table, init normal(mean=0, std=0.02)
    position_embeddings = jax.random.normal(k_tab, (MAX_LEN, D_MODEL), dtype=jnp.float32) * 0.02
    return {"x": x, "positions": positions, "position_embeddings": position_embeddings}

def reference(x, positions, position_embeddings):
    # learned=True path: gather rows by genomic positions, add to input embeddings
    pos_emb = jnp.take(position_embeddings, positions, axis=0)  # [B, S, D]
    return x + pos_emb

if __name__ == "__main__":
    import jax
    _d = setup_inputs()
    print(jax.jit(kernel)(*tuple(_d.values())))

</pallas_src>

<mosaic_0001>
#map = affine_map<(d0, d1) -> (0, 0, 0, 0)>
#map1 = affine_map<(d0, d1) -> (0, 0, 0)>
#map2 = affine_map<(d0, d1) -> (0, 0)>
module attributes {stable_mosaic.version = 14 : i64} {
  func.func @sc_call(%arg0: i32, %arg1: i32, %arg2: memref<32x32x32x768xf32, #tpu.memory_space<hbm>>, %arg3: memref<32x32x32xi32, #tpu.memory_space<hbm>>, %arg4: memref<100000x768xf32, #tpu.memory_space<hbm>>, %arg5: memref<32x32x32x768xf32, #tpu.memory_space<hbm>>, %arg6: memref<32x32xi32, #tpu.memory_space<vmem>>, %arg7: memref<2x32x768xf32, #tpu.memory_space<vmem>>, %arg8: memref<2x32x768xf32, #tpu.memory_space<vmem>>, %arg9: memref<!tpu.dma_semaphore, #tpu.memory_space<semaphore_mem>>, %arg10: memref<!tpu.dma_semaphore, #tpu.memory_space<semaphore_mem>>, %arg11: memref<!tpu.dma_semaphore, #tpu.memory_space<semaphore_mem>>, %arg12: memref<!tpu.dma_semaphore, #tpu.memory_space<semaphore_mem>>, %arg13: memref<!tpu.dma_semaphore, #tpu.memory_space<semaphore_mem>>, %arg14: memref<!tpu.dma_semaphore, #tpu.memory_space<semaphore_mem>>) attributes {dimension_semantics = [#tpu.dimension_semantics<core_parallel>, #tpu.dimension_semantics<subcore_parallel>], iteration_bounds = array<i64: 2, 16>, scalar_prefetch = 0 : i64, scratch_operands = 9 : i64, tpu.core_type = #tpu.core_type<sc_vector_subcore>, window_params = [{transform_indices = #map}, {transform_indices = #map1}, {transform_indices = #map2}, {transform_indices = #map}]} {
    %mul3A = arith.constant 2 : i32
    %mul3A_0 = arith.muli %arg1, %mul3A : i32
    %add3A = arith.addi %mul3A_0, %arg0 : i32
    "tpu.region"() ({
      %run_scoped3A = tpu.sem_alloc : memref<!tpu.dma_semaphore, #tpu.memory_space<semaphore_mem>>
      %dma_start3A_211 = arith.constant 0 : i32
      %dma_start3A_212 = arith.constant 0 : i32
      %dma_start3A_213 = tpu.memref_slice %arg3[%add3A, %dma_start3A_211, %dma_start3A_212] : memref<32x32x32xi32, #tpu.memory_space<hbm>> -> memref<1x32x32xi32, #tpu.memory_space<hbm>>
      %dma_start3A_214 = tpu.memref_squeeze %dma_start3A_213 : memref<1x32x32xi32, #tpu.memory_space<hbm>> -> memref<32x32xi32, #tpu.memory_space<hbm>>
      %dma_start3A_215 = arith.constant 0 : i32
      %dma_start3A_216 = arith.constant 0 : i32
      %dma_start3A_217 = tpu.memref_slice %arg3[%add3A, %dma_start3A_215, %dma_start3A_216] : memref<32x32x32xi32, #tpu.memory_space<hbm>> -> memref<1x32x32xi32, #tpu.memory_space<hbm>>
      %dma_start3A_218 = tpu.memref_squeeze %dma_start3A_217 : memref<1x32x32xi32, #tpu.memory_space<hbm>> -> memref<32x32xi32, #tpu.memory_space<hbm>>
      tpu.enqueue_dma source(%dma_start3A_218 : memref<32x32xi32, #tpu.memory_space<hbm>>) target(%arg6 : memref<32x32xi32, #tpu.memory_space<vmem>>) target_semaphore(%run_scoped3A : memref<!tpu.dma_semaphore, #tpu.memory_space<semaphore_mem>>)
      %dma_wait3A_219 = arith.constant 0 : i32
      %dma_wait3A_220 = arith.constant 0 : i32
      %dma_wait3A_221 = tpu.memref_slice %arg3[%add3A, %dma_wait3A_219, %dma_wait3A_220] : memref<32x32x32xi32, #tpu.memory_space<hbm>> -> memref<1x32x32xi32, #tpu.memory_space<hbm>>
      %dma_wait3A_222 = tpu.memref_squeeze %dma_wait3A_221 : memref<1x32x32xi32, #tpu.memory_space<hbm>> -> memref<32x32xi32, #tpu.memory_space<hbm>>
      %dma_wait3A_223 = arith.constant 0 : i32
      %dma_wait3A_224 = arith.constant 0 : i32
      %dma_wait3A_225 = tpu.memref_slice %arg3[%add3A, %dma_wait3A_223, %dma_wait3A_224] : memref<32x32x32xi32, #tpu.memory_space<hbm>> -> memref<1x32x32xi32, #tpu.memory_space<hbm>>
      %dma_wait3A_226 = tpu.memref_squeeze %dma_wait3A_225 : memref<1x32x32xi32, #tpu.memory_space<hbm>> -> memref<32x32xi32, #tpu.memory_space<hbm>>
      tpu.wait_dma2 semaphore(%run_scoped3A : memref<!tpu.dma_semaphore, #tpu.memory_space<semaphore_mem>>) src(%dma_wait3A_226 : memref<32x32xi32, #tpu.memory_space<hbm>>) dst(%arg6 : memref<32x32xi32, #tpu.memory_space<vmem>>)
      tpu.yield
    }) : () -> ()
    %dma_start3A = arith.constant 0 : i32
    %dma_start3A_1 = arith.constant 0 : i32
    %dma_start3A_2 = arith.constant 0 : i32
    %dma_start3A_3 = arith.constant 0 : i32
    %dma_start3A_4 = tpu.memref_slice %arg7[%dma_start3A_1, %dma_start3A_2, %dma_start3A_3] : memref<2x32x768xf32, #tpu.memory_space<vmem>> -> memref<1x32x768xf32, #tpu.memory_space<vmem>>
    %dma_start3A_5 = tpu.memref_squeeze %dma_start3A_4 : memref<1x32x768xf32, #tpu.memory_space<vmem>> -> memref<32x768xf32, #tpu.memory_space<vmem>>
    %dma_start3A_6 = arith.constant 0 : i32
    %dma_start3A_7 = tpu.memref_slice %arg6[%dma_start3A, %dma_start3A_6] : memref<32x32xi32, #tpu.memory_space<vmem>> -> memref<1x32xi32, #tpu.memory_space<vmem>>
    %dma_start3A_8 = tpu.memref_squeeze %dma_start3A_7 : memref<1x32xi32, #tpu.memory_space<vmem>> -> memref<32xi32, #tpu.memory_space<vmem>>
    %dma_start3A_9 = arith.constant 0 : i32
    %dma_start3A_10 = arith.constant 0 : i32
    %dma_start3A_11 = tpu.memref_slice %arg4[%dma_start3A_9, %dma_start3A_10] : memref<100000x768xf32, #tpu.memory_space<hbm>> -> memref<100000x768xf32, #tpu.memory_space<hbm>>
    tpu.enqueue_indirect_dma source(%dma_start3A_11 : memref<100000x768xf32, #tpu.memory_space<hbm>>) target(%dma_start3A_5 : memref<32x768xf32, #tpu.memory_space<vmem>>) offsets(%dma_start3A_8 : memref<32xi32, #tpu.memory_space<vmem>>) semaphore(%arg9 : memref<!tpu.dma_semaphore, #tpu.memory_space<semaphore_mem>>)
    %dma_start3A_12 = arith.constant 0 : i32
    %dma_start3A_13 = arith.constant 0 : i32
    %dma_start3A_14 = arith.constant 0 : i32
    %dma_start3A_15 = arith.constant 0 : i32
    %dma_start3A_16 = tpu.memref_slice %arg8[%dma_start3A_13, %dma_start3A_14, %dma_start3A_15] : memref<2x32x768xf32, #tpu.memory_space<vmem>> -> memref<1x32x768xf32, #tpu.memory_space<vmem>>
    %dma_start3A_17 = tpu.memref_squeeze %dma_start3A_16 : memref<1x32x768xf32, #tpu.memory_space<vmem>> -> memref<32x768xf32, #tpu.memory_space<vmem>>
    %dma_start3A_18 = arith.constant 0 : i32
    %dma_start3A_19 = arith.constant 0 : i32
    %dma_start3A_20 = tpu.memref_slice %arg2[%add3A, %dma_start3A_12, %dma_start3A_18, %dma_start3A_19] : memref<32x32x32x768xf32, #tpu.memory_space<hbm>> -> memref<1x1x32x768xf32, #tpu.memory_space<hbm>>
    %dma_start3A_21 = tpu.memref_squeeze %dma_start3A_20 : memref<1x1x32x768xf32, #tpu.memory_space<hbm>> -> memref<32x768xf32, #tpu.memory_space<hbm>>
    %dma_start3A_22 = arith.constant 0 : i32
    %dma_start3A_23 = arith.constant 0 : i32
    %dma_start3A_24 = tpu.memref_slice %arg8[%dma_start3A_13, %dma_start3A_22, %dma_start3A_23] : memref<2x32x768xf32, #tpu.memory_space<vmem>> -> memref<1x32x768xf32, #tpu.memory_space<vmem>>
    %dma_start3A_25 = tpu.memref_squeeze %dma_start3A_24 : memref<1x32x768xf32, #tpu.memory_space<vmem>> -> memref<32x768xf32, #tpu.memory_space<vmem>>
    %dma_start3A_26 = arith.constant 0 : i32
    %dma_start3A_27 = arith.constant 0 : i32
    %dma_start3A_28 = tpu.memref_slice %arg2[%add3A, %dma_start3A_12, %dma_start3A_26, %dma_start3A_27] : memref<32x32x32x768xf32, #tpu.memory_space<hbm>> -> memref<1x1x32x768xf32, #tpu.memory_space<hbm>>
    %dma_start3A_29 = tpu.memref_squeeze %dma_start3A_28 : memref<1x1x32x768xf32, #tpu.memory_space<hbm>> -> memref<32x768xf32, #tpu.memory_space<hbm>>
    tpu.enqueue_dma source(%dma_start3A_29 : memref<32x768xf32, #tpu.memory_space<hbm>>) target(%dma_start3A_25 : memref<32x768xf32, #tpu.memory_space<vmem>>) target_semaphore(%arg11 : memref<!tpu.dma_semaphore, #tpu.memory_space<semaphore_mem>>)
    %dma_start3A_30 = arith.constant 1 : i32
    %dma_start3A_31 = arith.constant 1 : i32
    %dma_start3A_32 = arith.constant 0 : i32
    %dma_start3A_33 = arith.constant 0 : i32
    %dma_start3A_34 = tpu.memref_slice %arg7[%dma_start3A_31, %dma_start3A_32, %dma_start3A_33] : memref<2x32x768xf32, #tpu.memory_space<vmem>> -> memref<1x32x768xf32, #tpu.memory_space<vmem>>
    %dma_start3A_35 = tpu.memref_squeeze %dma_start3A_34 : memref<1x32x768xf32, #tpu.memory_space<vmem>> -> memref<32x768xf32, #tpu.memory_space<vmem>>
    %dma_start3A_36 = arith.constant 0 : i32
    %dma_start3A_37 = tpu.memref_slice %arg6[%dma_start3A_30, %dma_start3A_36] : memref<32x32xi32, #tpu.memory_space<vmem>> -> memref<1x32xi32, #tpu.memory_space<vmem>>
    %dma_start3A_38 = tpu.memref_squeeze %dma_start3A_37 : memref<1x32xi32, #tpu.memory_space<vmem>> -> memref<32xi32, #tpu.memory_space<vmem>>
    %dma_start3A_39 = arith.constant 0 : i32
    %dma_start3A_40 = arith.constant 0 : i32
    %dma_start3A_41 = tpu.memref_slice %arg4[%dma_start3A_39, %dma_start3A_40] : memref<100000x768xf32, #tpu.memory_space<hbm>> -> memref<100000x768xf32, #tpu.memory_space<hbm>>
    tpu.enqueue_indirect_dma source(%dma_start3A_41 : memref<100000x768xf32, #tpu.memory_space<hbm>>) target(%dma_start3A_35 : memref<32x768xf32, #tpu.memory_space<vmem>>) offsets(%dma_start3A_38 : memref<32xi32, #tpu.memory_space<vmem>>) semaphore(%arg10 : memref<!tpu.dma_semaphore, #tpu.memory_space<semaphore_mem>>)
    %dma_start3A_42 = arith.constant 1 : i32
    %dma_start3A_43 = arith.constant 1 : i32
    %dma_start3A_44 = arith.constant 0 : i32
    %dma_start3A_45 = arith.constant 0 : i32
    %dma_start3A_46 = tpu.memref_slice %arg8[%dma_start3A_43, %dma_start3A_44, %dma_start3A_45] : memref<2x32x768xf32, #tpu.memory_space<vmem>> -> memref<1x32x768xf32, #tpu.memory_space<vmem>>
    %dma_start3A_47 = tpu.memref_squeeze %dma_start3A_46 : memref<1x32x768xf32, #tpu.memory_space<vmem>> -> memref<32x768xf32, #tpu.memory_space<vmem>>
    %dma_start3A_48 = arith.constant 0 : i32
    %dma_start3A_49 = arith.constant 0 : i32
    %dma_start3A_50 = tpu.memref_slice %arg2[%add3A, %dma_start3A_42, %dma_start3A_48, %dma_start3A_49] : memref<32x32x32x768xf32, #tpu.memory_space<hbm>> -> memref<1x1x32x768xf32, #tpu.memory_space<hbm>>
    %dma_start3A_51 = tpu.memref_squeeze %dma_start3A_50 : memref<1x1x32x768xf32, #tpu.memory_space<hbm>> -> memref<32x768xf32, #tpu.memory_space<hbm>>
    %dma_start3A_52 = arith.constant 0 : i32
    %dma_start3A_53 = arith.constant 0 : i32
    %dma_start3A_54 = tpu.memref_slice %arg8[%dma_start3A_43, %dma_start3A_52, %dma_start3A_53] : memref<2x32x768xf32, #tpu.memory_space<vmem>> -> memref<1x32x768xf32, #tpu.memory_space<vmem>>
    %dma_start3A_55 = tpu.memref_squeeze %dma_start3A_54 : memref<1x32x768xf32, #tpu.memory_space<vmem>> -> memref<32x768xf32, #tpu.memory_space<vmem>>
    %dma_start3A_56 = arith.constant 0 : i32
    %dma_start3A_57 = arith.constant 0 : i32
    %dma_start3A_58 = tpu.memref_slice %arg2[%add3A, %dma_start3A_42, %dma_start3A_56, %dma_start3A_57] : memref<32x32x32x768xf32, #tpu.memory_space<hbm>> -> memref<1x1x32x768xf32, #tpu.memory_space<hbm>>
    %dma_start3A_59 = tpu.memref_squeeze %dma_start3A_58 : memref<1x1x32x768xf32, #tpu.memory_space<hbm>> -> memref<32x768xf32, #tpu.memory_space<hbm>>
    tpu.enqueue_dma source(%dma_start3A_59 : memref<32x768xf32, #tpu.memory_space<hbm>>) target(%dma_start3A_55 : memref<32x768xf32, #tpu.memory_space<vmem>>) target_semaphore(%arg12 : memref<!tpu.dma_semaphore, #tpu.memory_space<semaphore_mem>>)
    %scan3A = arith.constant 0 : i32
    %scan3A_60 = arith.constant 0 : i32
    %scan3A_61 = arith.constant 15 : i32
    %scan3A_62 = arith.addi %scan3A_60, %scan3A_61 : i32
    %scan3A_63 = arith.constant 1 : i32
    %scan3A_64 = scf.for %scan3A_211 = %scan3A_60 to %scan3A_62 step %scan3A_63 iter_args(%scan3A_212 = %scan3A) -> (i32)  : i32 {
      %mul3A_213 = arith.constant 2 : i32
      %mul3A_214 = arith.muli %mul3A_213, %scan3A_211 : i32
      %add3A_215 = arith.constant 0 : i32
      %add3A_216 = arith.addi %mul3A_214, %add3A_215 : i32
      %dma_wait3A_217 = arith.constant 0 : i32
      %dma_wait3A_218 = arith.constant 0 : i32
      %dma_wait3A_219 = arith.constant 0 : i32
      %dma_wait3A_220 = tpu.memref_slice %arg7[%dma_wait3A_217, %dma_wait3A_218, %dma_wait3A_219] : memref<2x32x768xf32, #tpu.memory_space<vmem>> -> memref<1x32x768xf32, #tpu.memory_space<vmem>>
      %dma_wait3A_221 = tpu.memref_squeeze %dma_wait3A_220 : memref<1x32x768xf32, #tpu.memory_space<vmem>> -> memref<32x768xf32, #tpu.memory_space<vmem>>
      %dma_wait3A_222 = arith.constant 0 : i32
      %dma_wait3A_223 = tpu.memref_slice %arg6[%add3A_216, %dma_wait3A_222] : memref<32x32xi32, #tpu.memory_space<vmem>> -> memref<1x32xi32, #tpu.memory_space<vmem>>
      %dma_wait3A_224 = tpu.memref_squeeze %dma_wait3A_223 : memref<1x32xi32, #tpu.memory_space<vmem>> -> memref<32xi32, #tpu.memory_space<vmem>>
      %dma_wait3A_225 = arith.constant 0 : i32
      %dma_wait3A_226 = arith.constant 0 : i32
      %dma_wait3A_227 = tpu.memref_slice %arg4[%dma_wait3A_225, %dma_wait3A_226] : memref<100000x768xf32, #tpu.memory_space<hbm>> -> memref<100000x768xf32, #tpu.memory_space<hbm>>
      tpu.wait_indirect_dma semaphore(%arg9 : memref<!tpu.dma_semaphore, #tpu.memory_space<semaphore_mem>>) src(%dma_wait3A_227 : memref<100000x768xf32, #tpu.memory_space<hbm>>) dst(%dma_wait3A_221 : memref<32x768xf32, #tpu.memory_space<vmem>>)
      %dma_wait3A_228 = arith.constant 0 : i32
      %dma_wait3A_229 = arith.constant 0 : i32
      %dma_wait3A_230 = arith.constant 0 : i32
      %dma_wait3A_231 = tpu.memref_slice %arg8[%dma_wait3A_228, %dma_wait3A_229, %dma_wait3A_230] : memref<2x32x768xf32, #tpu.memory_space<vmem>> -> memref<1x32x768xf32, #tpu.memory_space<vmem>>
      %dma_wait3A_232 = tpu.memref_squeeze %dma_wait3A_231 : memref<1x32x768xf32, #tpu.memory_space<vmem>> -> memref<32x768xf32, #tpu.memory_space<vmem>>
      %dma_wait3A_233 = arith.constant 0 : i32
      %dma_wait3A_234 = arith.constant 0 : i32
      %dma_wait3A_235 = tpu.memref_slice %arg2[%add3A, %add3A_216, %dma_wait3A_233, %dma_wait3A_234] : memref<32x32x32x768xf32, #tpu.memory_space<hbm>> -> memref<1x1x32x768xf32, #tpu.memory_space<hbm>>
      %dma_wait3A_236 = tpu.memref_squeeze %dma_wait3A_235 : memref<1x1x32x768xf32, #tpu.memory_space<hbm>> -> memref<32x768xf32, #tpu.memory_space<hbm>>
      %dma_wait3A_237 = arith.constant 0 : i32
      %dma_wait3A_238 = arith.constant 0 : i32
      %dma_wait3A_239 = tpu.memref_slice %arg8[%dma_wait3A_228, %dma_wait3A_237, %dma_wait3A_238] : memref<2x32x768xf32, #tpu.memory_space<vmem>> -> memref<1x32x768xf32, #tpu.memory_space<vmem>>
      %dma_wait3A_240 = tpu.memref_squeeze %dma_wait3A_239 : memref<1x32x768xf32, #tpu.memory_space<vmem>> -> memref<32x768xf32, #tpu.memory_space<vmem>>
      %dma_wait3A_241 = arith.constant 0 : i32
      %dma_wait3A_242 = arith.constant 0 : i32
      %dma_wait3A_243 = tpu.memref_slice %arg2[%add3A, %add3A_216, %dma_wait3A_241, %dma_wait3A_242] : memref<32x32x32x768xf32, #tpu.memory_space<hbm>> -> memref<1x1x32x768xf32, #tpu.memory_space<hbm>>
      %dma_wait3A_244 = tpu.memref_squeeze %dma_wait3A_243 : memref<1x1x32x768xf32, #tpu.memory_space<hbm>> -> memref<32x768xf32, #tpu.memory_space<hbm>>
      tpu.wait_dma2 semaphore(%arg11 : memref<!tpu.dma_semaphore, #tpu.memory_space<semaphore_mem>>) src(%dma_wait3A_244 : memref<32x768xf32, #tpu.memory_space<hbm>>) dst(%dma_wait3A_240 : memref<32x768xf32, #tpu.memory_space<vmem>>)
      %scan3A_245 = arith.constant 0 : i32
      %scan3A_246 = arith.constant 0 : i32
      %scan3A_247 = arith.constant 32 : i32
      %scan3A_248 = arith.addi %scan3A_246, %scan3A_247 : i32
      %scan3A_249 = arith.constant 1 : i32
      %scan3A_250 = scf.for %scan3A_422 = %scan3A_246 to %scan3A_248 step %scan3A_249 iter_args(%scan3A_423 = %scan3A_245) -> (i32)  : i32 {
        %get3A = arith.constant 0 : i32
        %get3A_424 = arith.index_cast %get3A : i32 to index
        %get3A_425 = arith.index_cast %scan3A_422 : i32 to index
        %get3A_426 = arith.constant 0 : index
        %get3A_427 = tpu.vector_load %arg7[%get3A_424, %get3A_425, %get3A_426] {strides = array<i32>} : memref<2x32x768xf32, #tpu.memory_space<vmem>>, vector<1x1x16xf32>,
        %get3A_428 = vector.shape_cast %get3A_427 : vector<1x1x16xf32> to vector<16xf32>
        %swap3A = arith.constant 0 : i32
        %swap3A_429 = arith.index_cast %swap3A : i32 to index
        %swap3A_430 = arith.index_cast %scan3A_422 : i32 to index
        %swap3A_431 = arith.constant 0 : index
        %swap3A_432 = tpu.vector_load %arg8[%swap3A_429, %swap3A_430, %swap3A_431] {strides = array<i32>} : memref<2x32x768xf32, #tpu.memory_space<vmem>>, vector<1x1x16xf32>,
        %swap3A_433 = vector.shape_cast %swap3A_432 : vector<1x1x16xf32> to vector<16xf32>
        %swap3A_434 = vector.shape_cast %get3A_428 : vector<16xf32> to vector<1x1x16xf32>
        tpu.vector_store %arg8[%swap3A_429, %swap3A_430, %swap3A_431], %swap3A_434 {add = true, strides = array<i32>} : memref<2x32x768xf32, #tpu.memory_space<vmem>>, vector<1x1x16xf32>,
        %get3A_435 = arith.constant 0 : i32
        %get3A_436 = arith.index_cast %get3A_435 : i32 to index
        %get3A_437 = arith.index_cast %scan3A_422 : i32 to index
        %get3A_438 = arith.constant 16 : index
        %get3A_439 = tpu.vector_load %arg7[%get3A_436, %get3A_437, %get3A_438] {strides = array<i32>} : memref<2x32x768xf32, #tpu.memory_space<vmem>>, vector<1x1x16xf32>,
        %get3A_440 = vector.shape_cast %get3A_439 : vector<1x1x16xf32> to vector<16xf32>
        %swap3A_441 = arith.constant 0 : i32
        %swap3A_442 = arith.index_cast %swap3A_441 : i32 to index
        %swap3A_443 = arith.index_cast %scan3A_422 : i32 to index
        %swap3A_444 = arith.constant 16 : index
        %swap3A_445 = tpu.vector_load %arg8[%swap3A_442, %swap3A_443, %swap3A_444] {strides = array<i32>} : memref<2x32x768xf32, #tpu.memory_space<vmem>>, vector<1x1x16xf32>,
        %swap3A_446 = vector.shape_cast %swap3A_445 : vector<1x1x16xf32> to vector<16xf32>
        %swap3A_447 = vector.shape_cast %get3A_440 : vector<16xf32> to vector<1x1x16xf32>
        tpu.vector_store %arg8[%swap3A_442, %swap3A_443, %swap3A_444], %swap3A_447 {add = true, strides = array<i32>} : memref<2x32x768xf32, #tpu.memory_space<vmem>>, vector<1x1x16xf32>,
        %get3A_448 = arith.constant 0 : i32
        %get3A_449 = arith.index_cast %get3A_448 : i32 to index
        %get3A_450 = arith.index_cast %scan3A_422 : i32 to index
        %get3A_451 = arith.constant 32 : index
        %get3A_452 = tpu.vector_load %arg7[%get3A_449, %get3A_450, %get3A_451] {strides = array<i32>} : memref<2x32x768xf32, #tpu.memory_space<vmem>>, vector<1x1x16xf32>,
        %get3A_453 = vector.shape_cast %get3A_452 : vector<1x1x16xf32> to vector<16xf32>
        %swap3A_454 = arith.constant 0 : i32
        %swap3A_455 = arith.index_cast %swap3A_454 : i32 to index
        %swap3A_456 = arith.index_cast %scan3A_422 : i32 to index
        %swap3A_457 = arith.constant 32 : index
        %swap3A_458 = tpu.vector_load %arg8[%swap3A_455, %swap3A_456, %swap3A_457] {strides = array<i32>} : memref<2x32x768xf32, #tpu.memory_space<vmem>>, vector<1x1x16xf32>,
        %swap3A_459 = vector.shape_cast %swap3A_458 : vector<1x1x16xf32> to vector<16xf32>
        %swap3A_460 = vector.shape_cast %get3A_453 : vector<16xf32> to vector<1x1x16xf32>
        tpu.vector_store %arg8[%swap3A_455, %swap3A_456, %swap3A_457], %swap3A_460 {add = true, strides = array<i32>} : memref<2x32x768xf32, #tpu.memory_space<vmem>>, vector<1x1x16xf32>,
        %get3A_461 = arith.constant 0 : i32
        %get3A_462 = arith.index_cast %get3A_461 : i32 to index
        %get3A_463 = arith.index_cast %scan3A_422 : i32 to index
        %get3A_464 = arith.constant 48 : index
        %get3A_465 = tpu.vector_load %arg7[%get3A_462, %get3A_463, %get3A_464] {strides = array<i32>} : memref<2x32x768xf32, #tpu.memory_space<vmem>>, vector<1x1x16xf32>,
        %get3A_466 = vector.shape_cast %get3A_465 : vector<1x1x16xf32> to vector<16xf32>
        %swap3A_467 = arith.constant 0 : i32
        %swap3A_468 = arith.index_cast %swap3A_467 : i32 to index
        %swap3A_469 = arith.index_cast %scan3A_422 : i32 to index
        %swap3A_470 = arith.constant 48 : index
        %swap3A_471 = tpu.vector_load %arg8[%swap3A_468, %swap3A_469, %swap3A_470] {strides = array<i32>} : memref<2x32x768xf32, #tpu.memory_space<vmem>>, vector<1x1x16xf32>,
        %swap3A_472 = vector.shape_cast %swap3A_471 : vector<1x1x16xf32> to vector<16xf32>
        %swap3A_473 = vector.shape_cast %get3A_466 : vector<16xf32> to vector<1x1x16xf32>
        tpu.vector_store %arg8[%swap3A_468, %swap3A_469, %swap3A_470], %swap3A_473 {add = true, strides = array<i32>} : memref<2x32x768xf32, #tpu.memory_space<vmem>>, vector<1x1x16xf32>,
        %get3A_474 = arith.constant 0 : i32
        %get3A_475 = arith.index_cast %get3A_474 : i32 to index
        %get3A_476 = arith.index_cast %scan3A_422 : i32 to index
        %get3A_477 = arith.constant 64 : index
        %get3A_478 = tpu.vector_load %arg7[%get3A_475, %get3A_476, %get3A_477] {strides = array<i32>} : memref<2x32x768xf32, #tpu.memory_space<vmem>>, vector<1x1x16xf32>,
        %get3A_479 = vector.shape_cast %get3A_478 : vector<1x1x16xf32> to vector<16xf32>
        %swap3A_480 = arith.constant 0 : i32
        %swap3A_481 = arith.index_cast %swap3A_480 : i32 to index
        %swap3A_482 = arith.index_cast %scan3A_422 : i32 to index
        %swap3A_483 = arith.constant 64 : index
        %swap3A_484 = tpu.vector_load %arg8[%swap3A_481, %swap3A_482, %swap3A_483] {strides = array<i32>} : memref<2x32x768xf32, #tpu.memory_space<vmem>>, vector<1x1x16xf32>,
        %swap3A_485 = vector.shape_cast %swap3A_484 : vector<1x1x16xf32> to vector<16xf32>
        %swap3A_486 = vector.shape_cast %get3A_479 : vector<16xf32> to vector<1x1x16xf32>
        tpu.vector_store %arg8[%swap3A_481, %swap3A_482, %swap3A_483], %swap3A_486 {add = true, strides = array<i32>} : memref<2x32x768xf32, #tpu.memory_space<vmem>>, vector<1x1x16xf32>,
        %get3A_487 = arith.constant 0 : i32
        %get3A_488 = arith.index_cast %get3A_487 : i32 to index
        %get3A_489 = arith.index_cast %scan3A_422 : i32 to index
        %get3A_490 = arith.constant 80 : index
        %get3A_491 = tpu.vector_load %arg7[%get3A_488, %get3A_489, %get3A_490] {strides = array<i32>} : memref<2x32x768xf32, #tpu.memory_space<vmem>>, vector<1x1x16xf32>,
        %get3A_492 = vector.shape_cast %get3A_491 : vector<1x1x16xf32> to vector<16xf32>
        %swap3A_493 = arith.constant 0 : i32
        %swap3A_494 = arith.index_cast %swap3A_493 : i32 to index
        %swap3A_495 = arith.index_cast %scan3A_422 : i32 to index
        %swap3A_496 = arith.constant 80 : index
        %swap3A_497 = tpu.vector_load %arg8[%swap3A_494, %swap3A_495, %swap3A_496] {strides = array<i32>} : memref<2x32x768xf32, #tpu.memory_space<vmem>>, vector<1x1x16xf32>,
        %swap3A_498 = vector.shape_cast %swap3A_497 : vector<1x1x16xf32> to vector<16xf32>
        %swap3A_499 = vector.shape_cast %get3A_492 : vector<16xf32> to vector<1x1x16xf32>
        tpu.vector_store %arg8[%swap3A_494, %swap3A_495, %swap3A_496], %swap3A_499 {add = true, strides = array<i32>} : memref<2x32x768xf32, #tpu.memory_space<vmem>>, vector<1x1x16xf32>,
        %get3A_500 = arith.constant 0 : i32
        %get3A_501 = arith.index_cast %get3A_500 : i32 to index
        %get3A_502 = arith.index_cast %scan3A_422 : i32 to index
        %get3A_503 = arith.constant 96 : index
        %get3A_504 = tpu.vector_load %arg7[%get3A_501, %get3A_502, %get3A_503] {strides = array<i32>} : memref<2x32x768xf32, #tpu.memory_space<vmem>>, vector<1x1x16xf32>,
        %get3A_505 = vector.shape_cast %get3A_504 : vector<1x1x16xf32> to vector<16xf32>
        %swap3A_506 = arith.constant 0 : i32
        %swap3A_507 = arith.index_cast %swap3A_506 : i32 to index
        %swap3A_508 = arith.index_cast %scan3A_422 : i32 to index
        %swap3A_509 = arith.constant 96 : index
        %swap3A_510 = tpu.vector_load %arg8[%swap3A_507, %swap3A_508, %swap3A_509] {strides = array<i32>} : memref<2x32x768xf32, #tpu.memory_space<vmem>>, vector<1x1x16xf32>,
        %swap3A_511 = vector.shape_cast %swap3A_510 : vector<1x1x16xf32> to vector<16xf32>
        %swap3A_512 = vector.shape_cast %get3A_505 : vector<16xf32> to vector<1x1x16xf32>
        tpu.vector_store %arg8[%swap3A_507, %swap3A_508, %swap3A_509], %swap3A_512 {add = true, strides = array<i32>} : memref<2x32x768xf32, #tpu.memory_space<vmem>>, vector<1x1x16xf32>,
        %get3A_513 = arith.constant 0 : i32
        %get3A_514 = arith.index_cast %get3A_513 : i32 to index
        %get3A_515 = arith.index_cast %scan3A_422 : i32 to index
        %get3A_516 = arith.constant 112 : index
        %get3A_517 = tpu.vector_load %arg7[%get3A_514, %get3A_515, %get3A_516] {strides = array<i32>} : memref<2x32x768xf32, #tpu.memory_space<vmem>>, vector<1x1x16xf32>,
        %get3A_518 = vector.shape_cast %get3A_517 : vector<1x1x16xf32> to vector<16xf32>
        %swap3A_519 = arith.constant 0 : i32
        %swap3A_520 = arith.index_cast %swap3A_519 : i32 to index
        %swap3A_521 = arith.index_cast %scan3A_422 : i32 to index
        %swap3A_522 = arith.constant 112 : index
        %swap3A_523 = tpu.vector_load %arg8[%swap3A_520, %swap3A_521, %swap3A_522] {strides = array<i32>} : memref<2x32x768xf32, #tpu.memory_space<vmem>>, vector<1x1x16xf32>,
        %swap3A_524 = vector.shape_cast %swap3A_523 : vector<1x1x16xf32> to vector<16xf32>
        %swap3A_525 = vector.shape_cast %get3A_518 : vector<16xf32> to vector<1x1x16xf32>
        tpu.vector_store %arg8[%swap3A_520, %swap3A_521, %swap3A_522], %swap3A_525 {add = true, strides = array<i32>} : memref<2x32x768xf32, #tpu.memory_space<vmem>>, vector<1x1x16xf32>,
        %get3A_526 = arith.constant 0 : i32
        %get3A_527 = arith.index_cast %get3A_526 : i32 to index
        %get3A_528 = arith.index_cast %scan3A_422 : i32 to index
        %get3A_529 = arith.constant 128 : index
        %get3A_530 = tpu.vector_load %arg7[%get3A_527, %get3A_528, %get3A_529] {strides = array<i32>} : memref<2x32x768xf32, #tpu.memory_space<vmem>>, vector<1x1x16xf32>,
        %get3A_531 = vector.shape_cast %get3A_530 : vector<1x1x16xf32> to vector<16xf32>
        %swap3A_532 = arith.constant 0 : i32
        %swap3A_533 = arith.index_cast %swap3A_532 : i32 to index
        %swap3A_534 = arith.index_cast %scan3A_422 : i32 to index
        %swap3A_535 = arith.constant 128 : index
        %swap3A_536 = tpu.vector_load %arg8[%swap3A_533, %swap3A_534, %swap3A_535] {strides = array<i32>} : memref<2x32x768xf32, #tpu.memory_space<vmem>>, vector<1x1x16xf32>,
        %swap3A_537 = vector.shape_cast %swap3A_536 : vector<1x1x16xf32> to vector<16xf32>
        %swap3A_538 = vector.shape_cast %get3A_531 : vector<16xf32> to vector<1x1x16xf32>
        tpu.vector_store %arg8[%swap3A_533, %swap3A_534, %swap3A_535], %swap3A_538 {add = true, strides = array<i32>} : memref<2x32x768xf32, #tpu.memory_space<vmem>>, vector<1x1x16xf32>,
        %get3A_539 = arith.constant 0 : i32
        %get3A_540 = arith.index_cast %get3A_539 : i32 to index
        %get3A_541 = arith.index_cast %scan3A_422 : i32 to index
        %get3A_542 = arith.constant 144 : index
        %get3A_543 = tpu.vector_load %arg7[%get3A_540, %get3A_541, %get3A_542] {strides = array<i32>} : memref<2x32x768xf32, #tpu.memory_space<vmem>>, vector<1x1x16xf32>,
        %get3A_544 = vector.shape_cast %get3A_543 : vector<1x1x16xf32> to vector<16xf32>
        %swap3A_545 = arith.constant 0 : i32
        %swap3A_546 = arith.index_cast %swap3A_545 : i32 to index
        %swap3A_547 = arith.index_cast %scan3A_422 : i32 to index
        %swap3A_548 = arith.constant 144 : index
        %swap3A_549 = tpu.vector_load %arg8[%swap3A_546, %swap3A_547, %swap3A_548] {strides = array<i32>} : memref<2x32x768xf32, #tpu.memory_space<vmem>>, vector<1x1x16xf32>,
        %swap3A_550 = vector.shape_cast %swap3A_549 : vector<1x1x16xf32> to vector<16xf32>
        %swap3A_551 = vector.shape_cast %get3A_544 : vector<16xf32> to vector<1x1x16xf32>
        tpu.vector_store %arg8[%swap3A_546, %swap3A_547, %swap3A_548], %swap3A_551 {add = true, strides = array<i32>} : memref<2x32x768xf32, #tpu.memory_space<vmem>>, vector<1x1x16xf32>,
        %get3A_552 = arith.constant 0 : i32
        %get3A_553 = arith.index_cast %get3A_552 : i32 to index
        %get3A_554 = arith.index_cast %scan3A_422 : i32 to index
        %get3A_555 = arith.constant 160 : index
        %get3A_556 = tpu.vector_load %arg7[%get3A_553, %get3A_554, %get3A_555] {strides = array<i32>} : memref<2x32x768xf32, #tpu.memory_space<vmem>>, vector<1x1x16xf32>,
        %get3A_557 = vector.shape_cast %get3A_556 : vector<1x1x16xf32> to vector<16xf32>
        %swap3A_558 = arith.constant 0 : i32
        %swap3A_559 = arith.index_cast %swap3A_558 : i32 to index
        %swap3A_560 = arith.index_cast %scan3A_422 : i32 to index
        %swap3A_561 = arith.constant 160 : index
        %swap3A_562 = tpu.vector_load %arg8[%swap3A_559, %swap3A_560, %swap3A_561] {strides = array<i32>} : memref<2x32x768xf32, #tpu.memory_space<vmem>>, vector<1x1x16xf32>,
        %swap3A_563 = vector.shape_cast %swap3A_562 : vector<1x1x16xf32> to vector<16xf32>
        %swap3A_564 = vector.shape_cast %get3A_557 : vector<16xf32> to vector<1x1x16xf32>
        tpu.vector_store %arg8[%swap3A_559, %swap3A_560, %swap3A_561], %swap3A_564 {add = true, strides = array<i32>} : memref<2x32x768xf32, #tpu.memory_space<vmem>>, vector<1x1x16xf32>,
        %get3A_565 = arith.constant 0 : i32
        %get3A_566 = arith.index_cast %get3A_565 : i32 to index
        %get3A_567 = arith.index_cast %scan3A_422 : i32 to index
        %get3A_568 = arith.constant 176 : index
        %get3A_569 = tpu.vector_load %arg7[%get3A_566, %get3A_567, %get3A_568] {strides = array<i32>} : memref<2x32x768xf32, #tpu.memory_space<vmem>>, vector<1x1x16xf32>,
        %get3A_570 = vector.shape_cast %get3A_569 : vector<1x1x16xf32> to vector<16xf32>
        %swap3A_571 = arith.constant 0 : i32
        %swap3A_572 = arith.index_cast %swap3A_571 : i32 to index
        %swap3A_573 = arith.index_cast %scan3A_422 : i32 to index
        %swap3A_574 = arith.constant 176 : index
        %swap3A_575 = tpu.vector_load %arg8[%swap3A_572, %swap3A_573, %swap3A_574] {strides = array<i32>} : memref<2x32x768xf32, #tpu.memory_space<vmem>>, vector<1x1x16xf32>,
        %swap3A_576 = vector.shape_cast %swap3A_575 : vector<1x1x16xf32> to vector<16xf32>
        %swap3A_577 = vector.shape_cast %get3A_570 : vector<16xf32> to vector<1x1x16xf32>
        tpu.vector_store %arg8[%swap3A_572, %swap3A_573, %swap3A_574], %swap3A_577 {add = true, strides = array<i32>} : memref<2x32x768xf32, #tpu.memory_space<vmem>>, vector<1x1x16xf32>,
        %get3A_578 = arith.constant 0 : i32
        %get3A_579 = arith.index_cast %get3A_578 : i32 to index
        %get3A_580 = arith.index_cast %scan3A_422 : i32 to index
        %get3A_581 = arith.constant 192 : index
        %get3A_582 = tpu.vector_load %arg7[%get3A_579, %get3A_580, %get3A_581] {strides = array<i32>} : memref<2x32x768xf32, #tpu.memory_space<vmem>>, vector<1x1x16xf32>,
        %get3A_583 = vector.shape_cast %get3A_582 : vector<1x1x16xf32> to vector<16xf32>
        %swap3A_584 = arith.constant 0 : i32
        %swap3A_585 = arith.index_cast %swap3A_584 : i32 to index
        %swap3A_586 = arith.index_cast %scan3A_422 : i32 to index
        %swap3A_587 = arith.constant 192 : index
        %swap3A_588 = tpu.vector_load %arg8[%swap3A_585, %swap3A_586, %swap3A_587] {strides = array<i32>} : memref<2x32x768xf32, #tpu.memory_space<vmem>>, vector<1x1x16xf32>,
        %swap3A_589 = vector.shape_cast %swap3A_588 : vector<1x1x16xf32> to vector<16xf32>
        %swap3A_590 = vector.shape_cast %get3A_583 : vector<16xf32> to vector<1x1x16xf32>
        tpu.vector_store %arg8[%swap3A_585, %swap3A_586, %swap3A_587], %swap3A_590 {add = true, strides = array<i32>} : memref<2x32x768xf32, #tpu.memory_space<vmem>>, vector<1x1x16xf32>,
        %get3A_591 = arith.constant 0 : i32
        %get3A_592 = arith.index_cast %get3A_591 : i32 to index
        %get3A_593 = arith.index_cast %scan3A_422 : i32 to index
        %get3A_594 = arith.constant 208 : index
        %get3A_595 = tpu.vector_load %arg7[%get3A_592, %get3A_593, %get3A_594] {strides = array<i32>} : memref<2x32x768xf32, #tpu.memory_space<vmem>>, vector<1x1x16xf32>,
        %get3A_596 = vector.shape_cast %get3A_595 : vector<1x1x16xf32> to vector<16xf32>
        %swap3A_597 = arith.constant 0 : i32
        %swap3A_598 = arith.index_cast %swap3A_597 : i32 to index
        %swap3A_599 = arith.index_cast %scan3A_422 : i32 to index
        %swap3A_600 = arith.constant 208 : index
        %swap3A_601 = tpu.vector_load %arg8[%swap3A_598, %swap3A_599, %swap3A_600] {strides = array<i32>} : memref<2x32x768xf32, #tpu.memory_space<vmem>>, vector<1x1x16xf32>,
        %swap3A_602 = vector.shape_cast %swap3A_601 : vector<1x1x16xf32> to vector<16xf32>
        %swap3A_603 = vector.shape_cast %get3A_596 : vector<16xf32> to vector<1x1x16xf32>
        tpu.vector_store %arg8[%swap3A_598, %swap3A_599, %swap3A_600], %swap3A_603 {add = true, strides = array<i32>} : memref<2x32x768xf32, #tpu.memory_space<vmem>>, vector<1x1x16xf32>,
        %get3A_604 = arith.constant 0 : i32
        %get3A_605 = arith.index_cast %get3A_604 : i32 to index
        %get3A_606 = arith.index_cast %scan3A_422 : i32 to index
        %get3A_607 = arith.constant 224 : index
        %get3A_608 = tpu.vector_load %arg7[%get3A_605, %get3A_606, %get3A_607] {strides = array<i32>} : memref<2x32x768xf32, #tpu.memory_space<vmem>>, vector<1x1x16xf32>,
        %get3A_609 = vector.shape_cast %get3A_608 : vector<1x1x16xf32> to vector<16xf32>
        %swap3A_610 = arith.constant 0 : i32
        %swap3A_611 = arith.index_cast %swap3A_610 : i32 to index
        %swap3A_612 = arith.index_cast %scan3A_422 : i32 to index
        %swap3A_613 = arith.constant 224 : index
        %swap3A_614 = tpu.vector_load %arg8[%swap3A_611, %swap3A_612, %swap3A_613] {strides = array<i32>} : memref<2x32x768xf32, #tpu.memory_space<vmem>>, vector<1x1x16xf32>,
        %swap3A_615 = vector.shape_cast %swap3A_614 : vector<1x1x16xf32> to vector<16xf32>
        %swap3A_616 = vector.shape_cast %get3A_609 : vector<16xf32> to vector<1x1x16xf32>
        tpu.vector_store %arg8[%swap3A_611, %swap3A_612, %swap3A_613], %swap3A_616 {add = true, strides = array<i32>} : memref<2x32x768xf32, #tpu.memory_space<vmem>>, vector<1x1x16xf32>,
        %get3A_617 = arith.constant 0 : i32
        %get3A_618 = arith.index_cast %get3A_617 : i32 to index
        %get3A_619 = arith.index_cast %scan3A_422 : i32 to index
        %get3A_620 = arith.constant 240 : index
        %get3A_621 = tpu.vector_load %arg7[%get3A_618, %get3A_619, %get3A_620] {strides = array<i32>} : memref<2x32x768xf32, #tpu.memory_space<vmem>>, vector<1x1x16xf32>,
        %get3A_622 = vector.shape_cast %get3A_621 : vector<1x1x16xf32> to vector<16xf32>
        %swap3A_623 = arith.constant 0 : i32
        %swap3A_624 = arith.index_cast %swap3A_623 : i32 to index
        %swap3A_625 = arith.index_cast %scan3A_422 : i32 to index
        %swap3A_626 = arith.constant 240 : index
        %swap3A_627 = tpu.vector_load %arg8[%swap3A_624, %swap3A_625, %swap3A_626] {strides = array<i32>} : memref<2x32x768xf32, #tpu.memory_space<vmem>>, vector<1x1x16xf32>,
        %swap3A_628 = vector.shape_cast %swap3A_627 : vector<1x1x16xf32> to vector<16xf32>
        %swap3A_629 = vector.shape_cast %get3A_622 : vector<16xf32> to vector<1x1x16xf32>
        tpu.vector_store %arg8[%swap3A_624, %swap3A_625, %swap3A_626], %swap3A_629 {add = true, strides = array<i32>} : memref<2x32x768xf32, #tpu.memory_space<vmem>>, vector<1x1x16xf32>,
        %get3A_630 = arith.constant 0 : i32
        %get3A_631 = arith.index_cast %get3A_630 : i32 to index
        %get3A_632 = arith.index_cast %scan3A_422 : i32 to index
        %get3A_633 = arith.constant 256 : index
        %get3A_634 = tpu.vector_load %arg7[%get3A_631, %get3A_632, %get3A_633] {strides = array<i32>} : memref<2x32x768xf32, #tpu.memory_space<vmem>>, vector<1x1x16xf32>,
        %get3A_635 = vector.shape_cast %get3A_634 : vector<1x1x16xf32> to vector<16xf32>
        %swap3A_636 = arith.constant 0 : i32
        %swap3A_637 = arith.index_cast %swap3A_636 : i32 to index
        %swap3A_638 = arith.index_cast %scan3A_422 : i32 to index
        %swap3A_639 = arith.constant 256 : index
        %swap3A_640 = tpu.vector_load %arg8[%swap3A_637, %swap3A_638, %swap3A_639] {strides = array<i32>} : memref<2x32x768xf32, #tpu.memory_space<vmem>>, vector<1x1x16xf32>,
        %swap3A_641 = vector.shape_cast %swap3A_640 : vector<1x1x16xf32> to vector<16xf32>
        %swap3A_642 = vector.shape_cast %get3A_635 : vector<16xf32> to vector<1x1x16xf32>
        tpu.vector_store %arg8[%swap3A_637, %swap3A_638, %swap3A_639], %swap3A_642 {add = true, strides = array<i32>} : memref<2x32x768xf32, #tpu.memory_space<vmem>>, vector<1x1x16xf32>,
        %get3A_643 = arith.constant 0 : i32
        %get3A_644 = arith.index_cast %get3A_643 : i32 to index
        %get3A_645 = arith.index_cast %scan3A_422 : i32 to index
        %get3A_646 = arith.constant 272 : index
        %get3A_647 = tpu.vector_load %arg7[%get3A_644, %get3A_645, %get3A_646] {strides = array<i32>} : memref<2x32x768xf32, #tpu.memory_space<vmem>>, vector<1x1x16xf32>,
        %get3A_648 = vector.shape_cast %get3A_647 : vector<1x1x16xf32> to vector<16xf32>
        %swap3A_649 = arith.constant 0 : i32
        %swap3A_650 = arith.index_cast %swap3A_649 : i32 to index
        %swap3A_651 = arith.index_cast %scan3A_422 : i32 to index
        %swap3A_652 = arith.constant 272 : index
        %swap3A_653 = tpu.vector_load %arg8[%swap3A_650, %swap3A_651, %swap3A_652] {strides = array<i32>} : memref<2x32x768xf32, #tpu.memory_space<vmem>>, vector<1x1x16xf32>,
        %swap3A_654 = vector.shape_cast %swap3A_653 : vector<1x1x16xf32> to vector<16xf32>
        %swap3A_655 = vector.shape_cast %get3A_648 : vector<16xf32> to vector<1x1x16xf32>
        tpu.vector_store %arg8[%swap3A_650, %swap3A_651, %swap3A_652], %swap3A_655 {add = true, strides = array<i32>} : memref<2x32x768xf32, #tpu.memory_space<vmem>>, vector<1x1x16xf32>,
        %get3A_656 = arith.constant 0 : i32
        %get3A_657 = arith.index_cast %get3A_656 : i32 to index
        %get3A_658 = arith.index_cast %scan3A_422 : i32 to index
        %get3A_659 = arith.constant 288 : index
        %get3A_660 = tpu.vector_load %arg7[%get3A_657, %get3A_658, %get3A_659] {strides = array<i32>} : memref<2x32x768xf32, #tpu.memory_space<vmem>>, vector<1x1x16xf32>,
        %get3A_661 = vector.shape_cast %get3A_660 : vector<1x1x16xf32> to vector<16xf32>
        %swap3A_662 = arith.constant 0 : i32
        %swap3A_663 = arith.index_cast %swap3A_662 : i32 to index
        %swap3A_664 = arith.index_cast %scan3A_422 : i32 to index
        %swap3A_665 = arith.constant 288 : index
        %swap3A_666 = tpu.vector_load %arg8[%swap3A_663, %swap3A_664, %swap3A_665] {strides = array<i32>} : memref<2x32x768xf32, #tpu.memory_space<vmem>>, vector<1x1x16xf32>,
        %swap3A_667 = vector.shape_cast %swap3A_666 : vector<1x1x16xf32> to vector<16xf32>
        %swap3A_668 = vector.shape_cast %get3A_661 : vector<16xf32> to vector<1x1x16xf32>
        tpu.vector_store %arg8[%swap3A_663, %swap3A_664, %swap3A_665], %swap3A_668 {add = true, strides = array<i32>} : memref<2x32x768xf32, #tpu.memory_space<vmem>>, vector<1x1x16xf32>,
        %get3A_669 = arith.constant 0 : i32
        %get3A_670 = arith.index_cast %get3A_669 : i32 to index
        %get3A_671 = arith.index_cast %scan3A_422 : i32 to index
        %get3A_672 = arith.constant 304 : index
        %get3A_673 = tpu.vector_load %arg7[%get3A_670, %get3A_671, %get3A_672] {strides = array<i32>} : memref<2x32x768xf32, #tpu.memory_space<vmem>>, vector<1x1x16xf32>,
        %get3A_674 = vector.shape_cast %get3A_673 : vector<1x1x16xf32> to vector<16xf32>
        %swap3A_675 = arith.constant 0 : i32
        %swap3A_676 = arith.index_cast %swap3A_675 : i32 to index
        %swap3A_677 = arith.index_cast %scan3A_422 : i32 to index
        %swap3A_678 = arith.constant 304 : index
        %swap3A_679 = tpu.vector_load %arg8[%swap3A_676, %swap3A_677, %swap3A_678] {strides = array<i32>} : memref<2x32x768xf32, #tpu.memory_space<vmem>>, vector<1x1x16xf32>,
        %swap3A_680 = vector.shape_cast %swap3A_679 : vector<1x1x16xf32> to vector<16xf32>
        %swap3A_681 = vector.shape_cast %get3A_674 : vector<16xf32> to vector<1x1x16xf32>
        tpu.vector_store %arg8[%swap3A_676, %swap3A_677, %swap3A_678], %swap3A_681 {add = true, strides = array<i32>} : memref<2x32x768xf32, #tpu.memory_space<vmem>>, vector<1x1x16xf32>,
        %get3A_682 = arith.constant 0 : i32
        %get3A_683 = arith.index_cast %get3A_682 : i32 to index
        %get3A_684 = arith.index_cast %scan3A_422 : i32 to index
        %get3A_685 = arith.constant 320 : index
        %get3A_686 = tpu.vector_load %arg7[%get3A_683, %get3A_684, %get3A_685] {strides = array<i32>} : memref<2x32x768xf32, #tpu.memory_space<vmem>>, vector<1x1x16xf32>,
        %get3A_687 = vector.shape_cast %get3A_686 : vector<1x1x16xf32> to vector<16xf32>
        %swap3A_688 = arith.constant 0 : i32
        %swap3A_689 = arith.index_cast %swap3A_688 : i32 to index
        %swap3A_690 = arith.index_cast %scan3A_422 : i32 to index
        %swap3A_691 = arith.constant 320 : index
        %swap3A_692 = tpu.vector_load %arg8[%swap3A_689, %swap3A_690, %swap3A_691] {strides = array<i32>} : memref<2x32x768xf32, #tpu.memory_space<vmem>>, vector<1x1x16xf32>,
        %swap3A_693 = vector.shape_cast %swap3A_692 : vector<1x1x16xf32> to vector<16xf32>
        %swap3A_694 = vector.shape_cast %get3A_687 : vector<16xf32> to vector<1x1x16xf32>
        tpu.vector_store %arg8[%swap3A_689, %swap3A_690, %swap3A_691], %swap3A_694 {add = true, strides = array<i32>} : memref<2x32x768xf32, #tpu.memory_space<vmem>>, vector<1x1x16xf32>,
        %get3A_695 = arith.constant 0 : i32
        %get3A_696 = arith.index_cast %get3A_695 : i32 to index
        %get3A_697 = arith.index_cast %scan3A_422 : i32 to index
        %get3A_698 = arith.constant 336 : index
        %get3A_699 = tpu.vector_load %arg7[%get3A_696, %get3A_697, %get3A_698] {strides = array<i32>} : memref<2x32x768xf32, #tpu.memory_space<vmem>>, vector<1x1x16xf32>,
        %get3A_700 = vector.shape_cast %get3A_699 : vector<1x1x16xf32> to vector<16xf32>
        %swap3A_701 = arith.constant 0 : i32
        %swap3A_702 = arith.index_cast %swap3A_701 : i32 to index
        %swap3A_703 = arith.index_cast %scan3A_422 : i32 to index
        %swap3A_704 = arith.constant 336 : index
        %swap3A_705 = tpu.vector_load %arg8[%swap3A_702, %swap3A_703, %swap3A_704] {strides = array<i32>} : memref<2x32x768xf32, #tpu.memory_space<vmem>>, vector<1x1x16xf32>,
        %swap3A_706 = vector.shape_cast %swap3A_705 : vector<1x1x16xf32> to vector<16xf32>
        %swap3A_707 = vector.shape_cast %get3A_700 : vector<16xf32> to vector<1x1x16xf32>
        tpu.vector_store %arg8[%swap3A_702, %swap3A_703, %swap3A_704], %swap3A_707 {add = true, strides = array<i32>} : memref<2x32x768xf32, #tpu.memory_space<vmem>>, vector<1x1x16xf32>,
        %get3A_708 = arith.constant 0 : i32
        %get3A_709 = arith.index_cast %get3A_708 : i32 to index
        %get3A_710 = arith.index_cast %scan3A_422 : i32 to index
        %get3A_711 = arith.constant 352 : index
        %get3A_712 = tpu.vector_load %arg7[%get3A_709, %get3A_710, %get3A_711] {strides = array<i32>} : memref<2x32x768xf32, #tpu.memory_space<vmem>>, vector<1x1x16xf32>,
        %get3A_713 = vector.shape_cast %get3A_712 : vector<1x1x16xf32> to vector<16xf32>
        %swap3A_714 = arith.constant 0 : i32
        %swap3A_715 = arith.index_cast %swap3A_714 : i32 to index
        %swap3A_716 = arith.index_cast %scan3A_422 : i32 to index
        %swap3A_717 = arith.constant 352 : index
        %swap3A_718 = tpu.vector_load %arg8[%swap3A_715, %swap3A_716, %swap3A_717] {strides = array<i32>} : memref<2x32x768xf32, #tpu.memory_space<vmem>>, vector<1x1x16xf32>,
        %swap3A_719 = vector.shape_cast %swap3A_718 : vector<1x1x16xf32> to vector<16xf32>
        %swap3A_720 = vector.shape_cast %get3A_713 : vector<16xf32> to vector<1x1x16xf32>
        tpu.vector_store %arg8[%swap3A_715, %swap3A_716, %swap3A_717], %swap3A_720 {add = true, strides = array<i32>} : memref<2x32x768xf32, #tpu.memory_space<vmem>>, vector<1x1x16xf32>,
        %get3A_721 = arith.constant 0 : i32
        %get3A_722 = arith.index_cast %get3A_721 : i32 to index
        %get3A_723 = arith.index_cast %scan3A_422 : i32 to index
        %get3A_724 = arith.constant 368 : index
        %get3A_725 = tpu.vector_load %arg7[%get3A_722, %get3A_723, %get3A_724] {strides = array<i32>} : memref<2x32x768xf32, #tpu.memory_space<vmem>>, vector<1x1x16xf32>,
        %get3A_726 = vector.shape_cast %get3A_725 : vector<1x1x16xf32> to vector<16xf32>
        %swap3A_727 = arith.constant 0 : i32
        %swap3A_728 = arith.index_cast %swap3A_727 : i32 to index
        %swap3A_729 = arith.index_cast %scan3A_422 : i32 to index
        %swap3A_730 = arith.constant 368 : index
        %swap3A_731 = tpu.vector_load %arg8[%swap3A_728, %swap3A_729, %swap3A_730] {strides = array<i32>} : memref<2x32x768xf32, #tpu.memory_space<vmem>>, vector<1x1x16xf32>,
        %swap3A_732 = vector.shape_cast %swap3A_731 : vector<1x1x16xf32> to vector<16xf32>
        %swap3A_733 = vector.shape_cast %get3A_726 : vector<16xf32> to vector<1x1x16xf32>
        tpu.vector_store %arg8[%swap3A_728, %swap3A_729, %swap3A_730], %swap3A_733 {add = true, strides = array<i32>} : memref<2x32x768xf32, #tpu.memory_space<vmem>>, vector<1x1x16xf32>,
        %get3A_734 = arith.constant 0 : i32
        %get3A_735 = arith.index_cast %get3A_734 : i32 to index
        %get3A_736 = arith.index_cast %scan3A_422 : i32 to index
        %get3A_737 = arith.constant 384 : index
        %get3A_738 = tpu.vector_load %arg7[%get3A_735, %get3A_736, %get3A_737] {strides = array<i32>} : memref<2x32x768xf32, #tpu.memory_space<vmem>>, vector<1x1x16xf32>,
        %get3A_739 = vector.shape_cast %get3A_738 : vector<1x1x16xf32> to vector<16xf32>
        %swap3A_740 = arith.constant 0 : i32
        %swap3A_741 = arith.index_cast %swap3A_740 : i32 to index
        %swap3A_742 = arith.index_cast %scan3A_422 : i32 to index
        %swap3A_743 = arith.constant 384 : index
        %swap3A_744 = tpu.vector_load %arg8[%swap3A_741, %swap3A_742, %swap3A_743] {strides = array<i32>} : memref<2x32x768xf32, #tpu.memory_space<vmem>>, vector<1x1x16xf32>,
        %swap3A_745 = vector.shape_cast %swap3A_744 : vector<1x1x16xf32> to vector<16xf32>
        %swap3A_746 = vector.shape_cast %get3A_739 : vector<16xf32> to vector<1x1x16xf32>
        tpu.vector_store %arg8[%swap3A_741, %swap3A_742, %swap3A_743], %swap3A_746 {add = true, strides = array<i32>} : memref<2x32x768xf32, #tpu.memory_space<vmem>>, vector<1x1x16xf32>,
        %get3A_747 = arith.constant 0 : i32
        %get3A_748 = arith.index_cast %get3A_747 : i32 to index
        %get3A_749 = arith.index_cast %scan3A_422 : i32 to index
        %get3A_750 = arith.constant 400 : index
        %get3A_751 = tpu.vector_load %arg7[%get3A_748, %get3A_749, %get3A_750] {strides = array<i32>} : memref<2x32x768xf32, #tpu.memory_space<vmem>>, vector<1x1x16xf32>,
        %get3A_752 = vector.shape_cast %get3A_751 : vector<1x1x16xf32> to vector<16xf32>
        %swap3A_753 = arith.constant 0 : i32
        %swap3A_754 = arith.index_cast %swap3A_753 : i32 to index
        %swap3A_755 = arith.index_cast %scan3A_422 : i32 to index
        %swap3A_756 = arith.constant 400 : index
        %swap3A_757 = tpu.vector_load %arg8[%swap3A_754, %swap3A_755, %swap3A_756] {strides = array<i32>} : memref<2x32x768xf32, #tpu.memory_space<vmem>>, vector<1x1x16xf32>,
        %swap3A_758 = vector.shape_cast %swap3A_757 : vector<1x1x16xf32> to vector<16xf32>
        %swap3A_759 = vector.shape_cast %get3A_752 : vector<16xf32> to vector<1x1x16xf32>
        tpu.vector_store %arg8[%swap3A_754, %swap3A_755, %swap3A_756], %swap3A_759 {add = true, strides = array<i32>} : memref<2x32x768xf32, #tpu.memory_space<vmem>>, vector<1x1x16xf32>,
        %get3A_760 = arith.constant 0 : i32
        %get3A_761 = arith.index_cast %get3A_760 : i32 to index
        %get3A_762 = arith.index_cast %scan3A_422 : i32 to index
        %get3A_763 = arith.constant 416 : index
        %get3A_764 = tpu.vector_load %arg7[%get3A_761, %get3A_762, %get3A_763] {strides = array<i32>} : memref<2x32x768xf32, #tpu.memory_space<vmem>>, vector<1x1x16xf32>,
        %get3A_765 = vector.shape_cast %get3A_764 : vector<1x1x16xf32> to vector<16xf32>
        %swap3A_766 = arith.constant 0 : i32
        %swap3A_767 = arith.index_cast %swap3A_766 : i32 to index
        %swap3A_768 = arith.index_cast %scan3A_422 : i32 to index
        %swap3A_769 = arith.constant 416 : index
        %swap3A_770 = tpu.vector_load %arg8[%swap3A_767, %swap3A_768, %swap3A_769] {strides = array<i32>} : memref<2x32x768xf32, #tpu.memory_space<vmem>>, vector<1x1x16xf32>,
        %swap3A_771 = vector.shape_cast %swap3A_770 : vector<1x1x16xf32> to vector<16xf32>
        %swap3A_772 = vector.shape_cast %get3A_765 : vector<16xf32> to vector<1x1x16xf32>
        tpu.vector_store %arg8[%swap3A_767, %swap3A_768, %swap3A_769], %swap3A_772 {add = true, strides = array<i32>} : memref<2x32x768xf32, #tpu.memory_space<vmem>>, vector<1x1x16xf32>,
        %get3A_773 = arith.constant 0 : i32
        %get3A_774 = arith.index_cast %get3A_773 : i32 to index
        %get3A_775 = arith.index_cast %scan3A_422 : i32 to index
        %get3A_776 = arith.constant 432 : index
        %get3A_777 = tpu.vector_load %arg7[%get3A_774, %get3A_775, %get3A_776] {strides = array<i32>} : memref<2x32x768xf32, #tpu.memory_space<vmem>>, vector<1x1x16xf32>,
        %get3A_778 = vector.shape_cast %get3A_777 : vector<1x1x16xf32> to vector<16xf32>
        %swap3A_779 = arith.constant 0 : i32
        %swap3A_780 = arith.index_cast %swap3A_779 : i32 to index
        %swap3A_781 = arith.index_cast %scan3A_422 : i32 to index
        %swap3A_782 = arith.constant 432 : index
        %swap3A_783 = tpu.vector_load %arg8[%swap3A_780, %swap3A_781, %swap3A_782] {strides = array<i32>} : memref<2x32x768xf32, #tpu.memory_space<vmem>>, vector<1x1x16xf32>,
        %swap3A_784 = vector.shape_cast %swap3A_783 : vector<1x1x16xf32> to vector<16xf32>
        %swap3A_785 = vector.shape_cast %get3A_778 : vector<16xf32> to vector<1x1x16xf32>
        tpu.vector_store %arg8[%swap3A_780, %swap3A_781, %swap3A_782], %swap3A_785 {add = true, strides = array<i32>} : memref<2x32x768xf32, #tpu.memory_space<vmem>>, vector<1x1x16xf32>,
        %get3A_786 = arith.constant 0 : i32
        %get3A_787 = arith.index_cast %get3A_786 : i32 to index
        %get3A_788 = arith.index_cast %scan3A_422 : i32 to index
        %get3A_789 = arith.constant 448 : index
        %get3A_790 = tpu.vector_load %arg7[%get3A_787, %get3A_788, %get3A_789] {strides = array<i32>} : memref<2x32x768xf32, #tpu.memory_space<vmem>>, vector<1x1x16xf32>,
        %get3A_791 = vector.shape_cast %get3A_790 : vector<1x1x16xf32> to vector<16xf32>
        %swap3A_792 = arith.constant 0 : i32
        %swap3A_793 = arith.index_cast %swap3A_792 : i32 to index
        %swap3A_794 = arith.index_cast %scan3A_422 : i32 to index
        %swap3A_795 = arith.constant 448 : index
        %swap3A_796 = tpu.vector_load %arg8[%swap3A_793, %swap3A_794, %swap3A_795] {strides = array<i32>} : memref<2x32x768xf32, #tpu.memory_space<vmem>>, vector<1x1x16xf32>,
        %swap3A_797 = vector.shape_cast %swap3A_796 : vector<1x1x16xf32> to vector<16xf32>
        %swap3A_798 = vector.shape_cast %get3A_791 : vector<16xf32> to vector<1x1x16xf32>
        tpu.vector_store %arg8[%swap3A_793, %swap3A_794, %swap3A_795], %swap3A_798 {add = true, strides = array<i32>} : memref<2x32x768xf32, #tpu.memory_space<vmem>>, vector<1x1x16xf32>,
        %get3A_799 = arith.constant 0 : i32
        %get3A_800 = arith.index_cast %get3A_799 : i32 to index
        %get3A_801 = arith.index_cast %scan3A_422 : i32 to index
        %get3A_802 = arith.constant 464 : index
        %get3A_803 = tpu.vector_load %arg7[%get3A_800, %get3A_801, %get3A_802] {strides = array<i32>} : memref<2x32x768xf32, #tpu.memory_space<vmem>>, vector<1x1x16xf32>,
        %get3A_804 = vector.shape_cast %get3A_803 : vector<1x1x16xf32> to vector<16xf32>
        %swap3A_805 = arith.constant 0 : i32
        %swap3A_806 = arith.index_cast %swap3A_805 : i32 to index
        %swap3A_807 = arith.index_cast %scan3A_422 : i32 to index
        %swap3A_808 = arith.constant 464 : index
        %swap3A_809 = tpu.vector_load %arg8[%swap3A_806, %swap3A_807, %swap3A_808] {strides = array<i32>} : memref<2x32x768xf32, #tpu.memory_space<vmem>>, vector<1x1x16xf32>,
        %swap3A_810 = vector.shape_cast %swap3A_809 : vector<1x1x16xf32> to vector<16xf32>
        %swap3A_811 = vector.shape_cast %get3A_804 : vector<16xf32> to vector<1x1x16xf32>
        tpu.vector_store %arg8[%swap3A_806, %swap3A_807, %swap3A_808], %swap3A_811 {add = true, strides = array<i32>} : memref<2x32x768xf32, #tpu.memory_space<vmem>>, vector<1x1x16xf32>,
        %get3A_812 = arith.constant 0 : i32
        %get3A_813 = arith.index_cast %get3A_812 : i32 to index
        %get3A_814 = arith.index_cast %scan3A_422 : i32 to index
        %get3A_815 = arith.constant 480 : index
        %get3A_816 = tpu.vector_load %arg7[%get3A_813, %get3A_814, %get3A_815] {strides = array<i32>} : memref<2x32x768xf32, #tpu.memory_space<vmem>>, vector<1x1x16xf32>,
        %get3A_817 = vector.shape_cast %get3A_816 : vector<1x1x16xf32> to vector<16xf32>
        %swap3A_818 = arith.constant 0 : i32
        %swap3A_819 = arith.index_cast %swap3A_818 : i32 to index
        %swap3A_820 = arith.index_cast %scan3A_422 : i32 to index
        %swap3A_821 = arith.constant 480 : index
        %swap3A_822 = tpu.vector_load %arg8[%swap3A_819, %swap3A_820, %swap3A_821] {strides = array<i32>} : memref<2x32x768xf32, #tpu.memory_space<vmem>>, vector<1x1x16xf32>,
        %swap3A_823 = vector.shape_cast %swap3A_822 : vector<1x1x16xf32> to vector<16xf32>
        %swap3A_824 = vector.shape_cast %get3A_817 : vector<16xf32> to vector<1x1x16xf32>
        tpu.vector_store %arg8[%swap3A_819, %swap3A_820, %swap3A_821], %swap3A_824 {add = true, strides = array<i32>} : memref<2x32x768xf32, #tpu.memory_space<vmem>>, vector<1x1x16xf32>,
        %get3A_825 = arith.constant 0 : i32
        %get3A_826 = arith.index_cast %get3A_825 : i32 to index
        %get3A_827 = arith.index_cast %scan3A_422 : i32 to index
        %get3A_828 = arith.constant 496 : index
        %get3A_829 = tpu.vector_load %arg7[%get3A_826, %get3A_827, %get3A_828] {strides = array<i32>} : memref<2x32x768xf32, #tpu.memory_space<vmem>>, vector<1x1x16xf32>,
        %get3A_830 = vector.shape_cast %get3A_829 : vector<1x1x16xf32> to vector<16xf32>
        %swap3A_831 = arith.constant 0 : i32
        %swap3A_832 = arith.index_cast %swap3A_831 : i32 to index
        %swap3A_833 = arith.index_cast %scan3A_422 : i32 to index
        %swap3A_834 = arith.constant 496 : index
        %swap3A_835 = tpu.vector_load %arg8[%swap3A_832, %swap3A_833, %swap3A_834] {strides = array<i32>} : memref<2x32x768xf32, #tpu.memory_space<vmem>>, vector<1x1x16xf32>,
        %swap3A_836 = vector.shape_cast %swap3A_835 : vector<1x1x16xf32> to vector<16xf32>
        %swap3A_837 = vector.shape_cast %get3A_830 : vector<16xf32> to vector<1x1x16xf32>
        tpu.vector_store %arg8[%swap3A_832, %swap3A_833, %swap3A_834], %swap3A_837 {add = true, strides = array<i32>} : memref<2x32x768xf32, #tpu.memory_space<vmem>>, vector<1x1x16xf32>,
        %get3A_838 = arith.constant 0 : i32
        %get3A_839 = arith.index_cast %get3A_838 : i32 to index
        %get3A_840 = arith.index_cast %scan3A_422 : i32 to index
        %get3A_841 = arith.constant 512 : index
        %get3A_842 = tpu.vector_load %arg7[%get3A_839, %get3A_840, %get3A_841] {strides = array<i32>} : memref<2x32x768xf32, #tpu.memory_space<vmem>>, vector<1x1x16xf32>,
        %get3A_843 = vector.shape_cast %get3A_842 : vector<1x1x16xf32> to vector<16xf32>
        %swap3A_844 = arith.constant 0 : i32
        %swap3A_845 = arith.index_cast %swap3A_844 : i32 to index
        %swap3A_846 = arith.index_cast %scan3A_422 : i32 to index
        %swap3A_847 = arith.constant 512 : index
        %swap3A_848 = tpu.vector_load %arg8[%swap3A_845, %swap3A_846, %swap3A_847] {strides = array<i32>} : memref<2x32x768xf32, #tpu.memory_space<vmem>>, vector<1x1x16xf32>,
        %swap3A_849 = vector.shape_cast %swap3A_848 : vector<1x1x16xf32> to vector<16xf32>
        %swap3A_850 = vector.shape_cast %get3A_843 : vector<16xf32> to vector<1x1x16xf32>
        tpu.vector_store %arg8[%swap3A_845, %swap3A_846, %swap3A_847], %swap3A_850 {add = true, strides = array<i32>} : memref<2x32x768xf32, #tpu.memory_space<vmem>>, vector<1x1x16xf32>,
        %get3A_851 = arith.constant 0 : i32
        %get3A_852 = arith.index_cast %get3A_851 : i32 to index
        %get3A_853 = arith.index_cast %scan3A_422 : i32 to index
        %get3A_854 = arith.constant 528 : index
        %get3A_855 = tpu.vector_load %arg7[%get3A_852, %get3A_853, %get3A_854] {strides = array<i32>} : memref<2x32x768xf32, #tpu.memory_space<vmem>>, vector<1x1x16xf32>,
        %get3A_856 = vector.shape_cast %get3A_855 : vector<1x1x16xf32> to vector<16xf32>
        %swap3A_857 = arith.constant 0 : i32
        %swap3A_858 = arith.index_cast %swap3A_857 : i32 to index
        %swap3A_859 = arith.index_cast %scan3A_422 : i32 to index
        %swap3A_860 = arith.constant 528 : index
        %swap3A_861 = tpu.vector_load %arg8[%swap3A_858, %swap3A_859, %swap3A_860] {strides = array<i32>} : memref<2x32x768xf32, #tpu.memory_space<vmem>>, vector<1x1x16xf32>,
        %swap3A_862 = vector.shape_cast %swap3A_861 : vector<1x1x16xf32> to vector<16xf32>
        %swap3A_863 = vector.shape_cast %get3A_856 : vector<16xf32> to vector<1x1x16xf32>
        tpu.vector_store %arg8[%swap3A_858, %swap3A_859, %swap3A_860], %swap3A_863 {add = true, strides = array<i32>} : memref<2x32x768xf32, #tpu.memory_space<vmem>>, vector<1x1x16xf32>,
        %get3A_864 = arith.constant 0 : i32
        %get3A_865 = arith.index_cast %get3A_864 : i32 to index
        %get3A_866 = arith.index_cast %scan3A_422 : i32 to index
        %get3A_867 = arith.constant 544 : index
        %get3A_868 = tpu.vector_load %arg7[%get3A_865, %get3A_866, %get3A_867] {strides = array<i32>} : memref<2x32x768xf32, #tpu.memory_space<vmem>>, vector<1x1x16xf32>,
        %get3A_869 = vector.shape_cast %get3A_868 : vector<1x1x16xf32> to vector<16xf32>
        %swap3A_870 = arith.constant 0 : i32
        %swap3A_871 = arith.index_cast %swap3A_870 : i32 to index
        %swap3A_872 = arith.index_cast %scan3A_422 : i32 to index
        %swap3A_873 = arith.constant 544 : index
        %swap3A_874 = tpu.vector_load %arg8[%swap3A_871, %swap3A_872, %swap3A_873] {strides = array<i32>} : memref<2x32x768xf32, #tpu.memory_space<vmem>>, vector<1x1x16xf32>,
        %swap3A_875 = vector.shape_cast %swap3A_874 : vector<1x1x16xf32> to vector<16xf32>
        %swap3A_876 = vector.shape_cast %get3A_869 : vector<16xf32> to vector<1x1x16xf32>
        tpu.vector_store %arg8[%swap3A_871, %swap3A_872, %swap3A_873], %swap3A_876 {add = true, strides = array<i32>} : memref<2x32x768xf32, #tpu.memory_space<vmem>>, vector<1x1x16xf32>,
        %get3A_877 = arith.constant 0 : i32
        %get3A_878 = arith.index_cast %get3A_877 : i32 to index
        %get3A_879 = arith.index_cast %scan3A_422 : i32 to index
        %get3A_880 = arith.constant 560 : index
        %get3A_881 = tpu.vector_load %arg7[%get3A_878, %get3A_879, %get3A_880] {strides = array<i32>} : memref<2x32x768xf32, #tpu.memory_space<vmem>>, vector<1x1x16xf32>,
        %get3A_882 = vector.shape_cast %get3A_881 : vector<1x1x16xf32> to vector<16xf32>
        %swap3A_883 = arith.constant 0 : i32
        %swap3A_884 = arith.index_cast %swap3A_883 : i32 to index
        %swap3A_885 = arith.index_cast %scan3A_422 : i32 to index
        %swap3A_886 = arith.constant 560 : index
        %swap3A_887 = tpu.vector_load %arg8[%swap3A_884, %swap3A_885, %swap3A_886] {strides = array<i32>} : memref<2x32x768xf32, #tpu.memory_space<vmem>>, vector<1x1x16xf32>,
        %swap3A_888 = vector.shape_cast %swap3A_887 : vector<1x1x16xf32> to vector<16xf32>
        %swap3A_889 = vector.shape_cast %get3A_882 : vector<16xf32> to vector<1x1x16xf32>
        tpu.vector_store %arg8[%swap3A_884, %swap3A_885, %swap3A_886], %swap3A_889 {add = true, strides = array<i32>} : memref<2x32x768xf32, #tpu.memory_space<vmem>>, vector<1x1x16xf32>,
        %get3A_890 = arith.constant 0 : i32
        %get3A_891 = arith.index_cast %get3A_890 : i32 to index
        %get3A_892 = arith.index_cast %scan3A_422 : i32 to index
        %get3A_893 = arith.constant 576 : index
        %get3A_894 = tpu.vector_load %arg7[%get3A_891, %get3A_892, %get3A_893] {strides = array<i32>} : memref<2x32x768xf32, #tpu.memory_space<vmem>>, vector<1x1x16xf32>,
        %get3A_895 = vector.shape_cast %get3A_894 : vector<1x1x16xf32> to vector<16xf32>
        %swap3A_896 = arith.constant 0 : i32
        %swap3A_897 = arith.index_cast %swap3A_896 : i32 to index
        %swap3A_898 = arith.index_cast %scan3A_422 : i32 to index
        %swap3A_899 = arith.constant 576 : index
        %swap3A_900 = tpu.vector_load %arg8[%swap3A_897, %swap3A_898, %swap3A_899] {strides = array<i32>} : memref<2x32x768xf32, #tpu.memory_space<vmem>>, vector<1x1x16xf32>,
        %swap3A_901 = vector.shape_cast %swap3A_900 : vector<1x1x16xf32> to vector<16xf32>
        %swap3A_902 = vector.shape_cast %get3A_895 : vector<16xf32> to vector<1x1x16xf32>
        tpu.vector_store %arg8[%swap3A_897, %swap3A_898, %swap3A_899], %swap3A_902 {add = true, strides = array<i32>} : memref<2x32x768xf32, #tpu.memory_space<vmem>>, vector<1x1x16xf32>,
        %get3A_903 = arith.constant 0 : i32
        %get3A_904 = arith.index_cast %get3A_903 : i32 to index
        %get3A_905 = arith.index_cast %scan3A_422 : i32 to index
        %get3A_906 = arith.constant 592 : index
        %get3A_907 = tpu.vector_load %arg7[%get3A_904, %get3A_905, %get3A_906] {strides = array<i32>} : memref<2x32x768xf32, #tpu.memory_space<vmem>>, vector<1x1x16xf32>,
        %get3A_908 = vector.shape_cast %get3A_907 : vector<1x1x16xf32> to vector<16xf32>
        %swap3A_909 = arith.constant 0 : i32
        %swap3A_910 = arith.index_cast %swap3A_909 : i32 to index
        %swap3A_911 = arith.index_cast %scan3A_422 : i32 to index
        %swap3A_912 = arith.constant 592 : index
        %swap3A_913 = tpu.vector_load %arg8[%swap3A_910, %swap3A_911, %swap3A_912] {strides = array<i32>} : memref<2x32x768xf32, #tpu.memory_space<vmem>>, vector<1x1x16xf32>,
        %swap3A_914 = vector.shape_cast %swap3A_913 : vector<1x1x16xf32> to vector<16xf32>
        %swap3A_915 = vector.shape_cast %get3A_908 : vector<16xf32> to vector<1x1x16xf32>
        tpu.vector_store %arg8[%swap3A_910, %swap3A_911, %swap3A_912], %swap3A_915 {add = true, strides = array<i32>} : memref<2x32x768xf32, #tpu.memory_space<vmem>>, vector<1x1x16xf32>,
        %get3A_916 = arith.constant 0 : i32
        %get3A_917 = arith.index_cast %get3A_916 : i32 to index
        %get3A_918 = arith.index_cast %scan3A_422 : i32 to index
        %get3A_919 = arith.constant 608 : index
        %get3A_920 = tpu.vector_load %arg7[%get3A_917, %get3A_918, %get3A_919] {strides = array<i32>} : memref<2x32x768xf32, #tpu.memory_space<vmem>>, vector<1x1x16xf32>,
        %get3A_921 = vector.shape_cast %get3A_920 : vector<1x1x16xf32> to vector<16xf32>
        %swap3A_922 = arith.constant 0 : i32
        %swap3A_923 = arith.index_cast %swap3A_922 : i32 to index
        %swap3A_924 = arith.index_cast %scan3A_422 : i32 to index
        %swap3A_925 = arith.constant 608 : index
        %swap3A_926 = tpu.vector_load %arg8[%swap3A_923, %swap3A_924, %swap3A_925] {strides = array<i32>} : memref<2x32x768xf32, #tpu.memory_space<vmem>>, vector<1x1x16xf32>,
        %swap3A_927 = vector.shape_cast %swap3A_926 : vector<1x1x16xf32> to vector<16xf32>
        %swap3A_928 = vector.shape_cast %get3A_921 : vector<16xf32> to vector<1x1x16xf32>
        tpu.vector_store %arg8[%swap3A_923, %swap3A_924, %swap3A_925], %swap3A_928 {add = true, strides = array<i32>} : memref<2x32x768xf32, #tpu.memory_space<vmem>>, vector<1x1x16xf32>,
        %get3A_929 = arith.constant 0 : i32
        %get3A_930 = arith.index_cast %get3A_929 : i32 to index
        %get3A_931 = arith.index_cast %scan3A_422 : i32 to index
        %get3A_932 = arith.constant 624 : index
        %get3A_933 = tpu.vector_load %arg7[%get3A_930, %get3A_931, %get3A_932] {strides = array<i32>} : memref<2x32x768xf32, #tpu.memory_space<vmem>>, vector<1x1x16xf32>,
        %get3A_934 = vector.shape_cast %get3A_933 : vector<1x1x16xf32> to vector<16xf32>
        %swap3A_935 = arith.constant 0 : i32
        %swap3A_936 = arith.index_cast %swap3A_935 : i32 to index
        %swap3A_937 = arith.index_cast %scan3A_422 : i32 to index
        %swap3A_938 = arith.constant 624 : index
        %swap3A_939 = tpu.vector_load %arg8[%swap3A_936, %swap3A_937, %swap3A_938] {strides = array<i32>} : memref<2x32x768xf32, #tpu.memory_space<vmem>>, vector<1x1x16xf32>,
        %swap3A_940 = vector.shape_cast %swap3A_939 : vector<1x1x16xf32> to vector<16xf32>
        %swap3A_941 = vector.shape_cast %get3A_934 : vector<16xf32> to vector<1x1x16xf32>
        tpu.vector_store %arg8[%swap3A_936, %swap3A_937, %swap3A_938], %swap3A_941 {add = true, strides = array<i32>} : memref<2x32x768xf32, #tpu.memory_space<vmem>>, vector<1x1x16xf32>,
        %get3A_942 = arith.constant 0 : i32
        %get3A_943 = arith.index_cast %get3A_942 : i32 to index
        %get3A_944 = arith.index_cast %scan3A_422 : i32 to index
        %get3A_945 = arith.constant 640 : index
        %get3A_946 = tpu.vector_load %arg7[%get3A_943, %get3A_944, %get3A_945] {strides = array<i32>} : memref<2x32x768xf32, #tpu.memory_space<vmem>>, vector<1x1x16xf32>,
        %get3A_947 = vector.shape_cast %get3A_946 : vector<1x1x16xf32> to vector<16xf32>
        %swap3A_948 = arith.constant 0 : i32
        %swap3A_949 = arith.index_cast %swap3A_948 : i32 to index
        %swap3A_950 = arith.index_cast %scan3A_422 : i32 to index
        %swap3A_951 = arith.constant 640 : index
        %swap3A_952 = tpu.vector_load %arg8[%swap3A_949, %swap3A_950, %swap3A_951] {strides = array<i32>} : memref<2x32x768xf32, #tpu.memory_space<vmem>>, vector<1x1x16xf32>,
        %swap3A_953 = vector.shape_cast %swap3A_952 : vector<1x1x16xf32> to vector<16xf32>
        %swap3A_954 = vector.shape_cast %get3A_947 : vector<16xf32> to vector<1x1x16xf32>
        tpu.vector_store %arg8[%swap3A_949, %swap3A_950, %swap3A_951], %swap3A_954 {add = true, strides = array<i32>} : memref<2x32x768xf32, #tpu.memory_space<vmem>>, vector<1x1x16xf32>,
        %get3A_955 = arith.constant 0 : i32
        %get3A_956 = arith.index_cast %get3A_955 : i32 to index
        %get3A_957 = arith.index_cast %scan3A_422 : i32 to index
        %get3A_958 = arith.constant 656 : index
        %get3A_959 = tpu.vector_load %arg7[%get3A_956, %get3A_957, %get3A_958] {strides = array<i32>} : memref<2x32x768xf32, #tpu.memory_space<vmem>>, vector<1x1x16xf32>,
        %get3A_960 = vector.shape_cast %get3A_959 : vector<1x1x16xf32> to vector<16xf32>
        %swap3A_961 = arith.constant 0 : i32
        %swap3A_962 = arith.index_cast %swap3A_961 : i32 to index
        %swap3A_963 = arith.index_cast %scan3A_422 : i32 to index
        %swap3A_964 = arith.constant 656 : index
        %swap3A_965 = tpu.vector_load %arg8[%swap3A_962, %swap3A_963, %swap3A_964] {strides = array<i32>} : memref<2x32x768xf32, #tpu.memory_space<vmem>>, vector<1x1x16xf32>,
        %swap3A_966 = vector.shape_cast %swap3A_965 : vector<1x1x16xf32> to vector<16xf32>
        %swap3A_967 = vector.shape_cast %get3A_960 : vector<16xf32> to vector<1x1x16xf32>
        tpu.vector_store %arg8[%swap3A_962, %swap3A_963, %swap3A_964], %swap3A_967 {add = true, strides = array<i32>} : memref<2x32x768xf32, #tpu.memory_space<vmem>>, vector<1x1x16xf32>,
        %get3A_968 = arith.constant 0 : i32
        %get3A_969 = arith.index_cast %get3A_968 : i32 to index
        %get3A_970 = arith.index_cast %scan3A_422 : i32 to index
        %get3A_971 = arith.constant 672 : index
        %get3A_972 = tpu.vector_load %arg7[%get3A_969, %get3A_970, %get3A_971] {strides = array<i32>} : memref<2x32x768xf32, #tpu.memory_space<vmem>>, vector<1x1x16xf32>,
        %get3A_973 = vector.shape_cast %get3A_972 : vector<1x1x16xf32> to vector<16xf32>
        %swap3A_974 = arith.constant 0 : i32
        %swap3A_975 = arith.index_cast %swap3A_974 : i32 to index
        %swap3A_976 = arith.index_cast %scan3A_422 : i32 to index
        %swap3A_977 = arith.constant 672 : index
        %swap3A_978 = tpu.vector_load %arg8[%swap3A_975, %swap3A_976, %swap3A_977] {strides = array<i32>} : memref<2x32x768xf32, #tpu.memory_space<vmem>>, vector<1x1x16xf32>,
        %swap3A_979 = vector.shape_cast %swap3A_978 : vector<1x1x16xf32> to vector<16xf32>
        %swap3A_980 = vector.shape_cast %get3A_973 : vector<16xf32> to vector<1x1x16xf32>
        tpu.vector_store %arg8[%swap3A_975, %swap3A_976, %swap3A_977], %swap3A_980 {add = true, strides = array<i32>} : memref<2x32x768xf32, #tpu.memory_space<vmem>>, vector<1x1x16xf32>,
        %get3A_981 = arith.constant 0 : i32
        %get3A_982 = arith.index_cast %get3A_981 : i32 to index
        %get3A_983 = arith.index_cast %scan3A_422 : i32 to index
        %get3A_984 = arith.constant 688 : index
        %get3A_985 = tpu.vector_load %arg7[%get3A_982, %get3A_983, %get3A_984] {strides = array<i32>} : memref<2x32x768xf32, #tpu.memory_space<vmem>>, vector<1x1x16xf32>,
        %get3A_986 = vector.shape_cast %get3A_985 : vector<1x1x16xf32> to vector<16xf32>
        %swap3A_987 = arith.constant 0 : i32
        %swap3A_988 = arith.index_cast %swap3A_987 : i32 to index
        %swap3A_989 = arith.index_cast %scan3A_422 : i32 to index
        %swap3A_990 = arith.constant 688 : index
        %swap3A_991 = tpu.vector_load %arg8[%swap3A_988, %swap3A_989, %swap3A_990] {strides = array<i32>} : memref<2x32x768xf32, #tpu.memory_space<vmem>>, vector<1x1x16xf32>,
        %swap3A_992 = vector.shape_cast %swap3A_991 : vector<1x1x16xf32> to vector<16xf32>
        %swap3A_993 = vector.shape_cast %get3A_986 : vector<16xf32> to vector<1x1x16xf32>
        tpu.vector_store %arg8[%swap3A_988, %swap3A_989, %swap3A_990], %swap3A_993 {add = true, strides = array<i32>} : memref<2x32x768xf32, #tpu.memory_space<vmem>>, vector<1x1x16xf32>,
        %get3A_994 = arith.constant 0 : i32
        %get3A_995 = arith.index_cast %get3A_994 : i32 to index
        %get3A_996 = arith.index_cast %scan3A_422 : i32 to index
        %get3A_997 = arith.constant 704 : index
        %get3A_998 = tpu.vector_load %arg7[%get3A_995, %get3A_996, %get3A_997] {strides = array<i32>} : memref<2x32x768xf32, #tpu.memory_space<vmem>>, vector<1x1x16xf32>,
        %get3A_999 = vector.shape_cast %get3A_998 : vector<1x1x16xf32> to vector<16xf32>
        %swap3A_1000 = arith.constant 0 : i32
        %swap3A_1001 = arith.index_cast %swap3A_1000 : i32 to index
        %swap3A_1002 = arith.index_cast %scan3A_422 : i32 to index
        %swap3A_1003 = arith.constant 704 : index
        %swap3A_1004 = tpu.vector_load %arg8[%swap3A_1001, %swap3A_1002, %swap3A_1003] {strides = array<i32>} : memref<2x32x768xf32, #tpu.memory_space<vmem>>, vector<1x1x16xf32>,
        %swap3A_1005 = vector.shape_cast %swap3A_1004 : vector<1x1x16xf32> to vector<16xf32>
        %swap3A_1006 = vector.shape_cast %get3A_999 : vector<16xf32> to vector<1x1x16xf32>
        tpu.vector_store %arg8[%swap3A_1001, %swap3A_1002, %swap3A_1003], %swap3A_1006 {add = true, strides = array<i32>} : memref<2x32x768xf32, #tpu.memory_space<vmem>>, vector<1x1x16xf32>,
        %get3A_1007 = arith.constant 0 : i32
        %get3A_1008 = arith.index_cast %get3A_1007 : i32 to index
        %get3A_1009 = arith.index_cast %scan3A_422 : i32 to index
        %get3A_1010 = arith.constant 720 : index
        %get3A_1011 = tpu.vector_load %arg7[%get3A_1008, %get3A_1009, %get3A_1010] {strides = array<i32>} : memref<2x32x768xf32, #tpu.memory_space<vmem>>, vector<1x1x16xf32>,
        %get3A_1012 = vector.shape_cast %get3A_1011 : vector<1x1x16xf32> to vector<16xf32>
        %swap3A_1013 = arith.constant 0 : i32
        %swap3A_1014 = arith.index_cast %swap3A_1013 : i32 to index
        %swap3A_1015 = arith.index_cast %scan3A_422 : i32 to index
        %swap3A_1016 = arith.constant 720 : index
        %swap3A_1017 = tpu.vector_load %arg8[%swap3A_1014, %swap3A_1015, %swap3A_1016] {strides = array<i32>} : memref<2x32x768xf32, #tpu.memory_space<vmem>>, vector<1x1x16xf32>,
        %swap3A_1018 = vector.shape_cast %swap3A_1017 : vector<1x1x16xf32> to vector<16xf32>
        %swap3A_1019 = vector.shape_cast %get3A_1012 : vector<16xf32> to vector<1x1x16xf32>
        tpu.vector_store %arg8[%swap3A_1014, %swap3A_1015, %swap3A_1016], %swap3A_1019 {add = true, strides = array<i32>} : memref<2x32x768xf32, #tpu.memory_space<vmem>>, vector<1x1x16xf32>,
        %get3A_1020 = arith.constant 0 : i32
        %get3A_1021 = arith.index_cast %get3A_1020 : i32 to index
        %get3A_1022 = arith.index_cast %scan3A_422 : i32 to index
        %get3A_1023 = arith.constant 736 : index
        %get3A_1024 = tpu.vector_load %arg7[%get3A_1021, %get3A_1022, %get3A_1023] {strides = array<i32>} : memref<2x32x768xf32, #tpu.memory_space<vmem>>, vector<1x1x16xf32>,
        %get3A_1025 = vector.shape_cast %get3A_1024 : vector<1x1x16xf32> to vector<16xf32>
        %swap3A_1026 = arith.constant 0 : i32
        %swap3A_1027 = arith.index_cast %swap3A_1026 : i32 to index
        %swap3A_1028 = arith.index_cast %scan3A_422 : i32 to index
        %swap3A_1029 = arith.constant 736 : index
        %swap3A_1030 = tpu.vector_load %arg8[%swap3A_1027, %swap3A_1028, %swap3A_1029] {strides = array<i32>} : memref<2x32x768xf32, #tpu.memory_space<vmem>>, vector<1x1x16xf32>,
        %swap3A_1031 = vector.shape_cast %swap3A_1030 : vector<1x1x16xf32> to vector<16xf32>
        %swap3A_1032 = vector.shape_cast %get3A_1025 : vector<16xf32> to vector<1x1x16xf32>
        tpu.vector_store %arg8[%swap3A_1027, %swap3A_1028, %swap3A_1029], %swap3A_1032 {add = true, strides = array<i32>} : memref<2x32x768xf32, #tpu.memory_space<vmem>>, vector<1x1x16xf32>,
        %get3A_1033 = arith.constant 0 : i32
        %get3A_1034 = arith.index_cast %get3A_1033 : i32 to index
        %get3A_1035 = arith.index_cast %scan3A_422 : i32 to index
        %get3A_1036 = arith.constant 752 : index
        %get3A_1037 = tpu.vector_load %arg7[%get3A_1034, %get3A_1035, %get3A_1036] {strides = array<i32>} : memref<2x32x768xf32, #tpu.memory_space<vmem>>, vector<1x1x16xf32>,
        %get3A_1038 = vector.shape_cast %get3A_1037 : vector<1x1x16xf32> to vector<16xf32>
        %swap3A_1039 = arith.constant 0 : i32
        %swap3A_1040 = arith.index_cast %swap3A_1039 : i32 to index
        %swap3A_1041 = arith.index_cast %scan3A_422 : i32 to index
        %swap3A_1042 = arith.constant 752 : index
        %swap3A_1043 = tpu.vector_load %arg8[%swap3A_1040, %swap3A_1041, %swap3A_1042] {strides = array<i32>} : memref<2x32x768xf32, #tpu.memory_space<vmem>>, vector<1x1x16xf32>,
        %swap3A_1044 = vector.shape_cast %swap3A_1043 : vector<1x1x16xf32> to vector<16xf32>
        %swap3A_1045 = vector.shape_cast %get3A_1038 : vector<16xf32> to vector<1x1x16xf32>
        tpu.vector_store %arg8[%swap3A_1040, %swap3A_1041, %swap3A_1042], %swap3A_1045 {add = true, strides = array<i32>} : memref<2x32x768xf32, #tpu.memory_space<vmem>>, vector<1x1x16xf32>,
        %scan3A_1046 = arith.constant 0 : i32
        scf.yield %scan3A_1046 : i32
      }
      %scan3A_251 = arith.constant 32 : i32
      %dma_start3A_252 = arith.constant 0 : i32
      %dma_start3A_253 = arith.constant 0 : i32
      %dma_start3A_254 = arith.constant 0 : i32
      %dma_start3A_255 = tpu.memref_slice %arg8[%dma_start3A_252, %dma_start3A_253, %dma_start3A_254] : memref<2x32x768xf32, #tpu.memory_space<vmem>> -> memref<1x32x768xf32, #tpu.memory_space<vmem>>
      %dma_start3A_256 = tpu.memref_squeeze %dma_start3A_255 : memref<1x32x768xf32, #tpu.memory_space<vmem>> -> memref<32x768xf32, #tpu.memory_space<vmem>>
      %dma_start3A_257 = arith.constant 0 : i32
      %dma_start3A_258 = arith.constant 0 : i32
      %dma_start3A_259 = tpu.memref_slice %arg5[%add3A, %add3A_216, %dma_start3A_257, %dma_start3A_258] : memref<32x32x32x768xf32, #tpu.memory_space<hbm>> -> memref<1x1x32x768xf32, #tpu.memory_space<hbm>>
      %dma_start3A_260 = tpu.memref_squeeze %dma_start3A_259 : memref<1x1x32x768xf32, #tpu.memory_space<hbm>> -> memref<32x768xf32, #tpu.memory_space<hbm>>
      %dma_start3A_261 = arith.constant 0 : i32
      %dma_start3A_262 = arith.constant 0 : i32
      %dma_start3A_263 = tpu.memref_slice %arg5[%add3A, %add3A_216, %dma_start3A_261, %dma_start3A_262] : memref<32x32x32x768xf32, #tpu.memory_space<hbm>> -> memref<1x1x32x768xf32, #tpu.memory_space<hbm>>
      %dma_start3A_264 = tpu.memref_squeeze %dma_start3A_263 : memref<1x1x32x768xf32, #tpu.memory_space<hbm>> -> memref<32x768xf32, #tpu.memory_space<hbm>>
      %dma_start3A_265 = arith.constant 0 : i32
      %dma_start3A_266 = arith.constant 0 : i32
      %dma_start3A_267 = tpu.memref_slice %arg8[%dma_start3A_252, %dma_start3A_265, %dma_start3A_266] : memref<2x32x768xf32, #tpu.memory_space<vmem>> -> memref<1x32x768xf32, #tpu.memory_space<vmem>>
      %dma_start3A_268 = tpu.memref_squeeze %dma_start3A_267 : memref<1x32x768xf32, #tpu.memory_space<vmem>> -> memref<32x768xf32, #tpu.memory_space<vmem>>
      tpu.enqueue_dma source(%dma_start3A_268 : memref<32x768xf32, #tpu.memory_space<vmem>>) target(%dma_start3A_264 : memref<32x768xf32, #tpu.memory_space<hbm>>) target_semaphore(%arg13 : memref<!tpu.dma_semaphore, #tpu.memory_space<semaphore_mem>>)
      %add3A_269 = arith.constant 2 : i32
      %add3A_270 = arith.addi %add3A_216, %add3A_269 : i32
      %dma_start3A_271 = arith.constant 0 : i32
      %dma_start3A_272 = arith.constant 0 : i32
      %dma_start3A_273 = arith.constant 0 : i32
      %dma_start3A_274 = tpu.memref_slice %arg7[%dma_start3A_271, %dma_start3A_272, %dma_start3A_273] : memref<2x32x768xf32, #tpu.memory_space<vmem>> -> memref<1x32x768xf32, #tpu.memory_space<vmem>>
      %dma_start3A_275 = tpu.memref_squeeze %dma_start3A_274 : memref<1x32x768xf32, #tpu.memory_space<vmem>> -> memref<32x768xf32, #tpu.memory_space<vmem>>
      %dma_start3A_276 = arith.constant 0 : i32
      %dma_start3A_277 = tpu.memref_slice %arg6[%add3A_270, %dma_start3A_276] : memref<32x32xi32, #tpu.memory_space<vmem>> -> memref<1x32xi32, #tpu.memory_space<vmem>>
      %dma_start3A_278 = tpu.memref_squeeze %dma_start3A_277 : memref<1x32xi32, #tpu.memory_space<vmem>> -> memref<32xi32, #tpu.memory_space<vmem>>
      %dma_start3A_279 = arith.constant 0 : i32
      %dma_start3A_280 = arith.constant 0 : i32
      %dma_start3A_281 = tpu.memref_slice %arg4[%dma_start3A_279, %dma_start3A_280] : memref<100000x768xf32, #tpu.memory_space<hbm>> -> memref<100000x768xf32, #tpu.memory_space<hbm>>
      tpu.enqueue_indirect_dma source(%dma_start3A_281 : memref<100000x768xf32, #tpu.memory_space<hbm>>) target(%dma_start3A_275 : memref<32x768xf32, #tpu.memory_space<vmem>>) offsets(%dma_start3A_278 : memref<32xi32, #tpu.memory_space<vmem>>) semaphore(%arg9 : memref<!tpu.dma_semaphore, #tpu.memory_space<semaphore_mem>>)
      %dma_wait3A_282 = arith.constant 0 : i32
      %dma_wait3A_283 = arith.constant 0 : i32
      %dma_wait3A_284 = arith.constant 0 : i32
      %dma_wait3A_285 = tpu.memref_slice %arg8[%dma_wait3A_282, %dma_wait3A_283, %dma_wait3A_284] : memref<2x32x768xf32, #tpu.memory_space<vmem>> -> memref<1x32x768xf32, #tpu.memory_space<vmem>>
      %dma_wait3A_286 = tpu.memref_squeeze %dma_wait3A_285 : memref<1x32x768xf32, #tpu.memory_space<vmem>> -> memref<32x768xf32, #tpu.memory_space<vmem>>
      %dma_wait3A_287 = arith.constant 0 : i32
      %dma_wait3A_288 = arith.constant 0 : i32
      %dma_wait3A_289 = tpu.memref_slice %arg5[%add3A, %add3A_216, %dma_wait3A_287, %dma_wait3A_288] : memref<32x32x32x768xf32, #tpu.memory_space<hbm>> -> memref<1x1x32x768xf32, #tpu.memory_space<hbm>>
      %dma_wait3A_290 = tpu.memref_squeeze %dma_wait3A_289 : memref<1x1x32x768xf32, #tpu.memory_space<hbm>> -> memref<32x768xf32, #tpu.memory_space<hbm>>
      %dma_wait3A_291 = arith.constant 0 : i32
      %dma_wait3A_292 = arith.constant 0 : i32
      %dma_wait3A_293 = tpu.memref_slice %arg5[%add3A, %add3A_216, %dma_wait3A_291, %dma_wait3A_292] : memref<32x32x32x768xf32, #tpu.memory_space<hbm>> -> memref<1x1x32x768xf32, #tpu.memory_space<hbm>>
      %dma_wait3A_294 = tpu.memref_squeeze %dma_wait3A_293 : memref<1x1x32x768xf32, #tpu.memory_space<hbm>> -> memref<32x768xf32, #tpu.memory_space<hbm>>
      %dma_wait3A_295 = arith.constant 0 : i32
      %dma_wait3A_296 = arith.constant 0 : i32
      %dma_wait3A_297 = tpu.memref_slice %arg8[%dma_wait3A_282, %dma_wait3A_295, %dma_wait3A_296] : memref<2x32x768xf32, #tpu.memory_space<vmem>> -> memref<1x32x768xf32, #tpu.memory_space<vmem>>
      %dma_wait3A_298 = tpu.memref_squeeze %dma_wait3A_297 : memref<1x32x768xf32, #tpu.memory_space<vmem>> -> memref<32x768xf32, #tpu.memory_space<vmem>>
      tpu.wait_dma2 semaphore(%arg13 : memref<!tpu.dma_semaphore, #tpu.memory_space<semaphore_mem>>) src(%dma_wait3A_298 : memref<32x768xf32, #tpu.memory_space<vmem>>) dst(%dma_wait3A_294 : memref<32x768xf32, #tpu.memory_space<hbm>>)
      %add3A_299 = arith.constant 2 : i32
      %add3A_300 = arith.addi %add3A_216, %add3A_299 : i32
      %dma_start3A_301 = arith.constant 0 : i32
      %dma_start3A_302 = arith.constant 0 : i32
      %dma_start3A_303 = arith.constant 0 : i32
      %dma_start3A_304 = tpu.memref_slice %arg8[%dma_start3A_301, %dma_start3A_302, %dma_start3A_303] : memref<2x32x768xf32, #tpu.memory_space<vmem>> -> memref<1x32x768xf32, #tpu.memory_space<vmem>>
      %dma_start3A_305 = tpu.memref_squeeze %dma_start3A_304 : memref<1x32x768xf32, #tpu.memory_space<vmem>> -> memref<32x768xf32, #tpu.memory_space<vmem>>
      %dma_start3A_306 = arith.constant 0 : i32
      %dma_start3A_307 = arith.constant 0 : i32
      %dma_start3A_308 = tpu.memref_slice %arg2[%add3A, %add3A_300, %dma_start3A_306, %dma_start3A_307] : memref<32x32x32x768xf32, #tpu.memory_space<hbm>> -> memref<1x1x32x768xf32, #tpu.memory_space<hbm>>
      %dma_start3A_309 = tpu.memref_squeeze %dma_start3A_308 : memref<1x1x32x768xf32, #tpu.memory_space<hbm>> -> memref<32x768xf32, #tpu.memory_space<hbm>>
      %dma_start3A_310 = arith.constant 0 : i32
      %dma_start3A_311 = arith.constant 0 : i32
      %dma_start3A_312 = tpu.memref_slice %arg8[%dma_start3A_301, %dma_start3A_310, %dma_start3A_311] : memref<2x32x768xf32, #tpu.memory_space<vmem>> -> memref<1x32x768xf32, #tpu.memory_space<vmem>>
      %dma_start3A_313 = tpu.memref_squeeze %dma_start3A_312 : memref<1x32x768xf32, #tpu.memory_space<vmem>> -> memref<32x768xf32, #tpu.memory_space<vmem>>
      %dma_start3A_314 = arith.constant 0 : i32
      %dma_start3A_315 = arith.constant 0 : i32
      %dma_start3A_316 = tpu.memref_slice %arg2[%add3A, %add3A_300, %dma_start3A_314, %dma_start3A_315] : memref<32x32x32x768xf32, #tpu.memory_space<hbm>> -> memref<1x1x32x768xf32, #tpu.memory_space<hbm>>
      %dma_start3A_317 = tpu.memref_squeeze %dma_start3A_316 : memref<1x1x32x768xf32, #tpu.memory_space<hbm>> -> memref<32x768xf32, #tpu.memory_space<hbm>>
      tpu.enqueue_dma source(%dma_start3A_317 : memref<32x768xf32, #tpu.memory_space<hbm>>) target(%dma_start3A_313 : memref<32x768xf32, #tpu.memory_space<vmem>>) target_semaphore(%arg11 : memref<!tpu.dma_semaphore, #tpu.memory_space<semaphore_mem>>)
      %add3A_318 = arith.constant 1 : i32
      %add3A_319 = arith.addi %mul3A_214, %add3A_318 : i32
      %dma_wait3A_320 = arith.constant 1 : i32
      %dma_wait3A_321 = arith.constant 0 : i32
      %dma_wait3A_322 = arith.constant 0 : i32
      %dma_wait3A_323 = tpu.memref_slice %arg7[%dma_wait3A_320, %dma_wait3A_321, %dma_wait3A_322] : memref<2x32x768xf32, #tpu.memory_space<vmem>> -> memref<1x32x768xf32, #tpu.memory_space<vmem>>
      %dma_wait3A_324 = tpu.memref_squeeze %dma_wait3A_323 : memref<1x32x768xf32, #tpu.memory_space<vmem>> -> memref<32x768xf32, #tpu.memory_space<vmem>>
      %dma_wait3A_325 = arith.constant 0 : i32
      %dma_wait3A_326 = tpu.memref_slice %arg6[%add3A_319, %dma_wait3A_325] : memref<32x32xi32, #tpu.memory_space<vmem>> -> memref<1x32xi32, #tpu.memory_space<vmem>>
      %dma_wait3A_327 = tpu.memref_squeeze %dma_wait3A_326 : memref<1x32xi32, #tpu.memory_space<vmem>> -> memref<32xi32, #tpu.memory_space<vmem>>
      %dma_wait3A_328 = arith.constant 0 : i32
      %dma_wait3A_329 = arith.constant 0 : i32
      %dma_wait3A_330 = tpu.memref_slice %arg4[%dma_wait3A_328, %dma_wait3A_329] : memref<100000x768xf32, #tpu.memory_space<hbm>> -> memref<100000x768xf32, #tpu.memory_space<hbm>>
      tpu.wait_indirect_dma semaphore(%arg10 : memref<!tpu.dma_semaphore, #tpu.memory_space<semaphore_mem>>) src(%dma_wait3A_330 : memref<100000x768xf32, #tpu.memory_space<hbm>>) dst(%dma_wait3A_324 : memref<32x768xf32, #tpu.memory_space<vmem>>)
      %dma_wait3A_331 = arith.constant 1 : i32
      %dma_wait3A_332 = arith.constant 0 : i32
      %dma_wait3A_333 = arith.constant 0 : i32
      %dma_wait3A_334 = tpu.memref_slice %arg8[%dma_wait3A_331, %dma_wait3A_332, %dma_wait3A_333] : memref<2x32x768xf32, #tpu.memory_space<vmem>> -> memref<1x32x768xf32, #tpu.memory_space<vmem>>
      %dma_wait3A_335 = tpu.memref_squeeze %dma_wait3A_334 : memref<1x32x768xf32, #tpu.memory_space<vmem>> -> memref<32x768xf32, #tpu.memory_space<vmem>>
      %dma_wait3A_336 = arith.constant 0 : i32
      %dma_wait3A_337 = arith.constant 0 : i32
      %dma_wait3A_338 = tpu.memref_slice %arg2[%add3A, %add3A_319, %dma_wait3A_336, %dma_wait3A_337] : memref<32x32x32x768xf32, #tpu.memory_space<hbm>> -> memref<1x1x32x768xf32, #tpu.memory_space<hbm>>
      %dma_wait3A_339 = tpu.memref_squeeze %dma_wait3A_338 : memref<1x1x32x768xf32, #tpu.memory_space<hbm>> -> memref<32x768xf32, #tpu.memory_space<hbm>>
      %dma_wait3A_340 = arith.constant 0 : i32
      %dma_wait3A_341 = arith.constant 0 : i32
      %dma_wait3A_342 = tpu.memref_slice %arg8[%dma_wait3A_331, %dma_wait3A_340, %dma_wait3A_341] : memref<2x32x768xf32, #tpu.memory_space<vmem>> -> memref<1x32x768xf32, #tpu.memory_space<vmem>>
      %dma_wait3A_343 = tpu.memref_squeeze %dma_wait3A_342 : memref<1x32x768xf32, #tpu.memory_space<vmem>> -> memref<32x768xf32, #tpu.memory_space<vmem>>
      %dma_wait3A_344 = arith.constant 0 : i32
      %dma_wait3A_345 = arith.constant 0 : i32
      %dma_wait3A_346 = tpu.memref_slice %arg2[%add3A, %add3A_319, %dma_wait3A_344, %dma_wait3A_345] : memref<32x32x32x768xf32, #tpu.memory_space<hbm>> -> memref<1x1x32x768xf32, #tpu.memory_space<hbm>>
      %dma_wait3A_347 = tpu.memref_squeeze %dma_wait3A_346 : memref<1x1x32x768xf32, #tpu.memory_space<hbm>> -> memref<32x768xf32, #tpu.memory_space<hbm>>
      tpu.wait_dma2 semaphore(%arg12 : memref<!tpu.dma_semaphore, #tpu.memory_space<semaphore_mem>>) src(%dma_wait3A_347 : memref<32x768xf32, #tpu.memory_space<hbm>>) dst(%dma_wait3A_343 : memref<32x768xf32, #tpu.memory_space<vmem>>)
      %scan3A_348 = arith.constant 0 : i32
      %scan3A_349 = arith.constant 0 : i32
      %scan3A_350 = arith.constant 32 : i32
      %scan3A_351 = arith.addi %scan3A_349, %scan3A_350 : i32
      %scan3A_352 = arith.constant 1 : i32
      %scan3A_353 = scf.for %scan3A_422 = %scan3A_349 to %scan3A_351 step %scan3A_352 iter_args(%scan3A_423 = %scan3A_348) -> (i32)  : i32 {
        %get3A = arith.constant 1 : i32
        %get3A_424 = arith.index_cast %get3A : i32 to index
        %get3A_425 = arith.index_cast %scan3A_422 : i32 to index
        %get3A_426 = arith.constant 0 : index
        %get3A_427 = tpu.vector_load %arg7[%get3A_424, %get3A_425, %get3A_426] {strides = array<i32>} : memref<2x32x768xf32, #tpu.memory_space<vmem>>, vector<1x1x16xf32>,
        %get3A_428 = vector.shape_cast %get3A_427 : vector<1x1x16xf32> to vector<16xf32>
        %swap3A = arith.constant 1 : i32
        %swap3A_429 = arith.index_cast %swap3A : i32 to index
        %swap3A_430 = arith.index_cast %scan3A_422 : i32 to index
        %swap3A_431 = arith.constant 0 : index
        %swap3A_432 = tpu.vector_load %arg8[%swap3A_429, %swap3A_430, %swap3A_431] {strides = array<i32>} : memref<2x32x768xf32, #tpu.memory_space<vmem>>, vector<1x1x16xf32>,
        %swap3A_433 = vector.shape_cast %swap3A_432 : vector<1x1x16xf32> to vector<16xf32>
        %swap3A_434 = vector.shape_cast %get3A_428 : vector<16xf32> to vector<1x1x16xf32>
        tpu.vector_store %arg8[%swap3A_429, %swap3A_430, %swap3A_431], %swap3A_434 {add = true, strides = array<i32>} : memref<2x32x768xf32, #tpu.memory_space<vmem>>, vector<1x1x16xf32>,
        %get3A_435 = arith.constant 1 : i32
        %get3A_436 = arith.index_cast %get3A_435 : i32 to index
        %get3A_437 = arith.index_cast %scan3A_422 : i32 to index
        %get3A_438 = arith.constant 16 : index
        %get3A_439 = tpu.vector_load %arg7[%get3A_436, %get3A_437, %get3A_438] {strides = array<i32>} : memref<2x32x768xf32, #tpu.memory_space<vmem>>, vector<1x1x16xf32>,
        %get3A_440 = vector.shape_cast %get3A_439 : vector<1x1x16xf32> to vector<16xf32>
        %swap3A_441 = arith.constant 1 : i32
        %swap3A_442 = arith.index_cast %swap3A_441 : i32 to index
        %swap3A_443 = arith.index_cast %scan3A_422 : i32 to index
        %swap3A_444 = arith.constant 16 : index
        %swap3A_445 = tpu.vector_load %arg8[%swap3A_442, %swap3A_443, %swap3A_444] {strides = array<i32>} : memref<2x32x768xf32, #tpu.memory_space<vmem>>, vector<1x1x16xf32>,
        %swap3A_446 = vector.shape_cast %swap3A_445 : vector<1x1x16xf32> to vector<16xf32>
        %swap3A_447 = vector.shape_cast %get3A_440 : vector<16xf32> to vector<1x1x16xf32>
        tpu.vector_store %arg8[%swap3A_442, %swap3A_443, %swap3A_444], %swap3A_447 {add = true, strides = array<i32>} : memref<2x32x768xf32, #tpu.memory_space<vmem>>, vector<1x1x16xf32>,
        %get3A_448 = arith.constant 1 : i32
        %get3A_449 = arith.index_cast %get3A_448 : i32 to index
        %get3A_450 = arith.index_cast %scan3A_422 : i32 to index
        %get3A_451 = arith.constant 32 : index
        %get3A_452 = tpu.vector_load %arg7[%get3A_449, %get3A_450, %get3A_451] {strides = array<i32>} : memref<2x32x768xf32, #tpu.memory_space<vmem>>, vector<1x1x16xf32>,
        %get3A_453 = vector.shape_cast %get3A_452 : vector<1x1x16xf32> to vector<16xf32>
        %swap3A_454 = arith.constant 1 : i32
        %swap3A_455 = arith.index_cast %swap3A_454 : i32 to index
        %swap3A_456 = arith.index_cast %scan3A_422 : i32 to index
        %swap3A_457 = arith.constant 32 : index
        %swap3A_458 = tpu.vector_load %arg8[%swap3A_455, %swap3A_456, %swap3A_457] {strides = array<i32>} : memref<2x32x768xf32, #tpu.memory_space<vmem>>, vector<1x1x16xf32>,
        %swap3A_459 = vector.shape_cast %swap3A_458 : vector<1x1x16xf32> to vector<16xf32>
        %swap3A_460 = vector.shape_cast %get3A_453 : vector<16xf32> to vector<1x1x16xf32>
        tpu.vector_store %arg8[%swap3A_455, %swap3A_456, %swap3A_457], %swap3A_460 {add = true, strides = array<i32>} : memref<2x32x768xf32, #tpu.memory_space<vmem>>, vector<1x1x16xf32>,
        %get3A_461 = arith.constant 1 : i32
        %get3A_462 = arith.index_cast %get3A_461 : i32 to index
        %get3A_463 = arith.index_cast %scan3A_422 : i32 to index
        %get3A_464 = arith.constant 48 : index
        %get3A_465 = tpu.vector_load %arg7[%get3A_462, %get3A_463, %get3A_464] {strides = array<i32>} : memref<2x32x768xf32, #tpu.memory_space<vmem>>, vector<1x1x16xf32>,
        %get3A_466 = vector.shape_cast %get3A_465 : vector<1x1x16xf32> to vector<16xf32>
        %swap3A_467 = arith.constant 1 : i32
        %swap3A_468 = arith.index_cast %swap3A_467 : i32 to index
        %swap3A_469 = arith.index_cast %scan3A_422 : i32 to index
        %swap3A_470 = arith.constant 48 : index
        %swap3A_471 = tpu.vector_load %arg8[%swap3A_468, %swap3A_469, %swap3A_470] {strides = array<i32>} : memref<2x32x768xf32, #tpu.memory_space<vmem>>, vector<1x1x16xf32>,
        %swap3A_472 = vector.shape_cast %swap3A_471 : vector<1x1x16xf32> to vector<16xf32>
        %swap3A_473 = vector.shape_cast %get3A_466 : vector<16xf32> to vector<1x1x16xf32>
        tpu.vector_store %arg8[%swap3A_468, %swap3A_469, %swap3A_470], %swap3A_473 {add = true, strides = array<i32>} : memref<2x32x768xf32, #tpu.memory_space<vmem>>, vector<1x1x16xf32>,
        %get3A_474 = arith.constant 1 : i32
        %get3A_475 = arith.index_cast %get3A_474 : i32 to index
        %get3A_476 = arith.index_cast %scan3A_422 : i32 to index
        %get3A_477 = arith.constant 64 : index
        %get3A_478 = tpu.vector_load %arg7[%get3A_475, %get3A_476, %get3A_477] {strides = array<i32>} : memref<2x32x768xf32, #tpu.memory_space<vmem>>, vector<1x1x16xf32>,
        %get3A_479 = vector.shape_cast %get3A_478 : vector<1x1x16xf32> to vector<16xf32>
        %swap3A_480 = arith.constant 1 : i32
        %swap3A_481 = arith.index_cast %swap3A_480 : i32 to index
        %swap3A_482 = arith.index_cast %scan3A_422 : i32 to index
        %swap3A_483 = arith.constant 64 : index
        %swap3A_484 = tpu.vector_load %arg8[%swap3A_481, %swap3A_482, %swap3A_483] {strides = array<i32>} : memref<2x32x768xf32, #tpu.memory_space<vmem>>, vector<1x1x16xf32>,
        %swap3A_485 = vector.shape_cast %swap3A_484 : vector<1x1x16xf32> to vector<16xf32>
        %swap3A_486 = vector.shape_cast %get3A_479 : vector<16xf32> to vector<1x1x16xf32>
        tpu.vector_store %arg8[%swap3A_481, %swap3A_482, %swap3A_483], %swap3A_486 {add = true, strides = array<i32>} : memref<2x32x768xf32, #tpu.memory_space<vmem>>, vector<1x1x16xf32>,
        %get3A_487 = arith.constant 1 : i32
        %get3A_488 = arith.index_cast %get3A_487 : i32 to index
        %get3A_489 = arith.index_cast %scan3A_422 : i32 to index
        %get3A_490 = arith.constant 80 : index
        %get3A_491 = tpu.vector_load %arg7[%get3A_488, %get3A_489, %get3A_490] {strides = array<i32>} : memref<2x32x768xf32, #tpu.memory_space<vmem>>, vector<1x1x16xf32>,
        %get3A_492 = vector.shape_cast %get3A_491 : vector<1x1x16xf32> to vector<16xf32>
        %swap3A_493 = arith.constant 1 : i32
        %swap3A_494 = arith.index_cast %swap3A_493 : i32 to index
        %swap3A_495 = arith.index_cast %scan3A_422 : i32 to index
        %swap3A_496 = arith.constant 80 : index
        %swap3A_497 = tpu.vector_load %arg8[%swap3A_494, %swap3A_495, %swap3A_496] {strides = array<i32>} : memref<2x32x768xf32, #tpu.memory_space<vmem>>, vector<1x1x16xf32>,
        %swap3A_498 = vector.shape_cast %swap3A_497 : vector<1x1x16xf32> to vector<16xf32>
        %swap3A_499 = vector.shape_cast %get3A_492 : vector<16xf32> to vector<1x1x16xf32>
        tpu.vector_store %arg8[%swap3A_494, %swap3A_495, %swap3A_496], %swap3A_499 {add = true, strides = array<i32>} : memref<2x32x768xf32, #tpu.memory_space<vmem>>, vector<1x1x16xf32>,
        %get3A_500 = arith.constant 1 : i32
        %get3A_501 = arith.index_cast %get3A_500 : i32 to index
        %get3A_502 = arith.index_cast %scan3A_422 : i32 to index
        %get3A_503 = arith.constant 96 : index
        %get3A_504 = tpu.vector_load %arg7[%get3A_501, %get3A_502, %get3A_503] {strides = array<i32>} : memref<2x32x768xf32, #tpu.memory_space<vmem>>, vector<1x1x16xf32>,
        %get3A_505 = vector.shape_cast %get3A_504 : vector<1x1x16xf32> to vector<16xf32>
        %swap3A_506 = arith.constant 1 : i32
        %swap3A_507 = arith.index_cast %swap3A_506 : i32 to index
        %swap3A_508 = arith.index_cast %scan3A_422 : i32 to index
        %swap3A_509 = arith.constant 96 : index
        %swap3A_510 = tpu.vector_load %arg8[%swap3A_507, %swap3A_508, %swap3A_509] {strides = array<i32>} : memref<2x32x768xf32, #tpu.memory_space<vmem>>, vector<1x1x16xf32>,
        %swap3A_511 = vector.shape_cast %swap3A_510 : vector<1x1x16xf32> to vector<16xf32>
        %swap3A_512 = vector.shape_cast %get3A_505 : vector<16xf32> to vector<1x1x16xf32>
        tpu.vector_store %arg8[%swap3A_507, %swap3A_508, %swap3A_509], %swap3A_512 {add = true, strides = array<i32>} : memref<2x32x768xf32, #tpu.memory_space<vmem>>, vector<1x1x16xf32>,
        %get3A_513 = arith.constant 1 : i32
        %get3A_514 = arith.index_cast %get3A_513 : i32 to index
        %get3A_515 = arith.index_cast %scan3A_422 : i32 to index
        %get3A_516 = arith.constant 112 : index
        %get3A_517 = tpu.vector_load %arg7[%get3A_514, %get3A_515, %get3A_516] {strides = array<i32>} : memref<2x32x768xf32, #tpu.memory_space<vmem>>, vector<1x1x16xf32>,
        %get3A_518 = vector.shape_cast %get3A_517 : vector<1x1x16xf32> to vector<16xf32>
        %swap3A_519 = arith.constant 1 : i32
        %swap3A_520 = arith.index_cast %swap3A_519 : i32 to index
        %swap3A_521 = arith.index_cast %scan3A_422 : i32 to index
        %swap3A_522 = arith.constant 112 : index
        %swap3A_523 = tpu.vector_load %arg8[%swap3A_520, %swap3A_521, %swap3A_522] {strides = array<i32>} : memref<2x32x768xf32, #tpu.memory_space<vmem>>, vector<1x1x16xf32>,
        %swap3A_524 = vector.shape_cast %swap3A_523 : vector<1x1x16xf32> to vector<16xf32>
        %swap3A_525 = vector.shape_cast %get3A_518 : vector<16xf32> to vector<1x1x16xf32>
        tpu.vector_store %arg8[%swap3A_520, %swap3A_521, %swap3A_522], %swap3A_525 {add = true, strides = array<i32>} : memref<2x32x768xf32, #tpu.memory_space<vmem>>, vector<1x1x16xf32>,
        %get3A_526 = arith.constant 1 : i32
        %get3A_527 = arith.index_cast %get3A_526 : i32 to index
        %get3A_528 = arith.index_cast %scan3A_422 : i32 to index
        %get3A_529 = arith.constant 128 : index
        %get3A_530 = tpu.vector_load %arg7[%get3A_527, %get3A_528, %get3A_529] {strides = array<i32>} : memref<2x32x768xf32, #tpu.memory_space<vmem>>, vector<1x1x16xf32>,
        %get3A_531 = vector.shape_cast %get3A_530 : vector<1x1x16xf32> to vector<16xf32>
        %swap3A_532 = arith.constant 1 : i32
        %swap3A_533 = arith.index_cast %swap3A_532 : i32 to index
        %swap3A_534 = arith.index_cast %scan3A_422 : i32 to index
        %swap3A_535 = arith.constant 128 : index
        %swap3A_536 = tpu.vector_load %arg8[%swap3A_533, %swap3A_534, %swap3A_535] {strides = array<i32>} : memref<2x32x768xf32, #tpu.memory_space<vmem>>, vector<1x1x16xf32>,
        %swap3A_537 = vector.shape_cast %swap3A_536 : vector<1x1x16xf32> to vector<16xf32>
        %swap3A_538 = vector.shape_cast %get3A_531 : vector<16xf32> to vector<1x1x16xf32>
        tpu.vector_store %arg8[%swap3A_533, %swap3A_534, %swap3A_535], %swap3A_538 {add = true, strides = array<i32>} : memref<2x32x768xf32, #tpu.memory_space<vmem>>, vector<1x1x16xf32>,
        %get3A_539 = arith.constant 1 : i32
        %get3A_540 = arith.index_cast %get3A_539 : i32 to index
        %get3A_541 = arith.index_cast %scan3A_422 : i32 to index
        %get3A_542 = arith.constant 144 : index
        %get3A_543 = tpu.vector_load %arg7[%get3A_540, %get3A_541, %get3A_542] {strides = array<i32>} : memref<2x32x768xf32, #tpu.memory_space<vmem>>, vector<1x1x16xf32>,
        %get3A_544 = vector.shape_cast %get3A_543 : vector<1x1x16xf32> to vector<16xf32>
        %swap3A_545 = arith.constant 1 : i32
        %swap3A_546 = arith.index_cast %swap3A_545 : i32 to index
        %swap3A_547 = arith.index_cast %scan3A_422 : i32 to index
        %swap3A_548 = arith.constant 144 : index
        %swap3A_549 = tpu.vector_load %arg8[%swap3A_546, %swap3A_547, %swap3A_548] {strides = array<i32>} : memref<2x32x768xf32, #tpu.memory_space<vmem>>, vector<1x1x16xf32>,
        %swap3A_550 = vector.shape_cast %swap3A_549 : vector<1x1x16xf32> to vector<16xf32>
        %swap3A_551 = vector.shape_cast %get3A_544 : vector<16xf32> to vector<1x1x16xf32>
        tpu.vector_store %arg8[%swap3A_546, %swap3A_547, %swap3A_548], %swap3A_551 {add = true, strides = array<i32>} : memref<2x32x768xf32, #tpu.memory_space<vmem>>, vector<1x1x16xf32>,
        %get3A_552 = arith.constant 1 : i32
        %get3A_553 = arith.index_cast %get3A_552 : i32 to index
        %get3A_554 = arith.index_cast %scan3A_422 : i32 to index
        %get3A_555 = arith.constant 160 : index
        %get3A_556 = tpu.vector_load %arg7[%get3A_553, %get3A_554, %get3A_555] {strides = array<i32>} : memref<2x32x768xf32, #tpu.memory_space<vmem>>, vector<1x1x16xf32>,
        %get3A_557 = vector.shape_cast %get3A_556 : vector<1x1x16xf32> to vector<16xf32>
        %swap3A_558 = arith.constant 1 : i32
        %swap3A_559 = arith.index_cast %swap3A_558 : i32 to index
        %swap3A_560 = arith.index_cast %scan3A_422 : i32 to index
        %swap3A_561 = arith.constant 160 : index
        %swap3A_562 = tpu.vector_load %arg8[%swap3A_559, %swap3A_560, %swap3A_561] {strides = array<i32>} : memref<2x32x768xf32, #tpu.memory_space<vmem>>, vector<1x1x16xf32>,
        %swap3A_563 = vector.shape_cast %swap3A_562 : vector<1x1x16xf32> to vector<16xf32>
        %swap3A_564 = vector.shape_cast %get3A_557 : vector<16xf32> to vector<1x1x16xf32>
        tpu.vector_store %arg8[%swap3A_559, %swap3A_560, %swap3A_561], %swap3A_564 {add = true, strides = array<i32>} : memref<2x32x768xf32, #tpu.memory_space<vmem>>, vector<1x1x16xf32>,
        %get3A_565 = arith.constant 1 : i32
        %get3A_566 = arith.index_cast %get3A_565 : i32 to index
        %get3A_567 = arith.index_cast %scan3A_422 : i32 to index
        %get3A_568 = arith.constant 176 : index
        %get3A_569 = tpu.vector_load %arg7[%get3A_566, %get3A_567, %get3A_568] {strides = array<i32>} : memref<2x32x768xf32, #tpu.memory_space<vmem>>, vector<1x1x16xf32>,
        %get3A_570 = vector.shape_cast %get3A_569 : vector<1x1x16xf32> to vector<16xf32>
        %swap3A_571 = arith.constant 1 : i32
        %swap3A_572 = arith.index_cast %swap3A_571 : i32 to index
        %swap3A_573 = arith.index_cast %scan3A_422 : i32 to index
        %swap3A_574 = arith.constant 176 : index
        %swap3A_575 = tpu.vector_load %arg8[%swap3A_572, %swap3A_573, %swap3A_574] {strides = array<i32>} : memref<2x32x768xf32, #tpu.memory_space<vmem>>, vector<1x1x16xf32>,
        %swap3A_576 = vector.shape_cast %swap3A_575 : vector<1x1x16xf32> to vector<16xf32>
        %swap3A_577 = vector.shape_cast %get3A_570 : vector<16xf32> to vector<1x1x16xf32>
        tpu.vector_store %arg8[%swap3A_572, %swap3A_573, %swap3A_574], %swap3A_577 {add = true, strides = array<i32>} : memref<2x32x768xf32, #tpu.memory_space<vmem>>, vector<1x1x16xf32>,
        %get3A_578 = arith.constant 1 : i32
        %get3A_579 = arith.index_cast %get3A_578 : i32 to index
        %get3A_580 = arith.index_cast %scan3A_422 : i32 to index
        %get3A_581 = arith.constant 192 : index
        %get3A_582 = tpu.vector_load %arg7[%get3A_579, %get3A_580, %get3A_581] {strides = array<i32>} : memref<2x32x768xf32, #tpu.memory_space<vmem>>, vector<1x1x16xf32>,
        %get3A_583 = vector.shape_cast %get3A_582 : vector<1x1x16xf32> to vector<16xf32>
        %swap3A_584 = arith.constant 1 : i32
        %swap3A_585 = arith.index_cast %swap3A_584 : i32 to index
        %swap3A_586 = arith.index_cast %scan3A_422 : i32 to index
        %swap3A_587 = arith.constant 192 : index
        %swap3A_588 = tpu.vector_load %arg8[%swap3A_585, %swap3A_586, %swap3A_587] {strides = array<i32>} : memref<2x32x768xf32, #tpu.memory_space<vmem>>, vector<1x1x16xf32>,
        %swap3A_589 = vector.shape_cast %swap3A_588 : vector<1x1x16xf32> to vector<16xf32>
        %swap3A_590 = vector.shape_cast %get3A_583 : vector<16xf32> to vector<1x1x16xf32>
        tpu.vector_store %arg8[%swap3A_585, %swap3A_586, %swap3A_587], %swap3A_590 {add = true, strides = array<i32>} : memref<2x32x768xf32, #tpu.memory_space<vmem>>, vector<1x1x16xf32>,
        %get3A_591 = arith.constant 1 : i32
        %get3A_592 = arith.index_cast %get3A_591 : i32 to index
        %get3A_593 = arith.index_cast %scan3A_422 : i32 to index
        %get3A_594 = arith.constant 208 : index
        %get3A_595 = tpu.vector_load %arg7[%get3A_592, %get3A_593, %get3A_594] {strides = array<i32>} : memref<2x32x768xf32, #tpu.memory_space<vmem>>, vector<1x1x16xf32>,
        %get3A_596 = vector.shape_cast %get3A_595 : vector<1x1x16xf32> to vector<16xf32>
        %swap3A_597 = arith.constant 1 : i32
        %swap3A_598 = arith.index_cast %swap3A_597 : i32 to index
        %swap3A_599 = arith.index_cast %scan3A_422 : i32 to index
        %swap3A_600 = arith.constant 208 : index
        %swap3A_601 = tpu.vector_load %arg8[%swap3A_598, %swap3A_599, %swap3A_600] {strides = array<i32>} : memref<2x32x768xf32, #tpu.memory_space<vmem>>, vector<1x1x16xf32>,
        %swap3A_602 = vector.shape_cast %swap3A_601 : vector<1x1x16xf32> to vector<16xf32>
        %swap3A_603 = vector.shape_cast %get3A_596 : vector<16xf32> to vector<1x1x16xf32>
        tpu.vector_store %arg8[%swap3A_598, %swap3A_599, %swap3A_600], %swap3A_603 {add = true, strides = array<i32>} : memref<2x32x768xf32, #tpu.memory_space<vmem>>, vector<1x1x16xf32>,
        %get3A_604 = arith.constant 1 : i32
        %get3A_605 = arith.index_cast %get3A_604 : i32 to index
        %get3A_606 = arith.index_cast %scan3A_422 : i32 to index
        %get3A_607 = arith.constant 224 : index
        %get3A_608 = tpu.vector_load %arg7[%get3A_605, %get3A_606, %get3A_607] {strides = array<i32>} : memref<2x32x768xf32, #tpu.memory_space<vmem>>, vector<1x1x16xf32>,
        %get3A_609 = vector.shape_cast %get3A_608 : vector<1x1x16xf32> to vector<16xf32>
        %swap3A_610 = arith.constant 1 : i32
        %swap3A_611 = arith.index_cast %swap3A_610 : i32 to index
        %swap3A_612 = arith.index_cast %scan3A_422 : i32 to index
        %swap3A_613 = arith.constant 224 : index
        %swap3A_614 = tpu.vector_load %arg8[%swap3A_611, %swap3A_612, %swap3A_613] {strides = array<i32>} : memref<2x32x768xf32, #tpu.memory_space<vmem>>, vector<1x1x16xf32>,
        %swap3A_615 = vector.shape_cast %swap3A_614 : vector<1x1x16xf32> to vector<16xf32>
        %swap3A_616 = vector.shape_cast %get3A_609 : vector<16xf32> to vector<1x1x16xf32>
        tpu.vector_store %arg8[%swap3A_611, %swap3A_612, %swap3A_613], %swap3A_616 {add = true, strides = array<i32>} : memref<2x32x768xf32, #tpu.memory_space<vmem>>, vector<1x1x16xf32>,
        %get3A_617 = arith.constant 1 : i32
        %get3A_618 = arith.index_cast %get3A_617 : i32 to index
        %get3A_619 = arith.index_cast %scan3A_422 : i32 to index
        %get3A_620 = arith.constant 240 : index
        %get3A_621 = tpu.vector_load %arg7[%get3A_618, %get3A_619, %get3A_620] {strides = array<i32>} : memref<2x32x768xf32, #tpu.memory_space<vmem>>, vector<1x1x16xf32>,
        %get3A_622 = vector.shape_cast %get3A_621 : vector<1x1x16xf32> to vector<16xf32>
        %swap3A_623 = arith.constant 1 : i32
        %swap3A_624 = arith.index_cast %swap3A_623 : i32 to index
        %swap3A_625 = arith.index_cast %scan3A_422 : i32 to index
        %swap3A_626 = arith.constant 240 : index
        %swap3A_627 = tpu.vector_load %arg8[%swap3A_624, %swap3A_625, %swap3A_626] {strides = array<i32>} : memref<2x32x768xf32, #tpu.memory_space<vmem>>, vector<1x1x16xf32>,
        %swap3A_628 = vector.shape_cast %swap3A_627 : vector<1x1x16xf32> to vector<16xf32>
        %swap3A_629 = vector.shape_cast %get3A_622 : vector<16xf32> to vector<1x1x16xf32>
        tpu.vector_store %arg8[%swap3A_624, %swap3A_625, %swap3A_626], %swap3A_629 {add = true, strides = array<i32>} : memref<2x32x768xf32, #tpu.memory_space<vmem>>, vector<1x1x16xf32>,
        %get3A_630 = arith.constant 1 : i32
        %get3A_631 = arith.index_cast %get3A_630 : i32 to index
        %get3A_632 = arith.index_cast %scan3A_422 : i32 to index
        %get3A_633 = arith.constant 256 : index
        %get3A_634 = tpu.vector_load %arg7[%get3A_631, %get3A_632, %get3A_633] {strides = array<i32>} : memref<2x32x768xf32, #tpu.memory_space<vmem>>, vector<1x1x16xf32>,
        %get3A_635 = vector.shape_cast %get3A_634 : vector<1x1x16xf32> to vector<16xf32>
        %swap3A_636 = arith.constant 1 : i32
        %swap3A_637 = arith.index_cast %swap3A_636 : i32 to index
        %swap3A_638 = arith.index_cast %scan3A_422 : i32 to index
        %swap3A_639 = arith.constant 256 : index
        %swap3A_640 = tpu.vector_load %arg8[%swap3A_637, %swap3A_638, %swap3A_639] {strides = array<i32>} : memref<2x32x768xf32, #tpu.memory_space<vmem>>, vector<1x1x16xf32>,
        %swap3A_641 = vector.shape_cast %swap3A_640 : vector<1x1x16xf32> to vector<16xf32>
        %swap3A_642 = vector.shape_cast %get3A_635 : vector<16xf32> to vector<1x1x16xf32>
        tpu.vector_store %arg8[%swap3A_637, %swap3A_638, %swap3A_639], %swap3A_642 {add = true, strides = array<i32>} : memref<2x32x768xf32, #tpu.memory_space<vmem>>, vector<1x1x16xf32>,
        %get3A_643 = arith.constant 1 : i32
        %get3A_644 = arith.index_cast %get3A_643 : i32 to index
        %get3A_645 = arith.index_cast %scan3A_422 : i32 to index
        %get3A_646 = arith.constant 272 : index
        %get3A_647 = tpu.vector_load %arg7[%get3A_644, %get3A_645, %get3A_646] {strides = array<i32>} : memref<2x32x768xf32, #tpu.memory_space<vmem>>, vector<1x1x16xf32>,
        %get3A_648 = vector.shape_cast %get3A_647 : vector<1x1x16xf32> to vector<16xf32>
        %swap3A_649 = arith.constant 1 : i32
        %swap3A_650 = arith.index_cast %swap3A_649 : i32 to index
        %swap3A_651 = arith.index_cast %scan3A_422 : i32 to index
        %swap3A_652 = arith.constant 272 : index
        %swap3A_653 = tpu.vector_load %arg8[%swap3A_650, %swap3A_651, %swap3A_652] {strides = array<i32>} : memref<2x32x768xf32, #tpu.memory_space<vmem>>, vector<1x1x16xf32>,
        %swap3A_654 = vector.shape_cast %swap3A_653 : vector<1x1x16xf32> to vector<16xf32>
        %swap3A_655 = vector.shape_cast %get3A_648 : vector<16xf32> to vector<1x1x16xf32>
        tpu.vector_store %arg8[%swap3A_650, %swap3A_651, %swap3A_652], %swap3A_655 {add = true, strides = array<i32>} : memref<2x32x768xf32, #tpu.memory_space<vmem>>, vector<1x1x16xf32>,
        %get3A_656 = arith.constant 1 : i32
        %get3A_657 = arith.index_cast %get3A_656 : i32 to index
        %get3A_658 = arith.index_cast %scan3A_422 : i32 to index
        %get3A_659 = arith.constant 288 : index
        %get3A_660 = tpu.vector_load %arg7[%get3A_657, %get3A_658, %get3A_659] {strides = array<i32>} : memref<2x32x768xf32, #tpu.memory_space<vmem>>, vector<1x1x16xf32>,
        %get3A_661 = vector.shape_cast %get3A_660 : vector<1x1x16xf32> to vector<16xf32>
        %swap3A_662 = arith.constant 1 : i32
        %swap3A_663 = arith.index_cast %swap3A_662 : i32 to index
        %swap3A_664 = arith.index_cast %scan3A_422 : i32 to index
        %swap3A_665 = arith.constant 288 : index
        %swap3A_666 = tpu.vector_load %arg8[%swap3A_663, %swap3A_664, %swap3A_665] {strides = array<i32>} : memref<2x32x768xf32, #tpu.memory_space<vmem>>, vector<1x1x16xf32>,
        %swap3A_667 = vector.shape_cast %swap3A_666 : vector<1x1x16xf32> to vector<16xf32>
        %swap3A_668 = vector.shape_cast %get3A_661 : vector<16xf32> to vector<1x1x16xf32>
        tpu.vector_store %arg8[%swap3A_663, %swap3A_664, %swap3A_665], %swap3A_668 {add = true, strides = array<i32>} : memref<2x32x768xf32, #tpu.memory_space<vmem>>, vector<1x1x16xf32>,
        %get3A_669 = arith.constant 1 : i32
        %get3A_670 = arith.index_cast %get3A_669 : i32 to index
        %get3A_671 = arith.index_cast %scan3A_422 : i32 to index
        %get3A_672 = arith.constant 304 : index
        %get3A_673 = tpu.vector_load %arg7[%get3A_670, %get3A_671, %get3A_672] {strides = array<i32>} : memref<2x32x768xf32, #tpu.memory_space<vmem>>, vector<1x1x16xf32>,
        %get3A_674 = vector.shape_cast %get3A_673 : vector<1x1x16xf32> to vector<16xf32>
        %swap3A_675 = arith.constant 1 : i32
        %swap3A_676 = arith.index_cast %swap3A_675 : i32 to index
        %swap3A_677 = arith.index_cast %scan3A_422 : i32 to index
        %swap3A_678 = arith.constant 304 : index
        %swap3A_679 = tpu.vector_load %arg8[%swap3A_676, %swap3A_677, %swap3A_678] {strides = array<i32>} : memref<2x32x768xf32, #tpu.memory_space<vmem>>, vector<1x1x16xf32>,
        %swap3A_680 = vector.shape_cast %swap3A_679 : vector<1x1x16xf32> to vector<16xf32>
        %swap3A_681 = vector.shape_cast %get3A_674 : vector<16xf32> to vector<1x1x16xf32>
        tpu.vector_store %arg8[%swap3A_676, %swap3A_677, %swap3A_678], %swap3A_681 {add = true, strides = array<i32>} : memref<2x32x768xf32, #tpu.memory_space<vmem>>, vector<1x1x16xf32>,
        %get3A_682 = arith.constant 1 : i32
        %get3A_683 = arith.index_cast %get3A_682 : i32 to index
        %get3A_684 = arith.index_cast %scan3A_422 : i32 to index
        %get3A_685 = arith.constant 320 : index
        %get3A_686 = tpu.vector_load %arg7[%get3A_683, %get3A_684, %get3A_685] {strides = array<i32>} : memref<2x32x768xf32, #tpu.memory_space<vmem>>, vector<1x1x16xf32>,
        %get3A_687 = vector.shape_cast %get3A_686 : vector<1x1x16xf32> to vector<16xf32>
        %swap3A_688 = arith.constant 1 : i32
        %swap3A_689 = arith.index_cast %swap3A_688 : i32 to index
        %swap3A_690 = arith.index_cast %scan3A_422 : i32 to index
        %swap3A_691 = arith.constant 320 : index
        %swap3A_692 = tpu.vector_load %arg8[%swap3A_689, %swap3A_690, %swap3A_691] {strides = array<i32>} : memref<2x32x768xf32, #tpu.memory_space<vmem>>, vector<1x1x16xf32>,
        %swap3A_693 = vector.shape_cast %swap3A_692 : vector<1x1x16xf32> to vector<16xf32>
        %swap3A_694 = vector.shape_cast %get3A_687 : vector<16xf32> to vector<1x1x16xf32>
        tpu.vector_store %arg8[%swap3A_689, %swap3A_690, %swap3A_691], %swap3A_694 {add = true, strides = array<i32>} : memref<2x32x768xf32, #tpu.memory_space<vmem>>, vector<1x1x16xf32>,
        %get3A_695 = arith.constant 1 : i32
        %get3A_696 = arith.index_cast %get3A_695 : i32 to index
        %get3A_697 = arith.index_cast %scan3A_422 : i32 to index
        %get3A_698 = arith.constant 336 : index
        %get3A_699 = tpu.vector_load %arg7[%get3A_696, %get3A_697, %get3A_698] {strides = array<i32>} : memref<2x32x768xf32, #tpu.memory_space<vmem>>, vector<1x1x16xf32>,
        %get3A_700 = vector.shape_cast %get3A_699 : vector<1x1x16xf32> to vector<16xf32>
        %swap3A_701 = arith.constant 1 : i32
        %swap3A_702 = arith.index_cast %swap3A_701 : i32 to index
        %swap3A_703 = arith.index_cast %scan3A_422 : i32 to index
        %swap3A_704 = arith.constant 336 : index
        %swap3A_705 = tpu.vector_load %arg8[%swap3A_702, %swap3A_703, %swap3A_704] {strides = array<i32>} : memref<2x32x768xf32, #tpu.memory_space<vmem>>, vector<1x1x16xf32>,
        %swap3A_706 = vector.shape_cast %swap3A_705 : vector<1x1x16xf32> to vector<16xf32>
        %swap3A_707 = vector.shape_cast %get3A_700 : vector<16xf32> to vector<1x1x16xf32>
        tpu.vector_store %arg8[%swap3A_702, %swap3A_703, %swap3A_704], %swap3A_707 {add = true, strides = array<i32>} : memref<2x32x768xf32, #tpu.memory_space<vmem>>, vector<1x1x16xf32>,
        %get3A_708 = arith.constant 1 : i32
        %get3A_709 = arith.index_cast %get3A_708 : i32 to index
        %get3A_710 = arith.index_cast %scan3A_422 : i32 to index
        %get3A_711 = arith.constant 352 : index
        %get3A_712 = tpu.vector_load %arg7[%get3A_709, %get3A_710, %get3A_711] {strides = array<i32>} : memref<2x32x768xf32, #tpu.memory_space<vmem>>, vector<1x1x16xf32>,
        %get3A_713 = vector.shape_cast %get3A_712 : vector<1x1x16xf32> to vector<16xf32>
        %swap3A_714 = arith.constant 1 : i32
        %swap3A_715 = arith.index_cast %swap3A_714 : i32 to index
        %swap3A_716 = arith.index_cast %scan3A_422 : i32 to index
        %swap3A_717 = arith.constant 352 : index
        %swap3A_718 = tpu.vector_load %arg8[%swap3A_715, %swap3A_716, %swap3A_717] {strides = array<i32>} : memref<2x32x768xf32, #tpu.memory_space<vmem>>, vector<1x1x16xf32>,
        %swap3A_719 = vector.shape_cast %swap3A_718 : vector<1x1x16xf32> to vector<16xf32>
        %swap3A_720 = vector.shape_cast %get3A_713 : vector<16xf32> to vector<1x1x16xf32>
        tpu.vector_store %arg8[%swap3A_715, %swap3A_716, %swap3A_717], %swap3A_720 {add = true, strides = array<i32>} : memref<2x32x768xf32, #tpu.memory_space<vmem>>, vector<1x1x16xf32>,
        %get3A_721 = arith.constant 1 : i32
        %get3A_722 = arith.index_cast %get3A_721 : i32 to index
        %get3A_723 = arith.index_cast %scan3A_422 : i32 to index
        %get3A_724 = arith.constant 368 : index
        %get3A_725 = tpu.vector_load %arg7[%get3A_722, %get3A_723, %get3A_724] {strides = array<i32>} : memref<2x32x768xf32, #tpu.memory_space<vmem>>, vector<1x1x16xf32>,
        %get3A_726 = vector.shape_cast %get3A_725 : vector<1x1x16xf32> to vector<16xf32>
        %swap3A_727 = arith.constant 1 : i32
        %swap3A_728 = arith.index_cast %swap3A_727 : i32 to index
        %swap3A_729 = arith.index_cast %scan3A_422 : i32 to index
        %swap3A_730 = arith.constant 368 : index
        %swap3A_731 = tpu.vector_load %arg8[%swap3A_728, %swap3A_729, %swap3A_730] {strides = array<i32>} : memref<2x32x768xf32, #tpu.memory_space<vmem>>, vector<1x1x16xf32>,
        %swap3A_732 = vector.shape_cast %swap3A_731 : vector<1x1x16xf32> to vector<16xf32>
        %swap3A_733 = vector.shape_cast %get3A_726 : vector<16xf32> to vector<1x1x16xf32>
        tpu.vector_store %arg8[%swap3A_728, %swap3A_729, %swap3A_730], %swap3A_733 {add = true, strides = array<i32>} : memref<2x32x768xf32, #tpu.memory_space<vmem>>, vector<1x1x16xf32>,
        %get3A_734 = arith.constant 1 : i32
        %get3A_735 = arith.index_cast %get3A_734 : i32 to index
        %get3A_736 = arith.index_cast %scan3A_422 : i32 to index
        %get3A_737 = arith.constant 384 : index
        %get3A_738 = tpu.vector_load %arg7[%get3A_735, %get3A_736, %get3A_737] {strides = array<i32>} : memref<2x32x768xf32, #tpu.memory_space<vmem>>, vector<1x1x16xf32>,
        %get3A_739 = vector.shape_cast %get3A_738 : vector<1x1x16xf32> to vector<16xf32>
        %swap3A_740 = arith.constant 1 : i32
        %swap3A_741 = arith.index_cast %swap3A_740 : i32 to index
        %swap3A_742 = arith.index_cast %scan3A_422 : i32 to index
        %swap3A_743 = arith.constant 384 : index
        %swap3A_744 = tpu.vector_load %arg8[%swap3A_741, %swap3A_742, %swap3A_743] {strides = array<i32>} : memref<2x32x768xf32, #tpu.memory_space<vmem>>, vector<1x1x16xf32>,
        %swap3A_745 = vector.shape_cast %swap3A_744 : vector<1x1x16xf32> to vector<16xf32>
        %swap3A_746 = vector.shape_cast %get3A_739 : vector<16xf32> to vector<1x1x16xf32>
        tpu.vector_store %arg8[%swap3A_741, %swap3A_742, %swap3A_743], %swap3A_746 {add = true, strides = array<i32>} : memref<2x32x768xf32, #tpu.memory_space<vmem>>, vector<1x1x16xf32>,
        %get3A_747 = arith.constant 1 : i32
        %get3A_748 = arith.index_cast %get3A_747 : i32 to index
        %get3A_749 = arith.index_cast %scan3A_422 : i32 to index
        %get3A_750 = arith.constant 400 : index
        %get3A_751 = tpu.vector_load %arg7[%get3A_748, %get3A_749, %get3A_750] {strides = array<i32>} : memref<2x32x768xf32, #tpu.memory_space<vmem>>, vector<1x1x16xf32>,
        %get3A_752 = vector.shape_cast %get3A_751 : vector<1x1x16xf32> to vector<16xf32>
        %swap3A_753 = arith.constant 1 : i32
        %swap3A_754 = arith.index_cast %swap3A_753 : i32 to index
        %swap3A_755 = arith.index_cast %scan3A_422 : i32 to index
        %swap3A_756 = arith.constant 400 : index
        %swap3A_757 = tpu.vector_load %arg8[%swap3A_754, %swap3A_755, %swap3A_756] {strides = array<i32>} : memref<2x32x768xf32, #tpu.memory_space<vmem>>, vector<1x1x16xf32>,
        %swap3A_758 = vector.shape_cast %swap3A_757 : vector<1x1x16xf32> to vector<16xf32>
        %swap3A_759 = vector.shape_cast %get3A_752 : vector<16xf32> to vector<1x1x16xf32>
        tpu.vector_store %arg8[%swap3A_754, %swap3A_755, %swap3A_756], %swap3A_759 {add = true, strides = array<i32>} : memref<2x32x768xf32, #tpu.memory_space<vmem>>, vector<1x1x16xf32>,
        %get3A_760 = arith.constant 1 : i32
        %get3A_761 = arith.index_cast %get3A_760 : i32 to index
        %get3A_762 = arith.index_cast %scan3A_422 : i32 to index
        %get3A_763 = arith.constant 416 : index
        %get3A_764 = tpu.vector_load %arg7[%get3A_761, %get3A_762, %get3A_763] {strides = array<i32>} : memref<2x32x768xf32, #tpu.memory_space<vmem>>, vector<1x1x16xf32>,
        %get3A_765 = vector.shape_cast %get3A_764 : vector<1x1x16xf32> to vector<16xf32>
        %swap3A_766 = arith.constant 1 : i32
        %swap3A_767 = arith.index_cast %swap3A_766 : i32 to index
        %swap3A_768 = arith.index_cast %scan3A_422 : i32 to index
        %swap3A_769 = arith.constant 416 : index
        %swap3A_770 = tpu.vector_load %arg8[%swap3A_767, %swap3A_768, %swap3A_769] {strides = array<i32>} : memref<2x32x768xf32, #tpu.memory_space<vmem>>, vector<1x1x16xf32>,
        %swap3A_771 = vector.shape_cast %swap3A_770 : vector<1x1x16xf32> to vector<16xf32>
        %swap3A_772 = vector.shape_cast %get3A_765 : vector<16xf32> to vector<1x1x16xf32>
        tpu.vector_store %arg8[%swap3A_767, %swap3A_768, %swap3A_769], %swap3A_772 {add = true, strides = array<i32>} : memref<2x32x768xf32, #tpu.memory_space<vmem>>, vector<1x1x16xf32>,
        %get3A_773 = arith.constant 1 : i32
        %get3A_774 = arith.index_cast %get3A_773 : i32 to index
        %get3A_775 = arith.index_cast %scan3A_422 : i32 to index
        %get3A_776 = arith.constant 432 : index
        %get3A_777 = tpu.vector_load %arg7[%get3A_774, %get3A_775, %get3A_776] {strides = array<i32>} : memref<2x32x768xf32, #tpu.memory_space<vmem>>, vector<1x1x16xf32>,
        %get3A_778 = vector.shape_cast %get3A_777 : vector<1x1x16xf32> to vector<16xf32>
        %swap3A_779 = arith.constant 1 : i32
        %swap3A_780 = arith.index_cast %swap3A_779 : i32 to index
        %swap3A_781 = arith.index_cast %scan3A_422 : i32 to index
        %swap3A_782 = arith.constant 432 : index
        %swap3A_783 = tpu.vector_load %arg8[%swap3A_780, %swap3A_781, %swap3A_782] {strides = array<i32>} : memref<2x32x768xf32, #tpu.memory_space<vmem>>, vector<1x1x16xf32>,
        %swap3A_784 = vector.shape_cast %swap3A_783 : vector<1x1x16xf32> to vector<16xf32>
        %swap3A_785 = vector.shape_cast %get3A_778 : vector<16xf32> to vector<1x1x16xf32>
        tpu.vector_store %arg8[%swap3A_780, %swap3A_781, %swap3A_782], %swap3A_785 {add = true, strides = array<i32>} : memref<2x32x768xf32, #tpu.memory_space<vmem>>, vector<1x1x16xf32>,
        %get3A_786 = arith.constant 1 : i32
        %get3A_787 = arith.index_cast %get3A_786 : i32 to index
        %get3A_788 = arith.index_cast %scan3A_422 : i32 to index
        %get3A_789 = arith.constant 448 : index
        %get3A_790 = tpu.vector_load %arg7[%get3A_787, %get3A_788, %get3A_789] {strides = array<i32>} : memref<2x32x768xf32, #tpu.memory_space<vmem>>, vector<1x1x16xf32>,
        %get3A_791 = vector.shape_cast %get3A_790 : vector<1x1x16xf32> to vector<16xf32>
        %swap3A_792 = arith.constant 1 : i32
        %swap3A_793 = arith.index_cast %swap3A_792 : i32 to index
        %swap3A_794 = arith.index_cast %scan3A_422 : i32 to index
        %swap3A_795 = arith.constant 448 : index
        %swap3A_796 = tpu.vector_load %arg8[%swap3A_793, %swap3A_794, %swap3A_795] {strides = array<i32>} : memref<2x32x768xf32, #tpu.memory_space<vmem>>, vector<1x1x16xf32>,
        %swap3A_797 = vector.shape_cast %swap3A_796 : vector<1x1x16xf32> to vector<16xf32>
        %swap3A_798 = vector.shape_cast %get3A_791 : vector<16xf32> to vector<1x1x16xf32>
        tpu.vector_store %arg8[%swap3A_793, %swap3A_794, %swap3A_795], %swap3A_798 {add = true, strides = array<i32>} : memref<2x32x768xf32, #tpu.memory_space<vmem>>, vector<1x1x16xf32>,
        %get3A_799 = arith.constant 1 : i32
        %get3A_800 = arith.index_cast %get3A_799 : i32 to index
        %get3A_801 = arith.index_cast %scan3A_422 : i32 to index
        %get3A_802 = arith.constant 464 : index
        %get3A_803 = tpu.vector_load %arg7[%get3A_800, %get3A_801, %get3A_802] {strides = array<i32>} : memref<2x32x768xf32, #tpu.memory_space<vmem>>, vector<1x1x16xf32>,
        %get3A_804 = vector.shape_cast %get3A_803 : vector<1x1x16xf32> to vector<16xf32>
        %swap3A_805 = arith.constant 1 : i32
        %swap3A_806 = arith.index_cast %swap3A_805 : i32 to index
        %swap3A_807 = arith.index_cast %scan3A_422 : i32 to index
        %swap3A_808 = arith.constant 464 : index
        %swap3A_809 = tpu.vector_load %arg8[%swap3A_806, %swap3A_807, %swap3A_808] {strides = array<i32>} : memref<2x32x768xf32, #tpu.memory_space<vmem>>, vector<1x1x16xf32>,
        %swap3A_810 = vector.shape_cast %swap3A_809 : vector<1x1x16xf32> to vector<16xf32>
        %swap3A_811 = vector.shape_cast %get3A_804 : vector<16xf32> to vector<1x1x16xf32>
        tpu.vector_store %arg8[%swap3A_806, %swap3A_807, %swap3A_808], %swap3A_811 {add = true, strides = array<i32>} : memref<2x32x768xf32, #tpu.memory_space<vmem>>, vector<1x1x16xf32>,
        %get3A_812 = arith.constant 1 : i32
        %get3A_813 = arith.index_cast %get3A_812 : i32 to index
        %get3A_814 = arith.index_cast %scan3A_422 : i32 to index
        %get3A_815 = arith.constant 480 : index
        %get3A_816 = tpu.vector_load %arg7[%get3A_813, %get3A_814, %get3A_815] {strides = array<i32>} : memref<2x32x768xf32, #tpu.memory_space<vmem>>, vector<1x1x16xf32>,
        %get3A_817 = vector.shape_cast %get3A_816 : vector<1x1x16xf32> to vector<16xf32>
        %swap3A_818 = arith.constant 1 : i32
        %swap3A_819 = arith.index_cast %swap3A_818 : i32 to index
        %swap3A_820 = arith.index_cast %scan3A_422 : i32 to index
        %swap3A_821 = arith.constant 480 : index
        %swap3A_822 = tpu.vector_load %arg8[%swap3A_819, %swap3A_820, %swap3A_821] {strides = array<i32>} : memref<2x32x768xf32, #tpu.memory_space<vmem>>, vector<1x1x16xf32>,
        %swap3A_823 = vector.shape_cast %swap3A_822 : vector<1x1x16xf32> to vector<16xf32>
        %swap3A_824 = vector.shape_cast %get3A_817 : vector<16xf32> to vector<1x1x16xf32>
        tpu.vector_store %arg8[%swap3A_819, %swap3A_820, %swap3A_821], %swap3A_824 {add = true, strides = array<i32>} : memref<2x32x768xf32, #tpu.memory_space<vmem>>, vector<1x1x16xf32>,
        %get3A_825 = arith.constant 1 : i32
        %get3A_826 = arith.index_cast %get3A_825 : i32 to index
        %get3A_827 = arith.index_cast %scan3A_422 : i32 to index
        %get3A_828 = arith.constant 496 : index
        %get3A_829 = tpu.vector_load %arg7[%get3A_826, %get3A_827, %get3A_828] {strides = array<i32>} : memref<2x32x768xf32, #tpu.memory_space<vmem>>, vector<1x1x16xf32>,
        %get3A_830 = vector.shape_cast %get3A_829 : vector<1x1x16xf32> to vector<16xf32>
        %swap3A_831 = arith.constant 1 : i32
        %swap3A_832 = arith.index_cast %swap3A_831 : i32 to index
        %swap3A_833 = arith.index_cast %scan3A_422 : i32 to index
        %swap3A_834 = arith.constant 496 : index
        %swap3A_835 = tpu.vector_load %arg8[%swap3A_832, %swap3A_833, %swap3A_834] {strides = array<i32>} : memref<2x32x768xf32, #tpu.memory_space<vmem>>, vector<1x1x16xf32>,
        %swap3A_836 = vector.shape_cast %swap3A_835 : vector<1x1x16xf32> to vector<16xf32>
        %swap3A_837 = vector.shape_cast %get3A_830 : vector<16xf32> to vector<1x1x16xf32>
        tpu.vector_store %arg8[%swap3A_832, %swap3A_833, %swap3A_834], %swap3A_837 {add = true, strides = array<i32>} : memref<2x32x768xf32, #tpu.memory_space<vmem>>, vector<1x1x16xf32>,
        %get3A_838 = arith.constant 1 : i32
        %get3A_839 = arith.index_cast %get3A_838 : i32 to index
        %get3A_840 = arith.index_cast %scan3A_422 : i32 to index
        %get3A_841 = arith.constant 512 : index
        %get3A_842 = tpu.vector_load %arg7[%get3A_839, %get3A_840, %get3A_841] {strides = array<i32>} : memref<2x32x768xf32, #tpu.memory_space<vmem>>, vector<1x1x16xf32>,
        %get3A_843 = vector.shape_cast %get3A_842 : vector<1x1x16xf32> to vector<16xf32>
        %swap3A_844 = arith.constant 1 : i32
        %swap3A_845 = arith.index_cast %swap3A_844 : i32 to index
        %swap3A_846 = arith.index_cast %scan3A_422 : i32 to index
        %swap3A_847 = arith.constant 512 : index
        %swap3A_848 = tpu.vector_load %arg8[%swap3A_845, %swap3A_846, %swap3A_847] {strides = array<i32>} : memref<2x32x768xf32, #tpu.memory_space<vmem>>, vector<1x1x16xf32>,
        %swap3A_849 = vector.shape_cast %swap3A_848 : vector<1x1x16xf32> to vector<16xf32>
        %swap3A_850 = vector.shape_cast %get3A_843 : vector<16xf32> to vector<1x1x16xf32>
        tpu.vector_store %arg8[%swap3A_845, %swap3A_846, %swap3A_847], %swap3A_850 {add = true, strides = array<i32>} : memref<2x32x768xf32, #tpu.memory_space<vmem>>, vector<1x1x16xf32>,
        %get3A_851 = arith.constant 1 : i32
        %get3A_852 = arith.index_cast %get3A_851 : i32 to index
        %get3A_853 = arith.index_cast %scan3A_422 : i32 to index
        %get3A_854 = arith.constant 528 : index
        %get3A_855 = tpu.vector_load %arg7[%get3A_852, %get3A_853, %get3A_854] {strides = array<i32>} : memref<2x32x768xf32, #tpu.memory_space<vmem>>, vector<1x1x16xf32>,
        %get3A_856 = vector.shape_cast %get3A_855 : vector<1x1x16xf32> to vector<16xf32>
        %swap3A_857 = arith.constant 1 : i32
        %swap3A_858 = arith.index_cast %swap3A_857 : i32 to index
        %swap3A_859 = arith.index_cast %scan3A_422 : i32 to index
        %swap3A_860 = arith.constant 528 : index
        %swap3A_861 = tpu.vector_load %arg8[%swap3A_858, %swap3A_859, %swap3A_860] {strides = array<i32>} : memref<2x32x768xf32, #tpu.memory_space<vmem>>, vector<1x1x16xf32>,
        %swap3A_862 = vector.shape_cast %swap3A_861 : vector<1x1x16xf32> to vector<16xf32>
        %swap3A_863 = vector.shape_cast %get3A_856 : vector<16xf32> to vector<1x1x16xf32>
        tpu.vector_store %arg8[%swap3A_858, %swap3A_859, %swap3A_860], %swap3A_863 {add = true, strides = array<i32>} : memref<2x32x768xf32, #tpu.memory_space<vmem>>, vector<1x1x16xf32>,
        %get3A_864 = arith.constant 1 : i32
        %get3A_865 = arith.index_cast %get3A_864 : i32 to index
        %get3A_866 = arith.index_cast %scan3A_422 : i32 to index
        %get3A_867 = arith.constant 544 : index
        %get3A_868 = tpu.vector_load %arg7[%get3A_865, %get3A_866, %get3A_867] {strides = array<i32>} : memref<2x32x768xf32, #tpu.memory_space<vmem>>, vector<1x1x16xf32>,
        %get3A_869 = vector.shape_cast %get3A_868 : vector<1x1x16xf32> to vector<16xf32>
        %swap3A_870 = arith.constant 1 : i32
        %swap3A_871 = arith.index_cast %swap3A_870 : i32 to index
        %swap3A_872 = arith.index_cast %scan3A_422 : i32 to index
        %swap3A_873 = arith.constant 544 : index
        %swap3A_874 = tpu.vector_load %arg8[%swap3A_871, %swap3A_872, %swap3A_873] {strides = array<i32>} : memref<2x32x768xf32, #tpu.memory_space<vmem>>, vector<1x1x16xf32>,
        %swap3A_875 = vector.shape_cast %swap3A_874 : vector<1x1x16xf32> to vector<16xf32>
        %swap3A_876 = vector.shape_cast %get3A_869 : vector<16xf32> to vector<1x1x16xf32>
        tpu.vector_store %arg8[%swap3A_871, %swap3A_872, %swap3A_873], %swap3A_876 {add = true, strides = array<i32>} : memref<2x32x768xf32, #tpu.memory_space<vmem>>, vector<1x1x16xf32>,
        %get3A_877 = arith.constant 1 : i32
        %get3A_878 = arith.index_cast %get3A_877 : i32 to index
        %get3A_879 = arith.index_cast %scan3A_422 : i32 to index
        %get3A_880 = arith.constant 560 : index
        %get3A_881 = tpu.vector_load %arg7[%get3A_878, %get3A_879, %get3A_880] {strides = array<i32>} : memref<2x32x768xf32, #tpu.memory_space<vmem>>, vector<1x1x16xf32>,
        %get3A_882 = vector.shape_cast %get3A_881 : vector<1x1x16xf32> to vector<16xf32>
        %swap3A_883 = arith.constant 1 : i32
        %swap3A_884 = arith.index_cast %swap3A_883 : i32 to index
        %swap3A_885 = arith.index_cast %scan3A_422 : i32 to index
        %swap3A_886 = arith.constant 560 : index
        %swap3A_887 = tpu.vector_load %arg8[%swap3A_884, %swap3A_885, %swap3A_886] {strides = array<i32>} : memref<2x32x768xf32, #tpu.memory_space<vmem>>, vector<1x1x16xf32>,
        %swap3A_888 = vector.shape_cast %swap3A_887 : vector<1x1x16xf32> to vector<16xf32>
        %swap3A_889 = vector.shape_cast %get3A_882 : vector<16xf32> to vector<1x1x16xf32>
        tpu.vector_store %arg8[%swap3A_884, %swap3A_885, %swap3A_886], %swap3A_889 {add = true, strides = array<i32>} : memref<2x32x768xf32, #tpu.memory_space<vmem>>, vector<1x1x16xf32>,
        %get3A_890 = arith.constant 1 : i32
        %get3A_891 = arith.index_cast %get3A_890 : i32 to index
        %get3A_892 = arith.index_cast %scan3A_422 : i32 to index
        %get3A_893 = arith.constant 576 : index
        %get3A_894 = tpu.vector_load %arg7[%get3A_891, %get3A_892, %get3A_893] {strides = array<i32>} : memref<2x32x768xf32, #tpu.memory_space<vmem>>, vector<1x1x16xf32>,
        %get3A_895 = vector.shape_cast %get3A_894 : vector<1x1x16xf32> to vector<16xf32>
        %swap3A_896 = arith.constant 1 : i32
        %swap3A_897 = arith.index_cast %swap3A_896 : i32 to index
        %swap3A_898 = arith.index_cast %scan3A_422 : i32 to index
        %swap3A_899 = arith.constant 576 : index
        %swap3A_900 = tpu.vector_load %arg8[%swap3A_897, %swap3A_898, %swap3A_899] {strides = array<i32>} : memref<2x32x768xf32, #tpu.memory_space<vmem>>, vector<1x1x16xf32>,
        %swap3A_901 = vector.shape_cast %swap3A_900 : vector<1x1x16xf32> to vector<16xf32>
        %swap3A_902 = vector.shape_cast %get3A_895 : vector<16xf32> to vector<1x1x16xf32>
        tpu.vector_store %arg8[%swap3A_897, %swap3A_898, %swap3A_899], %swap3A_902 {add = true, strides = array<i32>} : memref<2x32x768xf32, #tpu.memory_space<vmem>>, vector<1x1x16xf32>,
        %get3A_903 = arith.constant 1 : i32
        %get3A_904 = arith.index_cast %get3A_903 : i32 to index
        %get3A_905 = arith.index_cast %scan3A_422 : i32 to index
        %get3A_906 = arith.constant 592 : index
        %get3A_907 = tpu.vector_load %arg7[%get3A_904, %get3A_905, %get3A_906] {strides = array<i32>} : memref<2x32x768xf32, #tpu.memory_space<vmem>>, vector<1x1x16xf32>,
        %get3A_908 = vector.shape_cast %get3A_907 : vector<1x1x16xf32> to vector<16xf32>
        %swap3A_909 = arith.constant 1 : i32
        %swap3A_910 = arith.index_cast %swap3A_909 : i32 to index
        %swap3A_911 = arith.index_cast %scan3A_422 : i32 to index
        %swap3A_912 = arith.constant 592 : index
        %swap3A_913 = tpu.vector_load %arg8[%swap3A_910, %swap3A_911, %swap3A_912] {strides = array<i32>} : memref<2x32x768xf32, #tpu.memory_space<vmem>>, vector<1x1x16xf32>,
        %swap3A_914 = vector.shape_cast %swap3A_913 : vector<1x1x16xf32> to vector<16xf32>
        %swap3A_915 = vector.shape_cast %get3A_908 : vector<16xf32> to vector<1x1x16xf32>
        tpu.vector_store %arg8[%swap3A_910, %swap3A_911, %swap3A_912], %swap3A_915 {add = true, strides = array<i32>} : memref<2x32x768xf32, #tpu.memory_space<vmem>>, vector<1x1x16xf32>,
        %get3A_916 = arith.constant 1 : i32
        %get3A_917 = arith.index_cast %get3A_916 : i32 to index
        %get3A_918 = arith.index_cast %scan3A_422 : i32 to index
        %get3A_919 = arith.constant 608 : index
        %get3A_920 = tpu.vector_load %arg7[%get3A_917, %get3A_918, %get3A_919] {strides = array<i32>} : memref<2x32x768xf32, #tpu.memory_space<vmem>>, vector<1x1x16xf32>,
        %get3A_921 = vector.shape_cast %get3A_920 : vector<1x1x16xf32> to vector<16xf32>
        %swap3A_922 = arith.constant 1 : i32
        %swap3A_923 = arith.index_cast %swap3A_922 : i32 to index
        %swap3A_924 = arith.index_cast %scan3A_422 : i32 to index
        %swap3A_925 = arith.constant 608 : index
        %swap3A_926 = tpu.vector_load %arg8[%swap3A_923, %swap3A_924, %swap3A_925] {strides = array<i32>} : memref<2x32x768xf32, #tpu.memory_space<vmem>>, vector<1x1x16xf32>,
        %swap3A_927 = vector.shape_cast %swap3A_926 : vector<1x1x16xf32> to vector<16xf32>
        %swap3A_928 = vector.shape_cast %get3A_921 : vector<16xf32> to vector<1x1x16xf32>
        tpu.vector_store %arg8[%swap3A_923, %swap3A_924, %swap3A_925], %swap3A_928 {add = true, strides = array<i32>} : memref<2x32x768xf32, #tpu.memory_space<vmem>>, vector<1x1x16xf32>,
        %get3A_929 = arith.constant 1 : i32
        %get3A_930 = arith.index_cast %get3A_929 : i32 to index
        %get3A_931 = arith.index_cast %scan3A_422 : i32 to index
        %get3A_932 = arith.constant 624 : index
        %get3A_933 = tpu.vector_load %arg7[%get3A_930, %get3A_931, %get3A_932] {strides = array<i32>} : memref<2x32x768xf32, #tpu.memory_space<vmem>>, vector<1x1x16xf32>,
        %get3A_934 = vector.shape_cast %get3A_933 : vector<1x1x16xf32> to vector<16xf32>
        %swap3A_935 = arith.constant 1 : i32
        %swap3A_936 = arith.index_cast %swap3A_935 : i32 to index
        %swap3A_937 = arith.index_cast %scan3A_422 : i32 to index
        %swap3A_938 = arith.constant 624 : index
        %swap3A_939 = tpu.vector_load %arg8[%swap3A_936, %swap3A_937, %swap3A_938] {strides = array<i32>} : memref<2x32x768xf32, #tpu.memory_space<vmem>>, vector<1x1x16xf32>,
        %swap3A_940 = vector.shape_cast %swap3A_939 : vector<1x1x16xf32> to vector<16xf32>
        %swap3A_941 = vector.shape_cast %get3A_934 : vector<16xf32> to vector<1x1x16xf32>
        tpu.vector_store %arg8[%swap3A_936, %swap3A_937, %swap3A_938], %swap3A_941 {add = true, strides = array<i32>} : memref<2x32x768xf32, #tpu.memory_space<vmem>>, vector<1x1x16xf32>,
        %get3A_942 = arith.constant 1 : i32
        %get3A_943 = arith.index_cast %get3A_942 : i32 to index
        %get3A_944 = arith.index_cast %scan3A_422 : i32 to index
        %get3A_945 = arith.constant 640 : index
        %get3A_946 = tpu.vector_load %arg7[%get3A_943, %get3A_944, %get3A_945] {strides = array<i32>} : memref<2x32x768xf32, #tpu.memory_space<vmem>>, vector<1x1x16xf32>,
        %get3A_947 = vector.shape_cast %get3A_946 : vector<1x1x16xf32> to vector<16xf32>
        %swap3A_948 = arith.constant 1 : i32
        %swap3A_949 = arith.index_cast %swap3A_948 : i32 to index
        %swap3A_950 = arith.index_cast %scan3A_422 : i32 to index
        %swap3A_951 = arith.constant 640 : index
        %swap3A_952 = tpu.vector_load %arg8[%swap3A_949, %swap3A_950, %swap3A_951] {strides = array<i32>} : memref<2x32x768xf32, #tpu.memory_space<vmem>>, vector<1x1x16xf32>,
        %swap3A_953 = vector.shape_cast %swap3A_952 : vector<1x1x16xf32> to vector<16xf32>
        %swap3A_954 = vector.shape_cast %get3A_947 : vector<16xf32> to vector<1x1x16xf32>
        tpu.vector_store %arg8[%swap3A_949, %swap3A_950, %swap3A_951], %swap3A_954 {add = true, strides = array<i32>} : memref<2x32x768xf32, #tpu.memory_space<vmem>>, vector<1x1x16xf32>,
        %get3A_955 = arith.constant 1 : i32
        %get3A_956 = arith.index_cast %get3A_955 : i32 to index
        %get3A_957 = arith.index_cast %scan3A_422 : i32 to index
        %get3A_958 = arith.constant 656 : index
        %get3A_959 = tpu.vector_load %arg7[%get3A_956, %get3A_957, %get3A_958] {strides = array<i32>} : memref<2x32x768xf32, #tpu.memory_space<vmem>>, vector<1x1x16xf32>,
        %get3A_960 = vector.shape_cast %get3A_959 : vector<1x1x16xf32> to vector<16xf32>
        %swap3A_961 = arith.constant 1 : i32
        %swap3A_962 = arith.index_cast %swap3A_961 : i32 to index
        %swap3A_963 = arith.index_cast %scan3A_422 : i32 to index
        %swap3A_964 = arith.constant 656 : index
        %swap3A_965 = tpu.vector_load %arg8[%swap3A_962, %swap3A_963, %swap3A_964] {strides = array<i32>} : memref<2x32x768xf32, #tpu.memory_space<vmem>>, vector<1x1x16xf32>,
        %swap3A_966 = vector.shape_cast %swap3A_965 : vector<1x1x16xf32> to vector<16xf32>
        %swap3A_967 = vector.shape_cast %get3A_960 : vector<16xf32> to vector<1x1x16xf32>
        tpu.vector_store %arg8[%swap3A_962, %swap3A_963, %swap3A_964], %swap3A_967 {add = true, strides = array<i32>} : memref<2x32x768xf32, #tpu.memory_space<vmem>>, vector<1x1x16xf32>,
        %get3A_968 = arith.constant 1 : i32
        %get3A_969 = arith.index_cast %get3A_968 : i32 to index
        %get3A_970 = arith.index_cast %scan3A_422 : i32 to index
        %get3A_971 = arith.constant 672 : index
        %get3A_972 = tpu.vector_load %arg7[%get3A_969, %get3A_970, %get3A_971] {strides = array<i32>} : memref<2x32x768xf32, #tpu.memory_space<vmem>>, vector<1x1x16xf32>,
        %get3A_973 = vector.shape_cast %get3A_972 : vector<1x1x16xf32> to vector<16xf32>
        %swap3A_974 = arith.constant 1 : i32
        %swap3A_975 = arith.index_cast %swap3A_974 : i32 to index
        %swap3A_976 = arith.index_cast %scan3A_422 : i32 to index
        %swap3A_977 = arith.constant 672 : index
        %swap3A_978 = tpu.vector_load %arg8[%swap3A_975, %swap3A_976, %swap3A_977] {strides = array<i32>} : memref<2x32x768xf32, #tpu.memory_space<vmem>>, vector<1x1x16xf32>,
        %swap3A_979 = vector.shape_cast %swap3A_978 : vector<1x1x16xf32> to vector<16xf32>
        %swap3A_980 = vector.shape_cast %get3A_973 : vector<16xf32> to vector<1x1x16xf32>
        tpu.vector_store %arg8[%swap3A_975, %swap3A_976, %swap3A_977], %swap3A_980 {add = true, strides = array<i32>} : memref<2x32x768xf32, #tpu.memory_space<vmem>>, vector<1x1x16xf32>,
        %get3A_981 = arith.constant 1 : i32
        %get3A_982 = arith.index_cast %get3A_981 : i32 to index
        %get3A_983 = arith.index_cast %scan3A_422 : i32 to index
        %get3A_984 = arith.constant 688 : index
        %get3A_985 = tpu.vector_load %arg7[%get3A_982, %get3A_983, %get3A_984] {strides = array<i32>} : memref<2x32x768xf32, #tpu.memory_space<vmem>>, vector<1x1x16xf32>,
        %get3A_986 = vector.shape_cast %get3A_985 : vector<1x1x16xf32> to vector<16xf32>
        %swap3A_987 = arith.constant 1 : i32
        %swap3A_988 = arith.index_cast %swap3A_987 : i32 to index
        %swap3A_989 = arith.index_cast %scan3A_422 : i32 to index
        %swap3A_990 = arith.constant 688 : index
        %swap3A_991 = tpu.vector_load %arg8[%swap3A_988, %swap3A_989, %swap3A_990] {strides = array<i32>} : memref<2x32x768xf32, #tpu.memory_space<vmem>>, vector<1x1x16xf32>,
        %swap3A_992 = vector.shape_cast %swap3A_991 : vector<1x1x16xf32> to vector<16xf32>
        %swap3A_993 = vector.shape_cast %get3A_986 : vector<16xf32> to vector<1x1x16xf32>
        tpu.vector_store %arg8[%swap3A_988, %swap3A_989, %swap3A_990], %swap3A_993 {add = true, strides = array<i32>} : memref<2x32x768xf32, #tpu.memory_space<vmem>>, vector<1x1x16xf32>,
        %get3A_994 = arith.constant 1 : i32
        %get3A_995 = arith.index_cast %get3A_994 : i32 to index
        %get3A_996 = arith.index_cast %scan3A_422 : i32 to index
        %get3A_997 = arith.constant 704 : index
        %get3A_998 = tpu.vector_load %arg7[%get3A_995, %get3A_996, %get3A_997] {strides = array<i32>} : memref<2x32x768xf32, #tpu.memory_space<vmem>>, vector<1x1x16xf32>,
        %get3A_999 = vector.shape_cast %get3A_998 : vector<1x1x16xf32> to vector<16xf32>
        %swap3A_1000 = arith.constant 1 : i32
        %swap3A_1001 = arith.index_cast %swap3A_1000 : i32 to index
        %swap3A_1002 = arith.index_cast %scan3A_422 : i32 to index
        %swap3A_1003 = arith.constant 704 : index
        %swap3A_1004 = tpu.vector_load %arg8[%swap3A_1001, %swap3A_1002, %swap3A_1003] {strides = array<i32>} : memref<2x32x768xf32, #tpu.memory_space<vmem>>, vector<1x1x16xf32>,
        %swap3A_1005 = vector.shape_cast %swap3A_1004 : vector<1x1x16xf32> to vector<16xf32>
        %swap3A_1006 = vector.shape_cast %get3A_999 : vector<16xf32> to vector<1x1x16xf32>
        tpu.vector_store %arg8[%swap3A_1001, %swap3A_1002, %swap3A_1003], %swap3A_1006 {add = true, strides = array<i32>} : memref<2x32x768xf32, #tpu.memory_space<vmem>>, vector<1x1x16xf32>,
        %get3A_1007 = arith.constant 1 : i32
        %get3A_1008 = arith.index_cast %get3A_1007 : i32 to index
        %get3A_1009 = arith.index_cast %scan3A_422 : i32 to index
        %get3A_1010 = arith.constant 720 : index
        %get3A_1011 = tpu.vector_load %arg7[%get3A_1008, %get3A_1009, %get3A_1010] {strides = array<i32>} : memref<2x32x768xf32, #tpu.memory_space<vmem>>, vector<1x1x16xf32>,
        %get3A_1012 = vector.shape_cast %get3A_1011 : vector<1x1x16xf32> to vector<16xf32>
        %swap3A_1013 = arith.constant 1 : i32
        %swap3A_1014 = arith.index_cast %swap3A_1013 : i32 to index
        %swap3A_1015 = arith.index_cast %scan3A_422 : i32 to index
        %swap3A_1016 = arith.constant 720 : index
        %swap3A_1017 = tpu.vector_load %arg8[%swap3A_1014, %swap3A_1015, %swap3A_1016] {strides = array<i32>} : memref<2x32x768xf32, #tpu.memory_space<vmem>>, vector<1x1x16xf32>,
        %swap3A_1018 = vector.shape_cast %swap3A_1017 : vector<1x1x16xf32> to vector<16xf32>
        %swap3A_1019 = vector.shape_cast %get3A_1012 : vector<16xf32> to vector<1x1x16xf32>
        tpu.vector_store %arg8[%swap3A_1014, %swap3A_1015, %swap3A_1016], %swap3A_1019 {add = true, strides = array<i32>} : memref<2x32x768xf32, #tpu.memory_space<vmem>>, vector<1x1x16xf32>,
        %get3A_1020 = arith.constant 1 : i32
        %get3A_1021 = arith.index_cast %get3A_1020 : i32 to index
        %get3A_1022 = arith.index_cast %scan3A_422 : i32 to index
        %get3A_1023 = arith.constant 736 : index
        %get3A_1024 = tpu.vector_load %arg7[%get3A_1021, %get3A_1022, %get3A_1023] {strides = array<i32>} : memref<2x32x768xf32, #tpu.memory_space<vmem>>, vector<1x1x16xf32>,
        %get3A_1025 = vector.shape_cast %get3A_1024 : vector<1x1x16xf32> to vector<16xf32>
        %swap3A_1026 = arith.constant 1 : i32
        %swap3A_1027 = arith.index_cast %swap3A_1026 : i32 to index
        %swap3A_1028 = arith.index_cast %scan3A_422 : i32 to index
        %swap3A_1029 = arith.constant 736 : index
        %swap3A_1030 = tpu.vector_load %arg8[%swap3A_1027, %swap3A_1028, %swap3A_1029] {strides = array<i32>} : memref<2x32x768xf32, #tpu.memory_space<vmem>>, vector<1x1x16xf32>,
        %swap3A_1031 = vector.shape_cast %swap3A_1030 : vector<1x1x16xf32> to vector<16xf32>
        %swap3A_1032 = vector.shape_cast %get3A_1025 : vector<16xf32> to vector<1x1x16xf32>
        tpu.vector_store %arg8[%swap3A_1027, %swap3A_1028, %swap3A_1029], %swap3A_1032 {add = true, strides = array<i32>} : memref<2x32x768xf32, #tpu.memory_space<vmem>>, vector<1x1x16xf32>,
        %get3A_1033 = arith.constant 1 : i32
        %get3A_1034 = arith.index_cast %get3A_1033 : i32 to index
        %get3A_1035 = arith.index_cast %scan3A_422 : i32 to index
        %get3A_1036 = arith.constant 752 : index
        %get3A_1037 = tpu.vector_load %arg7[%get3A_1034, %get3A_1035, %get3A_1036] {strides = array<i32>} : memref<2x32x768xf32, #tpu.memory_space<vmem>>, vector<1x1x16xf32>,
        %get3A_1038 = vector.shape_cast %get3A_1037 : vector<1x1x16xf32> to vector<16xf32>
        %swap3A_1039 = arith.constant 1 : i32
        %swap3A_1040 = arith.index_cast %swap3A_1039 : i32 to index
        %swap3A_1041 = arith.index_cast %scan3A_422 : i32 to index
        %swap3A_1042 = arith.constant 752 : index
        %swap3A_1043 = tpu.vector_load %arg8[%swap3A_1040, %swap3A_1041, %swap3A_1042] {strides = array<i32>} : memref<2x32x768xf32, #tpu.memory_space<vmem>>, vector<1x1x16xf32>,
        %swap3A_1044 = vector.shape_cast %swap3A_1043 : vector<1x1x16xf32> to vector<16xf32>
        %swap3A_1045 = vector.shape_cast %get3A_1038 : vector<16xf32> to vector<1x1x16xf32>
        tpu.vector_store %arg8[%swap3A_1040, %swap3A_1041, %swap3A_1042], %swap3A_1045 {add = true, strides = array<i32>} : memref<2x32x768xf32, #tpu.memory_space<vmem>>, vector<1x1x16xf32>,
        %scan3A_1046 = arith.constant 0 : i32
        scf.yield %scan3A_1046 : i32
      }
      %scan3A_354 = arith.constant 32 : i32
      %dma_start3A_355 = arith.constant 1 : i32
      %dma_start3A_356 = arith.constant 0 : i32
      %dma_start3A_357 = arith.constant 0 : i32
      %dma_start3A_358 = tpu.memref_slice %arg8[%dma_start3A_355, %dma_start3A_356, %dma_start3A_357] : memref<2x32x768xf32, #tpu.memory_space<vmem>> -> memref<1x32x768xf32, #tpu.memory_space<vmem>>
      %dma_start3A_359 = tpu.memref_squeeze %dma_start3A_358 : memref<1x32x768xf32, #tpu.memory_space<vmem>> -> memref<32x768xf32, #tpu.memory_space<vmem>>
      %dma_start3A_360 = arith.constant 0 : i32
      %dma_start3A_361 = arith.constant 0 : i32
      %dma_start3A_362 = tpu.memref_slice %arg5[%add3A, %add3A_319, %dma_start3A_360, %dma_start3A_361] : memref<32x32x32x768xf32, #tpu.memory_space<hbm>> -> memref<1x1x32x768xf32, #tpu.memory_space<hbm>>
      %dma_start3A_363 = tpu.memref_squeeze %dma_start3A_362 : memref<1x1x32x768xf32, #tpu.memory_space<hbm>> -> memref<32x768xf32, #tpu.memory_space<hbm>>
      %dma_start3A_364 = arith.constant 0 : i32
      %dma_start3A_365 = arith.constant 0 : i32
      %dma_start3A_366 = tpu.memref_slice %arg5[%add3A, %add3A_319, %dma_start3A_364, %dma_start3A_365] : memref<32x32x32x768xf32, #tpu.memory_space<hbm>> -> memref<1x1x32x768xf32, #tpu.memory_space<hbm>>
      %dma_start3A_367 = tpu.memref_squeeze %dma_start3A_366 : memref<1x1x32x768xf32, #tpu.memory_space<hbm>> -> memref<32x768xf32, #tpu.memory_space<hbm>>
      %dma_start3A_368 = arith.constant 0 : i32
      %dma_start3A_369 = arith.constant 0 : i32
      %dma_start3A_370 = tpu.memref_slice %arg8[%dma_start3A_355, %dma_start3A_368, %dma_start3A_369] : memref<2x32x768xf32, #tpu.memory_space<vmem>> -> memref<1x32x768xf32, #tpu.memory_space<vmem>>
      %dma_start3A_371 = tpu.memref_squeeze %dma_start3A_370 : memref<1x32x768xf32, #tpu.memory_space<vmem>> -> memref<32x768xf32, #tpu.memory_space<vmem>>
      tpu.enqueue_dma source(%dma_start3A_371 : memref<32x768xf32, #tpu.memory_space<vmem>>) target(%dma_start3A_367 : memref<32x768xf32, #tpu.memory_space<hbm>>) target_semaphore(%arg14 : memref<!tpu.dma_semaphore, #tpu.memory_space<semaphore_mem>>)
      %add3A_372 = arith.constant 2 : i32
      %add3A_373 = arith.addi %add3A_319, %add3A_372 : i32
      %dma_start3A_374 = arith.constant 1 : i32
      %dma_start3A_375 = arith.constant 0 : i32
      %dma_start3A_376 = arith.constant 0 : i32
      %dma_start3A_377 = tpu.memref_slice %arg7[%dma_start3A_374, %dma_start3A_375, %dma_start3A_376] : memref<2x32x768xf32, #tpu.memory_space<vmem>> -> memref<1x32x768xf32, #tpu.memory_space<vmem>>
      %dma_start3A_378 = tpu.memref_squeeze %dma_start3A_377 : memref<1x32x768xf32, #tpu.memory_space<vmem>> -> memref<32x768xf32, #tpu.memory_space<vmem>>
      %dma_start3A_379 = arith.constant 0 : i32
      %dma_start3A_380 = tpu.memref_slice %arg6[%add3A_373, %dma_start3A_379] : memref<32x32xi32, #tpu.memory_space<vmem>> -> memref<1x32xi32, #tpu.memory_space<vmem>>
      %dma_start3A_381 = tpu.memref_squeeze %dma_start3A_380 : memref<1x32xi32, #tpu.memory_space<vmem>> -> memref<32xi32, #tpu.memory_space<vmem>>
      %dma_start3A_382 = arith.constant 0 : i32
      %dma_start3A_383 = arith.constant 0 : i32
      %dma_start3A_384 = tpu.memref_slice %arg4[%dma_start3A_382, %dma_start3A_383] : memref<100000x768xf32, #tpu.memory_space<hbm>> -> memref<100000x768xf32, #tpu.memory_space<hbm>>
      tpu.enqueue_indirect_dma source(%dma_start3A_384 : memref<100000x768xf32, #tpu.memory_space<hbm>>) target(%dma_start3A_378 : memref<32x768xf32, #tpu.memory_space<vmem>>) offsets(%dma_start3A_381 : memref<32xi32, #tpu.memory_space<vmem>>) semaphore(%arg10 : memref<!tpu.dma_semaphore, #tpu.memory_space<semaphore_mem>>)
      %dma_wait3A_385 = arith.constant 1 : i32
      %dma_wait3A_386 = arith.constant 0 : i32
      %dma_wait3A_387 = arith.constant 0 : i32
      %dma_wait3A_388 = tpu.memref_slice %arg8[%dma_wait3A_385, %dma_wait3A_386, %dma_wait3A_387] : memref<2x32x768xf32, #tpu.memory_space<vmem>> -> memref<1x32x768xf32, #tpu.memory_space<vmem>>
      %dma_wait3A_389 = tpu.memref_squeeze %dma_wait3A_388 : memref<1x32x768xf32, #tpu.memory_space<vmem>> -> memref<32x768xf32, #tpu.memory_space<vmem>>
      %dma_wait3A_390 = arith.constant 0 : i32
      %dma_wait3A_391 = arith.constant 0 : i32
      %dma_wait3A_392 = tpu.memref_slice %arg5[%add3A, %add3A_319, %dma_wait3A_390, %dma_wait3A_391] : memref<32x32x32x768xf32, #tpu.memory_space<hbm>> -> memref<1x1x32x768xf32, #tpu.memory_space<hbm>>
      %dma_wait3A_393 = tpu.memref_squeeze %dma_wait3A_392 : memref<1x1x32x768xf32, #tpu.memory_space<hbm>> -> memref<32x768xf32, #tpu.memory_space<hbm>>
      %dma_wait3A_394 = arith.constant 0 : i32
      %dma_wait3A_395 = arith.constant 0 : i32
      %dma_wait3A_396 = tpu.memref_slice %arg5[%add3A, %add3A_319, %dma_wait3A_394, %dma_wait3A_395] : memref<32x32x32x768xf32, #tpu.memory_space<hbm>> -> memref<1x1x32x768xf32, #tpu.memory_space<hbm>>
      %dma_wait3A_397 = tpu.memref_squeeze %dma_wait3A_396 : memref<1x1x32x768xf32, #tpu.memory_space<hbm>> -> memref<32x768xf32, #tpu.memory_space<hbm>>
      %dma_wait3A_398 = arith.constant 0 : i32
      %dma_wait3A_399 = arith.constant 0 : i32
      %dma_wait3A_400 = tpu.memref_slice %arg8[%dma_wait3A_385, %dma_wait3A_398, %dma_wait3A_399] : memref<2x32x768xf32, #tpu.memory_space<vmem>> -> memref<1x32x768xf32, #tpu.memory_space<vmem>>
      %dma_wait3A_401 = tpu.memref_squeeze %dma_wait3A_400 : memref<1x32x768xf32, #tpu.memory_space<vmem>> -> memref<32x768xf32, #tpu.memory_space<vmem>>
      tpu.wait_dma2 semaphore(%arg14 : memref<!tpu.dma_semaphore, #tpu.memory_space<semaphore_mem>>) src(%dma_wait3A_401 : memref<32x768xf32, #tpu.memory_space<vmem>>) dst(%dma_wait3A_397 : memref<32x768xf32, #tpu.memory_space<hbm>>)
      %add3A_402 = arith.constant 2 : i32
      %add3A_403 = arith.addi %add3A_319, %add3A_402 : i32
      %dma_start3A_404 = arith.constant 1 : i32
      %dma_start3A_405 = arith.constant 0 : i32
      %dma_start3A_406 = arith.constant 0 : i32
      %dma_start3A_407 = tpu.memref_slice %arg8[%dma_start3A_404, %dma_start3A_405, %dma_start3A_406] : memref<2x32x768xf32, #tpu.memory_space<vmem>> -> memref<1x32x768xf32, #tpu.memory_space<vmem>>
      %dma_start3A_408 = tpu.memref_squeeze %dma_start3A_407 : memref<1x32x768xf32, #tpu.memory_space<vmem>> -> memref<32x768xf32, #tpu.memory_space<vmem>>
      %dma_start3A_409 = arith.constant 0 : i32
      %dma_start3A_410 = arith.constant 0 : i32
      %dma_start3A_411 = tpu.memref_slice %arg2[%add3A, %add3A_403, %dma_start3A_409, %dma_start3A_410] : memref<32x32x32x768xf32, #tpu.memory_space<hbm>> -> memref<1x1x32x768xf32, #tpu.memory_space<hbm>>
      %dma_start3A_412 = tpu.memref_squeeze %dma_start3A_411 : memref<1x1x32x768xf32, #tpu.memory_space<hbm>> -> memref<32x768xf32, #tpu.memory_space<hbm>>
      %dma_start3A_413 = arith.constant 0 : i32
      %dma_start3A_414 = arith.constant 0 : i32
      %dma_start3A_415 = tpu.memref_slice %arg8[%dma_start3A_404, %dma_start3A_413, %dma_start3A_414] : memref<2x32x768xf32, #tpu.memory_space<vmem>> -> memref<1x32x768xf32, #tpu.memory_space<vmem>>
      %dma_start3A_416 = tpu.memref_squeeze %dma_start3A_415 : memref<1x32x768xf32, #tpu.memory_space<vmem>> -> memref<32x768xf32, #tpu.memory_space<vmem>>
      %dma_start3A_417 = arith.constant 0 : i32
      %dma_start3A_418 = arith.constant 0 : i32
      %dma_start3A_419 = tpu.memref_slice %arg2[%add3A, %add3A_403, %dma_start3A_417, %dma_start3A_418] : memref<32x32x32x768xf32, #tpu.memory_space<hbm>> -> memref<1x1x32x768xf32, #tpu.memory_space<hbm>>
      %dma_start3A_420 = tpu.memref_squeeze %dma_start3A_419 : memref<1x1x32x768xf32, #tpu.memory_space<hbm>> -> memref<32x768xf32, #tpu.memory_space<hbm>>
      tpu.enqueue_dma source(%dma_start3A_420 : memref<32x768xf32, #tpu.memory_space<hbm>>) target(%dma_start3A_416 : memref<32x768xf32, #tpu.memory_space<vmem>>) target_semaphore(%arg12 : memref<!tpu.dma_semaphore, #tpu.memory_space<semaphore_mem>>)
      %scan3A_421 = arith.constant 0 : i32
      scf.yield %scan3A_421 : i32
    }
    %scan3A_65 = arith.constant 15 : i32
    %dma_wait3A = arith.constant 30 : i32
    %dma_wait3A_66 = arith.constant 0 : i32
    %dma_wait3A_67 = arith.constant 0 : i32
    %dma_wait3A_68 = arith.constant 0 : i32
    %dma_wait3A_69 = tpu.memref_slice %arg7[%dma_wait3A_66, %dma_wait3A_67, %dma_wait3A_68] : memref<2x32x768xf32, #tpu.memory_space<vmem>> -> memref<1x32x768xf32, #tpu.memory_space<vmem>>
    %dma_wait3A_70 = tpu.memref_squeeze %dma_wait3A_69 : memref<1x32x768xf32, #tpu.memory_space<vmem>> -> memref<32x768xf32, #tpu.memory_space<vmem>>
    %dma_wait3A_71 = arith.constant 0 : i32
    %dma_wait3A_72 = tpu.memref_slice %arg6[%dma_wait3A, %dma_wait3A_71] : memref<32x32xi32, #tpu.memory_space<vmem>> -> memref<1x32xi32, #tpu.memory_space<vmem>>
    %dma_wait3A_73 = tpu.memref_squeeze %dma_wait3A_72 : memref<1x32xi32, #tpu.memory_space<vmem>> -> memref<32xi32, #tpu.memory_space<vmem>>
    %dma_wait3A_74 = arith.constant 0 : i32
    %dma_wait3A_75 = arith.constant 0 : i32
    %dma_wait3A_76 = tpu.memref_slice %arg4[%dma_wait3A_74, %dma_wait3A_75] : memref<100000x768xf32, #tpu.memory_space<hbm>> -> memref<100000x768xf32, #tpu.memory_space<hbm>>
    tpu.wait_indirect_dma semaphore(%arg9 : memref<!tpu.dma_semaphore, #tpu.memory_space<semaphore_mem>>) src(%dma_wait3A_76 : memref<100000x768xf32, #tpu.memory_space<hbm>>) dst(%dma_wait3A_70 : memref<32x768xf32, #tpu.memory_space<vmem>>)
    %dma_wait3A_77 = arith.constant 30 : i32
    %dma_wait3A_78 = arith.constant 0 : i32
    %dma_wait3A_79 = arith.constant 0 : i32
    %dma_wait3A_80 = arith.constant 0 : i32
    %dma_wait3A_81 = tpu.memref_slice %arg8[%dma_wait3A_78, %dma_wait3A_79, %dma_wait3A_80] : memref<2x32x768xf32, #tpu.memory_space<vmem>> -> memref<1x32x768xf32, #tpu.memory_space<vmem>>
    %dma_wait3A_82 = tpu.memref_squeeze %dma_wait3A_81 : memref<1x32x768xf32, #tpu.memory_space<vmem>> -> memref<32x768xf32, #tpu.memory_space<vmem>>
    %dma_wait3A_83 = arith.constant 0 : i32
    %dma_wait3A_84 = arith.constant 0 : i32
    %dma_wait3A_85 = tpu.memref_slice %arg2[%add3A, %dma_wait3A_77, %dma_wait3A_83, %dma_wait3A_84] : memref<32x32x32x768xf32, #tpu.memory_space<hbm>> -> memref<1x1x32x768xf32, #tpu.memory_space<hbm>>
    %dma_wait3A_86 = tpu.memref_squeeze %dma_wait3A_85 : memref<1x1x32x768xf32, #tpu.memory_space<hbm>> -> memref<32x768xf32, #tpu.memory_space<hbm>>
    %dma_wait3A_87 = arith.constant 0 : i32
    %dma_wait3A_88 = arith.constant 0 : i32
    %dma_wait3A_89 = tpu.memref_slice %arg8[%dma_wait3A_78, %dma_wait3A_87, %dma_wait3A_88] : memref<2x32x768xf32, #tpu.memory_space<vmem>> -> memref<1x32x768xf32, #tpu.memory_space<vmem>>
    %dma_wait3A_90 = tpu.memref_squeeze %dma_wait3A_89 : memref<1x32x768xf32, #tpu.memory_space<vmem>> -> memref<32x768xf32, #tpu.memory_space<vmem>>
    %dma_wait3A_91 = arith.constant 0 : i32
    %dma_wait3A_92 = arith.constant 0 : i32
    %dma_wait3A_93 = tpu.memref_slice %arg2[%add3A, %dma_wait3A_77, %dma_wait3A_91, %dma_wait3A_92] : memref<32x32x32x768xf32, #tpu.memory_space<hbm>> -> memref<1x1x32x768xf32, #tpu.memory_space<hbm>>
    %dma_wait3A_94 = tpu.memref_squeeze %dma_wait3A_93 : memref<1x1x32x768xf32, #tpu.memory_space<hbm>> -> memref<32x768xf32, #tpu.memory_space<hbm>>
    tpu.wait_dma2 semaphore(%arg11 : memref<!tpu.dma_semaphore, #tpu.memory_space<semaphore_mem>>) src(%dma_wait3A_94 : memref<32x768xf32, #tpu.memory_space<hbm>>) dst(%dma_wait3A_90 : memref<32x768xf32, #tpu.memory_space<vmem>>)
    %scan3A_95 = arith.constant 0 : i32
    %scan3A_96 = arith.constant 0 : i32
    %scan3A_97 = arith.constant 32 : i32
    %scan3A_98 = arith.addi %scan3A_96, %scan3A_97 : i32
    %scan3A_99 = arith.constant 1 : i32
    %scan3A_100 = scf.for %scan3A_211 = %scan3A_96 to %scan3A_98 step %scan3A_99 iter_args(%scan3A_212 = %scan3A_95) -> (i32)  : i32 {
      %get3A = arith.constant 0 : i32
      %get3A_213 = arith.index_cast %get3A : i32 to index
      %get3A_214 = arith.index_cast %scan3A_211 : i32 to index
      %get3A_215 = arith.constant 0 : index
      %get3A_216 = tpu.vector_load %arg7[%get3A_213, %get3A_214, %get3A_215] {strides = array<i32>} : memref<2x32x768xf32, #tpu.memory_space<vmem>>, vector<1x1x16xf32>,
      %get3A_217 = vector.shape_cast %get3A_216 : vector<1x1x16xf32> to vector<16xf32>
      %swap3A = arith.constant 0 : i32
      %swap3A_218 = arith.index_cast %swap3A : i32 to index
      %swap3A_219 = arith.index_cast %scan3A_211 : i32 to index
      %swap3A_220 = arith.constant 0 : index
      %swap3A_221 = tpu.vector_load %arg8[%swap3A_218, %swap3A_219, %swap3A_220] {strides = array<i32>} : memref<2x32x768xf32, #tpu.memory_space<vmem>>, vector<1x1x16xf32>,
      %swap3A_222 = vector.shape_cast %swap3A_221 : vector<1x1x16xf32> to vector<16xf32>
      %swap3A_223 = vector.shape_cast %get3A_217 : vector<16xf32> to vector<1x1x16xf32>
      tpu.vector_store %arg8[%swap3A_218, %swap3A_219, %swap3A_220], %swap3A_223 {add = true, strides = array<i32>} : memref<2x32x768xf32, #tpu.memory_space<vmem>>, vector<1x1x16xf32>,
      %get3A_224 = arith.constant 0 : i32
      %get3A_225 = arith.index_cast %get3A_224 : i32 to index
      %get3A_226 = arith.index_cast %scan3A_211 : i32 to index
      %get3A_227 = arith.constant 16 : index
      %get3A_228 = tpu.vector_load %arg7[%get3A_225, %get3A_226, %get3A_227] {strides = array<i32>} : memref<2x32x768xf32, #tpu.memory_space<vmem>>, vector<1x1x16xf32>,
      %get3A_229 = vector.shape_cast %get3A_228 : vector<1x1x16xf32> to vector<16xf32>
      %swap3A_230 = arith.constant 0 : i32
      %swap3A_231 = arith.index_cast %swap3A_230 : i32 to index
      %swap3A_232 = arith.index_cast %scan3A_211 : i32 to index
      %swap3A_233 = arith.constant 16 : index
      %swap3A_234 = tpu.vector_load %arg8[%swap3A_231, %swap3A_232, %swap3A_233] {strides = array<i32>} : memref<2x32x768xf32, #tpu.memory_space<vmem>>, vector<1x1x16xf32>,
      %swap3A_235 = vector.shape_cast %swap3A_234 : vector<1x1x16xf32> to vector<16xf32>
      %swap3A_236 = vector.shape_cast %get3A_229 : vector<16xf32> to vector<1x1x16xf32>
      tpu.vector_store %arg8[%swap3A_231, %swap3A_232, %swap3A_233], %swap3A_236 {add = true, strides = array<i32>} : memref<2x32x768xf32, #tpu.memory_space<vmem>>, vector<1x1x16xf32>,
      %get3A_237 = arith.constant 0 : i32
      %get3A_238 = arith.index_cast %get3A_237 : i32 to index
      %get3A_239 = arith.index_cast %scan3A_211 : i32 to index
      %get3A_240 = arith.constant 32 : index
      %get3A_241 = tpu.vector_load %arg7[%get3A_238, %get3A_239, %get3A_240] {strides = array<i32>} : memref<2x32x768xf32, #tpu.memory_space<vmem>>, vector<1x1x16xf32>,
      %get3A_242 = vector.shape_cast %get3A_241 : vector<1x1x16xf32> to vector<16xf32>
      %swap3A_243 = arith.constant 0 : i32
      %swap3A_244 = arith.index_cast %swap3A_243 : i32 to index
      %swap3A_245 = arith.index_cast %scan3A_211 : i32 to index
      %swap3A_246 = arith.constant 32 : index
      %swap3A_247 = tpu.vector_load %arg8[%swap3A_244, %swap3A_245, %swap3A_246] {strides = array<i32>} : memref<2x32x768xf32, #tpu.memory_space<vmem>>, vector<1x1x16xf32>,
      %swap3A_248 = vector.shape_cast %swap3A_247 : vector<1x1x16xf32> to vector<16xf32>
      %swap3A_249 = vector.shape_cast %get3A_242 : vector<16xf32> to vector<1x1x16xf32>
      tpu.vector_store %arg8[%swap3A_244, %swap3A_245, %swap3A_246], %swap3A_249 {add = true, strides = array<i32>} : memref<2x32x768xf32, #tpu.memory_space<vmem>>, vector<1x1x16xf32>,
      %get3A_250 = arith.constant 0 : i32
      %get3A_251 = arith.index_cast %get3A_250 : i32 to index
      %get3A_252 = arith.index_cast %scan3A_211 : i32 to index
      %get3A_253 = arith.constant 48 : index
      %get3A_254 = tpu.vector_load %arg7[%get3A_251, %get3A_252, %get3A_253] {strides = array<i32>} : memref<2x32x768xf32, #tpu.memory_space<vmem>>, vector<1x1x16xf32>,
      %get3A_255 = vector.shape_cast %get3A_254 : vector<1x1x16xf32> to vector<16xf32>
      %swap3A_256 = arith.constant 0 : i32
      %swap3A_257 = arith.index_cast %swap3A_256 : i32 to index
      %swap3A_258 = arith.index_cast %scan3A_211 : i32 to index
      %swap3A_259 = arith.constant 48 : index
      %swap3A_260 = tpu.vector_load %arg8[%swap3A_257, %swap3A_258, %swap3A_259] {strides = array<i32>} : memref<2x32x768xf32, #tpu.memory_space<vmem>>, vector<1x1x16xf32>,
      %swap3A_261 = vector.shape_cast %swap3A_260 : vector<1x1x16xf32> to vector<16xf32>
      %swap3A_262 = vector.shape_cast %get3A_255 : vector<16xf32> to vector<1x1x16xf32>
      tpu.vector_store %arg8[%swap3A_257, %swap3A_258, %swap3A_259], %swap3A_262 {add = true, strides = array<i32>} : memref<2x32x768xf32, #tpu.memory_space<vmem>>, vector<1x1x16xf32>,
      %get3A_263 = arith.constant 0 : i32
      %get3A_264 = arith.index_cast %get3A_263 : i32 to index
      %get3A_265 = arith.index_cast %scan3A_211 : i32 to index
      %get3A_266 = arith.constant 64 : index
      %get3A_267 = tpu.vector_load %arg7[%get3A_264, %get3A_265, %get3A_266] {strides = array<i32>} : memref<2x32x768xf32, #tpu.memory_space<vmem>>, vector<1x1x16xf32>,
      %get3A_268 = vector.shape_cast %get3A_267 : vector<1x1x16xf32> to vector<16xf32>
      %swap3A_269 = arith.constant 0 : i32
      %swap3A_270 = arith.index_cast %swap3A_269 : i32 to index
      %swap3A_271 = arith.index_cast %scan3A_211 : i32 to index
      %swap3A_272 = arith.constant 64 : index
      %swap3A_273 = tpu.vector_load %arg8[%swap3A_270, %swap3A_271, %swap3A_272] {strides = array<i32>} : memref<2x32x768xf32, #tpu.memory_space<vmem>>, vector<1x1x16xf32>,
      %swap3A_274 = vector.shape_cast %swap3A_273 : vector<1x1x16xf32> to vector<16xf32>
      %swap3A_275 = vector.shape_cast %get3A_268 : vector<16xf32> to vector<1x1x16xf32>
      tpu.vector_store %arg8[%swap3A_270, %swap3A_271, %swap3A_272], %swap3A_275 {add = true, strides = array<i32>} : memref<2x32x768xf32, #tpu.memory_space<vmem>>, vector<1x1x16xf32>,
      %get3A_276 = arith.constant 0 : i32
      %get3A_277 = arith.index_cast %get3A_276 : i32 to index
      %get3A_278 = arith.index_cast %scan3A_211 : i32 to index
      %get3A_279 = arith.constant 80 : index
      %get3A_280 = tpu.vector_load %arg7[%get3A_277, %get3A_278, %get3A_279] {strides = array<i32>} : memref<2x32x768xf32, #tpu.memory_space<vmem>>, vector<1x1x16xf32>,
      %get3A_281 = vector.shape_cast %get3A_280 : vector<1x1x16xf32> to vector<16xf32>
      %swap3A_282 = arith.constant 0 : i32
      %swap3A_283 = arith.index_cast %swap3A_282 : i32 to index
      %swap3A_284 = arith.index_cast %scan3A_211 : i32 to index
      %swap3A_285 = arith.constant 80 : index
      %swap3A_286 = tpu.vector_load %arg8[%swap3A_283, %swap3A_284, %swap3A_285] {strides = array<i32>} : memref<2x32x768xf32, #tpu.memory_space<vmem>>, vector<1x1x16xf32>,
      %swap3A_287 = vector.shape_cast %swap3A_286 : vector<1x1x16xf32> to vector<16xf32>
      %swap3A_288 = vector.shape_cast %get3A_281 : vector<16xf32> to vector<1x1x16xf32>
      tpu.vector_store %arg8[%swap3A_283, %swap3A_284, %swap3A_285], %swap3A_288 {add = true, strides = array<i32>} : memref<2x32x768xf32, #tpu.memory_space<vmem>>, vector<1x1x16xf32>,
      %get3A_289 = arith.constant 0 : i32
      %get3A_290 = arith.index_cast %get3A_289 : i32 to index
      %get3A_291 = arith.index_cast %scan3A_211 : i32 to index
      %get3A_292 = arith.constant 96 : index
      %get3A_293 = tpu.vector_load %arg7[%get3A_290, %get3A_291, %get3A_292] {strides = array<i32>} : memref<2x32x768xf32, #tpu.memory_space<vmem>>, vector<1x1x16xf32>,
      %get3A_294 = vector.shape_cast %get3A_293 : vector<1x1x16xf32> to vector<16xf32>
      %swap3A_295 = arith.constant 0 : i32
      %swap3A_296 = arith.index_cast %swap3A_295 : i32 to index
      %swap3A_297 = arith.index_cast %scan3A_211 : i32 to index
      %swap3A_298 = arith.constant 96 : index
      %swap3A_299 = tpu.vector_load %arg8[%swap3A_296, %swap3A_297, %swap3A_298] {strides = array<i32>} : memref<2x32x768xf32, #tpu.memory_space<vmem>>, vector<1x1x16xf32>,
      %swap3A_300 = vector.shape_cast %swap3A_299 : vector<1x1x16xf32> to vector<16xf32>
      %swap3A_301 = vector.shape_cast %get3A_294 : vector<16xf32> to vector<1x1x16xf32>
      tpu.vector_store %arg8[%swap3A_296, %swap3A_297, %swap3A_298], %swap3A_301 {add = true, strides = array<i32>} : memref<2x32x768xf32, #tpu.memory_space<vmem>>, vector<1x1x16xf32>,
      %get3A_302 = arith.constant 0 : i32
      %get3A_303 = arith.index_cast %get3A_302 : i32 to index
      %get3A_304 = arith.index_cast %scan3A_211 : i32 to index
      %get3A_305 = arith.constant 112 : index
      %get3A_306 = tpu.vector_load %arg7[%get3A_303, %get3A_304, %get3A_305] {strides = array<i32>} : memref<2x32x768xf32, #tpu.memory_space<vmem>>, vector<1x1x16xf32>,
      %get3A_307 = vector.shape_cast %get3A_306 : vector<1x1x16xf32> to vector<16xf32>
      %swap3A_308 = arith.constant 0 : i32
      %swap3A_309 = arith.index_cast %swap3A_308 : i32 to index
      %swap3A_310 = arith.index_cast %scan3A_211 : i32 to index
      %swap3A_311 = arith.constant 112 : index
      %swap3A_312 = tpu.vector_load %arg8[%swap3A_309, %swap3A_310, %swap3A_311] {strides = array<i32>} : memref<2x32x768xf32, #tpu.memory_space<vmem>>, vector<1x1x16xf32>,
      %swap3A_313 = vector.shape_cast %swap3A_312 : vector<1x1x16xf32> to vector<16xf32>
      %swap3A_314 = vector.shape_cast %get3A_307 : vector<16xf32> to vector<1x1x16xf32>
      tpu.vector_store %arg8[%swap3A_309, %swap3A_310, %swap3A_311], %swap3A_314 {add = true, strides = array<i32>} : memref<2x32x768xf32, #tpu.memory_space<vmem>>, vector<1x1x16xf32>,
      %get3A_315 = arith.constant 0 : i32
      %get3A_316 = arith.index_cast %get3A_315 : i32 to index
      %get3A_317 = arith.index_cast %scan3A_211 : i32 to index
      %get3A_318 = arith.constant 128 : index
      %get3A_319 = tpu.vector_load %arg7[%get3A_316, %get3A_317, %get3A_318] {strides = array<i32>} : memref<2x32x768xf32, #tpu.memory_space<vmem>>, vector<1x1x16xf32>,
      %get3A_320 = vector.shape_cast %get3A_319 : vector<1x1x16xf32> to vector<16xf32>
      %swap3A_321 = arith.constant 0 : i32
      %swap3A_322 = arith.index_cast %swap3A_321 : i32 to index
      %swap3A_323 = arith.index_cast %scan3A_211 : i32 to index
      %swap3A_324 = arith.constant 128 : index
      %swap3A_325 = tpu.vector_load %arg8[%swap3A_322, %swap3A_323, %swap3A_324] {strides = array<i32>} : memref<2x32x768xf32, #tpu.memory_space<vmem>>, vector<1x1x16xf32>,
      %swap3A_326 = vector.shape_cast %swap3A_325 : vector<1x1x16xf32> to vector<16xf32>
      %swap3A_327 = vector.shape_cast %get3A_320 : vector<16xf32> to vector<1x1x16xf32>
      tpu.vector_store %arg8[%swap3A_322, %swap3A_323, %swap3A_324], %swap3A_327 {add = true, strides = array<i32>} : memref<2x32x768xf32, #tpu.memory_space<vmem>>, vector<1x1x16xf32>,
      %get3A_328 = arith.constant 0 : i32
      %get3A_329 = arith.index_cast %get3A_328 : i32 to index
      %get3A_330 = arith.index_cast %scan3A_211 : i32 to index
      %get3A_331 = arith.constant 144 : index
      %get3A_332 = tpu.vector_load %arg7[%get3A_329, %get3A_330, %get3A_331] {strides = array<i32>} : memref<2x32x768xf32, #tpu.memory_space<vmem>>, vector<1x1x16xf32>,
      %get3A_333 = vector.shape_cast %get3A_332 : vector<1x1x16xf32> to vector<16xf32>
      %swap3A_334 = arith.constant 0 : i32
      %swap3A_335 = arith.index_cast %swap3A_334 : i32 to index
      %swap3A_336 = arith.index_cast %scan3A_211 : i32 to index
      %swap3A_337 = arith.constant 144 : index
      %swap3A_338 = tpu.vector_load %arg8[%swap3A_335, %swap3A_336, %swap3A_337] {strides = array<i32>} : memref<2x32x768xf32, #tpu.memory_space<vmem>>, vector<1x1x16xf32>,
      %swap3A_339 = vector.shape_cast %swap3A_338 : vector<1x1x16xf32> to vector<16xf32>
      %swap3A_340 = vector.shape_cast %get3A_333 : vector<16xf32> to vector<1x1x16xf32>
      tpu.vector_store %arg8[%swap3A_335, %swap3A_336, %swap3A_337], %swap3A_340 {add = true, strides = array<i32>} : memref<2x32x768xf32, #tpu.memory_space<vmem>>, vector<1x1x16xf32>,
      %get3A_341 = arith.constant 0 : i32
      %get3A_342 = arith.index_cast %get3A_341 : i32 to index
      %get3A_343 = arith.index_cast %scan3A_211 : i32 to index
      %get3A_344 = arith.constant 160 : index
      %get3A_345 = tpu.vector_load %arg7[%get3A_342, %get3A_343, %get3A_344] {strides = array<i32>} : memref<2x32x768xf32, #tpu.memory_space<vmem>>, vector<1x1x16xf32>,
      %get3A_346 = vector.shape_cast %get3A_345 : vector<1x1x16xf32> to vector<16xf32>
      %swap3A_347 = arith.constant 0 : i32
      %swap3A_348 = arith.index_cast %swap3A_347 : i32 to index
      %swap3A_349 = arith.index_cast %scan3A_211 : i32 to index
      %swap3A_350 = arith.constant 160 : index
      %swap3A_351 = tpu.vector_load %arg8[%swap3A_348, %swap3A_349, %swap3A_350] {strides = array<i32>} : memref<2x32x768xf32, #tpu.memory_space<vmem>>, vector<1x1x16xf32>,
      %swap3A_352 = vector.shape_cast %swap3A_351 : vector<1x1x16xf32> to vector<16xf32>
      %swap3A_353 = vector.shape_cast %get3A_346 : vector<16xf32> to vector<1x1x16xf32>
      tpu.vector_store %arg8[%swap3A_348, %swap3A_349, %swap3A_350], %swap3A_353 {add = true, strides = array<i32>} : memref<2x32x768xf32, #tpu.memory_space<vmem>>, vector<1x1x16xf32>,
      %get3A_354 = arith.constant 0 : i32
      %get3A_355 = arith.index_cast %get3A_354 : i32 to index
      %get3A_356 = arith.index_cast %scan3A_211 : i32 to index
      %get3A_357 = arith.constant 176 : index
      %get3A_358 = tpu.vector_load %arg7[%get3A_355, %get3A_356, %get3A_357] {strides = array<i32>} : memref<2x32x768xf32, #tpu.memory_space<vmem>>, vector<1x1x16xf32>,
      %get3A_359 = vector.shape_cast %get3A_358 : vector<1x1x16xf32> to vector<16xf32>
      %swap3A_360 = arith.constant 0 : i32
      %swap3A_361 = arith.index_cast %swap3A_360 : i32 to index
      %swap3A_362 = arith.index_cast %scan3A_211 : i32 to index
      %swap3A_363 = arith.constant 176 : index
      %swap3A_364 = tpu.vector_load %arg8[%swap3A_361, %swap3A_362, %swap3A_363] {strides = array<i32>} : memref<2x32x768xf32, #tpu.memory_space<vmem>>, vector<1x1x16xf32>,
      %swap3A_365 = vector.shape_cast %swap3A_364 : vector<1x1x16xf32> to vector<16xf32>
      %swap3A_366 = vector.shape_cast %get3A_359 : vector<16xf32> to vector<1x1x16xf32>
      tpu.vector_store %arg8[%swap3A_361, %swap3A_362, %swap3A_363], %swap3A_366 {add = true, strides = array<i32>} : memref<2x32x768xf32, #tpu.memory_space<vmem>>, vector<1x1x16xf32>,
      %get3A_367 = arith.constant 0 : i32
      %get3A_368 = arith.index_cast %get3A_367 : i32 to index
      %get3A_369 = arith.index_cast %scan3A_211 : i32 to index
      %get3A_370 = arith.constant 192 : index
      %get3A_371 = tpu.vector_load %arg7[%get3A_368, %get3A_369, %get3A_370] {strides = array<i32>} : memref<2x32x768xf32, #tpu.memory_space<vmem>>, vector<1x1x16xf32>,
      %get3A_372 = vector.shape_cast %get3A_371 : vector<1x1x16xf32> to vector<16xf32>
      %swap3A_373 = arith.constant 0 : i32
      %swap3A_374 = arith.index_cast %swap3A_373 : i32 to index
      %swap3A_375 = arith.index_cast %scan3A_211 : i32 to index
      %swap3A_376 = arith.constant 192 : index
      %swap3A_377 = tpu.vector_load %arg8[%swap3A_374, %swap3A_375, %swap3A_376] {strides = array<i32>} : memref<2x32x768xf32, #tpu.memory_space<vmem>>, vector<1x1x16xf32>,
      %swap3A_378 = vector.shape_cast %swap3A_377 : vector<1x1x16xf32> to vector<16xf32>
      %swap3A_379 = vector.shape_cast %get3A_372 : vector<16xf32> to vector<1x1x16xf32>
      tpu.vector_store %arg8[%swap3A_374, %swap3A_375, %swap3A_376], %swap3A_379 {add = true, strides = array<i32>} : memref<2x32x768xf32, #tpu.memory_space<vmem>>, vector<1x1x16xf32>,
      %get3A_380 = arith.constant 0 : i32
      %get3A_381 = arith.index_cast %get3A_380 : i32 to index
      %get3A_382 = arith.index_cast %scan3A_211 : i32 to index
      %get3A_383 = arith.constant 208 : index
      %get3A_384 = tpu.vector_load %arg7[%get3A_381, %get3A_382, %get3A_383] {strides = array<i32>} : memref<2x32x768xf32, #tpu.memory_space<vmem>>, vector<1x1x16xf32>,
      %get3A_385 = vector.shape_cast %get3A_384 : vector<1x1x16xf32> to vector<16xf32>
      %swap3A_386 = arith.constant 0 : i32
      %swap3A_387 = arith.index_cast %swap3A_386 : i32 to index
      %swap3A_388 = arith.index_cast %scan3A_211 : i32 to index
      %swap3A_389 = arith.constant 208 : index
      %swap3A_390 = tpu.vector_load %arg8[%swap3A_387, %swap3A_388, %swap3A_389] {strides = array<i32>} : memref<2x32x768xf32, #tpu.memory_space<vmem>>, vector<1x1x16xf32>,
      %swap3A_391 = vector.shape_cast %swap3A_390 : vector<1x1x16xf32> to vector<16xf32>
      %swap3A_392 = vector.shape_cast %get3A_385 : vector<16xf32> to vector<1x1x16xf32>
      tpu.vector_store %arg8[%swap3A_387, %swap3A_388, %swap3A_389], %swap3A_392 {add = true, strides = array<i32>} : memref<2x32x768xf32, #tpu.memory_space<vmem>>, vector<1x1x16xf32>,
      %get3A_393 = arith.constant 0 : i32
      %get3A_394 = arith.index_cast %get3A_393 : i32 to index
      %get3A_395 = arith.index_cast %scan3A_211 : i32 to index
      %get3A_396 = arith.constant 224 : index
      %get3A_397 = tpu.vector_load %arg7[%get3A_394, %get3A_395, %get3A_396] {strides = array<i32>} : memref<2x32x768xf32, #tpu.memory_space<vmem>>, vector<1x1x16xf32>,
      %get3A_398 = vector.shape_cast %get3A_397 : vector<1x1x16xf32> to vector<16xf32>
      %swap3A_399 = arith.constant 0 : i32
      %swap3A_400 = arith.index_cast %swap3A_399 : i32 to index
      %swap3A_401 = arith.index_cast %scan3A_211 : i32 to index
      %swap3A_402 = arith.constant 224 : index
      %swap3A_403 = tpu.vector_load %arg8[%swap3A_400, %swap3A_401, %swap3A_402] {strides = array<i32>} : memref<2x32x768xf32, #tpu.memory_space<vmem>>, vector<1x1x16xf32>,
      %swap3A_404 = vector.shape_cast %swap3A_403 : vector<1x1x16xf32> to vector<16xf32>
      %swap3A_405 = vector.shape_cast %get3A_398 : vector<16xf32> to vector<1x1x16xf32>
      tpu.vector_store %arg8[%swap3A_400, %swap3A_401, %swap3A_402], %swap3A_405 {add = true, strides = array<i32>} : memref<2x32x768xf32, #tpu.memory_space<vmem>>, vector<1x1x16xf32>,
      %get3A_406 = arith.constant 0 : i32
      %get3A_407 = arith.index_cast %get3A_406 : i32 to index
      %get3A_408 = arith.index_cast %scan3A_211 : i32 to index
      %get3A_409 = arith.constant 240 : index
      %get3A_410 = tpu.vector_load %arg7[%get3A_407, %get3A_408, %get3A_409] {strides = array<i32>} : memref<2x32x768xf32, #tpu.memory_space<vmem>>, vector<1x1x16xf32>,
      %get3A_411 = vector.shape_cast %get3A_410 : vector<1x1x16xf32> to vector<16xf32>
      %swap3A_412 = arith.constant 0 : i32
      %swap3A_413 = arith.index_cast %swap3A_412 : i32 to index
      %swap3A_414 = arith.index_cast %scan3A_211 : i32 to index
      %swap3A_415 = arith.constant 240 : index
      %swap3A_416 = tpu.vector_load %arg8[%swap3A_413, %swap3A_414, %swap3A_415] {strides = array<i32>} : memref<2x32x768xf32, #tpu.memory_space<vmem>>, vector<1x1x16xf32>,
      %swap3A_417 = vector.shape_cast %swap3A_416 : vector<1x1x16xf32> to vector<16xf32>
      %swap3A_418 = vector.shape_cast %get3A_411 : vector<16xf32> to vector<1x1x16xf32>
      tpu.vector_store %arg8[%swap3A_413, %swap3A_414, %swap3A_415], %swap3A_418 {add = true, strides = array<i32>} : memref<2x32x768xf32, #tpu.memory_space<vmem>>, vector<1x1x16xf32>,
      %get3A_419 = arith.constant 0 : i32
      %get3A_420 = arith.index_cast %get3A_419 : i32 to index
      %get3A_421 = arith.index_cast %scan3A_211 : i32 to index
      %get3A_422 = arith.constant 256 : index
      %get3A_423 = tpu.vector_load %arg7[%get3A_420, %get3A_421, %get3A_422] {strides = array<i32>} : memref<2x32x768xf32, #tpu.memory_space<vmem>>, vector<1x1x16xf32>,
      %get3A_424 = vector.shape_cast %get3A_423 : vector<1x1x16xf32> to vector<16xf32>
      %swap3A_425 = arith.constant 0 : i32
      %swap3A_426 = arith.index_cast %swap3A_425 : i32 to index
      %swap3A_427 = arith.index_cast %scan3A_211 : i32 to index
      %swap3A_428 = arith.constant 256 : index
      %swap3A_429 = tpu.vector_load %arg8[%swap3A_426, %swap3A_427, %swap3A_428] {strides = array<i32>} : memref<2x32x768xf32, #tpu.memory_space<vmem>>, vector<1x1x16xf32>,
      %swap3A_430 = vector.shape_cast %swap3A_429 : vector<1x1x16xf32> to vector<16xf32>
      %swap3A_431 = vector.shape_cast %get3A_424 : vector<16xf32> to vector<1x1x16xf32>
      tpu.vector_store %arg8[%swap3A_426, %swap3A_427, %swap3A_428], %swap3A_431 {add = true, strides = array<i32>} : memref<2x32x768xf32, #tpu.memory_space<vmem>>, vector<1x1x16xf32>,
      %get3A_432 = arith.constant 0 : i32
      %get3A_433 = arith.index_cast %get3A_432 : i32 to index
      %get3A_434 = arith.index_cast %scan3A_211 : i32 to index
      %get3A_435 = arith.constant 272 : index
      %get3A_436 = tpu.vector_load %arg7[%get3A_433, %get3A_434, %get3A_435] {strides = array<i32>} : memref<2x32x768xf32, #tpu.memory_space<vmem>>, vector<1x1x16xf32>,
      %get3A_437 = vector.shape_cast %get3A_436 : vector<1x1x16xf32> to vector<16xf32>
      %swap3A_438 = arith.constant 0 : i32
      %swap3A_439 = arith.index_cast %swap3A_438 : i32 to index
      %swap3A_440 = arith.index_cast %scan3A_211 : i32 to index
      %swap3A_441 = arith.constant 272 : index
      %swap3A_442 = tpu.vector_load %arg8[%swap3A_439, %swap3A_440, %swap3A_441] {strides = array<i32>} : memref<2x32x768xf32, #tpu.memory_space<vmem>>, vector<1x1x16xf32>,
      %swap3A_443 = vector.shape_cast %swap3A_442 : vector<1x1x16xf32> to vector<16xf32>
      %swap3A_444 = vector.shape_cast %get3A_437 : vector<16xf32> to vector<1x1x16xf32>
      tpu.vector_store %arg8[%swap3A_439, %swap3A_440, %swap3A_441], %swap3A_444 {add = true, strides = array<i32>} : memref<2x32x768xf32, #tpu.memory_space<vmem>>, vector<1x1x16xf32>,
      %get3A_445 = arith.constant 0 : i32
      %get3A_446 = arith.index_cast %get3A_445 : i32 to index
      %get3A_447 = arith.index_cast %scan3A_211 : i32 to index
      %get3A_448 = arith.constant 288 : index
      %get3A_449 = tpu.vector_load %arg7[%get3A_446, %get3A_447, %get3A_448] {strides = array<i32>} : memref<2x32x768xf32, #tpu.memory_space<vmem>>, vector<1x1x16xf32>,
      %get3A_450 = vector.shape_cast %get3A_449 : vector<1x1x16xf32> to vector<16xf32>
      %swap3A_451 = arith.constant 0 : i32
      %swap3A_452 = arith.index_cast %swap3A_451 : i32 to index
      %swap3A_453 = arith.index_cast %scan3A_211 : i32 to index
      %swap3A_454 = arith.constant 288 : index
      %swap3A_455 = tpu.vector_load %arg8[%swap3A_452, %swap3A_453, %swap3A_454] {strides = array<i32>} : memref<2x32x768xf32, #tpu.memory_space<vmem>>, vector<1x1x16xf32>,
      %swap3A_456 = vector.shape_cast %swap3A_455 : vector<1x1x16xf32> to vector<16xf32>
      %swap3A_457 = vector.shape_cast %get3A_450 : vector<16xf32> to vector<1x1x16xf32>
      tpu.vector_store %arg8[%swap3A_452, %swap3A_453, %swap3A_454], %swap3A_457 {add = true, strides = array<i32>} : memref<2x32x768xf32, #tpu.memory_space<vmem>>, vector<1x1x16xf32>,
      %get3A_458 = arith.constant 0 : i32
      %get3A_459 = arith.index_cast %get3A_458 : i32 to index
      %get3A_460 = arith.index_cast %scan3A_211 : i32 to index
      %get3A_461 = arith.constant 304 : index
      %get3A_462 = tpu.vector_load %arg7[%get3A_459, %get3A_460, %get3A_461] {strides = array<i32>} : memref<2x32x768xf32, #tpu.memory_space<vmem>>, vector<1x1x16xf32>,
      %get3A_463 = vector.shape_cast %get3A_462 : vector<1x1x16xf32> to vector<16xf32>
      %swap3A_464 = arith.constant 0 : i32
      %swap3A_465 = arith.index_cast %swap3A_464 : i32 to index
      %swap3A_466 = arith.index_cast %scan3A_211 : i32 to index
      %swap3A_467 = arith.constant 304 : index
      %swap3A_468 = tpu.vector_load %arg8[%swap3A_465, %swap3A_466, %swap3A_467] {strides = array<i32>} : memref<2x32x768xf32, #tpu.memory_space<vmem>>, vector<1x1x16xf32>,
      %swap3A_469 = vector.shape_cast %swap3A_468 : vector<1x1x16xf32> to vector<16xf32>
      %swap3A_470 = vector.shape_cast %get3A_463 : vector<16xf32> to vector<1x1x16xf32>
      tpu.vector_store %arg8[%swap3A_465, %swap3A_466, %swap3A_467], %swap3A_470 {add = true, strides = array<i32>} : memref<2x32x768xf32, #tpu.memory_space<vmem>>, vector<1x1x16xf32>,
      %get3A_471 = arith.constant 0 : i32
      %get3A_472 = arith.index_cast %get3A_471 : i32 to index
      %get3A_473 = arith.index_cast %scan3A_211 : i32 to index
      %get3A_474 = arith.constant 320 : index
      %get3A_475 = tpu.vector_load %arg7[%get3A_472, %get3A_473, %get3A_474] {strides = array<i32>} : memref<2x32x768xf32, #tpu.memory_space<vmem>>, vector<1x1x16xf32>,
      %get3A_476 = vector.shape_cast %get3A_475 : vector<1x1x16xf32> to vector<16xf32>
      %swap3A_477 = arith.constant 0 : i32
      %swap3A_478 = arith.index_cast %swap3A_477 : i32 to index
      %swap3A_479 = arith.index_cast %scan3A_211 : i32 to index
      %swap3A_480 = arith.constant 320 : index
      %swap3A_481 = tpu.vector_load %arg8[%swap3A_478, %swap3A_479, %swap3A_480] {strides = array<i32>} : memref<2x32x768xf32, #tpu.memory_space<vmem>>, vector<1x1x16xf32>,
      %swap3A_482 = vector.shape_cast %swap3A_481 : vector<1x1x16xf32> to vector<16xf32>
      %swap3A_483 = vector.shape_cast %get3A_476 : vector<16xf32> to vector<1x1x16xf32>
      tpu.vector_store %arg8[%swap3A_478, %swap3A_479, %swap3A_480], %swap3A_483 {add = true, strides = array<i32>} : memref<2x32x768xf32, #tpu.memory_space<vmem>>, vector<1x1x16xf32>,
      %get3A_484 = arith.constant 0 : i32
      %get3A_485 = arith.index_cast %get3A_484 : i32 to index
      %get3A_486 = arith.index_cast %scan3A_211 : i32 to index
      %get3A_487 = arith.constant 336 : index
      %get3A_488 = tpu.vector_load %arg7[%get3A_485, %get3A_486, %get3A_487] {strides = array<i32>} : memref<2x32x768xf32, #tpu.memory_space<vmem>>, vector<1x1x16xf32>,
      %get3A_489 = vector.shape_cast %get3A_488 : vector<1x1x16xf32> to vector<16xf32>
      %swap3A_490 = arith.constant 0 : i32
      %swap3A_491 = arith.index_cast %swap3A_490 : i32 to index
      %swap3A_492 = arith.index_cast %scan3A_211 : i32 to index
      %swap3A_493 = arith.constant 336 : index
      %swap3A_494 = tpu.vector_load %arg8[%swap3A_491, %swap3A_492, %swap3A_493] {strides = array<i32>} : memref<2x32x768xf32, #tpu.memory_space<vmem>>, vector<1x1x16xf32>,
      %swap3A_495 = vector.shape_cast %swap3A_494 : vector<1x1x16xf32> to vector<16xf32>
      %swap3A_496 = vector.shape_cast %get3A_489 : vector<16xf32> to vector<1x1x16xf32>
      tpu.vector_store %arg8[%swap3A_491, %swap3A_492, %swap3A_493], %swap3A_496 {add = true, strides = array<i32>} : memref<2x32x768xf32, #tpu.memory_space<vmem>>, vector<1x1x16xf32>,
      %get3A_497 = arith.constant 0 : i32
      %get3A_498 = arith.index_cast %get3A_497 : i32 to index
      %get3A_499 = arith.index_cast %scan3A_211 : i32 to index
      %get3A_500 = arith.constant 352 : index
      %get3A_501 = tpu.vector_load %arg7[%get3A_498, %get3A_499, %get3A_500] {strides = array<i32>} : memref<2x32x768xf32, #tpu.memory_space<vmem>>, vector<1x1x16xf32>,
      %get3A_502 = vector.shape_cast %get3A_501 : vector<1x1x16xf32> to vector<16xf32>
      %swap3A_503 = arith.constant 0 : i32
      %swap3A_504 = arith.index_cast %swap3A_503 : i32 to index
      %swap3A_505 = arith.index_cast %scan3A_211 : i32 to index
      %swap3A_506 = arith.constant 352 : index
      %swap3A_507 = tpu.vector_load %arg8[%swap3A_504, %swap3A_505, %swap3A_506] {strides = array<i32>} : memref<2x32x768xf32, #tpu.memory_space<vmem>>, vector<1x1x16xf32>,
      %swap3A_508 = vector.shape_cast %swap3A_507 : vector<1x1x16xf32> to vector<16xf32>
      %swap3A_509 = vector.shape_cast %get3A_502 : vector<16xf32> to vector<1x1x16xf32>
      tpu.vector_store %arg8[%swap3A_504, %swap3A_505, %swap3A_506], %swap3A_509 {add = true, strides = array<i32>} : memref<2x32x768xf32, #tpu.memory_space<vmem>>, vector<1x1x16xf32>,
      %get3A_510 = arith.constant 0 : i32
      %get3A_511 = arith.index_cast %get3A_510 : i32 to index
      %get3A_512 = arith.index_cast %scan3A_211 : i32 to index
      %get3A_513 = arith.constant 368 : index
      %get3A_514 = tpu.vector_load %arg7[%get3A_511, %get3A_512, %get3A_513] {strides = array<i32>} : memref<2x32x768xf32, #tpu.memory_space<vmem>>, vector<1x1x16xf32>,
      %get3A_515 = vector.shape_cast %get3A_514 : vector<1x1x16xf32> to vector<16xf32>
      %swap3A_516 = arith.constant 0 : i32
      %swap3A_517 = arith.index_cast %swap3A_516 : i32 to index
      %swap3A_518 = arith.index_cast %scan3A_211 : i32 to index
      %swap3A_519 = arith.constant 368 : index
      %swap3A_520 = tpu.vector_load %arg8[%swap3A_517, %swap3A_518, %swap3A_519] {strides = array<i32>} : memref<2x32x768xf32, #tpu.memory_space<vmem>>, vector<1x1x16xf32>,
      %swap3A_521 = vector.shape_cast %swap3A_520 : vector<1x1x16xf32> to vector<16xf32>
      %swap3A_522 = vector.shape_cast %get3A_515 : vector<16xf32> to vector<1x1x16xf32>
      tpu.vector_store %arg8[%swap3A_517, %swap3A_518, %swap3A_519], %swap3A_522 {add = true, strides = array<i32>} : memref<2x32x768xf32, #tpu.memory_space<vmem>>, vector<1x1x16xf32>,
      %get3A_523 = arith.constant 0 : i32
      %get3A_524 = arith.index_cast %get3A_523 : i32 to index
      %get3A_525 = arith.index_cast %scan3A_211 : i32 to index
      %get3A_526 = arith.constant 384 : index
      %get3A_527 = tpu.vector_load %arg7[%get3A_524, %get3A_525, %get3A_526] {strides = array<i32>} : memref<2x32x768xf32, #tpu.memory_space<vmem>>, vector<1x1x16xf32>,
      %get3A_528 = vector.shape_cast %get3A_527 : vector<1x1x16xf32> to vector<16xf32>
      %swap3A_529 = arith.constant 0 : i32
      %swap3A_530 = arith.index_cast %swap3A_529 : i32 to index
      %swap3A_531 = arith.index_cast %scan3A_211 : i32 to index
      %swap3A_532 = arith.constant 384 : index
      %swap3A_533 = tpu.vector_load %arg8[%swap3A_530, %swap3A_531, %swap3A_532] {strides = array<i32>} : memref<2x32x768xf32, #tpu.memory_space<vmem>>, vector<1x1x16xf32>,
      %swap3A_534 = vector.shape_cast %swap3A_533 : vector<1x1x16xf32> to vector<16xf32>
      %swap3A_535 = vector.shape_cast %get3A_528 : vector<16xf32> to vector<1x1x16xf32>
      tpu.vector_store %arg8[%swap3A_530, %swap3A_531, %swap3A_532], %swap3A_535 {add = true, strides = array<i32>} : memref<2x32x768xf32, #tpu.memory_space<vmem>>, vector<1x1x16xf32>,
      %get3A_536 = arith.constant 0 : i32
      %get3A_537 = arith.index_cast %get3A_536 : i32 to index
      %get3A_538 = arith.index_cast %scan3A_211 : i32 to index
      %get3A_539 = arith.constant 400 : index
      %get3A_540 = tpu.vector_load %arg7[%get3A_537, %get3A_538, %get3A_539] {strides = array<i32>} : memref<2x32x768xf32, #tpu.memory_space<vmem>>, vector<1x1x16xf32>,
      %get3A_541 = vector.shape_cast %get3A_540 : vector<1x1x16xf32> to vector<16xf32>
      %swap3A_542 = arith.constant 0 : i32
      %swap3A_543 = arith.index_cast %swap3A_542 : i32 to index
      %swap3A_544 = arith.index_cast %scan3A_211 : i32 to index
      %swap3A_545 = arith.constant 400 : index
      %swap3A_546 = tpu.vector_load %arg8[%swap3A_543, %swap3A_544, %swap3A_545] {strides = array<i32>} : memref<2x32x768xf32, #tpu.memory_space<vmem>>, vector<1x1x16xf32>,
      %swap3A_547 = vector.shape_cast %swap3A_546 : vector<1x1x16xf32> to vector<16xf32>
      %swap3A_548 = vector.shape_cast %get3A_541 : vector<16xf32> to vector<1x1x16xf32>
      tpu.vector_store %arg8[%swap3A_543, %swap3A_544, %swap3A_545], %swap3A_548 {add = true, strides = array<i32>} : memref<2x32x768xf32, #tpu.memory_space<vmem>>, vector<1x1x16xf32>,
      %get3A_549 = arith.constant 0 : i32
      %get3A_550 = arith.index_cast %get3A_549 : i32 to index
      %get3A_551 = arith.index_cast %scan3A_211 : i32 to index
      %get3A_552 = arith.constant 416 : index
      %get3A_553 = tpu.vector_load %arg7[%get3A_550, %get3A_551, %get3A_552] {strides = array<i32>} : memref<2x32x768xf32, #tpu.memory_space<vmem>>, vector<1x1x16xf32>,
      %get3A_554 = vector.shape_cast %get3A_553 : vector<1x1x16xf32> to vector<16xf32>
      %swap3A_555 = arith.constant 0 : i32
      %swap3A_556 = arith.index_cast %swap3A_555 : i32 to index
      %swap3A_557 = arith.index_cast %scan3A_211 : i32 to index
      %swap3A_558 = arith.constant 416 : index
      %swap3A_559 = tpu.vector_load %arg8[%swap3A_556, %swap3A_557, %swap3A_558] {strides = array<i32>} : memref<2x32x768xf32, #tpu.memory_space<vmem>>, vector<1x1x16xf32>,
      %swap3A_560 = vector.shape_cast %swap3A_559 : vector<1x1x16xf32> to vector<16xf32>
      %swap3A_561 = vector.shape_cast %get3A_554 : vector<16xf32> to vector<1x1x16xf32>
      tpu.vector_store %arg8[%swap3A_556, %swap3A_557, %swap3A_558], %swap3A_561 {add = true, strides = array<i32>} : memref<2x32x768xf32, #tpu.memory_space<vmem>>, vector<1x1x16xf32>,
      %get3A_562 = arith.constant 0 : i32
      %get3A_563 = arith.index_cast %get3A_562 : i32 to index
      %get3A_564 = arith.index_cast %scan3A_211 : i32 to index
      %get3A_565 = arith.constant 432 : index
      %get3A_566 = tpu.vector_load %arg7[%get3A_563, %get3A_564, %get3A_565] {strides = array<i32>} : memref<2x32x768xf32, #tpu.memory_space<vmem>>, vector<1x1x16xf32>,
      %get3A_567 = vector.shape_cast %get3A_566 : vector<1x1x16xf32> to vector<16xf32>
      %swap3A_568 = arith.constant 0 : i32
      %swap3A_569 = arith.index_cast %swap3A_568 : i32 to index
      %swap3A_570 = arith.index_cast %scan3A_211 : i32 to index
      %swap3A_571 = arith.constant 432 : index
      %swap3A_572 = tpu.vector_load %arg8[%swap3A_569, %swap3A_570, %swap3A_571] {strides = array<i32>} : memref<2x32x768xf32, #tpu.memory_space<vmem>>, vector<1x1x16xf32>,
      %swap3A_573 = vector.shape_cast %swap3A_572 : vector<1x1x16xf32> to vector<16xf32>
      %swap3A_574 = vector.shape_cast %get3A_567 : vector<16xf32> to vector<1x1x16xf32>
      tpu.vector_store %arg8[%swap3A_569, %swap3A_570, %swap3A_571], %swap3A_574 {add = true, strides = array<i32>} : memref<2x32x768xf32, #tpu.memory_space<vmem>>, vector<1x1x16xf32>,
      %get3A_575 = arith.constant 0 : i32
      %get3A_576 = arith.index_cast %get3A_575 : i32 to index
      %get3A_577 = arith.index_cast %scan3A_211 : i32 to index
      %get3A_578 = arith.constant 448 : index
      %get3A_579 = tpu.vector_load %arg7[%get3A_576, %get3A_577, %get3A_578] {strides = array<i32>} : memref<2x32x768xf32, #tpu.memory_space<vmem>>, vector<1x1x16xf32>,
      %get3A_580 = vector.shape_cast %get3A_579 : vector<1x1x16xf32> to vector<16xf32>
      %swap3A_581 = arith.constant 0 : i32
      %swap3A_582 = arith.index_cast %swap3A_581 : i32 to index
      %swap3A_583 = arith.index_cast %scan3A_211 : i32 to index
      %swap3A_584 = arith.constant 448 : index
      %swap3A_585 = tpu.vector_load %arg8[%swap3A_582, %swap3A_583, %swap3A_584] {strides = array<i32>} : memref<2x32x768xf32, #tpu.memory_space<vmem>>, vector<1x1x16xf32>,
      %swap3A_586 = vector.shape_cast %swap3A_585 : vector<1x1x16xf32> to vector<16xf32>
      %swap3A_587 = vector.shape_cast %get3A_580 : vector<16xf32> to vector<1x1x16xf32>
      tpu.vector_store %arg8[%swap3A_582, %swap3A_583, %swap3A_584], %swap3A_587 {add = true, strides = array<i32>} : memref<2x32x768xf32, #tpu.memory_space<vmem>>, vector<1x1x16xf32>,
      %get3A_588 = arith.constant 0 : i32
      %get3A_589 = arith.index_cast %get3A_588 : i32 to index
      %get3A_590 = arith.index_cast %scan3A_211 : i32 to index
      %get3A_591 = arith.constant 464 : index
      %get3A_592 = tpu.vector_load %arg7[%get3A_589, %get3A_590, %get3A_591] {strides = array<i32>} : memref<2x32x768xf32, #tpu.memory_space<vmem>>, vector<1x1x16xf32>,
      %get3A_593 = vector.shape_cast %get3A_592 : vector<1x1x16xf32> to vector<16xf32>
      %swap3A_594 = arith.constant 0 : i32
      %swap3A_595 = arith.index_cast %swap3A_594 : i32 to index
      %swap3A_596 = arith.index_cast %scan3A_211 : i32 to index
      %swap3A_597 = arith.constant 464 : index
      %swap3A_598 = tpu.vector_load %arg8[%swap3A_595, %swap3A_596, %swap3A_597] {strides = array<i32>} : memref<2x32x768xf32, #tpu.memory_space<vmem>>, vector<1x1x16xf32>,
      %swap3A_599 = vector.shape_cast %swap3A_598 : vector<1x1x16xf32> to vector<16xf32>
      %swap3A_600 = vector.shape_cast %get3A_593 : vector<16xf32> to vector<1x1x16xf32>
      tpu.vector_store %arg8[%swap3A_595, %swap3A_596, %swap3A_597], %swap3A_600 {add = true, strides = array<i32>} : memref<2x32x768xf32, #tpu.memory_space<vmem>>, vector<1x1x16xf32>,
      %get3A_601 = arith.constant 0 : i32
      %get3A_602 = arith.index_cast %get3A_601 : i32 to index
      %get3A_603 = arith.index_cast %scan3A_211 : i32 to index
      %get3A_604 = arith.constant 480 : index
      %get3A_605 = tpu.vector_load %arg7[%get3A_602, %get3A_603, %get3A_604] {strides = array<i32>} : memref<2x32x768xf32, #tpu.memory_space<vmem>>, vector<1x1x16xf32>,
      %get3A_606 = vector.shape_cast %get3A_605 : vector<1x1x16xf32> to vector<16xf32>
      %swap3A_607 = arith.constant 0 : i32
      %swap3A_608 = arith.index_cast %swap3A_607 : i32 to index
      %swap3A_609 = arith.index_cast %scan3A_211 : i32 to index
      %swap3A_610 = arith.constant 480 : index
      %swap3A_611 = tpu.vector_load %arg8[%swap3A_608, %swap3A_609, %swap3A_610] {strides = array<i32>} : memref<2x32x768xf32, #tpu.memory_space<vmem>>, vector<1x1x16xf32>,
      %swap3A_612 = vector.shape_cast %swap3A_611 : vector<1x1x16xf32> to vector<16xf32>
      %swap3A_613 = vector.shape_cast %get3A_606 : vector<16xf32> to vector<1x1x16xf32>
      tpu.vector_store %arg8[%swap3A_608, %swap3A_609, %swap3A_610], %swap3A_613 {add = true, strides = array<i32>} : memref<2x32x768xf32, #tpu.memory_space<vmem>>, vector<1x1x16xf32>,
      %get3A_614 = arith.constant 0 : i32
      %get3A_615 = arith.index_cast %get3A_614 : i32 to index
      %get3A_616 = arith.index_cast %scan3A_211 : i32 to index
      %get3A_617 = arith.constant 496 : index
      %get3A_618 = tpu.vector_load %arg7[%get3A_615, %get3A_616, %get3A_617] {strides = array<i32>} : memref<2x32x768xf32, #tpu.memory_space<vmem>>, vector<1x1x16xf32>,
      %get3A_619 = vector.shape_cast %get3A_618 : vector<1x1x16xf32> to vector<16xf32>
      %swap3A_620 = arith.constant 0 : i32
      %swap3A_621 = arith.index_cast %swap3A_620 : i32 to index
      %swap3A_622 = arith.index_cast %scan3A_211 : i32 to index
      %swap3A_623 = arith.constant 496 : index
      %swap3A_624 = tpu.vector_load %arg8[%swap3A_621, %swap3A_622, %swap3A_623] {strides = array<i32>} : memref<2x32x768xf32, #tpu.memory_space<vmem>>, vector<1x1x16xf32>,
      %swap3A_625 = vector.shape_cast %swap3A_624 : vector<1x1x16xf32> to vector<16xf32>
      %swap3A_626 = vector.shape_cast %get3A_619 : vector<16xf32> to vector<1x1x16xf32>
      tpu.vector_store %arg8[%swap3A_621, %swap3A_622, %swap3A_623], %swap3A_626 {add = true, strides = array<i32>} : memref<2x32x768xf32, #tpu.memory_space<vmem>>, vector<1x1x16xf32>,
      %get3A_627 = arith.constant 0 : i32
      %get3A_628 = arith.index_cast %get3A_627 : i32 to index
      %get3A_629 = arith.index_cast %scan3A_211 : i32 to index
      %get3A_630 = arith.constant 512 : index
      %get3A_631 = tpu.vector_load %arg7[%get3A_628, %get3A_629, %get3A_630] {strides = array<i32>} : memref<2x32x768xf32, #tpu.memory_space<vmem>>, vector<1x1x16xf32>,
      %get3A_632 = vector.shape_cast %get3A_631 : vector<1x1x16xf32> to vector<16xf32>
      %swap3A_633 = arith.constant 0 : i32
      %swap3A_634 = arith.index_cast %swap3A_633 : i32 to index
      %swap3A_635 = arith.index_cast %scan3A_211 : i32 to index
      %swap3A_636 = arith.constant 512 : index
      %swap3A_637 = tpu.vector_load %arg8[%swap3A_634, %swap3A_635, %swap3A_636] {strides = array<i32>} : memref<2x32x768xf32, #tpu.memory_space<vmem>>, vector<1x1x16xf32>,
      %swap3A_638 = vector.shape_cast %swap3A_637 : vector<1x1x16xf32> to vector<16xf32>
      %swap3A_639 = vector.shape_cast %get3A_632 : vector<16xf32> to vector<1x1x16xf32>
      tpu.vector_store %arg8[%swap3A_634, %swap3A_635, %swap3A_636], %swap3A_639 {add = true, strides = array<i32>} : memref<2x32x768xf32, #tpu.memory_space<vmem>>, vector<1x1x16xf32>,
      %get3A_640 = arith.constant 0 : i32
      %get3A_641 = arith.index_cast %get3A_640 : i32 to index
      %get3A_642 = arith.index_cast %scan3A_211 : i32 to index
      %get3A_643 = arith.constant 528 : index
      %get3A_644 = tpu.vector_load %arg7[%get3A_641, %get3A_642, %get3A_643] {strides = array<i32>} : memref<2x32x768xf32, #tpu.memory_space<vmem>>, vector<1x1x16xf32>,
      %get3A_645 = vector.shape_cast %get3A_644 : vector<1x1x16xf32> to vector<16xf32>
      %swap3A_646 = arith.constant 0 : i32
      %swap3A_647 = arith.index_cast %swap3A_646 : i32 to index
      %swap3A_648 = arith.index_cast %scan3A_211 : i32 to index
      %swap3A_649 = arith.constant 528 : index
      %swap3A_650 = tpu.vector_load %arg8[%swap3A_647, %swap3A_648, %swap3A_649] {strides = array<i32>} : memref<2x32x768xf32, #tpu.memory_space<vmem>>, vector<1x1x16xf32>,
      %swap3A_651 = vector.shape_cast %swap3A_650 : vector<1x1x16xf32> to vector<16xf32>
      %swap3A_652 = vector.shape_cast %get3A_645 : vector<16xf32> to vector<1x1x16xf32>
      tpu.vector_store %arg8[%swap3A_647, %swap3A_648, %swap3A_649], %swap3A_652 {add = true, strides = array<i32>} : memref<2x32x768xf32, #tpu.memory_space<vmem>>, vector<1x1x16xf32>,
      %get3A_653 = arith.constant 0 : i32
      %get3A_654 = arith.index_cast %get3A_653 : i32 to index
      %get3A_655 = arith.index_cast %scan3A_211 : i32 to index
      %get3A_656 = arith.constant 544 : index
      %get3A_657 = tpu.vector_load %arg7[%get3A_654, %get3A_655, %get3A_656] {strides = array<i32>} : memref<2x32x768xf32, #tpu.memory_space<vmem>>, vector<1x1x16xf32>,
      %get3A_658 = vector.shape_cast %get3A_657 : vector<1x1x16xf32> to vector<16xf32>
      %swap3A_659 = arith.constant 0 : i32
      %swap3A_660 = arith.index_cast %swap3A_659 : i32 to index
      %swap3A_661 = arith.index_cast %scan3A_211 : i32 to index
      %swap3A_662 = arith.constant 544 : index
      %swap3A_663 = tpu.vector_load %arg8[%swap3A_660, %swap3A_661, %swap3A_662] {strides = array<i32>} : memref<2x32x768xf32, #tpu.memory_space<vmem>>, vector<1x1x16xf32>,
      %swap3A_664 = vector.shape_cast %swap3A_663 : vector<1x1x16xf32> to vector<16xf32>
      %swap3A_665 = vector.shape_cast %get3A_658 : vector<16xf32> to vector<1x1x16xf32>
      tpu.vector_store %arg8[%swap3A_660, %swap3A_661, %swap3A_662], %swap3A_665 {add = true, strides = array<i32>} : memref<2x32x768xf32, #tpu.memory_space<vmem>>, vector<1x1x16xf32>,
      %get3A_666 = arith.constant 0 : i32
      %get3A_667 = arith.index_cast %get3A_666 : i32 to index
      %get3A_668 = arith.index_cast %scan3A_211 : i32 to index
      %get3A_669 = arith.constant 560 : index
      %get3A_670 = tpu.vector_load %arg7[%get3A_667, %get3A_668, %get3A_669] {strides = array<i32>} : memref<2x32x768xf32, #tpu.memory_space<vmem>>, vector<1x1x16xf32>,
      %get3A_671 = vector.shape_cast %get3A_670 : vector<1x1x16xf32> to vector<16xf32>
      %swap3A_672 = arith.constant 0 : i32
      %swap3A_673 = arith.index_cast %swap3A_672 : i32 to index
      %swap3A_674 = arith.index_cast %scan3A_211 : i32 to index
      %swap3A_675 = arith.constant 560 : index
      %swap3A_676 = tpu.vector_load %arg8[%swap3A_673, %swap3A_674, %swap3A_675] {strides = array<i32>} : memref<2x32x768xf32, #tpu.memory_space<vmem>>, vector<1x1x16xf32>,
      %swap3A_677 = vector.shape_cast %swap3A_676 : vector<1x1x16xf32> to vector<16xf32>
      %swap3A_678 = vector.shape_cast %get3A_671 : vector<16xf32> to vector<1x1x16xf32>
      tpu.vector_store %arg8[%swap3A_673, %swap3A_674, %swap3A_675], %swap3A_678 {add = true, strides = array<i32>} : memref<2x32x768xf32, #tpu.memory_space<vmem>>, vector<1x1x16xf32>,
      %get3A_679 = arith.constant 0 : i32
      %get3A_680 = arith.index_cast %get3A_679 : i32 to index
      %get3A_681 = arith.index_cast %scan3A_211 : i32 to index
      %get3A_682 = arith.constant 576 : index
      %get3A_683 = tpu.vector_load %arg7[%get3A_680, %get3A_681, %get3A_682] {strides = array<i32>} : memref<2x32x768xf32, #tpu.memory_space<vmem>>, vector<1x1x16xf32>,
      %get3A_684 = vector.shape_cast %get3A_683 : vector<1x1x16xf32> to vector<16xf32>
      %swap3A_685 = arith.constant 0 : i32
      %swap3A_686 = arith.index_cast %swap3A_685 : i32 to index
      %swap3A_687 = arith.index_cast %scan3A_211 : i32 to index
      %swap3A_688 = arith.constant 576 : index
      %swap3A_689 = tpu.vector_load %arg8[%swap3A_686, %swap3A_687, %swap3A_688] {strides = array<i32>} : memref<2x32x768xf32, #tpu.memory_space<vmem>>, vector<1x1x16xf32>,
      %swap3A_690 = vector.shape_cast %swap3A_689 : vector<1x1x16xf32> to vector<16xf32>
      %swap3A_691 = vector.shape_cast %get3A_684 : vector<16xf32> to vector<1x1x16xf32>
      tpu.vector_store %arg8[%swap3A_686, %swap3A_687, %swap3A_688], %swap3A_691 {add = true, strides = array<i32>} : memref<2x32x768xf32, #tpu.memory_space<vmem>>, vector<1x1x16xf32>,
      %get3A_692 = arith.constant 0 : i32
      %get3A_693 = arith.index_cast %get3A_692 : i32 to index
      %get3A_694 = arith.index_cast %scan3A_211 : i32 to index
      %get3A_695 = arith.constant 592 : index
      %get3A_696 = tpu.vector_load %arg7[%get3A_693, %get3A_694, %get3A_695] {strides = array<i32>} : memref<2x32x768xf32, #tpu.memory_space<vmem>>, vector<1x1x16xf32>,
      %get3A_697 = vector.shape_cast %get3A_696 : vector<1x1x16xf32> to vector<16xf32>
      %swap3A_698 = arith.constant 0 : i32
      %swap3A_699 = arith.index_cast %swap3A_698 : i32 to index
      %swap3A_700 = arith.index_cast %scan3A_211 : i32 to index
      %swap3A_701 = arith.constant 592 : index
      %swap3A_702 = tpu.vector_load %arg8[%swap3A_699, %swap3A_700, %swap3A_701] {strides = array<i32>} : memref<2x32x768xf32, #tpu.memory_space<vmem>>, vector<1x1x16xf32>,
      %swap3A_703 = vector.shape_cast %swap3A_702 : vector<1x1x16xf32> to vector<16xf32>
      %swap3A_704 = vector.shape_cast %get3A_697 : vector<16xf32> to vector<1x1x16xf32>
      tpu.vector_store %arg8[%swap3A_699, %swap3A_700, %swap3A_701], %swap3A_704 {add = true, strides = array<i32>} : memref<2x32x768xf32, #tpu.memory_space<vmem>>, vector<1x1x16xf32>,
      %get3A_705 = arith.constant 0 : i32
      %get3A_706 = arith.index_cast %get3A_705 : i32 to index
      %get3A_707 = arith.index_cast %scan3A_211 : i32 to index
      %get3A_708 = arith.constant 608 : index
      %get3A_709 = tpu.vector_load %arg7[%get3A_706, %get3A_707, %get3A_708] {strides = array<i32>} : memref<2x32x768xf32, #tpu.memory_space<vmem>>, vector<1x1x16xf32>,
      %get3A_710 = vector.shape_cast %get3A_709 : vector<1x1x16xf32> to vector<16xf32>
      %swap3A_711 = arith.constant 0 : i32
      %swap3A_712 = arith.index_cast %swap3A_711 : i32 to index
      %swap3A_713 = arith.index_cast %scan3A_211 : i32 to index
      %swap3A_714 = arith.constant 608 : index
      %swap3A_715 = tpu.vector_load %arg8[%swap3A_712, %swap3A_713, %swap3A_714] {strides = array<i32>} : memref<2x32x768xf32, #tpu.memory_space<vmem>>, vector<1x1x16xf32>,
      %swap3A_716 = vector.shape_cast %swap3A_715 : vector<1x1x16xf32> to vector<16xf32>
      %swap3A_717 = vector.shape_cast %get3A_710 : vector<16xf32> to vector<1x1x16xf32>
      tpu.vector_store %arg8[%swap3A_712, %swap3A_713, %swap3A_714], %swap3A_717 {add = true, strides = array<i32>} : memref<2x32x768xf32, #tpu.memory_space<vmem>>, vector<1x1x16xf32>,
      %get3A_718 = arith.constant 0 : i32
      %get3A_719 = arith.index_cast %get3A_718 : i32 to index
      %get3A_720 = arith.index_cast %scan3A_211 : i32 to index
      %get3A_721 = arith.constant 624 : index
      %get3A_722 = tpu.vector_load %arg7[%get3A_719, %get3A_720, %get3A_721] {strides = array<i32>} : memref<2x32x768xf32, #tpu.memory_space<vmem>>, vector<1x1x16xf32>,
      %get3A_723 = vector.shape_cast %get3A_722 : vector<1x1x16xf32> to vector<16xf32>
      %swap3A_724 = arith.constant 0 : i32
      %swap3A_725 = arith.index_cast %swap3A_724 : i32 to index
      %swap3A_726 = arith.index_cast %scan3A_211 : i32 to index
      %swap3A_727 = arith.constant 624 : index
      %swap3A_728 = tpu.vector_load %arg8[%swap3A_725, %swap3A_726, %swap3A_727] {strides = array<i32>} : memref<2x32x768xf32, #tpu.memory_space<vmem>>, vector<1x1x16xf32>,
      %swap3A_729 = vector.shape_cast %swap3A_728 : vector<1x1x16xf32> to vector<16xf32>
      %swap3A_730 = vector.shape_cast %get3A_723 : vector<16xf32> to vector<1x1x16xf32>
      tpu.vector_store %arg8[%swap3A_725, %swap3A_726, %swap3A_727], %swap3A_730 {add = true, strides = array<i32>} : memref<2x32x768xf32, #tpu.memory_space<vmem>>, vector<1x1x16xf32>,
      %get3A_731 = arith.constant 0 : i32
      %get3A_732 = arith.index_cast %get3A_731 : i32 to index
      %get3A_733 = arith.index_cast %scan3A_211 : i32 to index
      %get3A_734 = arith.constant 640 : index
      %get3A_735 = tpu.vector_load %arg7[%get3A_732, %get3A_733, %get3A_734] {strides = array<i32>} : memref<2x32x768xf32, #tpu.memory_space<vmem>>, vector<1x1x16xf32>,
      %get3A_736 = vector.shape_cast %get3A_735 : vector<1x1x16xf32> to vector<16xf32>
      %swap3A_737 = arith.constant 0 : i32
      %swap3A_738 = arith.index_cast %swap3A_737 : i32 to index
      %swap3A_739 = arith.index_cast %scan3A_211 : i32 to index
      %swap3A_740 = arith.constant 640 : index
      %swap3A_741 = tpu.vector_load %arg8[%swap3A_738, %swap3A_739, %swap3A_740] {strides = array<i32>} : memref<2x32x768xf32, #tpu.memory_space<vmem>>, vector<1x1x16xf32>,
      %swap3A_742 = vector.shape_cast %swap3A_741 : vector<1x1x16xf32> to vector<16xf32>
      %swap3A_743 = vector.shape_cast %get3A_736 : vector<16xf32> to vector<1x1x16xf32>
      tpu.vector_store %arg8[%swap3A_738, %swap3A_739, %swap3A_740], %swap3A_743 {add = true, strides = array<i32>} : memref<2x32x768xf32, #tpu.memory_space<vmem>>, vector<1x1x16xf32>,
      %get3A_744 = arith.constant 0 : i32
      %get3A_745 = arith.index_cast %get3A_744 : i32 to index
      %get3A_746 = arith.index_cast %scan3A_211 : i32 to index
      %get3A_747 = arith.constant 656 : index
      %get3A_748 = tpu.vector_load %arg7[%get3A_745, %get3A_746, %get3A_747] {strides = array<i32>} : memref<2x32x768xf32, #tpu.memory_space<vmem>>, vector<1x1x16xf32>,
      %get3A_749 = vector.shape_cast %get3A_748 : vector<1x1x16xf32> to vector<16xf32>
      %swap3A_750 = arith.constant 0 : i32
      %swap3A_751 = arith.index_cast %swap3A_750 : i32 to index
      %swap3A_752 = arith.index_cast %scan3A_211 : i32 to index
      %swap3A_753 = arith.constant 656 : index
      %swap3A_754 = tpu.vector_load %arg8[%swap3A_751, %swap3A_752, %swap3A_753] {strides = array<i32>} : memref<2x32x768xf32, #tpu.memory_space<vmem>>, vector<1x1x16xf32>,
      %swap3A_755 = vector.shape_cast %swap3A_754 : vector<1x1x16xf32> to vector<16xf32>
      %swap3A_756 = vector.shape_cast %get3A_749 : vector<16xf32> to vector<1x1x16xf32>
      tpu.vector_store %arg8[%swap3A_751, %swap3A_752, %swap3A_753], %swap3A_756 {add = true, strides = array<i32>} : memref<2x32x768xf32, #tpu.memory_space<vmem>>, vector<1x1x16xf32>,
      %get3A_757 = arith.constant 0 : i32
      %get3A_758 = arith.index_cast %get3A_757 : i32 to index
      %get3A_759 = arith.index_cast %scan3A_211 : i32 to index
      %get3A_760 = arith.constant 672 : index
      %get3A_761 = tpu.vector_load %arg7[%get3A_758, %get3A_759, %get3A_760] {strides = array<i32>} : memref<2x32x768xf32, #tpu.memory_space<vmem>>, vector<1x1x16xf32>,
      %get3A_762 = vector.shape_cast %get3A_761 : vector<1x1x16xf32> to vector<16xf32>
      %swap3A_763 = arith.constant 0 : i32
      %swap3A_764 = arith.index_cast %swap3A_763 : i32 to index
      %swap3A_765 = arith.index_cast %scan3A_211 : i32 to index
      %swap3A_766 = arith.constant 672 : index
      %swap3A_767 = tpu.vector_load %arg8[%swap3A_764, %swap3A_765, %swap3A_766] {strides = array<i32>} : memref<2x32x768xf32, #tpu.memory_space<vmem>>, vector<1x1x16xf32>,
      %swap3A_768 = vector.shape_cast %swap3A_767 : vector<1x1x16xf32> to vector<16xf32>
      %swap3A_769 = vector.shape_cast %get3A_762 : vector<16xf32> to vector<1x1x16xf32>
      tpu.vector_store %arg8[%swap3A_764, %swap3A_765, %swap3A_766], %swap3A_769 {add = true, strides = array<i32>} : memref<2x32x768xf32, #tpu.memory_space<vmem>>, vector<1x1x16xf32>,
      %get3A_770 = arith.constant 0 : i32
      %get3A_771 = arith.index_cast %get3A_770 : i32 to index
      %get3A_772 = arith.index_cast %scan3A_211 : i32 to index
      %get3A_773 = arith.constant 688 : index
      %get3A_774 = tpu.vector_load %arg7[%get3A_771, %get3A_772, %get3A_773] {strides = array<i32>} : memref<2x32x768xf32, #tpu.memory_space<vmem>>, vector<1x1x16xf32>,
      %get3A_775 = vector.shape_cast %get3A_774 : vector<1x1x16xf32> to vector<16xf32>
      %swap3A_776 = arith.constant 0 : i32
      %swap3A_777 = arith.index_cast %swap3A_776 : i32 to index
      %swap3A_778 = arith.index_cast %scan3A_211 : i32 to index
      %swap3A_779 = arith.constant 688 : index
      %swap3A_780 = tpu.vector_load %arg8[%swap3A_777, %swap3A_778, %swap3A_779] {strides = array<i32>} : memref<2x32x768xf32, #tpu.memory_space<vmem>>, vector<1x1x16xf32>,
      %swap3A_781 = vector.shape_cast %swap3A_780 : vector<1x1x16xf32> to vector<16xf32>
      %swap3A_782 = vector.shape_cast %get3A_775 : vector<16xf32> to vector<1x1x16xf32>
      tpu.vector_store %arg8[%swap3A_777, %swap3A_778, %swap3A_779], %swap3A_782 {add = true, strides = array<i32>} : memref<2x32x768xf32, #tpu.memory_space<vmem>>, vector<1x1x16xf32>,
      %get3A_783 = arith.constant 0 : i32
      %get3A_784 = arith.index_cast %get3A_783 : i32 to index
      %get3A_785 = arith.index_cast %scan3A_211 : i32 to index
      %get3A_786 = arith.constant 704 : index
      %get3A_787 = tpu.vector_load %arg7[%get3A_784, %get3A_785, %get3A_786] {strides = array<i32>} : memref<2x32x768xf32, #tpu.memory_space<vmem>>, vector<1x1x16xf32>,
      %get3A_788 = vector.shape_cast %get3A_787 : vector<1x1x16xf32> to vector<16xf32>
      %swap3A_789 = arith.constant 0 : i32
      %swap3A_790 = arith.index_cast %swap3A_789 : i32 to index
      %swap3A_791 = arith.index_cast %scan3A_211 : i32 to index
      %swap3A_792 = arith.constant 704 : index
      %swap3A_793 = tpu.vector_load %arg8[%swap3A_790, %swap3A_791, %swap3A_792] {strides = array<i32>} : memref<2x32x768xf32, #tpu.memory_space<vmem>>, vector<1x1x16xf32>,
      %swap3A_794 = vector.shape_cast %swap3A_793 : vector<1x1x16xf32> to vector<16xf32>
      %swap3A_795 = vector.shape_cast %get3A_788 : vector<16xf32> to vector<1x1x16xf32>
      tpu.vector_store %arg8[%swap3A_790, %swap3A_791, %swap3A_792], %swap3A_795 {add = true, strides = array<i32>} : memref<2x32x768xf32, #tpu.memory_space<vmem>>, vector<1x1x16xf32>,
      %get3A_796 = arith.constant 0 : i32
      %get3A_797 = arith.index_cast %get3A_796 : i32 to index
      %get3A_798 = arith.index_cast %scan3A_211 : i32 to index
      %get3A_799 = arith.constant 720 : index
      %get3A_800 = tpu.vector_load %arg7[%get3A_797, %get3A_798, %get3A_799] {strides = array<i32>} : memref<2x32x768xf32, #tpu.memory_space<vmem>>, vector<1x1x16xf32>,
      %get3A_801 = vector.shape_cast %get3A_800 : vector<1x1x16xf32> to vector<16xf32>
      %swap3A_802 = arith.constant 0 : i32
      %swap3A_803 = arith.index_cast %swap3A_802 : i32 to index
      %swap3A_804 = arith.index_cast %scan3A_211 : i32 to index
      %swap3A_805 = arith.constant 720 : index
      %swap3A_806 = tpu.vector_load %arg8[%swap3A_803, %swap3A_804, %swap3A_805] {strides = array<i32>} : memref<2x32x768xf32, #tpu.memory_space<vmem>>, vector<1x1x16xf32>,
      %swap3A_807 = vector.shape_cast %swap3A_806 : vector<1x1x16xf32> to vector<16xf32>
      %swap3A_808 = vector.shape_cast %get3A_801 : vector<16xf32> to vector<1x1x16xf32>
      tpu.vector_store %arg8[%swap3A_803, %swap3A_804, %swap3A_805], %swap3A_808 {add = true, strides = array<i32>} : memref<2x32x768xf32, #tpu.memory_space<vmem>>, vector<1x1x16xf32>,
      %get3A_809 = arith.constant 0 : i32
      %get3A_810 = arith.index_cast %get3A_809 : i32 to index
      %get3A_811 = arith.index_cast %scan3A_211 : i32 to index
      %get3A_812 = arith.constant 736 : index
      %get3A_813 = tpu.vector_load %arg7[%get3A_810, %get3A_811, %get3A_812] {strides = array<i32>} : memref<2x32x768xf32, #tpu.memory_space<vmem>>, vector<1x1x16xf32>,
      %get3A_814 = vector.shape_cast %get3A_813 : vector<1x1x16xf32> to vector<16xf32>
      %swap3A_815 = arith.constant 0 : i32
      %swap3A_816 = arith.index_cast %swap3A_815 : i32 to index
      %swap3A_817 = arith.index_cast %scan3A_211 : i32 to index
      %swap3A_818 = arith.constant 736 : index
      %swap3A_819 = tpu.vector_load %arg8[%swap3A_816, %swap3A_817, %swap3A_818] {strides = array<i32>} : memref<2x32x768xf32, #tpu.memory_space<vmem>>, vector<1x1x16xf32>,
      %swap3A_820 = vector.shape_cast %swap3A_819 : vector<1x1x16xf32> to vector<16xf32>
      %swap3A_821 = vector.shape_cast %get3A_814 : vector<16xf32> to vector<1x1x16xf32>
      tpu.vector_store %arg8[%swap3A_816, %swap3A_817, %swap3A_818], %swap3A_821 {add = true, strides = array<i32>} : memref<2x32x768xf32, #tpu.memory_space<vmem>>, vector<1x1x16xf32>,
      %get3A_822 = arith.constant 0 : i32
      %get3A_823 = arith.index_cast %get3A_822 : i32 to index
      %get3A_824 = arith.index_cast %scan3A_211 : i32 to index
      %get3A_825 = arith.constant 752 : index
      %get3A_826 = tpu.vector_load %arg7[%get3A_823, %get3A_824, %get3A_825] {strides = array<i32>} : memref<2x32x768xf32, #tpu.memory_space<vmem>>, vector<1x1x16xf32>,
      %get3A_827 = vector.shape_cast %get3A_826 : vector<1x1x16xf32> to vector<16xf32>
      %swap3A_828 = arith.constant 0 : i32
      %swap3A_829 = arith.index_cast %swap3A_828 : i32 to index
      %swap3A_830 = arith.index_cast %scan3A_211 : i32 to index
      %swap3A_831 = arith.constant 752 : index
      %swap3A_832 = tpu.vector_load %arg8[%swap3A_829, %swap3A_830, %swap3A_831] {strides = array<i32>} : memref<2x32x768xf32, #tpu.memory_space<vmem>>, vector<1x1x16xf32>,
      %swap3A_833 = vector.shape_cast %swap3A_832 : vector<1x1x16xf32> to vector<16xf32>
      %swap3A_834 = vector.shape_cast %get3A_827 : vector<16xf32> to vector<1x1x16xf32>
      tpu.vector_store %arg8[%swap3A_829, %swap3A_830, %swap3A_831], %swap3A_834 {add = true, strides = array<i32>} : memref<2x32x768xf32, #tpu.memory_space<vmem>>, vector<1x1x16xf32>,
      %scan3A_835 = arith.constant 0 : i32
      scf.yield %scan3A_835 : i32
    }
    %scan3A_101 = arith.constant 32 : i32
    %dma_start3A_102 = arith.constant 0 : i32
    %dma_start3A_103 = arith.constant 30 : i32
    %dma_start3A_104 = arith.constant 0 : i32
    %dma_start3A_105 = arith.constant 0 : i32
    %dma_start3A_106 = tpu.memref_slice %arg8[%dma_start3A_102, %dma_start3A_104, %dma_start3A_105] : memref<2x32x768xf32, #tpu.memory_space<vmem>> -> memref<1x32x768xf32, #tpu.memory_space<vmem>>
    %dma_start3A_107 = tpu.memref_squeeze %dma_start3A_106 : memref<1x32x768xf32, #tpu.memory_space<vmem>> -> memref<32x768xf32, #tpu.memory_space<vmem>>
    %dma_start3A_108 = arith.constant 0 : i32
    %dma_start3A_109 = arith.constant 0 : i32
    %dma_start3A_110 = tpu.memref_slice %arg5[%add3A, %dma_start3A_103, %dma_start3A_108, %dma_start3A_109] : memref<32x32x32x768xf32, #tpu.memory_space<hbm>> -> memref<1x1x32x768xf32, #tpu.memory_space<hbm>>
    %dma_start3A_111 = tpu.memref_squeeze %dma_start3A_110 : memref<1x1x32x768xf32, #tpu.memory_space<hbm>> -> memref<32x768xf32, #tpu.memory_space<hbm>>
    %dma_start3A_112 = arith.constant 0 : i32
    %dma_start3A_113 = arith.constant 0 : i32
    %dma_start3A_114 = tpu.memref_slice %arg5[%add3A, %dma_start3A_103, %dma_start3A_112, %dma_start3A_113] : memref<32x32x32x768xf32, #tpu.memory_space<hbm>> -> memref<1x1x32x768xf32, #tpu.memory_space<hbm>>
    %dma_start3A_115 = tpu.memref_squeeze %dma_start3A_114 : memref<1x1x32x768xf32, #tpu.memory_space<hbm>> -> memref<32x768xf32, #tpu.memory_space<hbm>>
    %dma_start3A_116 = arith.constant 0 : i32
    %dma_start3A_117 = arith.constant 0 : i32
    %dma_start3A_118 = tpu.memref_slice %arg8[%dma_start3A_102, %dma_start3A_116, %dma_start3A_117] : memref<2x32x768xf32, #tpu.memory_space<vmem>> -> memref<1x32x768xf32, #tpu.memory_space<vmem>>
    %dma_start3A_119 = tpu.memref_squeeze %dma_start3A_118 : memref<1x32x768xf32, #tpu.memory_space<vmem>> -> memref<32x768xf32, #tpu.memory_space<vmem>>
    tpu.enqueue_dma source(%dma_start3A_119 : memref<32x768xf32, #tpu.memory_space<vmem>>) target(%dma_start3A_115 : memref<32x768xf32, #tpu.memory_space<hbm>>) target_semaphore(%arg13 : memref<!tpu.dma_semaphore, #tpu.memory_space<semaphore_mem>>)
    %dma_wait3A_120 = arith.constant 31 : i32
    %dma_wait3A_121 = arith.constant 1 : i32
    %dma_wait3A_122 = arith.constant 0 : i32
    %dma_wait3A_123 = arith.constant 0 : i32
    %dma_wait3A_124 = tpu.memref_slice %arg7[%dma_wait3A_121, %dma_wait3A_122, %dma_wait3A_123] : memref<2x32x768xf32, #tpu.memory_space<vmem>> -> memref<1x32x768xf32, #tpu.memory_space<vmem>>
    %dma_wait3A_125 = tpu.memref_squeeze %dma_wait3A_124 : memref<1x32x768xf32, #tpu.memory_space<vmem>> -> memref<32x768xf32, #tpu.memory_space<vmem>>
    %dma_wait3A_126 = arith.constant 0 : i32
    %dma_wait3A_127 = tpu.memref_slice %arg6[%dma_wait3A_120, %dma_wait3A_126] : memref<32x32xi32, #tpu.memory_space<vmem>> -> memref<1x32xi32, #tpu.memory_space<vmem>>
    %dma_wait3A_128 = tpu.memref_squeeze %dma_wait3A_127 : memref<1x32xi32, #tpu.memory_space<vmem>> -> memref<32xi32, #tpu.memory_space<vmem>>
    %dma_wait3A_129 = arith.constant 0 : i32
    %dma_wait3A_130 = arith.constant 0 : i32
    %dma_wait3A_131 = tpu.memref_slice %arg4[%dma_wait3A_129, %dma_wait3A_130] : memref<100000x768xf32, #tpu.memory_space<hbm>> -> memref<100000x768xf32, #tpu.memory_space<hbm>>
    tpu.wait_indirect_dma semaphore(%arg10 : memref<!tpu.dma_semaphore, #tpu.memory_space<semaphore_mem>>) src(%dma_wait3A_131 : memref<100000x768xf32, #tpu.memory_space<hbm>>) dst(%dma_wait3A_125 : memref<32x768xf32, #tpu.memory_space<vmem>>)
    %dma_wait3A_132 = arith.constant 31 : i32
    %dma_wait3A_133 = arith.constant 1 : i32
    %dma_wait3A_134 = arith.constant 0 : i32
    %dma_wait3A_135 = arith.constant 0 : i32
    %dma_wait3A_136 = tpu.memref_slice %arg8[%dma_wait3A_133, %dma_wait3A_134, %dma_wait3A_135] : memref<2x32x768xf32, #tpu.memory_space<vmem>> -> memref<1x32x768xf32, #tpu.memory_space<vmem>>
    %dma_wait3A_137 = tpu.memref_squeeze %dma_wait3A_136 : memref<1x32x768xf32, #tpu.memory_space<vmem>> -> memref<32x768xf32, #tpu.memory_space<vmem>>
    %dma_wait3A_138 = arith.constant 0 : i32
    %dma_wait3A_139 = arith.constant 0 : i32
    %dma_wait3A_140 = tpu.memref_slice %arg2[%add3A, %dma_wait3A_132, %dma_wait3A_138, %dma_wait3A_139] : memref<32x32x32x768xf32, #tpu.memory_space<hbm>> -> memref<1x1x32x768xf32, #tpu.memory_space<hbm>>
    %dma_wait3A_141 = tpu.memref_squeeze %dma_wait3A_140 : memref<1x1x32x768xf32, #tpu.memory_space<hbm>> -> memref<32x768xf32, #tpu.memory_space<hbm>>
    %dma_wait3A_142 = arith.constant 0 : i32
    %dma_wait3A_143 = arith.constant 0 : i32
    %dma_wait3A_144 = tpu.memref_slice %arg8[%dma_wait3A_133, %dma_wait3A_142, %dma_wait3A_143] : memref<2x32x768xf32, #tpu.memory_space<vmem>> -> memref<1x32x768xf32, #tpu.memory_space<vmem>>
    %dma_wait3A_145 = tpu.memref_squeeze %dma_wait3A_144 : memref<1x32x768xf32, #tpu.memory_space<vmem>> -> memref<32x768xf32, #tpu.memory_space<vmem>>
    %dma_wait3A_146 = arith.constant 0 : i32
    %dma_wait3A_147 = arith.constant 0 : i32
    %dma_wait3A_148 = tpu.memref_slice %arg2[%add3A, %dma_wait3A_132, %dma_wait3A_146, %dma_wait3A_147] : memref<32x32x32x768xf32, #tpu.memory_space<hbm>> -> memref<1x1x32x768xf32, #tpu.memory_space<hbm>>
    %dma_wait3A_149 = tpu.memref_squeeze %dma_wait3A_148 : memref<1x1x32x768xf32, #tpu.memory_space<hbm>> -> memref<32x768xf32, #tpu.memory_space<hbm>>
    tpu.wait_dma2 semaphore(%arg12 : memref<!tpu.dma_semaphore, #tpu.memory_space<semaphore_mem>>) src(%dma_wait3A_149 : memref<32x768xf32, #tpu.memory_space<hbm>>) dst(%dma_wait3A_145 : memref<32x768xf32, #tpu.memory_space<vmem>>)
    %scan3A_150 = arith.constant 0 : i32
    %scan3A_151 = arith.constant 0 : i32
    %scan3A_152 = arith.constant 32 : i32
    %scan3A_153 = arith.addi %scan3A_151, %scan3A_152 : i32
    %scan3A_154 = arith.constant 1 : i32
    %scan3A_155 = scf.for %scan3A_211 = %scan3A_151 to %scan3A_153 step %scan3A_154 iter_args(%scan3A_212 = %scan3A_150) -> (i32)  : i32 {
      %get3A = arith.constant 1 : i32
      %get3A_213 = arith.index_cast %get3A : i32 to index
      %get3A_214 = arith.index_cast %scan3A_211 : i32 to index
      %get3A_215 = arith.constant 0 : index
      %get3A_216 = tpu.vector_load %arg7[%get3A_213, %get3A_214, %get3A_215] {strides = array<i32>} : memref<2x32x768xf32, #tpu.memory_space<vmem>>, vector<1x1x16xf32>,
      %get3A_217 = vector.shape_cast %get3A_216 : vector<1x1x16xf32> to vector<16xf32>
      %swap3A = arith.constant 1 : i32
      %swap3A_218 = arith.index_cast %swap3A : i32 to index
      %swap3A_219 = arith.index_cast %scan3A_211 : i32 to index
      %swap3A_220 = arith.constant 0 : index
      %swap3A_221 = tpu.vector_load %arg8[%swap3A_218, %swap3A_219, %swap3A_220] {strides = array<i32>} : memref<2x32x768xf32, #tpu.memory_space<vmem>>, vector<1x1x16xf32>,
      %swap3A_222 = vector.shape_cast %swap3A_221 : vector<1x1x16xf32> to vector<16xf32>
      %swap3A_223 = vector.shape_cast %get3A_217 : vector<16xf32> to vector<1x1x16xf32>
      tpu.vector_store %arg8[%swap3A_218, %swap3A_219, %swap3A_220], %swap3A_223 {add = true, strides = array<i32>} : memref<2x32x768xf32, #tpu.memory_space<vmem>>, vector<1x1x16xf32>,
      %get3A_224 = arith.constant 1 : i32
      %get3A_225 = arith.index_cast %get3A_224 : i32 to index
      %get3A_226 = arith.index_cast %scan3A_211 : i32 to index
      %get3A_227 = arith.constant 16 : index
      %get3A_228 = tpu.vector_load %arg7[%get3A_225, %get3A_226, %get3A_227] {strides = array<i32>} : memref<2x32x768xf32, #tpu.memory_space<vmem>>, vector<1x1x16xf32>,
      %get3A_229 = vector.shape_cast %get3A_228 : vector<1x1x16xf32> to vector<16xf32>
      %swap3A_230 = arith.constant 1 : i32
      %swap3A_231 = arith.index_cast %swap3A_230 : i32 to index
      %swap3A_232 = arith.index_cast %scan3A_211 : i32 to index
      %swap3A_233 = arith.constant 16 : index
      %swap3A_234 = tpu.vector_load %arg8[%swap3A_231, %swap3A_232, %swap3A_233] {strides = array<i32>} : memref<2x32x768xf32, #tpu.memory_space<vmem>>, vector<1x1x16xf32>,
      %swap3A_235 = vector.shape_cast %swap3A_234 : vector<1x1x16xf32> to vector<16xf32>
      %swap3A_236 = vector.shape_cast %get3A_229 : vector<16xf32> to vector<1x1x16xf32>
      tpu.vector_store %arg8[%swap3A_231, %swap3A_232, %swap3A_233], %swap3A_236 {add = true, strides = array<i32>} : memref<2x32x768xf32, #tpu.memory_space<vmem>>, vector<1x1x16xf32>,
      %get3A_237 = arith.constant 1 : i32
      %get3A_238 = arith.index_cast %get3A_237 : i32 to index
      %get3A_239 = arith.index_cast %scan3A_211 : i32 to index
      %get3A_240 = arith.constant 32 : index
      %get3A_241 = tpu.vector_load %arg7[%get3A_238, %get3A_239, %get3A_240] {strides = array<i32>} : memref<2x32x768xf32, #tpu.memory_space<vmem>>, vector<1x1x16xf32>,
      %get3A_242 = vector.shape_cast %get3A_241 : vector<1x1x16xf32> to vector<16xf32>
      %swap3A_243 = arith.constant 1 : i32
      %swap3A_244 = arith.index_cast %swap3A_243 : i32 to index
      %swap3A_245 = arith.index_cast %scan3A_211 : i32 to index
      %swap3A_246 = arith.constant 32 : index
      %swap3A_247 = tpu.vector_load %arg8[%swap3A_244, %swap3A_245, %swap3A_246] {strides = array<i32>} : memref<2x32x768xf32, #tpu.memory_space<vmem>>, vector<1x1x16xf32>,
      %swap3A_248 = vector.shape_cast %swap3A_247 : vector<1x1x16xf32> to vector<16xf32>
      %swap3A_249 = vector.shape_cast %get3A_242 : vector<16xf32> to vector<1x1x16xf32>
      tpu.vector_store %arg8[%swap3A_244, %swap3A_245, %swap3A_246], %swap3A_249 {add = true, strides = array<i32>} : memref<2x32x768xf32, #tpu.memory_space<vmem>>, vector<1x1x16xf32>,
      %get3A_250 = arith.constant 1 : i32
      %get3A_251 = arith.index_cast %get3A_250 : i32 to index
      %get3A_252 = arith.index_cast %scan3A_211 : i32 to index
      %get3A_253 = arith.constant 48 : index
      %get3A_254 = tpu.vector_load %arg7[%get3A_251, %get3A_252, %get3A_253] {strides = array<i32>} : memref<2x32x768xf32, #tpu.memory_space<vmem>>, vector<1x1x16xf32>,
      %get3A_255 = vector.shape_cast %get3A_254 : vector<1x1x16xf32> to vector<16xf32>
      %swap3A_256 = arith.constant 1 : i32
      %swap3A_257 = arith.index_cast %swap3A_256 : i32 to index
      %swap3A_258 = arith.index_cast %scan3A_211 : i32 to index
      %swap3A_259 = arith.constant 48 : index
      %swap3A_260 = tpu.vector_load %arg8[%swap3A_257, %swap3A_258, %swap3A_259] {strides = array<i32>} : memref<2x32x768xf32, #tpu.memory_space<vmem>>, vector<1x1x16xf32>,
      %swap3A_261 = vector.shape_cast %swap3A_260 : vector<1x1x16xf32> to vector<16xf32>
      %swap3A_262 = vector.shape_cast %get3A_255 : vector<16xf32> to vector<1x1x16xf32>
      tpu.vector_store %arg8[%swap3A_257, %swap3A_258, %swap3A_259], %swap3A_262 {add = true, strides = array<i32>} : memref<2x32x768xf32, #tpu.memory_space<vmem>>, vector<1x1x16xf32>,
      %get3A_263 = arith.constant 1 : i32
      %get3A_264 = arith.index_cast %get3A_263 : i32 to index
      %get3A_265 = arith.index_cast %scan3A_211 : i32 to index
      %get3A_266 = arith.constant 64 : index
      %get3A_267 = tpu.vector_load %arg7[%get3A_264, %get3A_265, %get3A_266] {strides = array<i32>} : memref<2x32x768xf32, #tpu.memory_space<vmem>>, vector<1x1x16xf32>,
      %get3A_268 = vector.shape_cast %get3A_267 : vector<1x1x16xf32> to vector<16xf32>
      %swap3A_269 = arith.constant 1 : i32
      %swap3A_270 = arith.index_cast %swap3A_269 : i32 to index
      %swap3A_271 = arith.index_cast %scan3A_211 : i32 to index
      %swap3A_272 = arith.constant 64 : index
      %swap3A_273 = tpu.vector_load %arg8[%swap3A_270, %swap3A_271, %swap3A_272] {strides = array<i32>} : memref<2x32x768xf32, #tpu.memory_space<vmem>>, vector<1x1x16xf32>,
      %swap3A_274 = vector.shape_cast %swap3A_273 : vector<1x1x16xf32> to vector<16xf32>
      %swap3A_275 = vector.shape_cast %get3A_268 : vector<16xf32> to vector<1x1x16xf32>
      tpu.vector_store %arg8[%swap3A_270, %swap3A_271, %swap3A_272], %swap3A_275 {add = true, strides = array<i32>} : memref<2x32x768xf32, #tpu.memory_space<vmem>>, vector<1x1x16xf32>,
      %get3A_276 = arith.constant 1 : i32
      %get3A_277 = arith.index_cast %get3A_276 : i32 to index
      %get3A_278 = arith.index_cast %scan3A_211 : i32 to index
      %get3A_279 = arith.constant 80 : index
      %get3A_280 = tpu.vector_load %arg7[%get3A_277, %get3A_278, %get3A_279] {strides = array<i32>} : memref<2x32x768xf32, #tpu.memory_space<vmem>>, vector<1x1x16xf32>,
      %get3A_281 = vector.shape_cast %get3A_280 : vector<1x1x16xf32> to vector<16xf32>
      %swap3A_282 = arith.constant 1 : i32
      %swap3A_283 = arith.index_cast %swap3A_282 : i32 to index
      %swap3A_284 = arith.index_cast %scan3A_211 : i32 to index
      %swap3A_285 = arith.constant 80 : index
      %swap3A_286 = tpu.vector_load %arg8[%swap3A_283, %swap3A_284, %swap3A_285] {strides = array<i32>} : memref<2x32x768xf32, #tpu.memory_space<vmem>>, vector<1x1x16xf32>,
      %swap3A_287 = vector.shape_cast %swap3A_286 : vector<1x1x16xf32> to vector<16xf32>
      %swap3A_288 = vector.shape_cast %get3A_281 : vector<16xf32> to vector<1x1x16xf32>
      tpu.vector_store %arg8[%swap3A_283, %swap3A_284, %swap3A_285], %swap3A_288 {add = true, strides = array<i32>} : memref<2x32x768xf32, #tpu.memory_space<vmem>>, vector<1x1x16xf32>,
      %get3A_289 = arith.constant 1 : i32
      %get3A_290 = arith.index_cast %get3A_289 : i32 to index
      %get3A_291 = arith.index_cast %scan3A_211 : i32 to index
      %get3A_292 = arith.constant 96 : index
      %get3A_293 = tpu.vector_load %arg7[%get3A_290, %get3A_291, %get3A_292] {strides = array<i32>} : memref<2x32x768xf32, #tpu.memory_space<vmem>>, vector<1x1x16xf32>,
      %get3A_294 = vector.shape_cast %get3A_293 : vector<1x1x16xf32> to vector<16xf32>
      %swap3A_295 = arith.constant 1 : i32
      %swap3A_296 = arith.index_cast %swap3A_295 : i32 to index
      %swap3A_297 = arith.index_cast %scan3A_211 : i32 to index
      %swap3A_298 = arith.constant 96 : index
      %swap3A_299 = tpu.vector_load %arg8[%swap3A_296, %swap3A_297, %swap3A_298] {strides = array<i32>} : memref<2x32x768xf32, #tpu.memory_space<vmem>>, vector<1x1x16xf32>,
      %swap3A_300 = vector.shape_cast %swap3A_299 : vector<1x1x16xf32> to vector<16xf32>
      %swap3A_301 = vector.shape_cast %get3A_294 : vector<16xf32> to vector<1x1x16xf32>
      tpu.vector_store %arg8[%swap3A_296, %swap3A_297, %swap3A_298], %swap3A_301 {add = true, strides = array<i32>} : memref<2x32x768xf32, #tpu.memory_space<vmem>>, vector<1x1x16xf32>,
      %get3A_302 = arith.constant 1 : i32
      %get3A_303 = arith.index_cast %get3A_302 : i32 to index
      %get3A_304 = arith.index_cast %scan3A_211 : i32 to index
      %get3A_305 = arith.constant 112 : index
      %get3A_306 = tpu.vector_load %arg7[%get3A_303, %get3A_304, %get3A_305] {strides = array<i32>} : memref<2x32x768xf32, #tpu.memory_space<vmem>>, vector<1x1x16xf32>,
      %get3A_307 = vector.shape_cast %get3A_306 : vector<1x1x16xf32> to vector<16xf32>
      %swap3A_308 = arith.constant 1 : i32
      %swap3A_309 = arith.index_cast %swap3A_308 : i32 to index
      %swap3A_310 = arith.index_cast %scan3A_211 : i32 to index
      %swap3A_311 = arith.constant 112 : index
      %swap3A_312 = tpu.vector_load %arg8[%swap3A_309, %swap3A_310, %swap3A_311] {strides = array<i32>} : memref<2x32x768xf32, #tpu.memory_space<vmem>>, vector<1x1x16xf32>,
      %swap3A_313 = vector.shape_cast %swap3A_312 : vector<1x1x16xf32> to vector<16xf32>
      %swap3A_314 = vector.shape_cast %get3A_307 : vector<16xf32> to vector<1x1x16xf32>
      tpu.vector_store %arg8[%swap3A_309, %swap3A_310, %swap3A_311], %swap3A_314 {add = true, strides = array<i32>} : memref<2x32x768xf32, #tpu.memory_space<vmem>>, vector<1x1x16xf32>,
      %get3A_315 = arith.constant 1 : i32
      %get3A_316 = arith.index_cast %get3A_315 : i32 to index
      %get3A_317 = arith.index_cast %scan3A_211 : i32 to index
      %get3A_318 = arith.constant 128 : index
      %get3A_319 = tpu.vector_load %arg7[%get3A_316, %get3A_317, %get3A_318] {strides = array<i32>} : memref<2x32x768xf32, #tpu.memory_space<vmem>>, vector<1x1x16xf32>,
      %get3A_320 = vector.shape_cast %get3A_319 : vector<1x1x16xf32> to vector<16xf32>
      %swap3A_321 = arith.constant 1 : i32
      %swap3A_322 = arith.index_cast %swap3A_321 : i32 to index
      %swap3A_323 = arith.index_cast %scan3A_211 : i32 to index
      %swap3A_324 = arith.constant 128 : index
      %swap3A_325 = tpu.vector_load %arg8[%swap3A_322, %swap3A_323, %swap3A_324] {strides = array<i32>} : memref<2x32x768xf32, #tpu.memory_space<vmem>>, vector<1x1x16xf32>,
      %swap3A_326 = vector.shape_cast %swap3A_325 : vector<1x1x16xf32> to vector<16xf32>
      %swap3A_327 = vector.shape_cast %get3A_320 : vector<16xf32> to vector<1x1x16xf32>
      tpu.vector_store %arg8[%swap3A_322, %swap3A_323, %swap3A_324], %swap3A_327 {add = true, strides = array<i32>} : memref<2x32x768xf32, #tpu.memory_space<vmem>>, vector<1x1x16xf32>,
      %get3A_328 = arith.constant 1 : i32
      %get3A_329 = arith.index_cast %get3A_328 : i32 to index
      %get3A_330 = arith.index_cast %scan3A_211 : i32 to index
      %get3A_331 = arith.constant 144 : index
      %get3A_332 = tpu.vector_load %arg7[%get3A_329, %get3A_330, %get3A_331] {strides = array<i32>} : memref<2x32x768xf32, #tpu.memory_space<vmem>>, vector<1x1x16xf32>,
      %get3A_333 = vector.shape_cast %get3A_332 : vector<1x1x16xf32> to vector<16xf32>
      %swap3A_334 = arith.constant 1 : i32
      %swap3A_335 = arith.index_cast %swap3A_334 : i32 to index
      %swap3A_336 = arith.index_cast %scan3A_211 : i32 to index
      %swap3A_337 = arith.constant 144 : index
      %swap3A_338 = tpu.vector_load %arg8[%swap3A_335, %swap3A_336, %swap3A_337] {strides = array<i32>} : memref<2x32x768xf32, #tpu.memory_space<vmem>>, vector<1x1x16xf32>,
      %swap3A_339 = vector.shape_cast %swap3A_338 : vector<1x1x16xf32> to vector<16xf32>
      %swap3A_340 = vector.shape_cast %get3A_333 : vector<16xf32> to vector<1x1x16xf32>
      tpu.vector_store %arg8[%swap3A_335, %swap3A_336, %swap3A_337], %swap3A_340 {add = true, strides = array<i32>} : memref<2x32x768xf32, #tpu.memory_space<vmem>>, vector<1x1x16xf32>,
      %get3A_341 = arith.constant 1 : i32
      %get3A_342 = arith.index_cast %get3A_341 : i32 to index
      %get3A_343 = arith.index_cast %scan3A_211 : i32 to index
      %get3A_344 = arith.constant 160 : index
      %get3A_345 = tpu.vector_load %arg7[%get3A_342, %get3A_343, %get3A_344] {strides = array<i32>} : memref<2x32x768xf32, #tpu.memory_space<vmem>>, vector<1x1x16xf32>,
      %get3A_346 = vector.shape_cast %get3A_345 : vector<1x1x16xf32> to vector<16xf32>
      %swap3A_347 = arith.constant 1 : i32
      %swap3A_348 = arith.index_cast %swap3A_347 : i32 to index
      %swap3A_349 = arith.index_cast %scan3A_211 : i32 to index
      %swap3A_350 = arith.constant 160 : index
      %swap3A_351 = tpu.vector_load %arg8[%swap3A_348, %swap3A_349, %swap3A_350] {strides = array<i32>} : memref<2x32x768xf32, #tpu.memory_space<vmem>>, vector<1x1x16xf32>,
      %swap3A_352 = vector.shape_cast %swap3A_351 : vector<1x1x16xf32> to vector<16xf32>
      %swap3A_353 = vector.shape_cast %get3A_346 : vector<16xf32> to vector<1x1x16xf32>
      tpu.vector_store %arg8[%swap3A_348, %swap3A_349, %swap3A_350], %swap3A_353 {add = true, strides = array<i32>} : memref<2x32x768xf32, #tpu.memory_space<vmem>>, vector<1x1x16xf32>,
      %get3A_354 = arith.constant 1 : i32
      %get3A_355 = arith.index_cast %get3A_354 : i32 to index
      %get3A_356 = arith.index_cast %scan3A_211 : i32 to index
      %get3A_357 = arith.constant 176 : index
      %get3A_358 = tpu.vector_load %arg7[%get3A_355, %get3A_356, %get3A_357] {strides = array<i32>} : memref<2x32x768xf32, #tpu.memory_space<vmem>>, vector<1x1x16xf32>,
      %get3A_359 = vector.shape_cast %get3A_358 : vector<1x1x16xf32> to vector<16xf32>
      %swap3A_360 = arith.constant 1 : i32
      %swap3A_361 = arith.index_cast %swap3A_360 : i32 to index
      %swap3A_362 = arith.index_cast %scan3A_211 : i32 to index
      %swap3A_363 = arith.constant 176 : index
      %swap3A_364 = tpu.vector_load %arg8[%swap3A_361, %swap3A_362, %swap3A_363] {strides = array<i32>} : memref<2x32x768xf32, #tpu.memory_space<vmem>>, vector<1x1x16xf32>,
      %swap3A_365 = vector.shape_cast %swap3A_364 : vector<1x1x16xf32> to vector<16xf32>
      %swap3A_366 = vector.shape_cast %get3A_359 : vector<16xf32> to vector<1x1x16xf32>
      tpu.vector_store %arg8[%swap3A_361, %swap3A_362, %swap3A_363], %swap3A_366 {add = true, strides = array<i32>} : memref<2x32x768xf32, #tpu.memory_space<vmem>>, vector<1x1x16xf32>,
      %get3A_367 = arith.constant 1 : i32
      %get3A_368 = arith.index_cast %get3A_367 : i32 to index
      %get3A_369 = arith.index_cast %scan3A_211 : i32 to index
      %get3A_370 = arith.constant 192 : index
      %get3A_371 = tpu.vector_load %arg7[%get3A_368, %get3A_369, %get3A_370] {strides = array<i32>} : memref<2x32x768xf32, #tpu.memory_space<vmem>>, vector<1x1x16xf32>,
      %get3A_372 = vector.shape_cast %get3A_371 : vector<1x1x16xf32> to vector<16xf32>
      %swap3A_373 = arith.constant 1 : i32
      %swap3A_374 = arith.index_cast %swap3A_373 : i32 to index
      %swap3A_375 = arith.index_cast %scan3A_211 : i32 to index
      %swap3A_376 = arith.constant 192 : index
      %swap3A_377 = tpu.vector_load %arg8[%swap3A_374, %swap3A_375, %swap3A_376] {strides = array<i32>} : memref<2x32x768xf32, #tpu.memory_space<vmem>>, vector<1x1x16xf32>,
      %swap3A_378 = vector.shape_cast %swap3A_377 : vector<1x1x16xf32> to vector<16xf32>
      %swap3A_379 = vector.shape_cast %get3A_372 : vector<16xf32> to vector<1x1x16xf32>
      tpu.vector_store %arg8[%swap3A_374, %swap3A_375, %swap3A_376], %swap3A_379 {add = true, strides = array<i32>} : memref<2x32x768xf32, #tpu.memory_space<vmem>>, vector<1x1x16xf32>,
      %get3A_380 = arith.constant 1 : i32
      %get3A_381 = arith.index_cast %get3A_380 : i32 to index
      %get3A_382 = arith.index_cast %scan3A_211 : i32 to index
      %get3A_383 = arith.constant 208 : index
      %get3A_384 = tpu.vector_load %arg7[%get3A_381, %get3A_382, %get3A_383] {strides = array<i32>} : memref<2x32x768xf32, #tpu.memory_space<vmem>>, vector<1x1x16xf32>,
      %get3A_385 = vector.shape_cast %get3A_384 : vector<1x1x16xf32> to vector<16xf32>
      %swap3A_386 = arith.constant 1 : i32
      %swap3A_387 = arith.index_cast %swap3A_386 : i32 to index
      %swap3A_388 = arith.index_cast %scan3A_211 : i32 to index
      %swap3A_389 = arith.constant 208 : index
      %swap3A_390 = tpu.vector_load %arg8[%swap3A_387, %swap3A_388, %swap3A_389] {strides = array<i32>} : memref<2x32x768xf32, #tpu.memory_space<vmem>>, vector<1x1x16xf32>,
      %swap3A_391 = vector.shape_cast %swap3A_390 : vector<1x1x16xf32> to vector<16xf32>
      %swap3A_392 = vector.shape_cast %get3A_385 : vector<16xf32> to vector<1x1x16xf32>
      tpu.vector_store %arg8[%swap3A_387, %swap3A_388, %swap3A_389], %swap3A_392 {add = true, strides = array<i32>} : memref<2x32x768xf32, #tpu.memory_space<vmem>>, vector<1x1x16xf32>,
      %get3A_393 = arith.constant 1 : i32
      %get3A_394 = arith.index_cast %get3A_393 : i32 to index
      %get3A_395 = arith.index_cast %scan3A_211 : i32 to index
      %get3A_396 = arith.constant 224 : index
      %get3A_397 = tpu.vector_load %arg7[%get3A_394, %get3A_395, %get3A_396] {strides = array<i32>} : memref<2x32x768xf32, #tpu.memory_space<vmem>>, vector<1x1x16xf32>,
      %get3A_398 = vector.shape_cast %get3A_397 : vector<1x1x16xf32> to vector<16xf32>
      %swap3A_399 = arith.constant 1 : i32
      %swap3A_400 = arith.index_cast %swap3A_399 : i32 to index
      %swap3A_401 = arith.index_cast %scan3A_211 : i32 to index
      %swap3A_402 = arith.constant 224 : index
      %swap3A_403 = tpu.vector_load %arg8[%swap3A_400, %swap3A_401, %swap3A_402] {strides = array<i32>} : memref<2x32x768xf32, #tpu.memory_space<vmem>>, vector<1x1x16xf32>,
      %swap3A_404 = vector.shape_cast %swap3A_403 : vector<1x1x16xf32> to vector<16xf32>
      %swap3A_405 = vector.shape_cast %get3A_398 : vector<16xf32> to vector<1x1x16xf32>
      tpu.vector_store %arg8[%swap3A_400, %swap3A_401, %swap3A_402], %swap3A_405 {add = true, strides = array<i32>} : memref<2x32x768xf32, #tpu.memory_space<vmem>>, vector<1x1x16xf32>,
      %get3A_406 = arith.constant 1 : i32
      %get3A_407 = arith.index_cast %get3A_406 : i32 to index
      %get3A_408 = arith.index_cast %scan3A_211 : i32 to index
      %get3A_409 = arith.constant 240 : index
      %get3A_410 = tpu.vector_load %arg7[%get3A_407, %get3A_408, %get3A_409] {strides = array<i32>} : memref<2x32x768xf32, #tpu.memory_space<vmem>>, vector<1x1x16xf32>,
      %get3A_411 = vector.shape_cast %get3A_410 : vector<1x1x16xf32> to vector<16xf32>
      %swap3A_412 = arith.constant 1 : i32
      %swap3A_413 = arith.index_cast %swap3A_412 : i32 to index
      %swap3A_414 = arith.index_cast %scan3A_211 : i32 to index
      %swap3A_415 = arith.constant 240 : index
      %swap3A_416 = tpu.vector_load %arg8[%swap3A_413, %swap3A_414, %swap3A_415] {strides = array<i32>} : memref<2x32x768xf32, #tpu.memory_space<vmem>>, vector<1x1x16xf32>,
      %swap3A_417 = vector.shape_cast %swap3A_416 : vector<1x1x16xf32> to vector<16xf32>
      %swap3A_418 = vector.shape_cast %get3A_411 : vector<16xf32> to vector<1x1x16xf32>
      tpu.vector_store %arg8[%swap3A_413, %swap3A_414, %swap3A_415], %swap3A_418 {add = true, strides = array<i32>} : memref<2x32x768xf32, #tpu.memory_space<vmem>>, vector<1x1x16xf32>,
      %get3A_419 = arith.constant 1 : i32
      %get3A_420 = arith.index_cast %get3A_419 : i32 to index
      %get3A_421 = arith.index_cast %scan3A_211 : i32 to index
      %get3A_422 = arith.constant 256 : index
      %get3A_423 = tpu.vector_load %arg7[%get3A_420, %get3A_421, %get3A_422] {strides = array<i32>} : memref<2x32x768xf32, #tpu.memory_space<vmem>>, vector<1x1x16xf32>,
      %get3A_424 = vector.shape_cast %get3A_423 : vector<1x1x16xf32> to vector<16xf32>
      %swap3A_425 = arith.constant 1 : i32
      %swap3A_426 = arith.index_cast %swap3A_425 : i32 to index
      %swap3A_427 = arith.index_cast %scan3A_211 : i32 to index
      %swap3A_428 = arith.constant 256 : index
      %swap3A_429 = tpu.vector_load %arg8[%swap3A_426, %swap3A_427, %swap3A_428] {strides = array<i32>} : memref<2x32x768xf32, #tpu.memory_space<vmem>>, vector<1x1x16xf32>,
      %swap3A_430 = vector.shape_cast %swap3A_429 : vector<1x1x16xf32> to vector<16xf32>
      %swap3A_431 = vector.shape_cast %get3A_424 : vector<16xf32> to vector<1x1x16xf32>
      tpu.vector_store %arg8[%swap3A_426, %swap3A_427, %swap3A_428], %swap3A_431 {add = true, strides = array<i32>} : memref<2x32x768xf32, #tpu.memory_space<vmem>>, vector<1x1x16xf32>,
      %get3A_432 = arith.constant 1 : i32
      %get3A_433 = arith.index_cast %get3A_432 : i32 to index
      %get3A_434 = arith.index_cast %scan3A_211 : i32 to index
      %get3A_435 = arith.constant 272 : index
      %get3A_436 = tpu.vector_load %arg7[%get3A_433, %get3A_434, %get3A_435] {strides = array<i32>} : memref<2x32x768xf32, #tpu.memory_space<vmem>>, vector<1x1x16xf32>,
      %get3A_437 = vector.shape_cast %get3A_436 : vector<1x1x16xf32> to vector<16xf32>
      %swap3A_438 = arith.constant 1 : i32
      %swap3A_439 = arith.index_cast %swap3A_438 : i32 to index
      %swap3A_440 = arith.index_cast %scan3A_211 : i32 to index
      %swap3A_441 = arith.constant 272 : index
      %swap3A_442 = tpu.vector_load %arg8[%swap3A_439, %swap3A_440, %swap3A_441] {strides = array<i32>} : memref<2x32x768xf32, #tpu.memory_space<vmem>>, vector<1x1x16xf32>,
      %swap3A_443 = vector.shape_cast %swap3A_442 : vector<1x1x16xf32> to vector<16xf32>
      %swap3A_444 = vector.shape_cast %get3A_437 : vector<16xf32> to vector<1x1x16xf32>
      tpu.vector_store %arg8[%swap3A_439, %swap3A_440, %swap3A_441], %swap3A_444 {add = true, strides = array<i32>} : memref<2x32x768xf32, #tpu.memory_space<vmem>>, vector<1x1x16xf32>,
      %get3A_445 = arith.constant 1 : i32
      %get3A_446 = arith.index_cast %get3A_445 : i32 to index
      %get3A_447 = arith.index_cast %scan3A_211 : i32 to index
      %get3A_448 = arith.constant 288 : index
      %get3A_449 = tpu.vector_load %arg7[%get3A_446, %get3A_447, %get3A_448] {strides = array<i32>} : memref<2x32x768xf32, #tpu.memory_space<vmem>>, vector<1x1x16xf32>,
      %get3A_450 = vector.shape_cast %get3A_449 : vector<1x1x16xf32> to vector<16xf32>
      %swap3A_451 = arith.constant 1 : i32
      %swap3A_452 = arith.index_cast %swap3A_451 : i32 to index
      %swap3A_453 = arith.index_cast %scan3A_211 : i32 to index
      %swap3A_454 = arith.constant 288 : index
      %swap3A_455 = tpu.vector_load %arg8[%swap3A_452, %swap3A_453, %swap3A_454] {strides = array<i32>} : memref<2x32x768xf32, #tpu.memory_space<vmem>>, vector<1x1x16xf32>,
      %swap3A_456 = vector.shape_cast %swap3A_455 : vector<1x1x16xf32> to vector<16xf32>
      %swap3A_457 = vector.shape_cast %get3A_450 : vector<16xf32> to vector<1x1x16xf32>
      tpu.vector_store %arg8[%swap3A_452, %swap3A_453, %swap3A_454], %swap3A_457 {add = true, strides = array<i32>} : memref<2x32x768xf32, #tpu.memory_space<vmem>>, vector<1x1x16xf32>,
      %get3A_458 = arith.constant 1 : i32
      %get3A_459 = arith.index_cast %get3A_458 : i32 to index
      %get3A_460 = arith.index_cast %scan3A_211 : i32 to index
      %get3A_461 = arith.constant 304 : index
      %get3A_462 = tpu.vector_load %arg7[%get3A_459, %get3A_460, %get3A_461] {strides = array<i32>} : memref<2x32x768xf32, #tpu.memory_space<vmem>>, vector<1x1x16xf32>,
      %get3A_463 = vector.shape_cast %get3A_462 : vector<1x1x16xf32> to vector<16xf32>
      %swap3A_464 = arith.constant 1 : i32
      %swap3A_465 = arith.index_cast %swap3A_464 : i32 to index
      %swap3A_466 = arith.index_cast %scan3A_211 : i32 to index
      %swap3A_467 = arith.constant 304 : index
      %swap3A_468 = tpu.vector_load %arg8[%swap3A_465, %swap3A_466, %swap3A_467] {strides = array<i32>} : memref<2x32x768xf32, #tpu.memory_space<vmem>>, vector<1x1x16xf32>,
      %swap3A_469 = vector.shape_cast %swap3A_468 : vector<1x1x16xf32> to vector<16xf32>
      %swap3A_470 = vector.shape_cast %get3A_463 : vector<16xf32> to vector<1x1x16xf32>
      tpu.vector_store %arg8[%swap3A_465, %swap3A_466, %swap3A_467], %swap3A_470 {add = true, strides = array<i32>} : memref<2x32x768xf32, #tpu.memory_space<vmem>>, vector<1x1x16xf32>,
      %get3A_471 = arith.constant 1 : i32
      %get3A_472 = arith.index_cast %get3A_471 : i32 to index
      %get3A_473 = arith.index_cast %scan3A_211 : i32 to index
      %get3A_474 = arith.constant 320 : index
      %get3A_475 = tpu.vector_load %arg7[%get3A_472, %get3A_473, %get3A_474] {strides = array<i32>} : memref<2x32x768xf32, #tpu.memory_space<vmem>>, vector<1x1x16xf32>,
      %get3A_476 = vector.shape_cast %get3A_475 : vector<1x1x16xf32> to vector<16xf32>
      %swap3A_477 = arith.constant 1 : i32
      %swap3A_478 = arith.index_cast %swap3A_477 : i32 to index
      %swap3A_479 = arith.index_cast %scan3A_211 : i32 to index
      %swap3A_480 = arith.constant 320 : index
      %swap3A_481 = tpu.vector_load %arg8[%swap3A_478, %swap3A_479, %swap3A_480] {strides = array<i32>} : memref<2x32x768xf32, #tpu.memory_space<vmem>>, vector<1x1x16xf32>,
      %swap3A_482 = vector.shape_cast %swap3A_481 : vector<1x1x16xf32> to vector<16xf32>
      %swap3A_483 = vector.shape_cast %get3A_476 : vector<16xf32> to vector<1x1x16xf32>
      tpu.vector_store %arg8[%swap3A_478, %swap3A_479, %swap3A_480], %swap3A_483 {add = true, strides = array<i32>} : memref<2x32x768xf32, #tpu.memory_space<vmem>>, vector<1x1x16xf32>,
      %get3A_484 = arith.constant 1 : i32
      %get3A_485 = arith.index_cast %get3A_484 : i32 to index
      %get3A_486 = arith.index_cast %scan3A_211 : i32 to index
      %get3A_487 = arith.constant 336 : index
      %get3A_488 = tpu.vector_load %arg7[%get3A_485, %get3A_486, %get3A_487] {strides = array<i32>} : memref<2x32x768xf32, #tpu.memory_space<vmem>>, vector<1x1x16xf32>,
      %get3A_489 = vector.shape_cast %get3A_488 : vector<1x1x16xf32> to vector<16xf32>
      %swap3A_490 = arith.constant 1 : i32
      %swap3A_491 = arith.index_cast %swap3A_490 : i32 to index
      %swap3A_492 = arith.index_cast %scan3A_211 : i32 to index
      %swap3A_493 = arith.constant 336 : index
      %swap3A_494 = tpu.vector_load %arg8[%swap3A_491, %swap3A_492, %swap3A_493] {strides = array<i32>} : memref<2x32x768xf32, #tpu.memory_space<vmem>>, vector<1x1x16xf32>,
      %swap3A_495 = vector.shape_cast %swap3A_494 : vector<1x1x16xf32> to vector<16xf32>
      %swap3A_496 = vector.shape_cast %get3A_489 : vector<16xf32> to vector<1x1x16xf32>
      tpu.vector_store %arg8[%swap3A_491, %swap3A_492, %swap3A_493], %swap3A_496 {add = true, strides = array<i32>} : memref<2x32x768xf32, #tpu.memory_space<vmem>>, vector<1x1x16xf32>,
      %get3A_497 = arith.constant 1 : i32
      %get3A_498 = arith.index_cast %get3A_497 : i32 to index
      %get3A_499 = arith.index_cast %scan3A_211 : i32 to index
      %get3A_500 = arith.constant 352 : index
      %get3A_501 = tpu.vector_load %arg7[%get3A_498, %get3A_499, %get3A_500] {strides = array<i32>} : memref<2x32x768xf32, #tpu.memory_space<vmem>>, vector<1x1x16xf32>,
      %get3A_502 = vector.shape_cast %get3A_501 : vector<1x1x16xf32> to vector<16xf32>
      %swap3A_503 = arith.constant 1 : i32
      %swap3A_504 = arith.index_cast %swap3A_503 : i32 to index
      %swap3A_505 = arith.index_cast %scan3A_211 : i32 to index
      %swap3A_506 = arith.constant 352 : index
      %swap3A_507 = tpu.vector_load %arg8[%swap3A_504, %swap3A_505, %swap3A_506] {strides = array<i32>} : memref<2x32x768xf32, #tpu.memory_space<vmem>>, vector<1x1x16xf32>,
      %swap3A_508 = vector.shape_cast %swap3A_507 : vector<1x1x16xf32> to vector<16xf32>
      %swap3A_509 = vector.shape_cast %get3A_502 : vector<16xf32> to vector<1x1x16xf32>
      tpu.vector_store %arg8[%swap3A_504, %swap3A_505, %swap3A_506], %swap3A_509 {add = true, strides = array<i32>} : memref<2x32x768xf32, #tpu.memory_space<vmem>>, vector<1x1x16xf32>,
      %get3A_510 = arith.constant 1 : i32
      %get3A_511 = arith.index_cast %get3A_510 : i32 to index
      %get3A_512 = arith.index_cast %scan3A_211 : i32 to index
      %get3A_513 = arith.constant 368 : index
      %get3A_514 = tpu.vector_load %arg7[%get3A_511, %get3A_512, %get3A_513] {strides = array<i32>} : memref<2x32x768xf32, #tpu.memory_space<vmem>>, vector<1x1x16xf32>,
      %get3A_515 = vector.shape_cast %get3A_514 : vector<1x1x16xf32> to vector<16xf32>
      %swap3A_516 = arith.constant 1 : i32
      %swap3A_517 = arith.index_cast %swap3A_516 : i32 to index
      %swap3A_518 = arith.index_cast %scan3A_211 : i32 to index
      %swap3A_519 = arith.constant 368 : index
      %swap3A_520 = tpu.vector_load %arg8[%swap3A_517, %swap3A_518, %swap3A_519] {strides = array<i32>} : memref<2x32x768xf32, #tpu.memory_space<vmem>>, vector<1x1x16xf32>,
      %swap3A_521 = vector.shape_cast %swap3A_520 : vector<1x1x16xf32> to vector<16xf32>
      %swap3A_522 = vector.shape_cast %get3A_515 : vector<16xf32> to vector<1x1x16xf32>
      tpu.vector_store %arg8[%swap3A_517, %swap3A_518, %swap3A_519], %swap3A_522 {add = true, strides = array<i32>} : memref<2x32x768xf32, #tpu.memory_space<vmem>>, vector<1x1x16xf32>,
      %get3A_523 = arith.constant 1 : i32
      %get3A_524 = arith.index_cast %get3A_523 : i32 to index
      %get3A_525 = arith.index_cast %scan3A_211 : i32 to index
      %get3A_526 = arith.constant 384 : index
      %get3A_527 = tpu.vector_load %arg7[%get3A_524, %get3A_525, %get3A_526] {strides = array<i32>} : memref<2x32x768xf32, #tpu.memory_space<vmem>>, vector<1x1x16xf32>,
      %get3A_528 = vector.shape_cast %get3A_527 : vector<1x1x16xf32> to vector<16xf32>
      %swap3A_529 = arith.constant 1 : i32
      %swap3A_530 = arith.index_cast %swap3A_529 : i32 to index
      %swap3A_531 = arith.index_cast %scan3A_211 : i32 to index
      %swap3A_532 = arith.constant 384 : index
      %swap3A_533 = tpu.vector_load %arg8[%swap3A_530, %swap3A_531, %swap3A_532] {strides = array<i32>} : memref<2x32x768xf32, #tpu.memory_space<vmem>>, vector<1x1x16xf32>,
      %swap3A_534 = vector.shape_cast %swap3A_533 : vector<1x1x16xf32> to vector<16xf32>
      %swap3A_535 = vector.shape_cast %get3A_528 : vector<16xf32> to vector<1x1x16xf32>
      tpu.vector_store %arg8[%swap3A_530, %swap3A_531, %swap3A_532], %swap3A_535 {add = true, strides = array<i32>} : memref<2x32x768xf32, #tpu.memory_space<vmem>>, vector<1x1x16xf32>,
      %get3A_536 = arith.constant 1 : i32
      %get3A_537 = arith.index_cast %get3A_536 : i32 to index
      %get3A_538 = arith.index_cast %scan3A_211 : i32 to index
      %get3A_539 = arith.constant 400 : index
      %get3A_540 = tpu.vector_load %arg7[%get3A_537, %get3A_538, %get3A_539] {strides = array<i32>} : memref<2x32x768xf32, #tpu.memory_space<vmem>>, vector<1x1x16xf32>,
      %get3A_541 = vector.shape_cast %get3A_540 : vector<1x1x16xf32> to vector<16xf32>
      %swap3A_542 = arith.constant 1 : i32
      %swap3A_543 = arith.index_cast %swap3A_542 : i32 to index
      %swap3A_544 = arith.index_cast %scan3A_211 : i32 to index
      %swap3A_545 = arith.constant 400 : index
      %swap3A_546 = tpu.vector_load %arg8[%swap3A_543, %swap3A_544, %swap3A_545] {strides = array<i32>} : memref<2x32x768xf32, #tpu.memory_space<vmem>>, vector<1x1x16xf32>,
      %swap3A_547 = vector.shape_cast %swap3A_546 : vector<1x1x16xf32> to vector<16xf32>
      %swap3A_548 = vector.shape_cast %get3A_541 : vector<16xf32> to vector<1x1x16xf32>
      tpu.vector_store %arg8[%swap3A_543, %swap3A_544, %swap3A_545], %swap3A_548 {add = true, strides = array<i32>} : memref<2x32x768xf32, #tpu.memory_space<vmem>>, vector<1x1x16xf32>,
      %get3A_549 = arith.constant 1 : i32
      %get3A_550 = arith.index_cast %get3A_549 : i32 to index
      %get3A_551 = arith.index_cast %scan3A_211 : i32 to index
      %get3A_552 = arith.constant 416 : index
      %get3A_553 = tpu.vector_load %arg7[%get3A_550, %get3A_551, %get3A_552] {strides = array<i32>} : memref<2x32x768xf32, #tpu.memory_space<vmem>>, vector<1x1x16xf32>,
      %get3A_554 = vector.shape_cast %get3A_553 : vector<1x1x16xf32> to vector<16xf32>
      %swap3A_555 = arith.constant 1 : i32
      %swap3A_556 = arith.index_cast %swap3A_555 : i32 to index
      %swap3A_557 = arith.index_cast %scan3A_211 : i32 to index
      %swap3A_558 = arith.constant 416 : index
      %swap3A_559 = tpu.vector_load %arg8[%swap3A_556, %swap3A_557, %swap3A_558] {strides = array<i32>} : memref<2x32x768xf32, #tpu.memory_space<vmem>>, vector<1x1x16xf32>,
      %swap3A_560 = vector.shape_cast %swap3A_559 : vector<1x1x16xf32> to vector<16xf32>
      %swap3A_561 = vector.shape_cast %get3A_554 : vector<16xf32> to vector<1x1x16xf32>
      tpu.vector_store %arg8[%swap3A_556, %swap3A_557, %swap3A_558], %swap3A_561 {add = true, strides = array<i32>} : memref<2x32x768xf32, #tpu.memory_space<vmem>>, vector<1x1x16xf32>,
      %get3A_562 = arith.constant 1 : i32
      %get3A_563 = arith.index_cast %get3A_562 : i32 to index
      %get3A_564 = arith.index_cast %scan3A_211 : i32 to index
      %get3A_565 = arith.constant 432 : index
      %get3A_566 = tpu.vector_load %arg7[%get3A_563, %get3A_564, %get3A_565] {strides = array<i32>} : memref<2x32x768xf32, #tpu.memory_space<vmem>>, vector<1x1x16xf32>,
      %get3A_567 = vector.shape_cast %get3A_566 : vector<1x1x16xf32> to vector<16xf32>
      %swap3A_568 = arith.constant 1 : i32
      %swap3A_569 = arith.index_cast %swap3A_568 : i32 to index
      %swap3A_570 = arith.index_cast %scan3A_211 : i32 to index
      %swap3A_571 = arith.constant 432 : index
      %swap3A_572 = tpu.vector_load %arg8[%swap3A_569, %swap3A_570, %swap3A_571] {strides = array<i32>} : memref<2x32x768xf32, #tpu.memory_space<vmem>>, vector<1x1x16xf32>,
      %swap3A_573 = vector.shape_cast %swap3A_572 : vector<1x1x16xf32> to vector<16xf32>
      %swap3A_574 = vector.shape_cast %get3A_567 : vector<16xf32> to vector<1x1x16xf32>
      tpu.vector_store %arg8[%swap3A_569, %swap3A_570, %swap3A_571], %swap3A_574 {add = true, strides = array<i32>} : memref<2x32x768xf32, #tpu.memory_space<vmem>>, vector<1x1x16xf32>,
      %get3A_575 = arith.constant 1 : i32
      %get3A_576 = arith.index_cast %get3A_575 : i32 to index
      %get3A_577 = arith.index_cast %scan3A_211 : i32 to index
      %get3A_578 = arith.constant 448 : index
      %get3A_579 = tpu.vector_load %arg7[%get3A_576, %get3A_577, %get3A_578] {strides = array<i32>} : memref<2x32x768xf32, #tpu.memory_space<vmem>>, vector<1x1x16xf32>,
      %get3A_580 = vector.shape_cast %get3A_579 : vector<1x1x16xf32> to vector<16xf32>
      %swap3A_581 = arith.constant 1 : i32
      %swap3A_582 = arith.index_cast %swap3A_581 : i32 to index
      %swap3A_583 = arith.index_cast %scan3A_211 : i32 to index
      %swap3A_584 = arith.constant 448 : index
      %swap3A_585 = tpu.vector_load %arg8[%swap3A_582, %swap3A_583, %swap3A_584] {strides = array<i32>} : memref<2x32x768xf32, #tpu.memory_space<vmem>>, vector<1x1x16xf32>,
      %swap3A_586 = vector.shape_cast %swap3A_585 : vector<1x1x16xf32> to vector<16xf32>
      %swap3A_587 = vector.shape_cast %get3A_580 : vector<16xf32> to vector<1x1x16xf32>
      tpu.vector_store %arg8[%swap3A_582, %swap3A_583, %swap3A_584], %swap3A_587 {add = true, strides = array<i32>} : memref<2x32x768xf32, #tpu.memory_space<vmem>>, vector<1x1x16xf32>,
      %get3A_588 = arith.constant 1 : i32
      %get3A_589 = arith.index_cast %get3A_588 : i32 to index
      %get3A_590 = arith.index_cast %scan3A_211 : i32 to index
      %get3A_591 = arith.constant 464 : index
      %get3A_592 = tpu.vector_load %arg7[%get3A_589, %get3A_590, %get3A_591] {strides = array<i32>} : memref<2x32x768xf32, #tpu.memory_space<vmem>>, vector<1x1x16xf32>,
      %get3A_593 = vector.shape_cast %get3A_592 : vector<1x1x16xf32> to vector<16xf32>
      %swap3A_594 = arith.constant 1 : i32
      %swap3A_595 = arith.index_cast %swap3A_594 : i32 to index
      %swap3A_596 = arith.index_cast %scan3A_211 : i32 to index
      %swap3A_597 = arith.constant 464 : index
      %swap3A_598 = tpu.vector_load %arg8[%swap3A_595, %swap3A_596, %swap3A_597] {strides = array<i32>} : memref<2x32x768xf32, #tpu.memory_space<vmem>>, vector<1x1x16xf32>,
      %swap3A_599 = vector.shape_cast %swap3A_598 : vector<1x1x16xf32> to vector<16xf32>
      %swap3A_600 = vector.shape_cast %get3A_593 : vector<16xf32> to vector<1x1x16xf32>
      tpu.vector_store %arg8[%swap3A_595, %swap3A_596, %swap3A_597], %swap3A_600 {add = true, strides = array<i32>} : memref<2x32x768xf32, #tpu.memory_space<vmem>>, vector<1x1x16xf32>,
      %get3A_601 = arith.constant 1 : i32
      %get3A_602 = arith.index_cast %get3A_601 : i32 to index
      %get3A_603 = arith.index_cast %scan3A_211 : i32 to index
      %get3A_604 = arith.constant 480 : index
      %get3A_605 = tpu.vector_load %arg7[%get3A_602, %get3A_603, %get3A_604] {strides = array<i32>} : memref<2x32x768xf32, #tpu.memory_space<vmem>>, vector<1x1x16xf32>,
      %get3A_606 = vector.shape_cast %get3A_605 : vector<1x1x16xf32> to vector<16xf32>
      %swap3A_607 = arith.constant 1 : i32
      %swap3A_608 = arith.index_cast %swap3A_607 : i32 to index
      %swap3A_609 = arith.index_cast %scan3A_211 : i32 to index
      %swap3A_610 = arith.constant 480 : index
      %swap3A_611 = tpu.vector_load %arg8[%swap3A_608, %swap3A_609, %swap3A_610] {strides = array<i32>} : memref<2x32x768xf32, #tpu.memory_space<vmem>>, vector<1x1x16xf32>,
      %swap3A_612 = vector.shape_cast %swap3A_611 : vector<1x1x16xf32> to vector<16xf32>
      %swap3A_613 = vector.shape_cast %get3A_606 : vector<16xf32> to vector<1x1x16xf32>
      tpu.vector_store %arg8[%swap3A_608, %swap3A_609, %swap3A_610], %swap3A_613 {add = true, strides = array<i32>} : memref<2x32x768xf32, #tpu.memory_space<vmem>>, vector<1x1x16xf32>,
      %get3A_614 = arith.constant 1 : i32
      %get3A_615 = arith.index_cast %get3A_614 : i32 to index
      %get3A_616 = arith.index_cast %scan3A_211 : i32 to index
      %get3A_617 = arith.constant 496 : index
      %get3A_618 = tpu.vector_load %arg7[%get3A_615, %get3A_616, %get3A_617] {strides = array<i32>} : memref<2x32x768xf32, #tpu.memory_space<vmem>>, vector<1x1x16xf32>,
      %get3A_619 = vector.shape_cast %get3A_618 : vector<1x1x16xf32> to vector<16xf32>
      %swap3A_620 = arith.constant 1 : i32
      %swap3A_621 = arith.index_cast %swap3A_620 : i32 to index
      %swap3A_622 = arith.index_cast %scan3A_211 : i32 to index
      %swap3A_623 = arith.constant 496 : index
      %swap3A_624 = tpu.vector_load %arg8[%swap3A_621, %swap3A_622, %swap3A_623] {strides = array<i32>} : memref<2x32x768xf32, #tpu.memory_space<vmem>>, vector<1x1x16xf32>,
      %swap3A_625 = vector.shape_cast %swap3A_624 : vector<1x1x16xf32> to vector<16xf32>
      %swap3A_626 = vector.shape_cast %get3A_619 : vector<16xf32> to vector<1x1x16xf32>
      tpu.vector_store %arg8[%swap3A_621, %swap3A_622, %swap3A_623], %swap3A_626 {add = true, strides = array<i32>} : memref<2x32x768xf32, #tpu.memory_space<vmem>>, vector<1x1x16xf32>,
      %get3A_627 = arith.constant 1 : i32
      %get3A_628 = arith.index_cast %get3A_627 : i32 to index
      %get3A_629 = arith.index_cast %scan3A_211 : i32 to index
      %get3A_630 = arith.constant 512 : index
      %get3A_631 = tpu.vector_load %arg7[%get3A_628, %get3A_629, %get3A_630] {strides = array<i32>} : memref<2x32x768xf32, #tpu.memory_space<vmem>>, vector<1x1x16xf32>,
      %get3A_632 = vector.shape_cast %get3A_631 : vector<1x1x16xf32> to vector<16xf32>
      %swap3A_633 = arith.constant 1 : i32
      %swap3A_634 = arith.index_cast %swap3A_633 : i32 to index
      %swap3A_635 = arith.index_cast %scan3A_211 : i32 to index
      %swap3A_636 = arith.constant 512 : index
      %swap3A_637 = tpu.vector_load %arg8[%swap3A_634, %swap3A_635, %swap3A_636] {strides = array<i32>} : memref<2x32x768xf32, #tpu.memory_space<vmem>>, vector<1x1x16xf32>,
      %swap3A_638 = vector.shape_cast %swap3A_637 : vector<1x1x16xf32> to vector<16xf32>
      %swap3A_639 = vector.shape_cast %get3A_632 : vector<16xf32> to vector<1x1x16xf32>
      tpu.vector_store %arg8[%swap3A_634, %swap3A_635, %swap3A_636], %swap3A_639 {add = true, strides = array<i32>} : memref<2x32x768xf32, #tpu.memory_space<vmem>>, vector<1x1x16xf32>,
      %get3A_640 = arith.constant 1 : i32
      %get3A_641 = arith.index_cast %get3A_640 : i32 to index
      %get3A_642 = arith.index_cast %scan3A_211 : i32 to index
      %get3A_643 = arith.constant 528 : index
      %get3A_644 = tpu.vector_load %arg7[%get3A_641, %get3A_642, %get3A_643] {strides = array<i32>} : memref<2x32x768xf32, #tpu.memory_space<vmem>>, vector<1x1x16xf32>,
      %get3A_645 = vector.shape_cast %get3A_644 : vector<1x1x16xf32> to vector<16xf32>
      %swap3A_646 = arith.constant 1 : i32
      %swap3A_647 = arith.index_cast %swap3A_646 : i32 to index
      %swap3A_648 = arith.index_cast %scan3A_211 : i32 to index
      %swap3A_649 = arith.constant 528 : index
      %swap3A_650 = tpu.vector_load %arg8[%swap3A_647, %swap3A_648, %swap3A_649] {strides = array<i32>} : memref<2x32x768xf32, #tpu.memory_space<vmem>>, vector<1x1x16xf32>,
      %swap3A_651 = vector.shape_cast %swap3A_650 : vector<1x1x16xf32> to vector<16xf32>
      %swap3A_652 = vector.shape_cast %get3A_645 : vector<16xf32> to vector<1x1x16xf32>
      tpu.vector_store %arg8[%swap3A_647, %swap3A_648, %swap3A_649], %swap3A_652 {add = true, strides = array<i32>} : memref<2x32x768xf32, #tpu.memory_space<vmem>>, vector<1x1x16xf32>,
      %get3A_653 = arith.constant 1 : i32
      %get3A_654 = arith.index_cast %get3A_653 : i32 to index
      %get3A_655 = arith.index_cast %scan3A_211 : i32 to index
      %get3A_656 = arith.constant 544 : index
      %get3A_657 = tpu.vector_load %arg7[%get3A_654, %get3A_655, %get3A_656] {strides = array<i32>} : memref<2x32x768xf32, #tpu.memory_space<vmem>>, vector<1x1x16xf32>,
      %get3A_658 = vector.shape_cast %get3A_657 : vector<1x1x16xf32> to vector<16xf32>
      %swap3A_659 = arith.constant 1 : i32
      %swap3A_660 = arith.index_cast %swap3A_659 : i32 to index
      %swap3A_661 = arith.index_cast %scan3A_211 : i32 to index
      %swap3A_662 = arith.constant 544 : index
      %swap3A_663 = tpu.vector_load %arg8[%swap3A_660, %swap3A_661, %swap3A_662] {strides = array<i32>} : memref<2x32x768xf32, #tpu.memory_space<vmem>>, vector<1x1x16xf32>,
      %swap3A_664 = vector.shape_cast %swap3A_663 : vector<1x1x16xf32> to vector<16xf32>
      %swap3A_665 = vector.shape_cast %get3A_658 : vector<16xf32> to vector<1x1x16xf32>
      tpu.vector_store %arg8[%swap3A_660, %swap3A_661, %swap3A_662], %swap3A_665 {add = true, strides = array<i32>} : memref<2x32x768xf32, #tpu.memory_space<vmem>>, vector<1x1x16xf32>,
      %get3A_666 = arith.constant 1 : i32
      %get3A_667 = arith.index_cast %get3A_666 : i32 to index
      %get3A_668 = arith.index_cast %scan3A_211 : i32 to index
      %get3A_669 = arith.constant 560 : index
      %get3A_670 = tpu.vector_load %arg7[%get3A_667, %get3A_668, %get3A_669] {strides = array<i32>} : memref<2x32x768xf32, #tpu.memory_space<vmem>>, vector<1x1x16xf32>,
      %get3A_671 = vector.shape_cast %get3A_670 : vector<1x1x16xf32> to vector<16xf32>
      %swap3A_672 = arith.constant 1 : i32
      %swap3A_673 = arith.index_cast %swap3A_672 : i32 to index
      %swap3A_674 = arith.index_cast %scan3A_211 : i32 to index
      %swap3A_675 = arith.constant 560 : index
      %swap3A_676 = tpu.vector_load %arg8[%swap3A_673, %swap3A_674, %swap3A_675] {strides = array<i32>} : memref<2x32x768xf32, #tpu.memory_space<vmem>>, vector<1x1x16xf32>,
      %swap3A_677 = vector.shape_cast %swap3A_676 : vector<1x1x16xf32> to vector<16xf32>
      %swap3A_678 = vector.shape_cast %get3A_671 : vector<16xf32> to vector<1x1x16xf32>
      tpu.vector_store %arg8[%swap3A_673, %swap3A_674, %swap3A_675], %swap3A_678 {add = true, strides = array<i32>} : memref<2x32x768xf32, #tpu.memory_space<vmem>>, vector<1x1x16xf32>,
      %get3A_679 = arith.constant 1 : i32
      %get3A_680 = arith.index_cast %get3A_679 : i32 to index
      %get3A_681 = arith.index_cast %scan3A_211 : i32 to index
      %get3A_682 = arith.constant 576 : index
      %get3A_683 = tpu.vector_load %arg7[%get3A_680, %get3A_681, %get3A_682] {strides = array<i32>} : memref<2x32x768xf32, #tpu.memory_space<vmem>>, vector<1x1x16xf32>,
      %get3A_684 = vector.shape_cast %get3A_683 : vector<1x1x16xf32> to vector<16xf32>
      %swap3A_685 = arith.constant 1 : i32
      %swap3A_686 = arith.index_cast %swap3A_685 : i32 to index
      %swap3A_687 = arith.index_cast %scan3A_211 : i32 to index
      %swap3A_688 = arith.constant 576 : index
      %swap3A_689 = tpu.vector_load %arg8[%swap3A_686, %swap3A_687, %swap3A_688] {strides = array<i32>} : memref<2x32x768xf32, #tpu.memory_space<vmem>>, vector<1x1x16xf32>,
      %swap3A_690 = vector.shape_cast %swap3A_689 : vector<1x1x16xf32> to vector<16xf32>
      %swap3A_691 = vector.shape_cast %get3A_684 : vector<16xf32> to vector<1x1x16xf32>
      tpu.vector_store %arg8[%swap3A_686, %swap3A_687, %swap3A_688], %swap3A_691 {add = true, strides = array<i32>} : memref<2x32x768xf32, #tpu.memory_space<vmem>>, vector<1x1x16xf32>,
      %get3A_692 = arith.constant 1 : i32
      %get3A_693 = arith.index_cast %get3A_692 : i32 to index
      %get3A_694 = arith.index_cast %scan3A_211 : i32 to index
      %get3A_695 = arith.constant 592 : index
      %get3A_696 = tpu.vector_load %arg7[%get3A_693, %get3A_694, %get3A_695] {strides = array<i32>} : memref<2x32x768xf32, #tpu.memory_space<vmem>>, vector<1x1x16xf32>,
      %get3A_697 = vector.shape_cast %get3A_696 : vector<1x1x16xf32> to vector<16xf32>
      %swap3A_698 = arith.constant 1 : i32
      %swap3A_699 = arith.index_cast %swap3A_698 : i32 to index
      %swap3A_700 = arith.index_cast %scan3A_211 : i32 to index
      %swap3A_701 = arith.constant 592 : index
      %swap3A_702 = tpu.vector_load %arg8[%swap3A_699, %swap3A_700, %swap3A_701] {strides = array<i32>} : memref<2x32x768xf32, #tpu.memory_space<vmem>>, vector<1x1x16xf32>,
      %swap3A_703 = vector.shape_cast %swap3A_702 : vector<1x1x16xf32> to vector<16xf32>
      %swap3A_704 = vector.shape_cast %get3A_697 : vector<16xf32> to vector<1x1x16xf32>
      tpu.vector_store %arg8[%swap3A_699, %swap3A_700, %swap3A_701], %swap3A_704 {add = true, strides = array<i32>} : memref<2x32x768xf32, #tpu.memory_space<vmem>>, vector<1x1x16xf32>,
      %get3A_705 = arith.constant 1 : i32
      %get3A_706 = arith.index_cast %get3A_705 : i32 to index
      %get3A_707 = arith.index_cast %scan3A_211 : i32 to index
      %get3A_708 = arith.constant 608 : index
      %get3A_709 = tpu.vector_load %arg7[%get3A_706, %get3A_707, %get3A_708] {strides = array<i32>} : memref<2x32x768xf32, #tpu.memory_space<vmem>>, vector<1x1x16xf32>,
      %get3A_710 = vector.shape_cast %get3A_709 : vector<1x1x16xf32> to vector<16xf32>
      %swap3A_711 = arith.constant 1 : i32
      %swap3A_712 = arith.index_cast %swap3A_711 : i32 to index
      %swap3A_713 = arith.index_cast %scan3A_211 : i32 to index
      %swap3A_714 = arith.constant 608 : index
      %swap3A_715 = tpu.vector_load %arg8[%swap3A_712, %swap3A_713, %swap3A_714] {strides = array<i32>} : memref<2x32x768xf32, #tpu.memory_space<vmem>>, vector<1x1x16xf32>,
      %swap3A_716 = vector.shape_cast %swap3A_715 : vector<1x1x16xf32> to vector<16xf32>
      %swap3A_717 = vector.shape_cast %get3A_710 : vector<16xf32> to vector<1x1x16xf32>
      tpu.vector_store %arg8[%swap3A_712, %swap3A_713, %swap3A_714], %swap3A_717 {add = true, strides = array<i32>} : memref<2x32x768xf32, #tpu.memory_space<vmem>>, vector<1x1x16xf32>,
      %get3A_718 = arith.constant 1 : i32
      %get3A_719 = arith.index_cast %get3A_718 : i32 to index
      %get3A_720 = arith.index_cast %scan3A_211 : i32 to index
      %get3A_721 = arith.constant 624 : index
      %get3A_722 = tpu.vector_load %arg7[%get3A_719, %get3A_720, %get3A_721] {strides = array<i32>} : memref<2x32x768xf32, #tpu.memory_space<vmem>>, vector<1x1x16xf32>,
      %get3A_723 = vector.shape_cast %get3A_722 : vector<1x1x16xf32> to vector<16xf32>
      %swap3A_724 = arith.constant 1 : i32
      %swap3A_725 = arith.index_cast %swap3A_724 : i32 to index
      %swap3A_726 = arith.index_cast %scan3A_211 : i32 to index
      %swap3A_727 = arith.constant 624 : index
      %swap3A_728 = tpu.vector_load %arg8[%swap3A_725, %swap3A_726, %swap3A_727] {strides = array<i32>} : memref<2x32x768xf32, #tpu.memory_space<vmem>>, vector<1x1x16xf32>,
      %swap3A_729 = vector.shape_cast %swap3A_728 : vector<1x1x16xf32> to vector<16xf32>
      %swap3A_730 = vector.shape_cast %get3A_723 : vector<16xf32> to vector<1x1x16xf32>
      tpu.vector_store %arg8[%swap3A_725, %swap3A_726, %swap3A_727], %swap3A_730 {add = true, strides = array<i32>} : memref<2x32x768xf32, #tpu.memory_space<vmem>>, vector<1x1x16xf32>,
      %get3A_731 = arith.constant 1 : i32
      %get3A_732 = arith.index_cast %get3A_731 : i32 to index
      %get3A_733 = arith.index_cast %scan3A_211 : i32 to index
      %get3A_734 = arith.constant 640 : index
      %get3A_735 = tpu.vector_load %arg7[%get3A_732, %get3A_733, %get3A_734] {strides = array<i32>} : memref<2x32x768xf32, #tpu.memory_space<vmem>>, vector<1x1x16xf32>,
      %get3A_736 = vector.shape_cast %get3A_735 : vector<1x1x16xf32> to vector<16xf32>
      %swap3A_737 = arith.constant 1 : i32
      %swap3A_738 = arith.index_cast %swap3A_737 : i32 to index
      %swap3A_739 = arith.index_cast %scan3A_211 : i32 to index
      %swap3A_740 = arith.constant 640 : index
      %swap3A_741 = tpu.vector_load %arg8[%swap3A_738, %swap3A_739, %swap3A_740] {strides = array<i32>} : memref<2x32x768xf32, #tpu.memory_space<vmem>>, vector<1x1x16xf32>,
      %swap3A_742 = vector.shape_cast %swap3A_741 : vector<1x1x16xf32> to vector<16xf32>
      %swap3A_743 = vector.shape_cast %get3A_736 : vector<16xf32> to vector<1x1x16xf32>
      tpu.vector_store %arg8[%swap3A_738, %swap3A_739, %swap3A_740], %swap3A_743 {add = true, strides = array<i32>} : memref<2x32x768xf32, #tpu.memory_space<vmem>>, vector<1x1x16xf32>,
      %get3A_744 = arith.constant 1 : i32
      %get3A_745 = arith.index_cast %get3A_744 : i32 to index
      %get3A_746 = arith.index_cast %scan3A_211 : i32 to index
      %get3A_747 = arith.constant 656 : index
      %get3A_748 = tpu.vector_load %arg7[%get3A_745, %get3A_746, %get3A_747] {strides = array<i32>} : memref<2x32x768xf32, #tpu.memory_space<vmem>>, vector<1x1x16xf32>,
      %get3A_749 = vector.shape_cast %get3A_748 : vector<1x1x16xf32> to vector<16xf32>
      %swap3A_750 = arith.constant 1 : i32
      %swap3A_751 = arith.index_cast %swap3A_750 : i32 to index
      %swap3A_752 = arith.index_cast %scan3A_211 : i32 to index
      %swap3A_753 = arith.constant 656 : index
      %swap3A_754 = tpu.vector_load %arg8[%swap3A_751, %swap3A_752, %swap3A_753] {strides = array<i32>} : memref<2x32x768xf32, #tpu.memory_space<vmem>>, vector<1x1x16xf32>,
      %swap3A_755 = vector.shape_cast %swap3A_754 : vector<1x1x16xf32> to vector<16xf32>
      %swap3A_756 = vector.shape_cast %get3A_749 : vector<16xf32> to vector<1x1x16xf32>
      tpu.vector_store %arg8[%swap3A_751, %swap3A_752, %swap3A_753], %swap3A_756 {add = true, strides = array<i32>} : memref<2x32x768xf32, #tpu.memory_space<vmem>>, vector<1x1x16xf32>,
      %get3A_757 = arith.constant 1 : i32
      %get3A_758 = arith.index_cast %get3A_757 : i32 to index
      %get3A_759 = arith.index_cast %scan3A_211 : i32 to index
      %get3A_760 = arith.constant 672 : index
      %get3A_761 = tpu.vector_load %arg7[%get3A_758, %get3A_759, %get3A_760] {strides = array<i32>} : memref<2x32x768xf32, #tpu.memory_space<vmem>>, vector<1x1x16xf32>,
      %get3A_762 = vector.shape_cast %get3A_761 : vector<1x1x16xf32> to vector<16xf32>
      %swap3A_763 = arith.constant 1 : i32
      %swap3A_764 = arith.index_cast %swap3A_763 : i32 to index
      %swap3A_765 = arith.index_cast %scan3A_211 : i32 to index
      %swap3A_766 = arith.constant 672 : index
      %swap3A_767 = tpu.vector_load %arg8[%swap3A_764, %swap3A_765, %swap3A_766] {strides = array<i32>} : memref<2x32x768xf32, #tpu.memory_space<vmem>>, vector<1x1x16xf32>,
      %swap3A_768 = vector.shape_cast %swap3A_767 : vector<1x1x16xf32> to vector<16xf32>
      %swap3A_769 = vector.shape_cast %get3A_762 : vector<16xf32> to vector<1x1x16xf32>
      tpu.vector_store %arg8[%swap3A_764, %swap3A_765, %swap3A_766], %swap3A_769 {add = true, strides = array<i32>} : memref<2x32x768xf32, #tpu.memory_space<vmem>>, vector<1x1x16xf32>,
      %get3A_770 = arith.constant 1 : i32
      %get3A_771 = arith.index_cast %get3A_770 : i32 to index
      %get3A_772 = arith.index_cast %scan3A_211 : i32 to index
      %get3A_773 = arith.constant 688 : index
      %get3A_774 = tpu.vector_load %arg7[%get3A_771, %get3A_772, %get3A_773] {strides = array<i32>} : memref<2x32x768xf32, #tpu.memory_space<vmem>>, vector<1x1x16xf32>,
      %get3A_775 = vector.shape_cast %get3A_774 : vector<1x1x16xf32> to vector<16xf32>
      %swap3A_776 = arith.constant 1 : i32
      %swap3A_777 = arith.index_cast %swap3A_776 : i32 to index
      %swap3A_778 = arith.index_cast %scan3A_211 : i32 to index
      %swap3A_779 = arith.constant 688 : index
      %swap3A_780 = tpu.vector_load %arg8[%swap3A_777, %swap3A_778, %swap3A_779] {strides = array<i32>} : memref<2x32x768xf32, #tpu.memory_space<vmem>>, vector<1x1x16xf32>,
      %swap3A_781 = vector.shape_cast %swap3A_780 : vector<1x1x16xf32> to vector<16xf32>
      %swap3A_782 = vector.shape_cast %get3A_775 : vector<16xf32> to vector<1x1x16xf32>
      tpu.vector_store %arg8[%swap3A_777, %swap3A_778, %swap3A_779], %swap3A_782 {add = true, strides = array<i32>} : memref<2x32x768xf32, #tpu.memory_space<vmem>>, vector<1x1x16xf32>,
      %get3A_783 = arith.constant 1 : i32
      %get3A_784 = arith.index_cast %get3A_783 : i32 to index
      %get3A_785 = arith.index_cast %scan3A_211 : i32 to index
      %get3A_786 = arith.constant 704 : index
      %get3A_787 = tpu.vector_load %arg7[%get3A_784, %get3A_785, %get3A_786] {strides = array<i32>} : memref<2x32x768xf32, #tpu.memory_space<vmem>>, vector<1x1x16xf32>,
      %get3A_788 = vector.shape_cast %get3A_787 : vector<1x1x16xf32> to vector<16xf32>
      %swap3A_789 = arith.constant 1 : i32
      %swap3A_790 = arith.index_cast %swap3A_789 : i32 to index
      %swap3A_791 = arith.index_cast %scan3A_211 : i32 to index
      %swap3A_792 = arith.constant 704 : index
      %swap3A_793 = tpu.vector_load %arg8[%swap3A_790, %swap3A_791, %swap3A_792] {strides = array<i32>} : memref<2x32x768xf32, #tpu.memory_space<vmem>>, vector<1x1x16xf32>,
      %swap3A_794 = vector.shape_cast %swap3A_793 : vector<1x1x16xf32> to vector<16xf32>
      %swap3A_795 = vector.shape_cast %get3A_788 : vector<16xf32> to vector<1x1x16xf32>
      tpu.vector_store %arg8[%swap3A_790, %swap3A_791, %swap3A_792], %swap3A_795 {add = true, strides = array<i32>} : memref<2x32x768xf32, #tpu.memory_space<vmem>>, vector<1x1x16xf32>,
      %get3A_796 = arith.constant 1 : i32
      %get3A_797 = arith.index_cast %get3A_796 : i32 to index
      %get3A_798 = arith.index_cast %scan3A_211 : i32 to index
      %get3A_799 = arith.constant 720 : index
      %get3A_800 = tpu.vector_load %arg7[%get3A_797, %get3A_798, %get3A_799] {strides = array<i32>} : memref<2x32x768xf32, #tpu.memory_space<vmem>>, vector<1x1x16xf32>,
      %get3A_801 = vector.shape_cast %get3A_800 : vector<1x1x16xf32> to vector<16xf32>
      %swap3A_802 = arith.constant 1 : i32
      %swap3A_803 = arith.index_cast %swap3A_802 : i32 to index
      %swap3A_804 = arith.index_cast %scan3A_211 : i32 to index
      %swap3A_805 = arith.constant 720 : index
      %swap3A_806 = tpu.vector_load %arg8[%swap3A_803, %swap3A_804, %swap3A_805] {strides = array<i32>} : memref<2x32x768xf32, #tpu.memory_space<vmem>>, vector<1x1x16xf32>,
      %swap3A_807 = vector.shape_cast %swap3A_806 : vector<1x1x16xf32> to vector<16xf32>
      %swap3A_808 = vector.shape_cast %get3A_801 : vector<16xf32> to vector<1x1x16xf32>
      tpu.vector_store %arg8[%swap3A_803, %swap3A_804, %swap3A_805], %swap3A_808 {add = true, strides = array<i32>} : memref<2x32x768xf32, #tpu.memory_space<vmem>>, vector<1x1x16xf32>,
      %get3A_809 = arith.constant 1 : i32
      %get3A_810 = arith.index_cast %get3A_809 : i32 to index
      %get3A_811 = arith.index_cast %scan3A_211 : i32 to index
      %get3A_812 = arith.constant 736 : index
      %get3A_813 = tpu.vector_load %arg7[%get3A_810, %get3A_811, %get3A_812] {strides = array<i32>} : memref<2x32x768xf32, #tpu.memory_space<vmem>>, vector<1x1x16xf32>,
      %get3A_814 = vector.shape_cast %get3A_813 : vector<1x1x16xf32> to vector<16xf32>
      %swap3A_815 = arith.constant 1 : i32
      %swap3A_816 = arith.index_cast %swap3A_815 : i32 to index
      %swap3A_817 = arith.index_cast %scan3A_211 : i32 to index
      %swap3A_818 = arith.constant 736 : index
      %swap3A_819 = tpu.vector_load %arg8[%swap3A_816, %swap3A_817, %swap3A_818] {strides = array<i32>} : memref<2x32x768xf32, #tpu.memory_space<vmem>>, vector<1x1x16xf32>,
      %swap3A_820 = vector.shape_cast %swap3A_819 : vector<1x1x16xf32> to vector<16xf32>
      %swap3A_821 = vector.shape_cast %get3A_814 : vector<16xf32> to vector<1x1x16xf32>
      tpu.vector_store %arg8[%swap3A_816, %swap3A_817, %swap3A_818], %swap3A_821 {add = true, strides = array<i32>} : memref<2x32x768xf32, #tpu.memory_space<vmem>>, vector<1x1x16xf32>,
      %get3A_822 = arith.constant 1 : i32
      %get3A_823 = arith.index_cast %get3A_822 : i32 to index
      %get3A_824 = arith.index_cast %scan3A_211 : i32 to index
      %get3A_825 = arith.constant 752 : index
      %get3A_826 = tpu.vector_load %arg7[%get3A_823, %get3A_824, %get3A_825] {strides = array<i32>} : memref<2x32x768xf32, #tpu.memory_space<vmem>>, vector<1x1x16xf32>,
      %get3A_827 = vector.shape_cast %get3A_826 : vector<1x1x16xf32> to vector<16xf32>
      %swap3A_828 = arith.constant 1 : i32
      %swap3A_829 = arith.index_cast %swap3A_828 : i32 to index
      %swap3A_830 = arith.index_cast %scan3A_211 : i32 to index
      %swap3A_831 = arith.constant 752 : index
      %swap3A_832 = tpu.vector_load %arg8[%swap3A_829, %swap3A_830, %swap3A_831] {strides = array<i32>} : memref<2x32x768xf32, #tpu.memory_space<vmem>>, vector<1x1x16xf32>,
      %swap3A_833 = vector.shape_cast %swap3A_832 : vector<1x1x16xf32> to vector<16xf32>
      %swap3A_834 = vector.shape_cast %get3A_827 : vector<16xf32> to vector<1x1x16xf32>
      tpu.vector_store %arg8[%swap3A_829, %swap3A_830, %swap3A_831], %swap3A_834 {add = true, strides = array<i32>} : memref<2x32x768xf32, #tpu.memory_space<vmem>>, vector<1x1x16xf32>,
      %scan3A_835 = arith.constant 0 : i32
      scf.yield %scan3A_835 : i32
    }
    %scan3A_156 = arith.constant 32 : i32
    %dma_start3A_157 = arith.constant 1 : i32
    %dma_start3A_158 = arith.constant 31 : i32
    %dma_start3A_159 = arith.constant 0 : i32
    %dma_start3A_160 = arith.constant 0 : i32
    %dma_start3A_161 = tpu.memref_slice %arg8[%dma_start3A_157, %dma_start3A_159, %dma_start3A_160] : memref<2x32x768xf32, #tpu.memory_space<vmem>> -> memref<1x32x768xf32, #tpu.memory_space<vmem>>
    %dma_start3A_162 = tpu.memref_squeeze %dma_start3A_161 : memref<1x32x768xf32, #tpu.memory_space<vmem>> -> memref<32x768xf32, #tpu.memory_space<vmem>>
    %dma_start3A_163 = arith.constant 0 : i32
    %dma_start3A_164 = arith.constant 0 : i32
    %dma_start3A_165 = tpu.memref_slice %arg5[%add3A, %dma_start3A_158, %dma_start3A_163, %dma_start3A_164] : memref<32x32x32x768xf32, #tpu.memory_space<hbm>> -> memref<1x1x32x768xf32, #tpu.memory_space<hbm>>
    %dma_start3A_166 = tpu.memref_squeeze %dma_start3A_165 : memref<1x1x32x768xf32, #tpu.memory_space<hbm>> -> memref<32x768xf32, #tpu.memory_space<hbm>>
    %dma_start3A_167 = arith.constant 0 : i32
    %dma_start3A_168 = arith.constant 0 : i32
    %dma_start3A_169 = tpu.memref_slice %arg5[%add3A, %dma_start3A_158, %dma_start3A_167, %dma_start3A_168] : memref<32x32x32x768xf32, #tpu.memory_space<hbm>> -> memref<1x1x32x768xf32, #tpu.memory_space<hbm>>
    %dma_start3A_170 = tpu.memref_squeeze %dma_start3A_169 : memref<1x1x32x768xf32, #tpu.memory_space<hbm>> -> memref<32x768xf32, #tpu.memory_space<hbm>>
    %dma_start3A_171 = arith.constant 0 : i32
    %dma_start3A_172 = arith.constant 0 : i32
    %dma_start3A_173 = tpu.memref_slice %arg8[%dma_start3A_157, %dma_start3A_171, %dma_start3A_172] : memref<2x32x768xf32, #tpu.memory_space<vmem>> -> memref<1x32x768xf32, #tpu.memory_space<vmem>>
    %dma_start3A_174 = tpu.memref_squeeze %dma_start3A_173 : memref<1x32x768xf32, #tpu.memory_space<vmem>> -> memref<32x768xf32, #tpu.memory_space<vmem>>
    tpu.enqueue_dma source(%dma_start3A_174 : memref<32x768xf32, #tpu.memory_space<vmem>>) target(%dma_start3A_170 : memref<32x768xf32, #tpu.memory_space<hbm>>) target_semaphore(%arg14 : memref<!tpu.dma_semaphore, #tpu.memory_space<semaphore_mem>>)
    %dma_wait3A_175 = arith.constant 0 : i32
    %dma_wait3A_176 = arith.constant 30 : i32
    %dma_wait3A_177 = arith.constant 0 : i32
    %dma_wait3A_178 = arith.constant 0 : i32
    %dma_wait3A_179 = tpu.memref_slice %arg8[%dma_wait3A_175, %dma_wait3A_177, %dma_wait3A_178] : memref<2x32x768xf32, #tpu.memory_space<vmem>> -> memref<1x32x768xf32, #tpu.memory_space<vmem>>
    %dma_wait3A_180 = tpu.memref_squeeze %dma_wait3A_179 : memref<1x32x768xf32, #tpu.memory_space<vmem>> -> memref<32x768xf32, #tpu.memory_space<vmem>>
    %dma_wait3A_181 = arith.constant 0 : i32
    %dma_wait3A_182 = arith.constant 0 : i32
    %dma_wait3A_183 = tpu.memref_slice %arg5[%add3A, %dma_wait3A_176, %dma_wait3A_181, %dma_wait3A_182] : memref<32x32x32x768xf32, #tpu.memory_space<hbm>> -> memref<1x1x32x768xf32, #tpu.memory_space<hbm>>
    %dma_wait3A_184 = tpu.memref_squeeze %dma_wait3A_183 : memref<1x1x32x768xf32, #tpu.memory_space<hbm>> -> memref<32x768xf32, #tpu.memory_space<hbm>>
    %dma_wait3A_185 = arith.constant 0 : i32
    %dma_wait3A_186 = arith.constant 0 : i32
    %dma_wait3A_187 = tpu.memref_slice %arg5[%add3A, %dma_wait3A_176, %dma_wait3A_185, %dma_wait3A_186] : memref<32x32x32x768xf32, #tpu.memory_space<hbm>> -> memref<1x1x32x768xf32, #tpu.memory_space<hbm>>
    %dma_wait3A_188 = tpu.memref_squeeze %dma_wait3A_187 : memref<1x1x32x768xf32, #tpu.memory_space<hbm>> -> memref<32x768xf32, #tpu.memory_space<hbm>>
    %dma_wait3A_189 = arith.constant 0 : i32
    %dma_wait3A_190 = arith.constant 0 : i32
    %dma_wait3A_191 = tpu.memref_slice %arg8[%dma_wait3A_175, %dma_wait3A_189, %dma_wait3A_190] : memref<2x32x768xf32, #tpu.memory_space<vmem>> -> memref<1x32x768xf32, #tpu.memory_space<vmem>>
    %dma_wait3A_192 = tpu.memref_squeeze %dma_wait3A_191 : memref<1x32x768xf32, #tpu.memory_space<vmem>> -> memref<32x768xf32, #tpu.memory_space<vmem>>
    tpu.wait_dma2 semaphore(%arg13 : memref<!tpu.dma_semaphore, #tpu.memory_space<semaphore_mem>>) src(%dma_wait3A_192 : memref<32x768xf32, #tpu.memory_space<vmem>>) dst(%dma_wait3A_188 : memref<32x768xf32, #tpu.memory_space<hbm>>)
    %dma_wait3A_193 = arith.constant 1 : i32
    %dma_wait3A_194 = arith.constant 31 : i32
    %dma_wait3A_195 = arith.constant 0 : i32
    %dma_wait3A_196 = arith.constant 0 : i32
    %dma_wait3A_197 = tpu.memref_slice %arg8[%dma_wait3A_193, %dma_wait3A_195, %dma_wait3A_196] : memref<2x32x768xf32, #tpu.memory_space<vmem>> -> memref<1x32x768xf32, #tpu.memory_space<vmem>>
    %dma_wait3A_198 = tpu.memref_squeeze %dma_wait3A_197 : memref<1x32x768xf32, #tpu.memory_space<vmem>> -> memref<32x768xf32, #tpu.memory_space<vmem>>
    %dma_wait3A_199 = arith.constant 0 : i32
    %dma_wait3A_200 = arith.constant 0 : i32
    %dma_wait3A_201 = tpu.memref_slice %arg5[%add3A, %dma_wait3A_194, %dma_wait3A_199, %dma_wait3A_200] : memref<32x32x32x768xf32, #tpu.memory_space<hbm>> -> memref<1x1x32x768xf32, #tpu.memory_space<hbm>>
    %dma_wait3A_202 = tpu.memref_squeeze %dma_wait3A_201 : memref<1x1x32x768xf32, #tpu.memory_space<hbm>> -> memref<32x768xf32, #tpu.memory_space<hbm>>
    %dma_wait3A_203 = arith.constant 0 : i32
    %dma_wait3A_204 = arith.constant 0 : i32
    %dma_wait3A_205 = tpu.memref_slice %arg5[%add3A, %dma_wait3A_194, %dma_wait3A_203, %dma_wait3A_204] : memref<32x32x32x768xf32, #tpu.memory_space<hbm>> -> memref<1x1x32x768xf32, #tpu.memory_space<hbm>>
    %dma_wait3A_206 = tpu.memref_squeeze %dma_wait3A_205 : memref<1x1x32x768xf32, #tpu.memory_space<hbm>> -> memref<32x768xf32, #tpu.memory_space<hbm>>
    %dma_wait3A_207 = arith.constant 0 : i32
    %dma_wait3A_208 = arith.constant 0 : i32
    %dma_wait3A_209 = tpu.memref_slice %arg8[%dma_wait3A_193, %dma_wait3A_207, %dma_wait3A_208] : memref<2x32x768xf32, #tpu.memory_space<vmem>> -> memref<1x32x768xf32, #tpu.memory_space<vmem>>
    %dma_wait3A_210 = tpu.memref_squeeze %dma_wait3A_209 : memref<1x32x768xf32, #tpu.memory_space<vmem>> -> memref<32x768xf32, #tpu.memory_space<vmem>>
    tpu.wait_dma2 semaphore(%arg14 : memref<!tpu.dma_semaphore, #tpu.memory_space<semaphore_mem>>) src(%dma_wait3A_210 : memref<32x768xf32, #tpu.memory_space<vmem>>) dst(%dma_wait3A_206 : memref<32x768xf32, #tpu.memory_space<hbm>>)
    return
  }
}

</mosaic_0001>

<sc_bundles>
// kernel: kernel.3.cloned.1.call-start
scs
__scs_entry_jumppad:
0x0: {  	(pc) =	sbr.rel $0x88, $3  }
0x1: {  	(tag) =	ssettag $0x0;
	lr =	simm.s32 $0x1  }
0x2: {  	[smem:$0x3F9E] =	sst lr;
	_ =	strace $0xD0000000  }
0x3: {  	_ = 	snop  }
0x4: {  	_ = 	snop  }
0x5: {  	_ = 	snop  }
0x6: {  	_ = 	snop  }
0x7: {  	_ = 	snop  }
__scs_overlays_trampoline_lowered:
0x8: {  	[smem:$0x3FAD] =	sst s0  }
0x9: {  	[smem:$0x3FAE] =	sst s1  }
0xa: {  	[smem:$0x3FAF] =	sst s2  }
0xb: {  	[smem:$0x3FB0] =	sst s3  }
0xc: {  	[smem:$0x3FB1] =	sst s4  }
0xd: {  	[smem:$0x3FB2] =	sst s5  }
0xe: {  	[smem:$0x3FB3] =	sst s6  }
0xf: {  	[smem:$0x3FB4] =	sst s7  }
0x10: {  	[smem:$0x3FB5] =	sst s8  }
0x11: {  	[smem:$0x3FB6] =	sst s9;
	s0 =	simm.s32 @!p0 $0x0  }
0x12: {  	s1 =	sld [smem:$0x3F9C];
	s0 =	simm.s32 @p0 $0x1  }
0x13: {  	[smem:$0x3FB7] =	sst s0;
	s0 =	simm.s32 @!p1 $0x0  }
0x14: {  	s2 =	sld [smem:$0x3F9B];
	s0 =	simm.s32 @p1 $0x1  }
0x15: {  	[smem:$0x3FB8] =	sst s0;
	s0 =	simm.s32 @!p2 $0x0  }
0x16: {  	s3 =	sld [smem:$0x3FDB];
	s0 =	simm.s32 @p2 $0x1  }
0x17: {  	s4 =	simm.s32 $0x1BF5;
	[smem:$0x3FBA] =	sst s0  }
0x18: {  	s0 =	sld [smem:$0x3F9D];
	_ =	swait.ge [sflag:s4], $0x0  }
0x19: {  	s7 =	sld [smem:$0x3F9E]  }
0x1a: {  	s8 =	sadd.s32 $0xFFFFE003, lr  }
0x1b: {  	s9 =	sadd.s32 $0xFFFFFEF7, lr;
	s5 =	simm.s32 $0xFFFFFFFF;
	p2 =	slt.u32 s8, $0xFFFFF086  }
0x1c: {  	p1 =	slt.u32 s9, $0xF7A;
	s5 =	simm.s32 @!p2 $0x0  }
0x1d: {  	s5 =	simm.s32 @p1 $0x1;
	p0 =	seq.s32 s7, s2  }
0x1e: {  	s7 =	smul.u32 @!p0 $0xF7A, s2;
	p2 =	seq.s32 @!p0 s5, $0x0  }
0x1f: {  	s9 =	smul.u32 $0xF7A, s1;
	s8 =	simm.s32 @!p0 $0x1BF5;
	p2 =	por !p2, p0  }
0x20: {  	[sflag:s8] =	ssyncset.s32 @!p0 $0xFFFFF086;
	s6 =	sadd.s32 @!p0 s3, s7;
	s7 =	simm.s32 @!p0 $0x108  }
0x21: {  	s3 =	sadd.s32 s3, s9;
	s6 =	sadd.s32 @!p0 $0x88, s6;
	s7 =	simm.s32 @p2 $0x1082  }
0x22: {  	[simem:s7], [sflag:s8] =	dma.local @!p0 [hbm:s6], $0xF7A  }
0x23: {  	s9 =	sor.u32 $0xD0000000, s2;
	s6 =	simm.s32 $0x108;
	_ =	swait.ge @!p0 [sflag:s8], $0x0  }
0x24: {  	s3 =	sadd.s32 $0x88, s3;
	s6 =	simm.s32 @!p1 $0x1082;
	[sflag:s4] =	ssyncset.s32 $0xFFFFF086  }
0x25: {  	[simem:s6], [sflag:s4] =	dma.local [hbm:s3], $0xF7A  }
0x26: {  	[smem:$0x3F9E] =	sst s1;
	(tag) =	ssettag s2;
	_ =	strace s9  }
0x27: {  	s1 =	sld [smem:$0x3FAE]  }
0x28: {  	s2 =	sld [smem:$0x3FAF]  }
0x29: {  	s4 =	sld [smem:$0x3FB1]  }
0x2a: {  	p0 =	seq.s32 s5, $0x0;
	s5 =	sld [smem:$0x3FB2]  }
0x2b: {  	s6 =	sld [smem:$0x3FB3]  }
0x2c: {  	s7 =	sld [smem:$0x3FB4]  }
0x2d: {  	s3 =	simm.s32 $0x108;
	s8 =	sld [smem:$0x3FB5]  }
0x2e: {  	s3 =	simm.s32 @!p0 $0x1082;
	s9 =	sld [smem:$0x3FB6]  }
0x2f: {  	lr =	sadd.s32 s0, s3;
	s0 =	sld [smem:$0x3FAD]  }
0x30: {  	s3 =	sld [smem:$0x3FB0]  }
0x31: {  	[smem:$0x3FB9] =	sst s10  }
0x32: {  	s10 =	sld [smem:$0x3FB7];
	_ =	sdelay $0x3  }
0x33: {  	p0 =	seq.s32 s10, $0x1;
	s10 =	sld [smem:$0x3FB9];
	_ =	sdelay $0x3  }
0x34: {  	[smem:$0x3FB9] =	sst s10  }
0x35: {  	s10 =	sld [smem:$0x3FB8];
	_ =	sdelay $0x3  }
0x36: {  	p1 =	seq.s32 s10, $0x1;
	s10 =	sld [smem:$0x3FB9];
	_ =	sdelay $0x3  }
0x37: {  	[smem:$0x3FB9] =	sst s10  }
0x38: {  	s10 =	sld [smem:$0x3FBA]  }
0x39: {  	_ = 	snop;
	(pc) =	sbr.ind lr, $3  }
0x3a: {  	_ = 	snop  }
0x3b: {  	_ = 	snop  }
0x3c: {  	p2 =	seq.s32 s10, $0x1;
	s10 =	sld [smem:$0x3FB9]  }
0x3d: {  	_ =	shalt  }
0x3e: {  	_ =	shalt  }
0x3f: {  	_ =	shalt  }
0x40: {  	_ =	shalt  }
0x41: {  	_ =	shalt  }
0x42: {  	_ =	shalt  }
0x43: {  	_ =	shalt  }
0x44: {  	_ =	shalt  }
0x45: {  	_ =	shalt  }
0x46: {  	_ =	shalt  }
0x47: {  	_ =	shalt  }
0x48: {  	_ =	shalt  }
0x49: {  	_ =	shalt  }
0x4a: {  	_ =	shalt  }
0x4b: {  	_ =	shalt  }
0x4c: {  	_ =	shalt  }
0x4d: {  	_ =	shalt  }
0x4e: {  	_ =	shalt  }
0x4f: {  	_ =	shalt  }
0x50: {  	_ =	shalt  }
0x51: {  	_ =	shalt  }
0x52: {  	_ =	shalt  }
0x53: {  	_ =	shalt  }
0x54: {  	_ =	shalt  }
0x55: {  	_ =	shalt  }
0x56: {  	_ =	shalt  }
0x57: {  	_ =	shalt  }
0x58: {  	_ =	shalt  }
0x59: {  	_ =	shalt  }
0x5a: {  	_ =	shalt  }
0x5b: {  	_ =	shalt  }
0x5c: {  	_ =	shalt  }
0x5d: {  	_ =	shalt  }
0x5e: {  	_ =	shalt  }
0x5f: {  	_ =	shalt  }
0x60: {  	_ =	shalt  }
0x61: {  	_ =	shalt  }
0x62: {  	_ =	shalt  }
0x63: {  	_ =	shalt  }
0x64: {  	_ =	shalt  }
0x65: {  	_ =	shalt  }
0x66: {  	_ =	shalt  }
0x67: {  	_ =	shalt  }
0x68: {  	_ =	shalt  }
0x69: {  	_ =	shalt  }
0x6a: {  	_ =	shalt  }
0x6b: {  	_ =	shalt  }
0x6c: {  	_ =	shalt  }
0x6d: {  	_ =	shalt  }
0x6e: {  	_ =	shalt  }
0x6f: {  	_ =	shalt  }
0x70: {  	_ =	shalt  }
0x71: {  	_ =	shalt  }
0x72: {  	_ =	shalt  }
0x73: {  	_ =	shalt  }
0x74: {  	_ =	shalt  }
0x75: {  	_ =	shalt  }
0x76: {  	_ =	shalt  }
0x77: {  	_ =	shalt  }
0x78: {  	_ =	shalt  }
0x79: {  	_ =	shalt  }
0x7a: {  	_ =	shalt  }
0x7b: {  	_ =	shalt  }
0x7c: {  	_ =	shalt  }
0x7d: {  	_ =	shalt  }
0x7e: {  	_ =	shalt  }
0x7f: {  	_ =	shalt  }
0x80: {  	_ =	shalt  }
0x81: {  	_ =	shalt  }
0x82: {  	_ =	shalt  }
0x83: {  	_ =	shalt  }
0x84: {  	_ =	shalt  }
0x85: {  	_ =	shalt  }
0x86: {  	_ =	shalt  }
0x87: {  	_ =	shalt  }
.Lfunc_end0:
.L_simem_size_0:
called_computation_lowered:
.L_overlay_start_0:
0x88: {  	s2 =	sld [smem:$0x3FD9]  }
0x89: {  	s3 =	sld [smem:$0x3FFE];
	_ =	sdelay $0x1  }
0x8a: {  	s1 =	srdreg.scid  }
0x8b: {  	s0 =	sand.u32 $0x1, s1  }
0x8c: {  	s17 =	sshll.u32 s0, $0xA;
	s2 =	sadd.s32 s3, s2  }
0x8d: {  	s2 =	sadd.s32 s2, s17  }
0x8e: {  	[smem:$0x3FC5] =	sst s2  }
0x8f: {  	_ = 	snop  }
0x90: {  	s2 =	sld [smem:$0x3FC9]  }
0x91: {  	s18 =	sld [smem:$0x3FC7]  }
0x92: {  	s4 =	sld [smem:$0x3FD0];
	(tm) =	ssettm $0x1  }
0x93: {  	s5 =	sld [smem:$0x3FFB];
	_ =	sdelay $0x3  }
0x94: {  	_ =	strace s5  }
0x95: {  	s5 =	sld [smem:$0x3FFC];
	_ =	sdelay $0x3  }
0x96: {  	_ =	strace s5  }
0x97: {  	s5 =	sld [smem:$0x3FFD];
	_ =	sdelay $0x3  }
0x98: {  	_ =	strace s5  }
0x99: {  	_ =	strace $0x8FFFFFFF  }
0x9a: {  	s19 =	sld [smem:$0x3FDB];
	_ =	sdelay $0x1  }
0x9b: {  	s6 =	simm.s32 $_scs_section_size  }
0x9c: {  	s7 =	simm.s32 $_size__tile_overlayer_lowered;
	s8 =	simm.s32 $_tile_overlayer_lowered  }
0x9d: {  	s22 =	simm.s32 $0x1BFF;
	s21 =	sshll.u32 s8, $0x1;
	s5 =	sadd.s32 s6, s19  }
0x9e: {  	s9 =	simm.s32 $0x0;
	s20 =	sshll.u32 s7, $0x1;
	s7 =	sadd.s32 s21, s5  }
0x9f: {  	[timem:s9], [sflag:s22] =	dma.local [hbm:s7], s20  }
0xa0: {  	_ =	swait.ge [sflag:s22], s20  }
0xa1: {  	s6 =	ssub.s32 $0x0, s20;
	[sflag:s22] =	ssyncset.done $0x0  }
0xa2: {  	[sflag:s22] =	ssyncadd.s32 s6;
	_ =	sdelay $0x1  }
0xa3: {  	s23 =	simm.s32 $0x1B8B  }
0xa4: {  	_ =	swait.ge [sflag:s23], $0x1  }
0xa5: {  	[sflag:s23] =	ssyncset.done $0x0  }
0xa6: {  	s25 =	simm.s32 $0x1B8E;
	s24 =	sld [smem:$0x3FFE];
	[sflag:s23] =	ssyncadd.s32 $0xFFFFFFFF  }
0xa7: {  	s26 =	simm.s32 $execute0_lowered;
	[smem:$0x3FD2] =	sst s25  }
0xa8: {  	s7 =	sshll.u32 s26, $0x1;
	_ =	strace $0x80000046;
	[dreg:$0x1] =	wrdreg $0xFFFFFFFF  }
0xa9: {  	s28 =	simm.s32 $_size_execute0_lowered;
	s5 =	sadd.s32 s5, s7;
	[dreg:$0x0] =	wrdreg $0x0  }
0xaa: {  	s7 =	sshll.u32 s28, $0x1;
	[dreg:$0x2] =	wrdreg s5  }
0xab: {  	[dreg:$0x3] =	wrdreg s7  }
0xac: {  	[dreg:$0x4] =	wrdreg $0xC0  }
0xad: {  	_ =	task [dreg:s9], $0x5FFFF  }
0xae: {  	[dreg:$0x1] =	wrdreg $0xFFFFFFFF  }
0xaf: {  	[dreg:$0x0] =	wrdreg $0x60  }
0xb0: {  	[dreg:$0x2] =	wrdreg s2  }
0xb1: {  	[dreg:$0x3] =	wrdreg s24  }
0xb2: {  	[dreg:$0x4] =	wrdreg s18  }
0xb3: {  	[dreg:$0x5] =	wrdreg s4  }
0xb4: {  	[dreg:$0x6] =	wrdreg $0x9  }
0xb5: {  	_ =	task.clear_ibuf [dreg:s9], $0x7FFFF;
	_ =	strace $0x90000046  }
0xb6: {  	s29 =	simm.s32 $0x9;
	_ =	strace $0x80000048  }
0xb7: {  	_ =	swait.ge [sflag:s29], $0x1  }
0xb8: {  	[sflag:s29] =	ssyncadd.s32 $0xFFFFFFFF  }
0xb9: {  	_ =	strace $0x90000048  }
0xba: {  	_ =	sfence  }
0xbb: {  	s30 =	sld [smem:$0x0];
	_ =	sdelay $0x2  }
0xbc: {  	s31 =	sshll.u32 s1, $0xD;
	s1 =	sshrl.u32 s1, $0x2  }
0xbd: {  	s3 =	sand.u32 $0x4000, s31;
	s1 =	sadd.s32 s1, s30  }
0xbe: {  	s0 =	sor.u32 s3, s0;
	s1 =	sshll.u32 s1, $0x11  }
0xbf: {  	s0 =	sor.u32 s1, s0  }
0xc0: {  	s0 =	sadd.s32 $0x8F2B, s0  }
0xc1: {  	[sflag:s0] =	ssyncadd.remote.s32 $0x1  }
0xc2: {  	_ =	sfence.sel $0xFFFF  }
0xc3: {  	[dreg:$0x0] =	wrdreg $0xFFFFFFFF;
	(pc) =	sbr.abs _section_cstart, $3  }
0xc4: {  	[dreg:$0x1] =	wrdreg $0xFFFFFFFF  }
0xc5: {  	_ =	task.clear_ibuf [dreg:s9], $0x2FFFF;
	_ =	strace $0x9FFFFFFF  }
0xc6: {  	(tm) =	ssettm $0x7FFFFFFF  }
0xc7: {  	_ =	shalt  }
tec
execute0_lowered:
.L_overlay_start_1:
0x0: {  	(tag) =	ssettag $0x1  }
0x1: {  	s1 =	rddreg [dreg:$0x0]  }
0x2: {  	s0 =	rddreg [dreg:$0x1]  }
0x3: {  	s3 =	rddreg [dreg:$0x2]  }
0x4: {  	s4 =	rddreg [dreg:$0x3]  }
0x5: {  	s2 =	srdreg.scid;
	s6 =	stileid.u32  }
0x6: {  	s5 =	simm.s32 $0x0;
	s30 =	simm.s32 $0xD000;
	s13 =	simm.s32 $0x9800  }
0x7: {  	s14 =	simm.s32 $0xA000;
	s15 =	simm.s32 $0xA800;
	s10 =	simm.s32 $0xB000  }
0x8: {  	s16 =	simm.s32 $0xB800;
	s17 =	simm.s32 $0xC000;
	s18 =	simm.s32 $0xC800  }
0x9: {  	s19 =	simm.s32 $0x13000;
	s20 =	simm.s32 $0x1;
	s21 =	simm.s32 $0x3  }
0xa: {  	s22 =	simm.s32 $0x5;
	s2 =	sand.u32 $0x1, s2;
	s6 =	sshll.u32 s6, $0x1  }
0xb: {  	s23 =	simm.s32 $0x2;
	s24 =	simm.s32 $0x4;
	s6 =	sor.u32 s2, s6  }
0xc: {  	[smem:$0x7FF] =	sst s5;
	s2 =	ssub.s32 $0x2, s2;
	s7 =	sshll.u32 s6, $0x9  }
0xd: {  	s8 =	sshrl.u32 s2, $0x1;
	s6 =	smul.u32 $0xC0000, s6;
	s0 =	sadd.s32 s7, s0  }
0xe: {  	_ =	strace $0x80000047;
	s2 =	ssub.s32 s2, s8;
	s0 =	sadd.s32 $0x400, s0  }
0xf: {  	s26 =	sshrl.u32 s6, $0x3;
	s31 =	smax.u32 s2, $0x1;
	[dreg:$0x5] =	wrdreg s0  }
0x10: {  	s25 =	simm.s32 $0x6;
	s28 =	sadd.s32 s1, s26;
	[dreg:$0xa] =	wrdreg s31  }
0x11: {  	s0 =	sadd.s32 s4, s26;
	[dreg:$0x6] =	wrdreg s28;
	s7 =	sadd.s32 $0xC00, s28  }
0x12: {  	v2 =	vlaneseq.u32;
	s9 =	sadd.s32 $0x200, s3;
	s29 =	sadd.s32 $0x16800, s0;
	[dreg:$0x7] =	wrdreg s7  }
0x13: {  	vm0 =	vmmov $0xffff;
	v1 =	vshrl.u32 v2, $0x3;
	s8 =	sadd.s32 $0x100, s3;
	s0 =	sadd.s32 $0x17400, s0;
	[dreg:$0x8] =	wrdreg s29  }
0x14: {  	v0 =	vand.u32 $0x7, v2;
	v2 =	vor.u32 $0x8, v2;
	v1 =	vmul.u32 $0x8, v1;
	s12 =	sor.u32 $0x6000, s6;
	s2 =	simm.s32 $0x0;
	[dreg:$0x9] =	wrdreg s0  }
.LBB2_1:
0x15: {  	[dreg:$0xb] =	wrdreg s2  }
0x16: {  	s0 =	rddreg [dreg:$0x5];
	s7 =	simm.s32 $0x7  }
0x17: {  	[tilespmem:s5], [sflag:$0x7] =	stream.linear.gather [hbm4b:s0+s5], $0x1000, $0x38;
	[tilespmem:$0x19000] =	vst v63  }
0x18: {  	_ =	swait.ge [sflag:s7], $0x1000  }
0x19: {  	[sflag:s7] =	ssyncset.done $0x0  }
0x1a: {  	[sflag:s7] =	ssyncadd.s32 $0xFFFFF000  }
0x1b: {  	v3 =	vld [tilespmem:$0x0];
	_ =	sdelay $0x4  }
0x1c: {  	v4 =	vshrl.u32 v3, $0x3  }
0x1d: {  	v4 =	vmul.u32 $0x30, v4  }
0x1e: {  	v3 =	vand.u32 $0x7, v3  }
0x1f: {  	v3 =	vor.u32 v3, v4  }
0x20: {  	v4 =	vperm.xlane v3, v0;
	_ =	sdelay $0x1  }
0x21: {  	v4 =	vadd.s32 v1, v4;
	_ =	sdelay $0x3  }
0x22: {  	s11 =	simm.s32 $0x1000;
	v3 =	vperm.xlane v3, v2  }
0x23: {  	[tilespmem:s11], [sflag:$0x1] =	stream.indirect_vreg.gather [hbm4b:s3+s5], $0x80, v4, vm0, $0xb8;
	[tilespmem:$0x19000] =	vst v63  }
0x24: {  	s26 =	simm.s32 $0x1800;
	v3 =	vadd.s32 v1, v3  }
0x25: {  	[tilespmem:s26], [sflag:$0x1] =	stream.indirect_vreg.gather [hbm4b:s8+s5], $0x80, v4, vm0, $0xb8;
	[tilespmem:$0x19000] =	vst v63  }
0x26: {  	s28 =	simm.s32 $0x2000  }
0x27: {  	[tilespmem:s28], [sflag:$0x1] =	stream.indirect_vreg.gather [hbm4b:s9+s5], $0x80, v4, vm0, $0xb8;
	[tilespmem:$0x19000] =	vst v63  }
0x28: {  	s29 =	simm.s32 $0x2800  }
0x29: {  	[tilespmem:s29], [sflag:$0x1] =	stream.indirect_vreg.gather [hbm4b:s3+s5], $0x80, v3, vm0, $0xb8;
	[tilespmem:$0x19000] =	vst v63  }
0x2a: {  	s31 =	simm.s32 $0x3000  }
0x2b: {  	[tilespmem:s31], [sflag:$0x1] =	stream.indirect_vreg.gather [hbm4b:s8+s5], $0x80, v3, vm0, $0xb8;
	[tilespmem:$0x19000] =	vst v63  }
0x2c: {  	s2 =	simm.s32 $0x3800  }
0x2d: {  	[tilespmem:s2], [sflag:$0x1] =	stream.indirect_vreg.gather [hbm4b:s9+s5], $0x80, v3, vm0, $0xb8;
	[tilespmem:$0x19000] =	vst v63  }
0x2e: {  	v3 =	vld [tilespmem:$0x10];
	_ =	sdelay $0x4  }
0x2f: {  	v61 =	vshrl.u32 v3, $0x3  }
0x30: {  	v4 =	vmul.u32 $0x30, v61  }
0x31: {  	v3 =	vand.u32 $0x7, v3  }
0x32: {  	v3 =	vor.u32 v3, v4  }
0x33: {  	v4 =	vperm.xlane v3, v0;
	_ =	sdelay $0x1  }
0x34: {  	v4 =	vadd.s32 v1, v4;
	_ =	sdelay $0x3  }
0x35: {  	s7 =	simm.s32 $0x4000;
	v3 =	vperm.xlane v3, v2  }
0x36: {  	[tilespmem:s7], [sflag:$0x1] =	stream.indirect_vreg.gather [hbm4b:s3+s5], $0x80, v4, vm0, $0xb8;
	[tilespmem:$0x19000] =	vst v63  }
0x37: {  	s11 =	simm.s32 $0x4800;
	v3 =	vadd.s32 v1, v3  }
0x38: {  	[tilespmem:s11], [sflag:$0x1] =	stream.indirect_vreg.gather [hbm4b:s8+s5], $0x80, v4, vm0, $0xb8;
	[tilespmem:$0x19000] =	vst v63  }
0x39: {  	s26 =	simm.s32 $0x5000  }
0x3a: {  	[tilespmem:s26], [sflag:$0x1] =	stream.indirect_vreg.gather [hbm4b:s9+s5], $0x80, v4, vm0, $0xb8;
	[tilespmem:$0x19000] =	vst v63  }
0x3b: {  	s28 =	simm.s32 $0x5800  }
0x3c: {  	[tilespmem:s28], [sflag:$0x1] =	stream.indirect_vreg.gather [hbm4b:s3+s5], $0x80, v3, vm0, $0xb8;
	[tilespmem:$0x19000] =	vst v63  }
0x3d: {  	s29 =	simm.s32 $0x6000  }
0x3e: {  	[tilespmem:s29], [sflag:$0x1] =	stream.indirect_vreg.gather [hbm4b:s8+s5], $0x80, v3, vm0, $0xb8;
	[tilespmem:$0x19000] =	vst v63  }
0x3f: {  	s31 =	simm.s32 $0x6800  }
0x40: {  	[tilespmem:s31], [sflag:$0x1] =	stream.indirect_vreg.gather [hbm4b:s9+s5], $0x80, v3, vm0, $0xb8;
	[tilespmem:$0x19000] =	vst v63  }
0x41: {  	s2 =	rddreg [dreg:$0x6]  }
0x42: {  	[tilespmem:s30], [sflag:$0x3] =	stream.linear.gather [hbm4b:s2+s5], $0x6000, $0x38;
	[tilespmem:$0x19000] =	vst v63  }
0x43: {  	v3 =	vld [tilespmem:$0x80];
	_ =	sdelay $0x4  }
0x44: {  	v62 =	vshrl.u32 v3, $0x3  }
0x45: {  	v4 =	vmul.u32 $0x30, v62  }
0x46: {  	v3 =	vand.u32 $0x7, v3  }
0x47: {  	v3 =	vor.u32 v3, v4  }
0x48: {  	v4 =	vperm.xlane v3, v0;
	_ =	sdelay $0x1  }
0x49: {  	v4 =	vadd.s32 v1, v4;
	_ =	sdelay $0x3  }
0x4a: {  	s7 =	simm.s32 $0x7000;
	v3 =	vperm.xlane v3, v2  }
0x4b: {  	[tilespmem:s7], [sflag:$0x2] =	stream.indirect_vreg.gather [hbm4b:s3+s5], $0x80, v4, vm0, $0xb8;
	[tilespmem:$0x19000] =	vst v63  }
0x4c: {  	s11 =	simm.s32 $0x7800;
	v3 =	vadd.s32 v1, v3  }
0x4d: {  	[tilespmem:s11], [sflag:$0x2] =	stream.indirect_vreg.gather [hbm4b:s8+s5], $0x80, v4, vm0, $0xb8;
	[tilespmem:$0x19000] =	vst v63  }
0x4e: {  	s26 =	simm.s32 $0x8000  }
0x4f: {  	[tilespmem:s26], [sflag:$0x2] =	stream.indirect_vreg.gather [hbm4b:s9+s5], $0x80, v4, vm0, $0xb8;
	[tilespmem:$0x19000] =	vst v63  }
0x50: {  	s28 =	simm.s32 $0x8800  }
0x51: {  	[tilespmem:s28], [sflag:$0x2] =	stream.indirect_vreg.gather [hbm4b:s3+s5], $0x80, v3, vm0, $0xb8;
	[tilespmem:$0x19000] =	vst v63  }
0x52: {  	s29 =	simm.s32 $0x9000  }
0x53: {  	[tilespmem:s29], [sflag:$0x2] =	stream.indirect_vreg.gather [hbm4b:s8+s5], $0x80, v3, vm0, $0xb8;
	[tilespmem:$0x19000] =	vst v63  }
0x54: {  	_ = 	snop  }
0x55: {  	[tilespmem:s13], [sflag:$0x2] =	stream.indirect_vreg.gather [hbm4b:s9+s5], $0x80, v3, vm0, $0xb8;
	[tilespmem:$0x19000] =	vst v63  }
0x56: {  	v3 =	vld [tilespmem:$0x90];
	_ =	sdelay $0x4  }
0x57: {  	v63 =	vshrl.u32 v3, $0x3  }
0x58: {  	v4 =	vmul.u32 $0x30, v63  }
0x59: {  	v3 =	vand.u32 $0x7, v3  }
0x5a: {  	v3 =	vor.u32 v3, v4  }
0x5b: {  	v4 =	vperm.xlane v3, v0;
	_ =	sdelay $0x1  }
0x5c: {  	v4 =	vadd.s32 v1, v4;
	_ =	sdelay $0x3  }
0x5d: {  	v3 =	vperm.xlane v3, v2  }
0x5e: {  	[tilespmem:s14], [sflag:$0x2] =	stream.indirect_vreg.gather [hbm4b:s3+s5], $0x80, v4, vm0, $0xb8;
	[tilespmem:$0x19000] =	vst v63  }
0x5f: {  	v3 =	vadd.s32 v1, v3  }
0x60: {  	[tilespmem:s15], [sflag:$0x2] =	stream.indirect_vreg.gather [hbm4b:s8+s5], $0x80, v4, vm0, $0xb8;
	[tilespmem:$0x19000] =	vst v63  }
0x61: {  	_ = 	snop  }
0x62: {  	[tilespmem:s10], [sflag:$0x2] =	stream.indirect_vreg.gather [hbm4b:s9+s5], $0x80, v4, vm0, $0xb8;
	[tilespmem:$0x19000] =	vst v63  }
0x63: {  	_ = 	snop  }
0x64: {  	[tilespmem:s16], [sflag:$0x2] =	stream.indirect_vreg.gather [hbm4b:s3+s5], $0x80, v3, vm0, $0xb8;
	[tilespmem:$0x19000] =	vst v63  }
0x65: {  	_ = 	snop  }
0x66: {  	[tilespmem:s17], [sflag:$0x2] =	stream.indirect_vreg.gather [hbm4b:s8+s5], $0x80, v3, vm0, $0xb8;
	[tilespmem:$0x19000] =	vst v63  }
0x67: {  	_ = 	snop  }
0x68: {  	[tilespmem:s18], [sflag:$0x2] =	stream.indirect_vreg.gather [hbm4b:s9+s5], $0x80, v3, vm0, $0xb8;
	[tilespmem:$0x19000] =	vst v63  }
0x69: {  	s31 =	rddreg [dreg:$0x7];
	s26 =	simm.s32 $0x0  }
0x6a: {  	[tilespmem:s19], [sflag:$0x4] =	stream.linear.gather [hbm4b:s31+s5], $0x6000, $0x38;
	[tilespmem:$0x19000] =	vst v63  }
.LBB2_2:
0x6b: {  	_ =	swait.ge [sflag:s20], $0x6000  }
0x6c: {  	[sflag:s20] =	ssyncset.done $0x0  }
0x6d: {  	s2 =	simm.s32 $0x0;
	[sflag:s20] =	ssyncadd.s32 $0xFFFFA000  }
0x6e: {  	s0 =	simm.s32 $0x0;
	s2 =	smul.u32 $0x1800, s2;
	_ =	swait.ge [sflag:s21], $0x6000  }
0x6f: {  	s7 =	sand.u32 $0x380, s0;
	[sflag:s21] =	ssyncset.done $0x0  }
0x70: {  	s2 =	sor.u32 s7, s2;
	[sflag:s21] =	ssyncadd.s32 $0xFFFFA000  }
0x71: {  	v3 =	vld [tilespmem:s2+$0x2470]  }
0x72: {  	v6 =	vld [tilespmem:s2+$0x1000]  }
0x73: {  	v7 =	vld [tilespmem:s2+$0x1010]  }
0x74: {  	v8 =	vld [tilespmem:s2+$0x1020]  }
0x75: {  	v9 =	vld [tilespmem:s2+$0x1030]  }
0x76: {  	v10 =	vld [tilespmem:s2+$0x1040]  }
0x77: {  	v11 =	vld [tilespmem:s2+$0x1050]  }
0x78: {  	v12 =	vld [tilespmem:s2+$0x1060]  }
0x79: {  	v13 =	vld [tilespmem:s2+$0x1070]  }
0x7a: {  	v14 =	vld [tilespmem:s2+$0x1400]  }
0x7b: {  	v15 =	vld [tilespmem:s2+$0x1410]  }
0x7c: {  	v16 =	vld [tilespmem:s2+$0x1420]  }
0x7d: {  	v17 =	vld [tilespmem:s2+$0x1430]  }
0x7e: {  	v18 =	vld [tilespmem:s2+$0x1440]  }
0x7f: {  	v19 =	vld [tilespmem:s2+$0x1450]  }
0x80: {  	v20 =	vld [tilespmem:s2+$0x1460]  }
0x81: {  	v21 =	vld [tilespmem:s2+$0x1470]  }
0x82: {  	v22 =	vld [tilespmem:s2+$0x1800]  }
0x83: {  	v23 =	vld [tilespmem:s2+$0x1810]  }
0x84: {  	v24 =	vld [tilespmem:s2+$0x1820]  }
0x85: {  	v25 =	vld [tilespmem:s2+$0x1830]  }
0x86: {  	v26 =	vld [tilespmem:s2+$0x1840]  }
0x87: {  	v27 =	vld [tilespmem:s2+$0x1850]  }
0x88: {  	v28 =	vld [tilespmem:s2+$0x1860]  }
0x89: {  	v29 =	vld [tilespmem:s2+$0x1870]  }
0x8a: {  	v30 =	vld [tilespmem:s2+$0x1C00]  }
0x8b: {  	v31 =	vld [tilespmem:s2+$0x1C10]  }
0x8c: {  	v32 =	vld [tilespmem:s2+$0x1C20]  }
0x8d: {  	v33 =	vld [tilespmem:s2+$0x1C30]  }
0x8e: {  	v34 =	vld [tilespmem:s2+$0x1C40]  }
0x8f: {  	v35 =	vld [tilespmem:s2+$0x1C50]  }
0x90: {  	v36 =	vld [tilespmem:s2+$0x1C60]  }
0x91: {  	v37 =	vld [tilespmem:s2+$0x1C70]  }
0x92: {  	v38 =	vld [tilespmem:s2+$0x2000]  }
0x93: {  	v39 =	vld [tilespmem:s2+$0x2010]  }
0x94: {  	v40 =	vld [tilespmem:s2+$0x2020]  }
0x95: {  	v41 =	vld [tilespmem:s2+$0x2030]  }
0x96: {  	v42 =	vld [tilespmem:s2+$0x2040]  }
0x97: {  	v43 =	vld [tilespmem:s2+$0x2050]  }
0x98: {  	v44 =	vld [tilespmem:s2+$0x2060]  }
0x99: {  	v45 =	vld [tilespmem:s2+$0x2070]  }
0x9a: {  	v46 =	vld [tilespmem:s2+$0x2400]  }
0x9b: {  	v47 =	vld [tilespmem:s2+$0x2410]  }
0x9c: {  	v48 =	vld [tilespmem:s2+$0x2420]  }
0x9d: {  	v49 =	vld [tilespmem:s2+$0x2430]  }
0x9e: {  	v5 =	vld [tilespmem:s2+$0x2440]  }
0x9f: {  	v4 =	vld [tilespmem:s2+$0x2450]  }
0xa0: {  	[tilespmem:s2+$0xE470] =	vst.add.f32.msk $0xffff, v3  }
0xa1: {  	v3 =	vld [tilespmem:s2+$0x2460]  }
0xa2: {  	[tilespmem:s2+$0xD000] =	vst.add.f32.msk $0xffff, v6  }
0xa3: {  	[tilespmem:s2+$0xD010] =	vst.add.f32.msk $0xffff, v7  }
0xa4: {  	[tilespmem:s2+$0xD020] =	vst.add.f32.msk $0xffff, v8  }
0xa5: {  	[tilespmem:s2+$0xD030] =	vst.add.f32.msk $0xffff, v9  }
0xa6: {  	[tilespmem:s2+$0xD040] =	vst.add.f32.msk $0xffff, v10  }
0xa7: {  	[tilespmem:s2+$0xD050] =	vst.add.f32.msk $0xffff, v11  }
0xa8: {  	[tilespmem:s2+$0xD060] =	vst.add.f32.msk $0xffff, v12  }
0xa9: {  	[tilespmem:s2+$0xD070] =	vst.add.f32.msk $0xffff, v13  }
0xaa: {  	[tilespmem:s2+$0xD400] =	vst.add.f32.msk $0xffff, v14  }
0xab: {  	[tilespmem:s2+$0xD410] =	vst.add.f32.msk $0xffff, v15  }
0xac: {  	[tilespmem:s2+$0xD420] =	vst.add.f32.msk $0xffff, v16  }
0xad: {  	[tilespmem:s2+$0xD430] =	vst.add.f32.msk $0xffff, v17  }
0xae: {  	[tilespmem:s2+$0xD440] =	vst.add.f32.msk $0xffff, v18  }
0xaf: {  	[tilespmem:s2+$0xD450] =	vst.add.f32.msk $0xffff, v19  }
0xb0: {  	[tilespmem:s2+$0xD460] =	vst.add.f32.msk $0xffff, v20  }
0xb1: {  	[tilespmem:s2+$0xD470] =	vst.add.f32.msk $0xffff, v21  }
0xb2: {  	[tilespmem:s2+$0xD800] =	vst.add.f32.msk $0xffff, v22  }
0xb3: {  	[tilespmem:s2+$0xD810] =	vst.add.f32.msk $0xffff, v23  }
0xb4: {  	[tilespmem:s2+$0xD820] =	vst.add.f32.msk $0xffff, v24  }
0xb5: {  	[tilespmem:s2+$0xD830] =	vst.add.f32.msk $0xffff, v25  }
0xb6: {  	[tilespmem:s2+$0xD840] =	vst.add.f32.msk $0xffff, v26  }
0xb7: {  	[tilespmem:s2+$0xD850] =	vst.add.f32.msk $0xffff, v27  }
0xb8: {  	[tilespmem:s2+$0xD860] =	vst.add.f32.msk $0xffff, v28  }
0xb9: {  	[tilespmem:s2+$0xD870] =	vst.add.f32.msk $0xffff, v29  }
0xba: {  	[tilespmem:s2+$0xDC00] =	vst.add.f32.msk $0xffff, v30  }
0xbb: {  	[tilespmem:s2+$0xDC10] =	vst.add.f32.msk $0xffff, v31  }
0xbc: {  	[tilespmem:s2+$0xDC20] =	vst.add.f32.msk $0xffff, v32  }
0xbd: {  	[tilespmem:s2+$0xDC30] =	vst.add.f32.msk $0xffff, v33  }
0xbe: {  	[tilespmem:s2+$0xDC40] =	vst.add.f32.msk $0xffff, v34  }
0xbf: {  	[tilespmem:s2+$0xDC50] =	vst.add.f32.msk $0xffff, v35  }
0xc0: {  	[tilespmem:s2+$0xDC60] =	vst.add.f32.msk $0xffff, v36  }
0xc1: {  	[tilespmem:s2+$0xDC70] =	vst.add.f32.msk $0xffff, v37  }
0xc2: {  	[tilespmem:s2+$0xE000] =	vst.add.f32.msk $0xffff, v38  }
0xc3: {  	[tilespmem:s2+$0xE010] =	vst.add.f32.msk $0xffff, v39  }
0xc4: {  	[tilespmem:s2+$0xE020] =	vst.add.f32.msk $0xffff, v40  }
0xc5: {  	[tilespmem:s2+$0xE030] =	vst.add.f32.msk $0xffff, v41  }
0xc6: {  	[tilespmem:s2+$0xE040] =	vst.add.f32.msk $0xffff, v42  }
0xc7: {  	[tilespmem:s2+$0xE050] =	vst.add.f32.msk $0xffff, v43  }
0xc8: {  	[tilespmem:s2+$0xE060] =	vst.add.f32.msk $0xffff, v44  }
0xc9: {  	[tilespmem:s2+$0xE070] =	vst.add.f32.msk $0xffff, v45  }
0xca: {  	[tilespmem:s2+$0xE400] =	vst.add.f32.msk $0xffff, v46  }
0xcb: {  	[tilespmem:s2+$0xE410] =	vst.add.f32.msk $0xffff, v47  }
0xcc: {  	[tilespmem:s2+$0xE420] =	vst.add.f32.msk $0xffff, v48  }
0xcd: {  	s11 =	simm.s32 $0x0;
	s7 =	simm.s32 $0x2;
	[tilespmem:s2+$0xE430] =	vst.add.f32.msk $0xffff, v49  }
.LBB2_3:
0xce: {  	p0 =	sne.s32 s7, $0x1F;
	s11 =	smul.u32 $0x1800, s11;
	[tilespmem:s2+$0xE440] =	vst.add.f32.msk $0xffff, v5;
	s0 =	sadd.s32 $0x80, s0  }
0xcf: {  	s28 =	sand.u32 $0x380, s0;
	[tilespmem:s2+$0xE450] =	vst.add.f32.msk $0xffff, v4  }
0xd0: {  	[tilespmem:s2+$0xE460] =	vst.add.f32.msk $0xffff, v3;
	s2 =	sor.u32 s28, s11  }
0xd1: {  	v3 =	vld [tilespmem:s2+$0x2470]  }
0xd2: {  	v6 =	vld [tilespmem:s2+$0x1000]  }
0xd3: {  	v7 =	vld [tilespmem:s2+$0x1010]  }
0xd4: {  	v8 =	vld [tilespmem:s2+$0x1020]  }
0xd5: {  	v9 =	vld [tilespmem:s2+$0x1030]  }
0xd6: {  	[tilespmem:s2+$0xE470] =	vst.add.f32.msk $0xffff, v3  }
0xd7: {  	v10 =	vld [tilespmem:s2+$0x1040]  }
0xd8: {  	v11 =	vld [tilespmem:s2+$0x1050]  }
0xd9: {  	v12 =	vld [tilespmem:s2+$0x1060]  }
0xda: {  	v13 =	vld [tilespmem:s2+$0x1070]  }
0xdb: {  	v14 =	vld [tilespmem:s2+$0x1400]  }
0xdc: {  	v15 =	vld [tilespmem:s2+$0x1410]  }
0xdd: {  	v16 =	vld [tilespmem:s2+$0x1420]  }
0xde: {  	v17 =	vld [tilespmem:s2+$0x1430]  }
0xdf: {  	v18 =	vld [tilespmem:s2+$0x1440]  }
0xe0: {  	v19 =	vld [tilespmem:s2+$0x1450]  }
0xe1: {  	v20 =	vld [tilespmem:s2+$0x1460]  }
0xe2: {  	v21 =	vld [tilespmem:s2+$0x1470]  }
0xe3: {  	v22 =	vld [tilespmem:s2+$0x1800]  }
0xe4: {  	v23 =	vld [tilespmem:s2+$0x1810]  }
0xe5: {  	v24 =	vld [tilespmem:s2+$0x1820]  }
0xe6: {  	v25 =	vld [tilespmem:s2+$0x1830]  }
0xe7: {  	v26 =	vld [tilespmem:s2+$0x1840]  }
0xe8: {  	v27 =	vld [tilespmem:s2+$0x1850]  }
0xe9: {  	v28 =	vld [tilespmem:s2+$0x1860]  }
0xea: {  	v29 =	vld [tilespmem:s2+$0x1870]  }
0xeb: {  	v30 =	vld [tilespmem:s2+$0x1C00]  }
0xec: {  	v31 =	vld [tilespmem:s2+$0x1C10]  }
0xed: {  	v32 =	vld [tilespmem:s2+$0x1C20]  }
0xee: {  	v33 =	vld [tilespmem:s2+$0x1C30]  }
0xef: {  	v34 =	vld [tilespmem:s2+$0x1C40]  }
0xf0: {  	v35 =	vld [tilespmem:s2+$0x1C50]  }
0xf1: {  	v36 =	vld [tilespmem:s2+$0x1C60]  }
0xf2: {  	v37 =	vld [tilespmem:s2+$0x1C70]  }
0xf3: {  	v38 =	vld [tilespmem:s2+$0x2000]  }
0xf4: {  	v39 =	vld [tilespmem:s2+$0x2010]  }
0xf5: {  	v40 =	vld [tilespmem:s2+$0x2020]  }
0xf6: {  	v41 =	vld [tilespmem:s2+$0x2030]  }
0xf7: {  	v42 =	vld [tilespmem:s2+$0x2040]  }
0xf8: {  	v43 =	vld [tilespmem:s2+$0x2050]  }
0xf9: {  	v44 =	vld [tilespmem:s2+$0x2060]  }
0xfa: {  	v45 =	vld [tilespmem:s2+$0x2070]  }
0xfb: {  	v46 =	vld [tilespmem:s2+$0x2400]  }
0xfc: {  	v47 =	vld [tilespmem:s2+$0x2410]  }
0xfd: {  	v48 =	vld [tilespmem:s2+$0x2420]  }
0xfe: {  	v49 =	vld [tilespmem:s2+$0x2430]  }
0xff: {  	v5 =	vld [tilespmem:s2+$0x2440]  }
0x100: {  	v4 =	vld [tilespmem:s2+$0x2450]  }
0x101: {  	v3 =	vld [tilespmem:s2+$0x2460]  }
0x102: {  	[tilespmem:s2+$0xD000] =	vst.add.f32.msk $0xffff, v6  }
0x103: {  	[tilespmem:s2+$0xD010] =	vst.add.f32.msk $0xffff, v7  }
0x104: {  	[tilespmem:s2+$0xD020] =	vst.add.f32.msk $0xffff, v8  }
0x105: {  	[tilespmem:s2+$0xD030] =	vst.add.f32.msk $0xffff, v9  }
0x106: {  	[tilespmem:s2+$0xD040] =	vst.add.f32.msk $0xffff, v10  }
0x107: {  	[tilespmem:s2+$0xD050] =	vst.add.f32.msk $0xffff, v11  }
0x108: {  	[tilespmem:s2+$0xD060] =	vst.add.f32.msk $0xffff, v12  }
0x109: {  	[tilespmem:s2+$0xD070] =	vst.add.f32.msk $0xffff, v13  }
0x10a: {  	[tilespmem:s2+$0xD400] =	vst.add.f32.msk $0xffff, v14  }
0x10b: {  	[tilespmem:s2+$0xD410] =	vst.add.f32.msk $0xffff, v15  }
0x10c: {  	[tilespmem:s2+$0xD420] =	vst.add.f32.msk $0xffff, v16  }
0x10d: {  	[tilespmem:s2+$0xD430] =	vst.add.f32.msk $0xffff, v17  }
0x10e: {  	[tilespmem:s2+$0xD440] =	vst.add.f32.msk $0xffff, v18  }
0x10f: {  	[tilespmem:s2+$0xD450] =	vst.add.f32.msk $0xffff, v19  }
0x110: {  	[tilespmem:s2+$0xD460] =	vst.add.f32.msk $0xffff, v20  }
0x111: {  	[tilespmem:s2+$0xD470] =	vst.add.f32.msk $0xffff, v21  }
0x112: {  	[tilespmem:s2+$0xD800] =	vst.add.f32.msk $0xffff, v22  }
0x113: {  	[tilespmem:s2+$0xD810] =	vst.add.f32.msk $0xffff, v23  }
0x114: {  	[tilespmem:s2+$0xD820] =	vst.add.f32.msk $0xffff, v24  }
0x115: {  	[tilespmem:s2+$0xD830] =	vst.add.f32.msk $0xffff, v25  }
0x116: {  	[tilespmem:s2+$0xD840] =	vst.add.f32.msk $0xffff, v26  }
0x117: {  	[tilespmem:s2+$0xD850] =	vst.add.f32.msk $0xffff, v27  }
0x118: {  	[tilespmem:s2+$0xD860] =	vst.add.f32.msk $0xffff, v28  }
0x119: {  	[tilespmem:s2+$0xD870] =	vst.add.f32.msk $0xffff, v29  }
0x11a: {  	[tilespmem:s2+$0xDC00] =	vst.add.f32.msk $0xffff, v30  }
0x11b: {  	[tilespmem:s2+$0xDC10] =	vst.add.f32.msk $0xffff, v31  }
0x11c: {  	[tilespmem:s2+$0xDC20] =	vst.add.f32.msk $0xffff, v32  }
0x11d: {  	[tilespmem:s2+$0xDC30] =	vst.add.f32.msk $0xffff, v33  }
0x11e: {  	[tilespmem:s2+$0xDC40] =	vst.add.f32.msk $0xffff, v34  }
0x11f: {  	[tilespmem:s2+$0xDC50] =	vst.add.f32.msk $0xffff, v35  }
0x120: {  	[tilespmem:s2+$0xDC60] =	vst.add.f32.msk $0xffff, v36  }
0x121: {  	[tilespmem:s2+$0xDC70] =	vst.add.f32.msk $0xffff, v37  }
0x122: {  	[tilespmem:s2+$0xE000] =	vst.add.f32.msk $0xffff, v38  }
0x123: {  	[tilespmem:s2+$0xE010] =	vst.add.f32.msk $0xffff, v39  }
0x124: {  	[tilespmem:s2+$0xE020] =	vst.add.f32.msk $0xffff, v40  }
0x125: {  	[tilespmem:s2+$0xE030] =	vst.add.f32.msk $0xffff, v41  }
0x126: {  	[tilespmem:s2+$0xE040] =	vst.add.f32.msk $0xffff, v42  }
0x127: {  	[tilespmem:s2+$0xE050] =	vst.add.f32.msk $0xffff, v43  }
0x128: {  	[tilespmem:s2+$0xE060] =	vst.add.f32.msk $0xffff, v44  }
.Ltmp0:
0x129: {  	[tilespmem:s2+$0xE070] =	vst.add.f32.msk $0xffff, v45;
	(pc) =	sbr.rel @p0 .LBB2_3-.Ltmp0, $4  }
0x12a: {  	[tilespmem:s2+$0xE400] =	vst.add.f32.msk $0xffff, v46  }
0x12b: {  	[tilespmem:s2+$0xE410] =	vst.add.f32.msk $0xffff, v47  }
0x12c: {  	[tilespmem:s2+$0xE420] =	vst.add.f32.msk $0xffff, v48  }
0x12d: {  	s11 =	sshrl.u32 s7, $0x3;
	s7 =	sadd.s32 $0x1, s7;
	[tilespmem:s2+$0xE430] =	vst.add.f32.msk $0xffff, v49  }
0x12e: {  	s7 =	smul.u32 $0x1800, s11;
	[tilespmem:s2+$0xE440] =	vst.add.f32.msk $0xffff, v5;
	s0 =	sadd.s32 $0x80, s0  }
0x12f: {  	[tilespmem:s2+$0xE450] =	vst.add.f32.msk $0xffff, v4;
	s0 =	sand.u32 $0x380, s0  }
0x130: {  	[tilespmem:s2+$0xE460] =	vst.add.f32.msk $0xffff, v3;
	s0 =	sor.u32 s0, s7  }
0x131: {  	v3 =	vld [tilespmem:s0+$0x2470]  }
0x132: {  	v4 =	vld [tilespmem:s0+$0x1000]  }
0x133: {  	v5 =	vld [tilespmem:s0+$0x1010]  }
0x134: {  	v6 =	vld [tilespmem:s0+$0x1020]  }
0x135: {  	v7 =	vld [tilespmem:s0+$0x1030]  }
0x136: {  	v8 =	vld [tilespmem:s0+$0x1050]  }
0x137: {  	v9 =	vld [tilespmem:s0+$0x1060]  }
0x138: {  	v10 =	vld [tilespmem:s0+$0x1070]  }
0x139: {  	v11 =	vld [tilespmem:s0+$0x1400]  }
0x13a: {  	v12 =	vld [tilespmem:s0+$0x1410]  }
0x13b: {  	v13 =	vld [tilespmem:s0+$0x1420]  }
0x13c: {  	v14 =	vld [tilespmem:s0+$0x1430]  }
0x13d: {  	v15 =	vld [tilespmem:s0+$0x1440]  }
0x13e: {  	v16 =	vld [tilespmem:s0+$0x1450]  }
0x13f: {  	v17 =	vld [tilespmem:s0+$0x1460]  }
0x140: {  	v18 =	vld [tilespmem:s0+$0x1470]  }
0x141: {  	v19 =	vld [tilespmem:s0+$0x1800]  }
0x142: {  	v20 =	vld [tilespmem:s0+$0x1810]  }
0x143: {  	v21 =	vld [tilespmem:s0+$0x1820]  }
0x144: {  	v22 =	vld [tilespmem:s0+$0x1830]  }
0x145: {  	v23 =	vld [tilespmem:s0+$0x1840]  }
0x146: {  	v24 =	vld [tilespmem:s0+$0x1850]  }
0x147: {  	v25 =	vld [tilespmem:s0+$0x1860]  }
0x148: {  	v26 =	vld [tilespmem:s0+$0x1870]  }
0x149: {  	v27 =	vld [tilespmem:s0+$0x1C00]  }
0x14a: {  	v28 =	vld [tilespmem:s0+$0x1C10]  }
0x14b: {  	v29 =	vld [tilespmem:s0+$0x1C20]  }
0x14c: {  	v30 =	vld [tilespmem:s0+$0x1C30]  }
0x14d: {  	v31 =	vld [tilespmem:s0+$0x1C40]  }
0x14e: {  	v32 =	vld [tilespmem:s0+$0x1C50]  }
0x14f: {  	v33 =	vld [tilespmem:s0+$0x1C60]  }
0x150: {  	v34 =	vld [tilespmem:s0+$0x1C70]  }
0x151: {  	v35 =	vld [tilespmem:s0+$0x2000]  }
0x152: {  	v36 =	vld [tilespmem:s0+$0x2010]  }
0x153: {  	v37 =	vld [tilespmem:s0+$0x2020]  }
0x154: {  	v38 =	vld [tilespmem:s0+$0x2030]  }
0x155: {  	v39 =	vld [tilespmem:s0+$0x2040]  }
0x156: {  	v40 =	vld [tilespmem:s0+$0x2050]  }
0x157: {  	v41 =	vld [tilespmem:s0+$0x2060]  }
0x158: {  	v42 =	vld [tilespmem:s0+$0x2070]  }
0x159: {  	v43 =	vld [tilespmem:s0+$0x2400]  }
0x15a: {  	v44 =	vld [tilespmem:s0+$0x2410]  }
0x15b: {  	v45 =	vld [tilespmem:s0+$0x2420]  }
0x15c: {  	v46 =	vld [tilespmem:s0+$0x2430]  }
0x15d: {  	v47 =	vld [tilespmem:s0+$0x2440]  }
0x15e: {  	v48 =	vld [tilespmem:s0+$0x2450]  }
0x15f: {  	v49 =	vld [tilespmem:s0+$0x2460]  }
0x160: {  	[tilespmem:s0+$0xE470] =	vst.add.f32.msk $0xffff, v3  }
0x161: {  	v3 =	vld [tilespmem:s0+$0x1040]  }
0x162: {  	[tilespmem:s0+$0xD000] =	vst.add.f32.msk $0xffff, v4  }
0x163: {  	[tilespmem:s0+$0xD010] =	vst.add.f32.msk $0xffff, v5  }
0x164: {  	[tilespmem:s0+$0xD020] =	vst.add.f32.msk $0xffff, v6  }
0x165: {  	[tilespmem:s0+$0xD030] =	vst.add.f32.msk $0xffff, v7  }
0x166: {  	[tilespmem:s0+$0xD050] =	vst.add.f32.msk $0xffff, v8  }
0x167: {  	[tilespmem:s0+$0xD060] =	vst.add.f32.msk $0xffff, v9  }
0x168: {  	[tilespmem:s0+$0xD070] =	vst.add.f32.msk $0xffff, v10  }
0x169: {  	[tilespmem:s0+$0xD400] =	vst.add.f32.msk $0xffff, v11  }
0x16a: {  	[tilespmem:s0+$0xD410] =	vst.add.f32.msk $0xffff, v12  }
0x16b: {  	[tilespmem:s0+$0xD420] =	vst.add.f32.msk $0xffff, v13  }
0x16c: {  	[tilespmem:s0+$0xD430] =	vst.add.f32.msk $0xffff, v14  }
0x16d: {  	[tilespmem:s0+$0xD440] =	vst.add.f32.msk $0xffff, v15  }
0x16e: {  	[tilespmem:s0+$0xD450] =	vst.add.f32.msk $0xffff, v16  }
0x16f: {  	[tilespmem:s0+$0xD460] =	vst.add.f32.msk $0xffff, v17  }
0x170: {  	[tilespmem:s0+$0xD470] =	vst.add.f32.msk $0xffff, v18  }
0x171: {  	[tilespmem:s0+$0xD800] =	vst.add.f32.msk $0xffff, v19  }
0x172: {  	[tilespmem:s0+$0xD810] =	vst.add.f32.msk $0xffff, v20  }
0x173: {  	[tilespmem:s0+$0xD820] =	vst.add.f32.msk $0xffff, v21  }
0x174: {  	[tilespmem:s0+$0xD830] =	vst.add.f32.msk $0xffff, v22  }
0x175: {  	[tilespmem:s0+$0xD840] =	vst.add.f32.msk $0xffff, v23  }
0x176: {  	[tilespmem:s0+$0xD850] =	vst.add.f32.msk $0xffff, v24  }
0x177: {  	[tilespmem:s0+$0xD860] =	vst.add.f32.msk $0xffff, v25  }
0x178: {  	[tilespmem:s0+$0xD870] =	vst.add.f32.msk $0xffff, v26  }
0x179: {  	[tilespmem:s0+$0xDC00] =	vst.add.f32.msk $0xffff, v27  }
0x17a: {  	[tilespmem:s0+$0xDC10] =	vst.add.f32.msk $0xffff, v28  }
0x17b: {  	[tilespmem:s0+$0xDC20] =	vst.add.f32.msk $0xffff, v29  }
0x17c: {  	[tilespmem:s0+$0xDC30] =	vst.add.f32.msk $0xffff, v30  }
0x17d: {  	[tilespmem:s0+$0xDC40] =	vst.add.f32.msk $0xffff, v31  }
0x17e: {  	[tilespmem:s0+$0xDC50] =	vst.add.f32.msk $0xffff, v32  }
0x17f: {  	[tilespmem:s0+$0xDC60] =	vst.add.f32.msk $0xffff, v33  }
0x180: {  	[tilespmem:s0+$0xDC70] =	vst.add.f32.msk $0xffff, v34  }
0x181: {  	[tilespmem:s0+$0xE000] =	vst.add.f32.msk $0xffff, v35  }
0x182: {  	[tilespmem:s0+$0xE010] =	vst.add.f32.msk $0xffff, v36  }
0x183: {  	[tilespmem:s0+$0xE020] =	vst.add.f32.msk $0xffff, v37  }
0x184: {  	[tilespmem:s0+$0xE030] =	vst.add.f32.msk $0xffff, v38  }
0x185: {  	[tilespmem:s0+$0xE040] =	vst.add.f32.msk $0xffff, v39  }
0x186: {  	[tilespmem:s0+$0xE050] =	vst.add.f32.msk $0xffff, v40  }
0x187: {  	[tilespmem:s0+$0xE060] =	vst.add.f32.msk $0xffff, v41  }
0x188: {  	[tilespmem:s0+$0xE070] =	vst.add.f32.msk $0xffff, v42  }
0x189: {  	[tilespmem:s0+$0xE400] =	vst.add.f32.msk $0xffff, v43  }
0x18a: {  	[tilespmem:s0+$0xE410] =	vst.add.f32.msk $0xffff, v44  }
0x18b: {  	[tilespmem:s0+$0xE420] =	vst.add.f32.msk $0xffff, v45  }
0x18c: {  	s28 =	smul.u32 $0xC000, s26;
	[tilespmem:s0+$0xE430] =	vst.add.f32.msk $0xffff, v46  }
0x18d: {  	[tilespmem:s0+$0xE440] =	vst.add.f32.msk $0xffff, v47  }
0x18e: {  	s11 =	sadd.s32 s6, s28;
	[tilespmem:s0+$0xE450] =	vst.add.f32.msk $0xffff, v48  }
0x18f: {  	s29 =	sshll.u32 s26, $0x1;
	s2 =	sshrl.u32 s11, $0x3;
	[tilespmem:s0+$0xE460] =	vst.add.f32.msk $0xffff, v49  }
0x190: {  	s7 =	sadd.s32 s4, s2;
	s2 =	simm.s32 $0x0;
	[tilespmem:s0+$0xD040] =	vst.add.f32.msk $0xffff, v3;
	s0 =	sadd.s32 $0x2, s29  }
0x191: {  	[hbm4b:s7+s2] =	stream.linear.scatter [tilespmem:s30], [sflag:$0x5], $0x6000, $0x38;
	[tilespmem:$0x19000] =	vst v63  }
0x192: {  	s11 =	sshll.u32 s0, $0x7  }
0x193: {  	s7 =	sand.u32 $0x3FFFFF00, s11  }
0x194: {  	v3 =	vld [tilespmem:s7+$0x0];
	_ =	sdelay $0x4  }
0x195: {  	v4 =	vshrl.u32 v3, $0x3  }
0x196: {  	v4 =	vmul.u32 $0x30, v4  }
0x197: {  	v3 =	vand.u32 $0x7, v3  }
0x198: {  	v3 =	vor.u32 v3, v4  }
0x199: {  	v4 =	vperm.xlane v3, v0;
	_ =	sdelay $0x1  }
0x19a: {  	v4 =	vadd.s32 v1, v4;
	_ =	sdelay $0x3  }
0x19b: {  	s11 =	simm.s32 $0x1000;
	v3 =	vperm.xlane v3, v2  }
0x19c: {  	[tilespmem:s11], [sflag:$0x1] =	stream.indirect_vreg.gather [hbm4b:s3+s2], $0x80, v4, vm0, $0xb8;
	[tilespmem:$0x19000] =	vst v63  }
0x19d: {  	v3 =	vadd.s32 v1, v3;
	s11 =	simm.s32 $0x1800  }
0x19e: {  	[tilespmem:s11], [sflag:$0x1] =	stream.indirect_vreg.gather [hbm4b:s8+s2], $0x80, v4, vm0, $0xb8;
	[tilespmem:$0x19000] =	vst v63  }
0x19f: {  	s11 =	simm.s32 $0x2000  }
0x1a0: {  	[tilespmem:s11], [sflag:$0x1] =	stream.indirect_vreg.gather [hbm4b:s9+s2], $0x80, v4, vm0, $0xb8;
	[tilespmem:$0x19000] =	vst v63  }
0x1a1: {  	s11 =	simm.s32 $0x2800  }
0x1a2: {  	[tilespmem:s11], [sflag:$0x1] =	stream.indirect_vreg.gather [hbm4b:s3+s2], $0x80, v3, vm0, $0xb8;
	[tilespmem:$0x19000] =	vst v63  }
0x1a3: {  	s11 =	simm.s32 $0x3000  }
0x1a4: {  	[tilespmem:s11], [sflag:$0x1] =	stream.indirect_vreg.gather [hbm4b:s8+s2], $0x80, v3, vm0, $0xb8;
	[tilespmem:$0x19000] =	vst v63  }
0x1a5: {  	s11 =	simm.s32 $0x3800  }
0x1a6: {  	[tilespmem:s11], [sflag:$0x1] =	stream.indirect_vreg.gather [hbm4b:s9+s2], $0x80, v3, vm0, $0xb8;
	[tilespmem:$0x19000] =	vst v63  }
0x1a7: {  	v3 =	vld [tilespmem:s7+$0x10];
	_ =	sdelay $0x4  }
0x1a8: {  	v4 =	vshrl.u32 v3, $0x3  }
0x1a9: {  	v4 =	vmul.u32 $0x30, v4  }
0x1aa: {  	v3 =	vand.u32 $0x7, v3  }
0x1ab: {  	v3 =	vor.u32 v3, v4  }
0x1ac: {  	v4 =	vperm.xlane v3, v0;
	_ =	sdelay $0x1  }
0x1ad: {  	v4 =	vadd.s32 v1, v4;
	_ =	sdelay $0x3  }
0x1ae: {  	s11 =	simm.s32 $0x4000;
	v3 =	vperm.xlane v3, v2  }
0x1af: {  	[tilespmem:s11], [sflag:$0x1] =	stream.indirect_vreg.gather [hbm4b:s3+s2], $0x80, v4, vm0, $0xb8;
	[tilespmem:$0x19000] =	vst v63  }
0x1b0: {  	v3 =	vadd.s32 v1, v3;
	s11 =	simm.s32 $0x4800  }
0x1b1: {  	[tilespmem:s11], [sflag:$0x1] =	stream.indirect_vreg.gather [hbm4b:s8+s2], $0x80, v4, vm0, $0xb8;
	[tilespmem:$0x19000] =	vst v63  }
0x1b2: {  	s11 =	simm.s32 $0x5000  }
0x1b3: {  	[tilespmem:s11], [sflag:$0x1] =	stream.indirect_vreg.gather [hbm4b:s9+s2], $0x80, v4, vm0, $0xb8;
	[tilespmem:$0x19000] =	vst v63  }
0x1b4: {  	s11 =	simm.s32 $0x5800  }
0x1b5: {  	[tilespmem:s11], [sflag:$0x1] =	stream.indirect_vreg.gather [hbm4b:s3+s2], $0x80, v3, vm0, $0xb8;
	[tilespmem:$0x19000] =	vst v63  }
0x1b6: {  	s11 =	simm.s32 $0x6000  }
0x1b7: {  	[tilespmem:s11], [sflag:$0x1] =	stream.indirect_vreg.gather [hbm4b:s8+s2], $0x80, v3, vm0, $0xb8;
	[tilespmem:$0x19000] =	vst v63  }
0x1b8: {  	s0 =	smul.u32 $0x6000, s0;
	s11 =	simm.s32 $0x6800  }
0x1b9: {  	[tilespmem:s11], [sflag:$0x1] =	stream.indirect_vreg.gather [hbm4b:s9+s2], $0x80, v3, vm0, $0xb8;
	[tilespmem:$0x19000] =	vst v63  }
0x1ba: {  	s0 =	sadd.s32 s6, s0;
	_ =	swait.ge [sflag:s22], $0x6000  }
0x1bb: {  	s0 =	sshrl.u32 s0, $0x3;
	[sflag:s22] =	ssyncset.done $0x0  }
0x1bc: {  	s0 =	sadd.s32 s1, s0;
	[sflag:s22] =	ssyncadd.s32 $0xFFFFA000  }
0x1bd: {  	[tilespmem:s30], [sflag:$0x3] =	stream.linear.gather [hbm4b:s0+s2], $0x6000, $0x38;
	[tilespmem:$0x19000] =	vst v63  }
0x1be: {  	_ =	swait.ge [sflag:s23], $0x6000  }
0x1bf: {  	[sflag:s23] =	ssyncset.done $0x0  }
0x1c0: {  	s11 =	simm.s32 $0x0;
	[sflag:s23] =	ssyncadd.s32 $0xFFFFA000  }
0x1c1: {  	s0 =	smul.u32 $0x1800, s11;
	_ =	swait.ge [sflag:s24], $0x6000  }
0x1c2: {  	s2 =	sand.u32 $0x380, s2;
	[sflag:s24] =	ssyncset.done $0x0  }
0x1c3: {  	s2 =	sor.u32 s2, s0;
	[sflag:s24] =	ssyncadd.s32 $0xFFFFA000  }
0x1c4: {  	v3 =	vld [tilespmem:s2+$0x7000];
	_ =	sdelay $0x3  }
0x1c5: {  	s0 =	sadd.s32 $0x6000, s2  }
0x1c6: {  	[tilespmem:s0+$0xD000] =	vst.add.f32.msk $0xffff, v3  }
0x1c7: {  	v3 =	vld [tilespmem:s2+$0x7010];
	_ =	sdelay $0x4  }
0x1c8: {  	[tilespmem:s0+$0xD010] =	vst.add.f32.msk $0xffff, v3  }
0x1c9: {  	v3 =	vld [tilespmem:s2+$0x7020];
	_ =	sdelay $0x4  }
0x1ca: {  	[tilespmem:s0+$0xD020] =	vst.add.f32.msk $0xffff, v3  }
0x1cb: {  	v3 =	vld [tilespmem:s2+$0x7030];
	_ =	sdelay $0x4  }
0x1cc: {  	[tilespmem:s0+$0xD030] =	vst.add.f32.msk $0xffff, v3  }
0x1cd: {  	v3 =	vld [tilespmem:s2+$0x7040];
	_ =	sdelay $0x4  }
0x1ce: {  	[tilespmem:s0+$0xD040] =	vst.add.f32.msk $0xffff, v3  }
0x1cf: {  	v3 =	vld [tilespmem:s2+$0x7050];
	_ =	sdelay $0x4  }
0x1d0: {  	[tilespmem:s0+$0xD050] =	vst.add.f32.msk $0xffff, v3  }
0x1d1: {  	v3 =	vld [tilespmem:s2+$0x7060];
	_ =	sdelay $0x4  }
0x1d2: {  	[tilespmem:s0+$0xD060] =	vst.add.f32.msk $0xffff, v3  }
0x1d3: {  	v3 =	vld [tilespmem:s2+$0x7070];
	_ =	sdelay $0x4  }
0x1d4: {  	[tilespmem:s0+$0xD070] =	vst.add.f32.msk $0xffff, v3  }
0x1d5: {  	v3 =	vld [tilespmem:s2+$0x7400];
	_ =	sdelay $0x3  }
0x1d6: {  	s7 =	sadd.s32 $0x6400, s2  }
0x1d7: {  	[tilespmem:s7+$0xD000] =	vst.add.f32.msk $0xffff, v3  }
0x1d8: {  	v3 =	vld [tilespmem:s2+$0x7410];
	_ =	sdelay $0x4  }
0x1d9: {  	[tilespmem:s7+$0xD010] =	vst.add.f32.msk $0xffff, v3  }
0x1da: {  	v3 =	vld [tilespmem:s2+$0x7420];
	_ =	sdelay $0x4  }
0x1db: {  	[tilespmem:s7+$0xD020] =	vst.add.f32.msk $0xffff, v3  }
0x1dc: {  	v3 =	vld [tilespmem:s2+$0x7430];
	_ =	sdelay $0x4  }
0x1dd: {  	[tilespmem:s7+$0xD030] =	vst.add.f32.msk $0xffff, v3  }
0x1de: {  	v3 =	vld [tilespmem:s2+$0x7440];
	_ =	sdelay $0x4  }
0x1df: {  	[tilespmem:s7+$0xD040] =	vst.add.f32.msk $0xffff, v3  }
0x1e0: {  	v3 =	vld [tilespmem:s2+$0x7450];
	_ =	sdelay $0x4  }
0x1e1: {  	[tilespmem:s7+$0xD050] =	vst.add.f32.msk $0xffff, v3  }
0x1e2: {  	v3 =	vld [tilespmem:s2+$0x7460];
	_ =	sdelay $0x4  }
0x1e3: {  	[tilespmem:s7+$0xD060] =	vst.add.f32.msk $0xffff, v3  }
0x1e4: {  	v3 =	vld [tilespmem:s2+$0x7470];
	_ =	sdelay $0x4  }
0x1e5: {  	[tilespmem:s7+$0xD070] =	vst.add.f32.msk $0xffff, v3  }
0x1e6: {  	v3 =	vld [tilespmem:s2+$0x7800];
	_ =	sdelay $0x3  }
0x1e7: {  	s11 =	sadd.s32 $0x6800, s2  }
0x1e8: {  	[tilespmem:s11+$0xD000] =	vst.add.f32.msk $0xffff, v3  }
0x1e9: {  	v3 =	vld [tilespmem:s2+$0x7810];
	_ =	sdelay $0x4  }
0x1ea: {  	[tilespmem:s11+$0xD010] =	vst.add.f32.msk $0xffff, v3  }
0x1eb: {  	v3 =	vld [tilespmem:s2+$0x7820];
	_ =	sdelay $0x4  }
0x1ec: {  	[tilespmem:s11+$0xD020] =	vst.add.f32.msk $0xffff, v3  }
0x1ed: {  	v3 =	vld [tilespmem:s2+$0x7830];
	_ =	sdelay $0x4  }
0x1ee: {  	[tilespmem:s11+$0xD030] =	vst.add.f32.msk $0xffff, v3  }
0x1ef: {  	v3 =	vld [tilespmem:s2+$0x7840];
	_ =	sdelay $0x4  }
0x1f0: {  	[tilespmem:s11+$0xD040] =	vst.add.f32.msk $0xffff, v3  }
0x1f1: {  	v3 =	vld [tilespmem:s2+$0x7850];
	_ =	sdelay $0x4  }
0x1f2: {  	[tilespmem:s11+$0xD050] =	vst.add.f32.msk $0xffff, v3  }
0x1f3: {  	v3 =	vld [tilespmem:s2+$0x7860];
	_ =	sdelay $0x4  }
0x1f4: {  	[tilespmem:s11+$0xD060] =	vst.add.f32.msk $0xffff, v3  }
0x1f5: {  	v3 =	vld [tilespmem:s2+$0x7870];
	_ =	sdelay $0x4  }
0x1f6: {  	[tilespmem:s11+$0xD070] =	vst.add.f32.msk $0xffff, v3  }
0x1f7: {  	v3 =	vld [tilespmem:s2+$0x7C00];
	_ =	sdelay $0x3  }
0x1f8: {  	s7 =	sadd.s32 $0x6C00, s2  }
0x1f9: {  	[tilespmem:s7+$0xD000] =	vst.add.f32.msk $0xffff, v3  }
0x1fa: {  	v3 =	vld [tilespmem:s2+$0x7C10];
	_ =	sdelay $0x4  }
0x1fb: {  	[tilespmem:s7+$0xD010] =	vst.add.f32.msk $0xffff, v3  }
0x1fc: {  	v3 =	vld [tilespmem:s2+$0x7C20];
	_ =	sdelay $0x4  }
0x1fd: {  	[tilespmem:s7+$0xD020] =	vst.add.f32.msk $0xffff, v3  }
0x1fe: {  	v3 =	vld [tilespmem:s2+$0x7C30];
	_ =	sdelay $0x4  }
0x1ff: {  	[tilespmem:s7+$0xD030] =	vst.add.f32.msk $0xffff, v3  }
0x200: {  	v3 =	vld [tilespmem:s2+$0x7C40];
	_ =	sdelay $0x4  }
0x201: {  	[tilespmem:s7+$0xD040] =	vst.add.f32.msk $0xffff, v3  }
0x202: {  	v3 =	vld [tilespmem:s2+$0x7C50];
	_ =	sdelay $0x4  }
0x203: {  	[tilespmem:s7+$0xD050] =	vst.add.f32.msk $0xffff, v3  }
0x204: {  	v3 =	vld [tilespmem:s2+$0x7C60];
	_ =	sdelay $0x4  }
0x205: {  	[tilespmem:s7+$0xD060] =	vst.add.f32.msk $0xffff, v3  }
0x206: {  	v3 =	vld [tilespmem:s2+$0x7C70];
	_ =	sdelay $0x4  }
0x207: {  	[tilespmem:s7+$0xD070] =	vst.add.f32.msk $0xffff, v3  }
0x208: {  	v3 =	vld [tilespmem:s2+$0x8000];
	_ =	sdelay $0x3  }
0x209: {  	s11 =	sadd.s32 $0x7000, s2  }
0x20a: {  	[tilespmem:s11+$0xD000] =	vst.add.f32.msk $0xffff, v3  }
0x20b: {  	v3 =	vld [tilespmem:s2+$0x8010];
	_ =	sdelay $0x4  }
0x20c: {  	[tilespmem:s11+$0xD010] =	vst.add.f32.msk $0xffff, v3  }
0x20d: {  	v3 =	vld [tilespmem:s2+$0x8020];
	_ =	sdelay $0x4  }
0x20e: {  	[tilespmem:s11+$0xD020] =	vst.add.f32.msk $0xffff, v3  }
0x20f: {  	v3 =	vld [tilespmem:s2+$0x8030];
	_ =	sdelay $0x4  }
0x210: {  	[tilespmem:s11+$0xD030] =	vst.add.f32.msk $0xffff, v3  }
0x211: {  	v3 =	vld [tilespmem:s2+$0x8040];
	_ =	sdelay $0x4  }
0x212: {  	[tilespmem:s11+$0xD040] =	vst.add.f32.msk $0xffff, v3  }
0x213: {  	v3 =	vld [tilespmem:s2+$0x8050];
	_ =	sdelay $0x4  }
0x214: {  	[tilespmem:s11+$0xD050] =	vst.add.f32.msk $0xffff, v3  }
0x215: {  	v3 =	vld [tilespmem:s2+$0x8060];
	_ =	sdelay $0x4  }
0x216: {  	[tilespmem:s11+$0xD060] =	vst.add.f32.msk $0xffff, v3  }
0x217: {  	v3 =	vld [tilespmem:s2+$0x8070];
	_ =	sdelay $0x4  }
0x218: {  	[tilespmem:s11+$0xD070] =	vst.add.f32.msk $0xffff, v3  }
0x219: {  	v3 =	vld [tilespmem:s2+$0x8400];
	_ =	sdelay $0x3  }
0x21a: {  	s11 =	sadd.s32 $0x7400, s2  }
0x21b: {  	[tilespmem:s11+$0xD000] =	vst.add.f32.msk $0xffff, v3  }
0x21c: {  	v3 =	vld [tilespmem:s2+$0x8410];
	_ =	sdelay $0x4  }
0x21d: {  	[tilespmem:s11+$0xD010] =	vst.add.f32.msk $0xffff, v3  }
0x21e: {  	v3 =	vld [tilespmem:s2+$0x8420];
	_ =	sdelay $0x4  }
0x21f: {  	[tilespmem:s11+$0xD020] =	vst.add.f32.msk $0xffff, v3  }
0x220: {  	v3 =	vld [tilespmem:s2+$0x8430];
	_ =	sdelay $0x4  }
0x221: {  	[tilespmem:s11+$0xD030] =	vst.add.f32.msk $0xffff, v3  }
0x222: {  	v3 =	vld [tilespmem:s2+$0x8440];
	_ =	sdelay $0x4  }
0x223: {  	[tilespmem:s11+$0xD040] =	vst.add.f32.msk $0xffff, v3  }
0x224: {  	v3 =	vld [tilespmem:s2+$0x8450];
	_ =	sdelay $0x4  }
0x225: {  	[tilespmem:s11+$0xD050] =	vst.add.f32.msk $0xffff, v3  }
0x226: {  	v3 =	vld [tilespmem:s2+$0x8460];
	_ =	sdelay $0x4  }
0x227: {  	[tilespmem:s11+$0xD060] =	vst.add.f32.msk $0xffff, v3  }
0x228: {  	v3 =	vld [tilespmem:s2+$0x8470];
	_ =	sdelay $0x1  }
0x229: {  	s31 =	simm.s32 $0x80;
	s7 =	simm.s32 $0x0  }
0x22a: {  	s0 =	simm.s32 $0x2;
	s2 =	smul.u32 $0x1800, s7;
	s7 =	sand.u32 $0x380, s31  }
.LBB2_5:
0x22b: {  	p0 =	sne.s32 s0, $0x1F  }
0x22c: {  	s7 =	sor.u32 s7, s2;
	[tilespmem:s11+$0xD070] =	vst.add.f32.msk $0xffff, v3;
	s2 =	smov.u32 s0;
	s0 =	sadd.s32 $0x1, s0  }
0x22d: {  	v3 =	vld [tilespmem:s7+$0x7000];
	_ =	sdelay $0x3  }
0x22e: {  	s11 =	sadd.s32 $0x6000, s7  }
0x22f: {  	[tilespmem:s11+$0xD000] =	vst.add.f32.msk $0xffff, v3  }
0x230: {  	v3 =	vld [tilespmem:s7+$0x7010];
	_ =	sdelay $0x4  }
0x231: {  	[tilespmem:s11+$0xD010] =	vst.add.f32.msk $0xffff, v3  }
0x232: {  	v3 =	vld [tilespmem:s7+$0x7020];
	_ =	sdelay $0x4  }
0x233: {  	[tilespmem:s11+$0xD020] =	vst.add.f32.msk $0xffff, v3  }
0x234: {  	v3 =	vld [tilespmem:s7+$0x7030];
	_ =	sdelay $0x4  }
0x235: {  	[tilespmem:s11+$0xD030] =	vst.add.f32.msk $0xffff, v3  }
0x236: {  	v3 =	vld [tilespmem:s7+$0x7040];
	_ =	sdelay $0x4  }
0x237: {  	[tilespmem:s11+$0xD040] =	vst.add.f32.msk $0xffff, v3  }
0x238: {  	v3 =	vld [tilespmem:s7+$0x7050];
	_ =	sdelay $0x4  }
0x239: {  	[tilespmem:s11+$0xD050] =	vst.add.f32.msk $0xffff, v3  }
0x23a: {  	v3 =	vld [tilespmem:s7+$0x7060];
	_ =	sdelay $0x4  }
0x23b: {  	[tilespmem:s11+$0xD060] =	vst.add.f32.msk $0xffff, v3  }
0x23c: {  	v3 =	vld [tilespmem:s7+$0x7070];
	_ =	sdelay $0x4  }
0x23d: {  	[tilespmem:s11+$0xD070] =	vst.add.f32.msk $0xffff, v3  }
0x23e: {  	v3 =	vld [tilespmem:s7+$0x7400];
	_ =	sdelay $0x3  }
0x23f: {  	s11 =	sadd.s32 $0x6400, s7  }
0x240: {  	[tilespmem:s11+$0xD000] =	vst.add.f32.msk $0xffff, v3  }
0x241: {  	v3 =	vld [tilespmem:s7+$0x7410];
	_ =	sdelay $0x4  }
0x242: {  	[tilespmem:s11+$0xD010] =	vst.add.f32.msk $0xffff, v3  }
0x243: {  	v3 =	vld [tilespmem:s7+$0x7420];
	_ =	sdelay $0x4  }
0x244: {  	[tilespmem:s11+$0xD020] =	vst.add.f32.msk $0xffff, v3  }
0x245: {  	v3 =	vld [tilespmem:s7+$0x7430];
	_ =	sdelay $0x4  }
0x246: {  	[tilespmem:s11+$0xD030] =	vst.add.f32.msk $0xffff, v3  }
0x247: {  	v3 =	vld [tilespmem:s7+$0x7440];
	_ =	sdelay $0x4  }
0x248: {  	[tilespmem:s11+$0xD040] =	vst.add.f32.msk $0xffff, v3  }
0x249: {  	v3 =	vld [tilespmem:s7+$0x7450];
	_ =	sdelay $0x4  }
0x24a: {  	[tilespmem:s11+$0xD050] =	vst.add.f32.msk $0xffff, v3  }
0x24b: {  	v3 =	vld [tilespmem:s7+$0x7460];
	_ =	sdelay $0x4  }
0x24c: {  	[tilespmem:s11+$0xD060] =	vst.add.f32.msk $0xffff, v3  }
0x24d: {  	v3 =	vld [tilespmem:s7+$0x7470];
	_ =	sdelay $0x4  }
0x24e: {  	[tilespmem:s11+$0xD070] =	vst.add.f32.msk $0xffff, v3  }
0x24f: {  	v3 =	vld [tilespmem:s7+$0x7800];
	_ =	sdelay $0x3  }
0x250: {  	s11 =	sadd.s32 $0x6800, s7  }
0x251: {  	[tilespmem:s11+$0xD000] =	vst.add.f32.msk $0xffff, v3  }
0x252: {  	v3 =	vld [tilespmem:s7+$0x7810];
	_ =	sdelay $0x4  }
0x253: {  	[tilespmem:s11+$0xD010] =	vst.add.f32.msk $0xffff, v3  }
0x254: {  	v3 =	vld [tilespmem:s7+$0x7820];
	_ =	sdelay $0x4  }
0x255: {  	[tilespmem:s11+$0xD020] =	vst.add.f32.msk $0xffff, v3  }
0x256: {  	v3 =	vld [tilespmem:s7+$0x7830];
	_ =	sdelay $0x4  }
0x257: {  	[tilespmem:s11+$0xD030] =	vst.add.f32.msk $0xffff, v3  }
0x258: {  	v3 =	vld [tilespmem:s7+$0x7840];
	_ =	sdelay $0x4  }
0x259: {  	[tilespmem:s11+$0xD040] =	vst.add.f32.msk $0xffff, v3  }
0x25a: {  	v3 =	vld [tilespmem:s7+$0x7850];
	_ =	sdelay $0x4  }
0x25b: {  	[tilespmem:s11+$0xD050] =	vst.add.f32.msk $0xffff, v3  }
0x25c: {  	v3 =	vld [tilespmem:s7+$0x7860];
	_ =	sdelay $0x4  }
0x25d: {  	[tilespmem:s11+$0xD060] =	vst.add.f32.msk $0xffff, v3  }
0x25e: {  	v3 =	vld [tilespmem:s7+$0x7870];
	_ =	sdelay $0x4  }
0x25f: {  	[tilespmem:s11+$0xD070] =	vst.add.f32.msk $0xffff, v3  }
0x260: {  	v3 =	vld [tilespmem:s7+$0x7C00];
	_ =	sdelay $0x3  }
0x261: {  	s11 =	sadd.s32 $0x6C00, s7  }
0x262: {  	[tilespmem:s11+$0xD000] =	vst.add.f32.msk $0xffff, v3  }
0x263: {  	v3 =	vld [tilespmem:s7+$0x7C10];
	_ =	sdelay $0x4  }
0x264: {  	[tilespmem:s11+$0xD010] =	vst.add.f32.msk $0xffff, v3  }
0x265: {  	v3 =	vld [tilespmem:s7+$0x7C20];
	_ =	sdelay $0x4  }
0x266: {  	[tilespmem:s11+$0xD020] =	vst.add.f32.msk $0xffff, v3  }
0x267: {  	v3 =	vld [tilespmem:s7+$0x7C30];
	_ =	sdelay $0x4  }
0x268: {  	[tilespmem:s11+$0xD030] =	vst.add.f32.msk $0xffff, v3  }
0x269: {  	v3 =	vld [tilespmem:s7+$0x7C40];
	_ =	sdelay $0x4  }
0x26a: {  	[tilespmem:s11+$0xD040] =	vst.add.f32.msk $0xffff, v3  }
0x26b: {  	v3 =	vld [tilespmem:s7+$0x7C50];
	_ =	sdelay $0x4  }
0x26c: {  	[tilespmem:s11+$0xD050] =	vst.add.f32.msk $0xffff, v3  }
0x26d: {  	v3 =	vld [tilespmem:s7+$0x7C60];
	_ =	sdelay $0x4  }
0x26e: {  	[tilespmem:s11+$0xD060] =	vst.add.f32.msk $0xffff, v3  }
0x26f: {  	v3 =	vld [tilespmem:s7+$0x7C70];
	_ =	sdelay $0x4  }
0x270: {  	[tilespmem:s11+$0xD070] =	vst.add.f32.msk $0xffff, v3  }
0x271: {  	v3 =	vld [tilespmem:s7+$0x8000];
	_ =	sdelay $0x3  }
0x272: {  	s11 =	sadd.s32 $0x7000, s7  }
0x273: {  	[tilespmem:s11+$0xD000] =	vst.add.f32.msk $0xffff, v3  }
0x274: {  	v3 =	vld [tilespmem:s7+$0x8010];
	_ =	sdelay $0x4  }
0x275: {  	[tilespmem:s11+$0xD010] =	vst.add.f32.msk $0xffff, v3  }
0x276: {  	v3 =	vld [tilespmem:s7+$0x8020];
	_ =	sdelay $0x4  }
0x277: {  	[tilespmem:s11+$0xD020] =	vst.add.f32.msk $0xffff, v3  }
0x278: {  	v3 =	vld [tilespmem:s7+$0x8030];
	_ =	sdelay $0x4  }
0x279: {  	[tilespmem:s11+$0xD030] =	vst.add.f32.msk $0xffff, v3  }
0x27a: {  	v3 =	vld [tilespmem:s7+$0x8040];
	_ =	sdelay $0x4  }
0x27b: {  	[tilespmem:s11+$0xD040] =	vst.add.f32.msk $0xffff, v3  }
0x27c: {  	v3 =	vld [tilespmem:s7+$0x8050];
	_ =	sdelay $0x4  }
0x27d: {  	[tilespmem:s11+$0xD050] =	vst.add.f32.msk $0xffff, v3  }
0x27e: {  	v3 =	vld [tilespmem:s7+$0x8060];
	_ =	sdelay $0x4  }
0x27f: {  	[tilespmem:s11+$0xD060] =	vst.add.f32.msk $0xffff, v3  }
0x280: {  	v3 =	vld [tilespmem:s7+$0x8070];
	_ =	sdelay $0x4  }
0x281: {  	[tilespmem:s11+$0xD070] =	vst.add.f32.msk $0xffff, v3  }
0x282: {  	v3 =	vld [tilespmem:s7+$0x8400];
	_ =	sdelay $0x3  }
0x283: {  	s11 =	sadd.s32 $0x7400, s7  }
0x284: {  	[tilespmem:s11+$0xD000] =	vst.add.f32.msk $0xffff, v3  }
0x285: {  	v3 =	vld [tilespmem:s7+$0x8410];
	_ =	sdelay $0x4  }
0x286: {  	[tilespmem:s11+$0xD010] =	vst.add.f32.msk $0xffff, v3  }
0x287: {  	v3 =	vld [tilespmem:s7+$0x8420];
	_ =	sdelay $0x4  }
0x288: {  	[tilespmem:s11+$0xD020] =	vst.add.f32.msk $0xffff, v3  }
0x289: {  	v3 =	vld [tilespmem:s7+$0x8430];
	_ =	sdelay $0x4  }
0x28a: {  	[tilespmem:s11+$0xD030] =	vst.add.f32.msk $0xffff, v3  }
0x28b: {  	v3 =	vld [tilespmem:s7+$0x8440];
	_ =	sdelay $0x4  }
0x28c: {  	[tilespmem:s11+$0xD040] =	vst.add.f32.msk $0xffff, v3  }
0x28d: {  	v3 =	vld [tilespmem:s7+$0x8450];
	_ =	sdelay $0x4  }
0x28e: {  	[tilespmem:s11+$0xD050] =	vst.add.f32.msk $0xffff, v3  }
0x28f: {  	v3 =	vld [tilespmem:s7+$0x8460];
	_ =	sdelay $0x4  }
0x290: {  	[tilespmem:s11+$0xD060] =	vst.add.f32.msk $0xffff, v3  }
.Ltmp1:
0x291: {  	v3 =	vld [tilespmem:s7+$0x8470];
	(pc) =	sbr.rel @p0 .LBB2_5-.Ltmp1, $4  }
0x292: {  	_ = 	snop  }
0x293: {  	s2 =	sshrl.u32 s2, $0x3  }
0x294: {  	s31 =	sadd.s32 $0x80, s31;
	s2 =	smul.u32 $0x1800, s2  }
0x295: {  	s7 =	sand.u32 $0x380, s31  }
0x296: {  	s0 =	sor.u32 s7, s2;
	[tilespmem:s11+$0xD070] =	vst.add.f32.msk $0xffff, v3  }
0x297: {  	v3 =	vld [tilespmem:s0+$0x7000];
	_ =	sdelay $0x3  }
0x298: {  	s2 =	sadd.s32 $0x6000, s0  }
0x299: {  	[tilespmem:s2+$0xD000] =	vst.add.f32.msk $0xffff, v3  }
0x29a: {  	v3 =	vld [tilespmem:s0+$0x7010];
	_ =	sdelay $0x4  }
0x29b: {  	[tilespmem:s2+$0xD010] =	vst.add.f32.msk $0xffff, v3  }
0x29c: {  	v3 =	vld [tilespmem:s0+$0x7020];
	_ =	sdelay $0x4  }
0x29d: {  	[tilespmem:s2+$0xD020] =	vst.add.f32.msk $0xffff, v3  }
0x29e: {  	v3 =	vld [tilespmem:s0+$0x7030];
	_ =	sdelay $0x4  }
0x29f: {  	[tilespmem:s2+$0xD030] =	vst.add.f32.msk $0xffff, v3  }
0x2a0: {  	v3 =	vld [tilespmem:s0+$0x7040];
	_ =	sdelay $0x4  }
0x2a1: {  	[tilespmem:s2+$0xD040] =	vst.add.f32.msk $0xffff, v3  }
0x2a2: {  	v3 =	vld [tilespmem:s0+$0x7050];
	_ =	sdelay $0x4  }
0x2a3: {  	[tilespmem:s2+$0xD050] =	vst.add.f32.msk $0xffff, v3  }
0x2a4: {  	v3 =	vld [tilespmem:s0+$0x7060];
	_ =	sdelay $0x4  }
0x2a5: {  	[tilespmem:s2+$0xD060] =	vst.add.f32.msk $0xffff, v3  }
0x2a6: {  	v3 =	vld [tilespmem:s0+$0x7070];
	_ =	sdelay $0x4  }
0x2a7: {  	[tilespmem:s2+$0xD070] =	vst.add.f32.msk $0xffff, v3  }
0x2a8: {  	v3 =	vld [tilespmem:s0+$0x7400];
	_ =	sdelay $0x3  }
0x2a9: {  	s7 =	sadd.s32 $0x6400, s0  }
0x2aa: {  	[tilespmem:s7+$0xD000] =	vst.add.f32.msk $0xffff, v3  }
0x2ab: {  	v3 =	vld [tilespmem:s0+$0x7410];
	_ =	sdelay $0x4  }
0x2ac: {  	[tilespmem:s7+$0xD010] =	vst.add.f32.msk $0xffff, v3  }
0x2ad: {  	v3 =	vld [tilespmem:s0+$0x7420];
	_ =	sdelay $0x4  }
0x2ae: {  	[tilespmem:s7+$0xD020] =	vst.add.f32.msk $0xffff, v3  }
0x2af: {  	v3 =	vld [tilespmem:s0+$0x7430];
	_ =	sdelay $0x4  }
0x2b0: {  	[tilespmem:s7+$0xD030] =	vst.add.f32.msk $0xffff, v3  }
0x2b1: {  	v3 =	vld [tilespmem:s0+$0x7440];
	_ =	sdelay $0x4  }
0x2b2: {  	[tilespmem:s7+$0xD040] =	vst.add.f32.msk $0xffff, v3  }
0x2b3: {  	v3 =	vld [tilespmem:s0+$0x7450];
	_ =	sdelay $0x4  }
0x2b4: {  	[tilespmem:s7+$0xD050] =	vst.add.f32.msk $0xffff, v3  }
0x2b5: {  	v3 =	vld [tilespmem:s0+$0x7460];
	_ =	sdelay $0x4  }
0x2b6: {  	[tilespmem:s7+$0xD060] =	vst.add.f32.msk $0xffff, v3  }
0x2b7: {  	v3 =	vld [tilespmem:s0+$0x7470];
	_ =	sdelay $0x4  }
0x2b8: {  	[tilespmem:s7+$0xD070] =	vst.add.f32.msk $0xffff, v3  }
0x2b9: {  	v3 =	vld [tilespmem:s0+$0x7800];
	_ =	sdelay $0x3  }
0x2ba: {  	s11 =	sadd.s32 $0x6800, s0  }
0x2bb: {  	[tilespmem:s11+$0xD000] =	vst.add.f32.msk $0xffff, v3  }
0x2bc: {  	v3 =	vld [tilespmem:s0+$0x7810];
	_ =	sdelay $0x4  }
0x2bd: {  	[tilespmem:s11+$0xD010] =	vst.add.f32.msk $0xffff, v3  }
0x2be: {  	v3 =	vld [tilespmem:s0+$0x7820];
	_ =	sdelay $0x4  }
0x2bf: {  	[tilespmem:s11+$0xD020] =	vst.add.f32.msk $0xffff, v3  }
0x2c0: {  	v3 =	vld [tilespmem:s0+$0x7830];
	_ =	sdelay $0x4  }
0x2c1: {  	[tilespmem:s11+$0xD030] =	vst.add.f32.msk $0xffff, v3  }
0x2c2: {  	v3 =	vld [tilespmem:s0+$0x7840];
	_ =	sdelay $0x4  }
0x2c3: {  	[tilespmem:s11+$0xD040] =	vst.add.f32.msk $0xffff, v3  }
0x2c4: {  	v3 =	vld [tilespmem:s0+$0x7850];
	_ =	sdelay $0x4  }
0x2c5: {  	[tilespmem:s11+$0xD050] =	vst.add.f32.msk $0xffff, v3  }
0x2c6: {  	v3 =	vld [tilespmem:s0+$0x7860];
	_ =	sdelay $0x4  }
0x2c7: {  	[tilespmem:s11+$0xD060] =	vst.add.f32.msk $0xffff, v3  }
0x2c8: {  	v3 =	vld [tilespmem:s0+$0x7870];
	_ =	sdelay $0x4  }
0x2c9: {  	[tilespmem:s11+$0xD070] =	vst.add.f32.msk $0xffff, v3  }
0x2ca: {  	v3 =	vld [tilespmem:s0+$0x7C00];
	_ =	sdelay $0x3  }
0x2cb: {  	s31 =	sadd.s32 $0x6C00, s0  }
0x2cc: {  	[tilespmem:s31+$0xD000] =	vst.add.f32.msk $0xffff, v3  }
0x2cd: {  	v3 =	vld [tilespmem:s0+$0x7C10];
	_ =	sdelay $0x4  }
0x2ce: {  	[tilespmem:s31+$0xD010] =	vst.add.f32.msk $0xffff, v3  }
0x2cf: {  	v3 =	vld [tilespmem:s0+$0x7C20];
	_ =	sdelay $0x4  }
0x2d0: {  	[tilespmem:s31+$0xD020] =	vst.add.f32.msk $0xffff, v3  }
0x2d1: {  	v3 =	vld [tilespmem:s0+$0x7C30];
	_ =	sdelay $0x4  }
0x2d2: {  	[tilespmem:s31+$0xD030] =	vst.add.f32.msk $0xffff, v3  }
0x2d3: {  	v3 =	vld [tilespmem:s0+$0x7C40];
	_ =	sdelay $0x4  }
0x2d4: {  	[tilespmem:s31+$0xD040] =	vst.add.f32.msk $0xffff, v3  }
0x2d5: {  	v3 =	vld [tilespmem:s0+$0x7C50];
	_ =	sdelay $0x4  }
0x2d6: {  	[tilespmem:s31+$0xD050] =	vst.add.f32.msk $0xffff, v3  }
0x2d7: {  	v3 =	vld [tilespmem:s0+$0x7C60];
	_ =	sdelay $0x4  }
0x2d8: {  	[tilespmem:s31+$0xD060] =	vst.add.f32.msk $0xffff, v3  }
0x2d9: {  	v3 =	vld [tilespmem:s0+$0x7C70];
	_ =	sdelay $0x4  }
0x2da: {  	[tilespmem:s31+$0xD070] =	vst.add.f32.msk $0xffff, v3  }
0x2db: {  	v3 =	vld [tilespmem:s0+$0x8000];
	_ =	sdelay $0x3  }
0x2dc: {  	s7 =	sadd.s32 $0x7000, s0  }
0x2dd: {  	[tilespmem:s7+$0xD000] =	vst.add.f32.msk $0xffff, v3  }
0x2de: {  	v3 =	vld [tilespmem:s0+$0x8010];
	_ =	sdelay $0x4  }
0x2df: {  	[tilespmem:s7+$0xD010] =	vst.add.f32.msk $0xffff, v3  }
0x2e0: {  	v3 =	vld [tilespmem:s0+$0x8020];
	_ =	sdelay $0x4  }
0x2e1: {  	[tilespmem:s7+$0xD020] =	vst.add.f32.msk $0xffff, v3  }
0x2e2: {  	v3 =	vld [tilespmem:s0+$0x8030];
	_ =	sdelay $0x4  }
0x2e3: {  	[tilespmem:s7+$0xD030] =	vst.add.f32.msk $0xffff, v3  }
0x2e4: {  	v3 =	vld [tilespmem:s0+$0x8040];
	_ =	sdelay $0x4  }
0x2e5: {  	[tilespmem:s7+$0xD040] =	vst.add.f32.msk $0xffff, v3  }
0x2e6: {  	v3 =	vld [tilespmem:s0+$0x8050];
	_ =	sdelay $0x4  }
0x2e7: {  	[tilespmem:s7+$0xD050] =	vst.add.f32.msk $0xffff, v3  }
0x2e8: {  	v3 =	vld [tilespmem:s0+$0x8060];
	_ =	sdelay $0x4  }
0x2e9: {  	[tilespmem:s7+$0xD060] =	vst.add.f32.msk $0xffff, v3  }
0x2ea: {  	v3 =	vld [tilespmem:s0+$0x8070];
	_ =	sdelay $0x4  }
0x2eb: {  	[tilespmem:s7+$0xD070] =	vst.add.f32.msk $0xffff, v3  }
0x2ec: {  	v3 =	vld [tilespmem:s0+$0x8400];
	_ =	sdelay $0x3  }
0x2ed: {  	s11 =	sadd.s32 $0x7400, s0  }
0x2ee: {  	[tilespmem:s11+$0xD000] =	vst.add.f32.msk $0xffff, v3  }
0x2ef: {  	v3 =	vld [tilespmem:s0+$0x8410];
	_ =	sdelay $0x4  }
0x2f0: {  	[tilespmem:s11+$0xD010] =	vst.add.f32.msk $0xffff, v3  }
0x2f1: {  	v3 =	vld [tilespmem:s0+$0x8420];
	_ =	sdelay $0x4  }
0x2f2: {  	[tilespmem:s11+$0xD020] =	vst.add.f32.msk $0xffff, v3  }
0x2f3: {  	v3 =	vld [tilespmem:s0+$0x8430];
	_ =	sdelay $0x4  }
0x2f4: {  	[tilespmem:s11+$0xD030] =	vst.add.f32.msk $0xffff, v3  }
0x2f5: {  	v3 =	vld [tilespmem:s0+$0x8440];
	_ =	sdelay $0x4  }
0x2f6: {  	[tilespmem:s11+$0xD040] =	vst.add.f32.msk $0xffff, v3  }
0x2f7: {  	v3 =	vld [tilespmem:s0+$0x8450];
	_ =	sdelay $0x4  }
0x2f8: {  	[tilespmem:s11+$0xD050] =	vst.add.f32.msk $0xffff, v3  }
0x2f9: {  	v3 =	vld [tilespmem:s0+$0x8460];
	_ =	sdelay $0x4  }
0x2fa: {  	[tilespmem:s11+$0xD060] =	vst.add.f32.msk $0xffff, v3  }
0x2fb: {  	v3 =	vld [tilespmem:s0+$0x8470];
	_ =	sdelay $0x2  }
0x2fc: {  	s28 =	sadd.s32 s28, s12  }
0x2fd: {  	s0 =	sshrl.u32 s28, $0x3  }
0x2fe: {  	s0 =	sadd.s32 s4, s0;
	[tilespmem:s11+$0xD070] =	vst.add.f32.msk $0xffff, v3  }
0x2ff: {  	[hbm4b:s0+s5] =	stream.linear.scatter [tilespmem:s19], [sflag:$0x6], $0x6000, $0x38;
	[tilespmem:$0x19000] =	vst v63  }
0x300: {  	s0 =	sadd.s32 $0x3, s29  }
0x301: {  	s29 =	sshll.u32 s0, $0x7  }
0x302: {  	s2 =	sand.u32 $0x3FFFFF80, s29  }
0x303: {  	v3 =	vld [tilespmem:s2+$0x0];
	_ =	sdelay $0x4  }
0x304: {  	v4 =	vshrl.u32 v3, $0x3  }
0x305: {  	v4 =	vmul.u32 $0x30, v4  }
0x306: {  	v3 =	vand.u32 $0x7, v3  }
0x307: {  	v3 =	vor.u32 v3, v4  }
0x308: {  	v4 =	vperm.xlane v3, v0;
	_ =	sdelay $0x1  }
0x309: {  	v4 =	vadd.s32 v1, v4;
	_ =	sdelay $0x3  }
0x30a: {  	s31 =	simm.s32 $0x7000;
	v3 =	vperm.xlane v3, v2  }
0x30b: {  	[tilespmem:s31], [sflag:$0x2] =	stream.indirect_vreg.gather [hbm4b:s3+s5], $0x80, v4, vm0, $0xb8;
	[tilespmem:$0x19000] =	vst v63  }
0x30c: {  	s11 =	simm.s32 $0x7800;
	v3 =	vadd.s32 v1, v3  }
0x30d: {  	[tilespmem:s11], [sflag:$0x2] =	stream.indirect_vreg.gather [hbm4b:s8+s5], $0x80, v4, vm0, $0xb8;
	[tilespmem:$0x19000] =	vst v63  }
0x30e: {  	s28 =	simm.s32 $0x8000  }
0x30f: {  	[tilespmem:s28], [sflag:$0x2] =	stream.indirect_vreg.gather [hbm4b:s9+s5], $0x80, v4, vm0, $0xb8;
	[tilespmem:$0x19000] =	vst v63  }
0x310: {  	s29 =	simm.s32 $0x8800  }
0x311: {  	[tilespmem:s29], [sflag:$0x2] =	stream.indirect_vreg.gather [hbm4b:s3+s5], $0x80, v3, vm0, $0xb8;
	[tilespmem:$0x19000] =	vst v63  }
0x312: {  	s31 =	simm.s32 $0x9000  }
0x313: {  	[tilespmem:s31], [sflag:$0x2] =	stream.indirect_vreg.gather [hbm4b:s8+s5], $0x80, v3, vm0, $0xb8;
	[tilespmem:$0x19000] =	vst v63  }
0x314: {  	_ = 	snop  }
0x315: {  	[tilespmem:s13], [sflag:$0x2] =	stream.indirect_vreg.gather [hbm4b:s9+s5], $0x80, v3, vm0, $0xb8;
	[tilespmem:$0x19000] =	vst v63  }
0x316: {  	v3 =	vld [tilespmem:s2+$0x10];
	_ =	sdelay $0x4  }
0x317: {  	v63 =	vshrl.u32 v3, $0x3  }
0x318: {  	v4 =	vmul.u32 $0x30, v63  }
0x319: {  	v3 =	vand.u32 $0x7, v3  }
0x31a: {  	v3 =	vor.u32 v3, v4  }
0x31b: {  	v4 =	vperm.xlane v3, v0;
	_ =	sdelay $0x1  }
0x31c: {  	v4 =	vadd.s32 v1, v4;
	_ =	sdelay $0x3  }
0x31d: {  	v3 =	vperm.xlane v3, v2  }
0x31e: {  	[tilespmem:s14], [sflag:$0x2] =	stream.indirect_vreg.gather [hbm4b:s3+s5], $0x80, v4, vm0, $0xb8;
	[tilespmem:$0x19000] =	vst v63  }
0x31f: {  	v3 =	vadd.s32 v1, v3  }
0x320: {  	[tilespmem:s15], [sflag:$0x2] =	stream.indirect_vreg.gather [hbm4b:s8+s5], $0x80, v4, vm0, $0xb8;
	[tilespmem:$0x19000] =	vst v63  }
0x321: {  	_ = 	snop  }
0x322: {  	[tilespmem:s10], [sflag:$0x2] =	stream.indirect_vreg.gather [hbm4b:s9+s5], $0x80, v4, vm0, $0xb8;
	[tilespmem:$0x19000] =	vst v63  }
0x323: {  	_ = 	snop  }
0x324: {  	[tilespmem:s16], [sflag:$0x2] =	stream.indirect_vreg.gather [hbm4b:s3+s5], $0x80, v3, vm0, $0xb8;
	[tilespmem:$0x19000] =	vst v63  }
0x325: {  	s26 =	sadd.s32 $0x1, s26  }
0x326: {  	[tilespmem:s17], [sflag:$0x2] =	stream.indirect_vreg.gather [hbm4b:s8+s5], $0x80, v3, vm0, $0xb8;
	[tilespmem:$0x19000] =	vst v63  }
0x327: {  	p0 =	sne.s32 s26, $0xF;
	s0 =	smul.u32 $0x6000, s0  }
0x328: {  	[tilespmem:s18], [sflag:$0x2] =	stream.indirect_vreg.gather [hbm4b:s9+s5], $0x80, v3, vm0, $0xb8;
	[tilespmem:$0x19000] =	vst v63  }
.Ltmp2:
0x329: {  	_ = 	snop;
	(pc) =	sbr.rel @p0 .LBB2_2-.Ltmp2, $4  }
0x32a: {  	s0 =	sadd.s32 s6, s0;
	_ =	swait.ge [sflag:s25], $0x6000  }
0x32b: {  	s0 =	sshrl.u32 s0, $0x3;
	[sflag:s25] =	ssyncset.done $0x0  }
0x32c: {  	s0 =	sadd.s32 s1, s0;
	[sflag:s25] =	ssyncadd.s32 $0xFFFFA000  }
0x32d: {  	[tilespmem:s19], [sflag:$0x4] =	stream.linear.gather [hbm4b:s0+s5], $0x6000, $0x38;
	[tilespmem:$0x19000] =	vst v63  }
0x32e: {  	_ =	swait.ge [sflag:s20], $0x6000  }
0x32f: {  	[sflag:s20] =	ssyncset.done $0x0  }
0x330: {  	s2 =	simm.s32 $0x0;
	[sflag:s20] =	ssyncadd.s32 $0xFFFFA000  }
0x331: {  	s0 =	simm.s32 $0x0;
	s2 =	smul.u32 $0x1800, s2;
	_ =	swait.ge [sflag:s21], $0x6000  }
0x332: {  	s7 =	sand.u32 $0x380, s0;
	[sflag:s21] =	ssyncset.done $0x0  }
0x333: {  	s2 =	sor.u32 s7, s2;
	[sflag:s21] =	ssyncadd.s32 $0xFFFFA000  }
0x334: {  	v3 =	vld [tilespmem:s2+$0x2470]  }
0x335: {  	v6 =	vld [tilespmem:s2+$0x1000]  }
0x336: {  	v7 =	vld [tilespmem:s2+$0x1010]  }
0x337: {  	v8 =	vld [tilespmem:s2+$0x1020]  }
0x338: {  	v9 =	vld [tilespmem:s2+$0x1030]  }
0x339: {  	v10 =	vld [tilespmem:s2+$0x1040]  }
0x33a: {  	v11 =	vld [tilespmem:s2+$0x1050]  }
0x33b: {  	v12 =	vld [tilespmem:s2+$0x1060]  }
0x33c: {  	v13 =	vld [tilespmem:s2+$0x1070]  }
0x33d: {  	v14 =	vld [tilespmem:s2+$0x1400]  }
0x33e: {  	v15 =	vld [tilespmem:s2+$0x1410]  }
0x33f: {  	v16 =	vld [tilespmem:s2+$0x1420]  }
0x340: {  	v17 =	vld [tilespmem:s2+$0x1430]  }
0x341: {  	v18 =	vld [tilespmem:s2+$0x1440]  }
0x342: {  	v19 =	vld [tilespmem:s2+$0x1450]  }
0x343: {  	v20 =	vld [tilespmem:s2+$0x1460]  }
0x344: {  	v21 =	vld [tilespmem:s2+$0x1470]  }
0x345: {  	v22 =	vld [tilespmem:s2+$0x1800]  }
0x346: {  	v23 =	vld [tilespmem:s2+$0x1810]  }
0x347: {  	v24 =	vld [tilespmem:s2+$0x1820]  }
0x348: {  	v25 =	vld [tilespmem:s2+$0x1830]  }
0x349: {  	v26 =	vld [tilespmem:s2+$0x1840]  }
0x34a: {  	v27 =	vld [tilespmem:s2+$0x1850]  }
0x34b: {  	v28 =	vld [tilespmem:s2+$0x1860]  }
0x34c: {  	v29 =	vld [tilespmem:s2+$0x1870]  }
0x34d: {  	v30 =	vld [tilespmem:s2+$0x1C00]  }
0x34e: {  	v31 =	vld [tilespmem:s2+$0x1C10]  }
0x34f: {  	v32 =	vld [tilespmem:s2+$0x1C20]  }
0x350: {  	v33 =	vld [tilespmem:s2+$0x1C30]  }
0x351: {  	v34 =	vld [tilespmem:s2+$0x1C40]  }
0x352: {  	v35 =	vld [tilespmem:s2+$0x1C50]  }
0x353: {  	v36 =	vld [tilespmem:s2+$0x1C60]  }
0x354: {  	v37 =	vld [tilespmem:s2+$0x1C70]  }
0x355: {  	v38 =	vld [tilespmem:s2+$0x2000]  }
0x356: {  	v39 =	vld [tilespmem:s2+$0x2010]  }
0x357: {  	v40 =	vld [tilespmem:s2+$0x2020]  }
0x358: {  	v41 =	vld [tilespmem:s2+$0x2030]  }
0x359: {  	v42 =	vld [tilespmem:s2+$0x2040]  }
0x35a: {  	v43 =	vld [tilespmem:s2+$0x2050]  }
0x35b: {  	v44 =	vld [tilespmem:s2+$0x2060]  }
0x35c: {  	v45 =	vld [tilespmem:s2+$0x2070]  }
0x35d: {  	v46 =	vld [tilespmem:s2+$0x2400]  }
0x35e: {  	v47 =	vld [tilespmem:s2+$0x2410]  }
0x35f: {  	v48 =	vld [tilespmem:s2+$0x2420]  }
0x360: {  	v49 =	vld [tilespmem:s2+$0x2430]  }
0x361: {  	v5 =	vld [tilespmem:s2+$0x2440]  }
0x362: {  	v4 =	vld [tilespmem:s2+$0x2450]  }
0x363: {  	[tilespmem:s2+$0xE470] =	vst.add.f32.msk $0xffff, v3  }
0x364: {  	v3 =	vld [tilespmem:s2+$0x2460]  }
0x365: {  	[tilespmem:s2+$0xD000] =	vst.add.f32.msk $0xffff, v6  }
0x366: {  	[tilespmem:s2+$0xD010] =	vst.add.f32.msk $0xffff, v7  }
0x367: {  	[tilespmem:s2+$0xD020] =	vst.add.f32.msk $0xffff, v8  }
0x368: {  	[tilespmem:s2+$0xD030] =	vst.add.f32.msk $0xffff, v9  }
0x369: {  	[tilespmem:s2+$0xD040] =	vst.add.f32.msk $0xffff, v10  }
0x36a: {  	[tilespmem:s2+$0xD050] =	vst.add.f32.msk $0xffff, v11  }
0x36b: {  	[tilespmem:s2+$0xD060] =	vst.add.f32.msk $0xffff, v12  }
0x36c: {  	[tilespmem:s2+$0xD070] =	vst.add.f32.msk $0xffff, v13  }
0x36d: {  	[tilespmem:s2+$0xD400] =	vst.add.f32.msk $0xffff, v14  }
0x36e: {  	[tilespmem:s2+$0xD410] =	vst.add.f32.msk $0xffff, v15  }
0x36f: {  	[tilespmem:s2+$0xD420] =	vst.add.f32.msk $0xffff, v16  }
0x370: {  	[tilespmem:s2+$0xD430] =	vst.add.f32.msk $0xffff, v17  }
0x371: {  	[tilespmem:s2+$0xD440] =	vst.add.f32.msk $0xffff, v18  }
0x372: {  	[tilespmem:s2+$0xD450] =	vst.add.f32.msk $0xffff, v19  }
0x373: {  	[tilespmem:s2+$0xD460] =	vst.add.f32.msk $0xffff, v20  }
0x374: {  	[tilespmem:s2+$0xD470] =	vst.add.f32.msk $0xffff, v21  }
0x375: {  	[tilespmem:s2+$0xD800] =	vst.add.f32.msk $0xffff, v22  }
0x376: {  	[tilespmem:s2+$0xD810] =	vst.add.f32.msk $0xffff, v23  }
0x377: {  	[tilespmem:s2+$0xD820] =	vst.add.f32.msk $0xffff, v24  }
0x378: {  	[tilespmem:s2+$0xD830] =	vst.add.f32.msk $0xffff, v25  }
0x379: {  	[tilespmem:s2+$0xD840] =	vst.add.f32.msk $0xffff, v26  }
0x37a: {  	[tilespmem:s2+$0xD850] =	vst.add.f32.msk $0xffff, v27  }
0x37b: {  	[tilespmem:s2+$0xD860] =	vst.add.f32.msk $0xffff, v28  }
0x37c: {  	[tilespmem:s2+$0xD870] =	vst.add.f32.msk $0xffff, v29  }
0x37d: {  	[tilespmem:s2+$0xDC00] =	vst.add.f32.msk $0xffff, v30  }
0x37e: {  	[tilespmem:s2+$0xDC10] =	vst.add.f32.msk $0xffff, v31  }
0x37f: {  	[tilespmem:s2+$0xDC20] =	vst.add.f32.msk $0xffff, v32  }
0x380: {  	[tilespmem:s2+$0xDC30] =	vst.add.f32.msk $0xffff, v33  }
0x381: {  	[tilespmem:s2+$0xDC40] =	vst.add.f32.msk $0xffff, v34  }
0x382: {  	[tilespmem:s2+$0xDC50] =	vst.add.f32.msk $0xffff, v35  }
0x383: {  	[tilespmem:s2+$0xDC60] =	vst.add.f32.msk $0xffff, v36  }
0x384: {  	[tilespmem:s2+$0xDC70] =	vst.add.f32.msk $0xffff, v37  }
0x385: {  	[tilespmem:s2+$0xE000] =	vst.add.f32.msk $0xffff, v38  }
0x386: {  	[tilespmem:s2+$0xE010] =	vst.add.f32.msk $0xffff, v39  }
0x387: {  	[tilespmem:s2+$0xE020] =	vst.add.f32.msk $0xffff, v40  }
0x388: {  	[tilespmem:s2+$0xE030] =	vst.add.f32.msk $0xffff, v41  }
0x389: {  	[tilespmem:s2+$0xE040] =	vst.add.f32.msk $0xffff, v42  }
0x38a: {  	[tilespmem:s2+$0xE050] =	vst.add.f32.msk $0xffff, v43  }
0x38b: {  	[tilespmem:s2+$0xE060] =	vst.add.f32.msk $0xffff, v44  }
0x38c: {  	[tilespmem:s2+$0xE070] =	vst.add.f32.msk $0xffff, v45  }
0x38d: {  	[tilespmem:s2+$0xE400] =	vst.add.f32.msk $0xffff, v46  }
0x38e: {  	[tilespmem:s2+$0xE410] =	vst.add.f32.msk $0xffff, v47  }
0x38f: {  	[tilespmem:s2+$0xE420] =	vst.add.f32.msk $0xffff, v48  }
0x390: {  	s11 =	simm.s32 $0x0;
	s7 =	simm.s32 $0x2;
	[tilespmem:s2+$0xE430] =	vst.add.f32.msk $0xffff, v49  }
.LBB2_8:
0x391: {  	p0 =	sne.s32 s7, $0x1F;
	s11 =	smul.u32 $0x1800, s11;
	[tilespmem:s2+$0xE440] =	vst.add.f32.msk $0xffff, v5;
	s0 =	sadd.s32 $0x80, s0  }
0x392: {  	s26 =	sand.u32 $0x380, s0;
	[tilespmem:s2+$0xE450] =	vst.add.f32.msk $0xffff, v4  }
0x393: {  	[tilespmem:s2+$0xE460] =	vst.add.f32.msk $0xffff, v3;
	s2 =	sor.u32 s26, s11  }
0x394: {  	v3 =	vld [tilespmem:s2+$0x2470]  }
0x395: {  	v6 =	vld [tilespmem:s2+$0x1000]  }
0x396: {  	v7 =	vld [tilespmem:s2+$0x1010]  }
0x397: {  	v8 =	vld [tilespmem:s2+$0x1020]  }
0x398: {  	v9 =	vld [tilespmem:s2+$0x1030]  }
0x399: {  	[tilespmem:s2+$0xE470] =	vst.add.f32.msk $0xffff, v3  }
0x39a: {  	v10 =	vld [tilespmem:s2+$0x1040]  }
0x39b: {  	v11 =	vld [tilespmem:s2+$0x1050]  }
0x39c: {  	v12 =	vld [tilespmem:s2+$0x1060]  }
0x39d: {  	v13 =	vld [tilespmem:s2+$0x1070]  }
0x39e: {  	v14 =	vld [tilespmem:s2+$0x1400]  }
0x39f: {  	v15 =	vld [tilespmem:s2+$0x1410]  }
0x3a0: {  	v16 =	vld [tilespmem:s2+$0x1420]  }
0x3a1: {  	v17 =	vld [tilespmem:s2+$0x1430]  }
0x3a2: {  	v18 =	vld [tilespmem:s2+$0x1440]  }
0x3a3: {  	v19 =	vld [tilespmem:s2+$0x1450]  }
0x3a4: {  	v20 =	vld [tilespmem:s2+$0x1460]  }
0x3a5: {  	v21 =	vld [tilespmem:s2+$0x1470]  }
0x3a6: {  	v22 =	vld [tilespmem:s2+$0x1800]  }
0x3a7: {  	v23 =	vld [tilespmem:s2+$0x1810]  }
0x3a8: {  	v24 =	vld [tilespmem:s2+$0x1820]  }
0x3a9: {  	v25 =	vld [tilespmem:s2+$0x1830]  }
0x3aa: {  	v26 =	vld [tilespmem:s2+$0x1840]  }
0x3ab: {  	v27 =	vld [tilespmem:s2+$0x1850]  }
0x3ac: {  	v28 =	vld [tilespmem:s2+$0x1860]  }
0x3ad: {  	v29 =	vld [tilespmem:s2+$0x1870]  }
0x3ae: {  	v30 =	vld [tilespmem:s2+$0x1C00]  }
0x3af: {  	v31 =	vld [tilespmem:s2+$0x1C10]  }
0x3b0: {  	v32 =	vld [tilespmem:s2+$0x1C20]  }
0x3b1: {  	v33 =	vld [tilespmem:s2+$0x1C30]  }
0x3b2: {  	v34 =	vld [tilespmem:s2+$0x1C40]  }
0x3b3: {  	v35 =	vld [tilespmem:s2+$0x1C50]  }
0x3b4: {  	v36 =	vld [tilespmem:s2+$0x1C60]  }
0x3b5: {  	v37 =	vld [tilespmem:s2+$0x1C70]  }
0x3b6: {  	v38 =	vld [tilespmem:s2+$0x2000]  }
0x3b7: {  	v39 =	vld [tilespmem:s2+$0x2010]  }
0x3b8: {  	v40 =	vld [tilespmem:s2+$0x2020]  }
0x3b9: {  	v41 =	vld [tilespmem:s2+$0x2030]  }
0x3ba: {  	v42 =	vld [tilespmem:s2+$0x2040]  }
0x3bb: {  	v43 =	vld [tilespmem:s2+$0x2050]  }
0x3bc: {  	v44 =	vld [tilespmem:s2+$0x2060]  }
0x3bd: {  	v45 =	vld [tilespmem:s2+$0x2070]  }
0x3be: {  	v46 =	vld [tilespmem:s2+$0x2400]  }
0x3bf: {  	v47 =	vld [tilespmem:s2+$0x2410]  }
0x3c0: {  	v48 =	vld [tilespmem:s2+$0x2420]  }
0x3c1: {  	v49 =	vld [tilespmem:s2+$0x2430]  }
0x3c2: {  	v5 =	vld [tilespmem:s2+$0x2440]  }
0x3c3: {  	v4 =	vld [tilespmem:s2+$0x2450]  }
0x3c4: {  	v3 =	vld [tilespmem:s2+$0x2460]  }
0x3c5: {  	[tilespmem:s2+$0xD000] =	vst.add.f32.msk $0xffff, v6  }
0x3c6: {  	[tilespmem:s2+$0xD010] =	vst.add.f32.msk $0xffff, v7  }
0x3c7: {  	[tilespmem:s2+$0xD020] =	vst.add.f32.msk $0xffff, v8  }
0x3c8: {  	[tilespmem:s2+$0xD030] =	vst.add.f32.msk $0xffff, v9  }
0x3c9: {  	[tilespmem:s2+$0xD040] =	vst.add.f32.msk $0xffff, v10  }
0x3ca: {  	[tilespmem:s2+$0xD050] =	vst.add.f32.msk $0xffff, v11  }
0x3cb: {  	[tilespmem:s2+$0xD060] =	vst.add.f32.msk $0xffff, v12  }
0x3cc: {  	[tilespmem:s2+$0xD070] =	vst.add.f32.msk $0xffff, v13  }
0x3cd: {  	[tilespmem:s2+$0xD400] =	vst.add.f32.msk $0xffff, v14  }
0x3ce: {  	[tilespmem:s2+$0xD410] =	vst.add.f32.msk $0xffff, v15  }
0x3cf: {  	[tilespmem:s2+$0xD420] =	vst.add.f32.msk $0xffff, v16  }
0x3d0: {  	[tilespmem:s2+$0xD430] =	vst.add.f32.msk $0xffff, v17  }
0x3d1: {  	[tilespmem:s2+$0xD440] =	vst.add.f32.msk $0xffff, v18  }
0x3d2: {  	[tilespmem:s2+$0xD450] =	vst.add.f32.msk $0xffff, v19  }
0x3d3: {  	[tilespmem:s2+$0xD460] =	vst.add.f32.msk $0xffff, v20  }
0x3d4: {  	[tilespmem:s2+$0xD470] =	vst.add.f32.msk $0xffff, v21  }
0x3d5: {  	[tilespmem:s2+$0xD800] =	vst.add.f32.msk $0xffff, v22  }
0x3d6: {  	[tilespmem:s2+$0xD810] =	vst.add.f32.msk $0xffff, v23  }
0x3d7: {  	[tilespmem:s2+$0xD820] =	vst.add.f32.msk $0xffff, v24  }
0x3d8: {  	[tilespmem:s2+$0xD830] =	vst.add.f32.msk $0xffff, v25  }
0x3d9: {  	[tilespmem:s2+$0xD840] =	vst.add.f32.msk $0xffff, v26  }
0x3da: {  	[tilespmem:s2+$0xD850] =	vst.add.f32.msk $0xffff, v27  }
0x3db: {  	[tilespmem:s2+$0xD860] =	vst.add.f32.msk $0xffff, v28  }
0x3dc: {  	[tilespmem:s2+$0xD870] =	vst.add.f32.msk $0xffff, v29  }
0x3dd: {  	[tilespmem:s2+$0xDC00] =	vst.add.f32.msk $0xffff, v30  }
0x3de: {  	[tilespmem:s2+$0xDC10] =	vst.add.f32.msk $0xffff, v31  }
0x3df: {  	[tilespmem:s2+$0xDC20] =	vst.add.f32.msk $0xffff, v32  }
0x3e0: {  	[tilespmem:s2+$0xDC30] =	vst.add.f32.msk $0xffff, v33  }
0x3e1: {  	[tilespmem:s2+$0xDC40] =	vst.add.f32.msk $0xffff, v34  }
0x3e2: {  	[tilespmem:s2+$0xDC50] =	vst.add.f32.msk $0xffff, v35  }
0x3e3: {  	[tilespmem:s2+$0xDC60] =	vst.add.f32.msk $0xffff, v36  }
0x3e4: {  	[tilespmem:s2+$0xDC70] =	vst.add.f32.msk $0xffff, v37  }
0x3e5: {  	[tilespmem:s2+$0xE000] =	vst.add.f32.msk $0xffff, v38  }
0x3e6: {  	[tilespmem:s2+$0xE010] =	vst.add.f32.msk $0xffff, v39  }
0x3e7: {  	[tilespmem:s2+$0xE020] =	vst.add.f32.msk $0xffff, v40  }
0x3e8: {  	[tilespmem:s2+$0xE030] =	vst.add.f32.msk $0xffff, v41  }
0x3e9: {  	[tilespmem:s2+$0xE040] =	vst.add.f32.msk $0xffff, v42  }
0x3ea: {  	[tilespmem:s2+$0xE050] =	vst.add.f32.msk $0xffff, v43  }
0x3eb: {  	[tilespmem:s2+$0xE060] =	vst.add.f32.msk $0xffff, v44  }
.Ltmp3:
0x3ec: {  	[tilespmem:s2+$0xE070] =	vst.add.f32.msk $0xffff, v45;
	(pc) =	sbr.rel @p0 .LBB2_8-.Ltmp3, $4  }
0x3ed: {  	[tilespmem:s2+$0xE400] =	vst.add.f32.msk $0xffff, v46  }
0x3ee: {  	[tilespmem:s2+$0xE410] =	vst.add.f32.msk $0xffff, v47  }
0x3ef: {  	[tilespmem:s2+$0xE420] =	vst.add.f32.msk $0xffff, v48  }
0x3f0: {  	s11 =	sshrl.u32 s7, $0x3;
	s7 =	sadd.s32 $0x1, s7;
	[tilespmem:s2+$0xE430] =	vst.add.f32.msk $0xffff, v49  }
0x3f1: {  	s7 =	smul.u32 $0x1800, s11;
	[tilespmem:s2+$0xE440] =	vst.add.f32.msk $0xffff, v5;
	s0 =	sadd.s32 $0x80, s0  }
0x3f2: {  	[tilespmem:s2+$0xE450] =	vst.add.f32.msk $0xffff, v4;
	s0 =	sand.u32 $0x380, s0  }
0x3f3: {  	[tilespmem:s2+$0xE460] =	vst.add.f32.msk $0xffff, v3;
	s0 =	sor.u32 s0, s7  }
0x3f4: {  	v3 =	vld [tilespmem:s0+$0x2470]  }
0x3f5: {  	v4 =	vld [tilespmem:s0+$0x1000]  }
0x3f6: {  	v5 =	vld [tilespmem:s0+$0x1010]  }
0x3f7: {  	v6 =	vld [tilespmem:s0+$0x1020]  }
0x3f8: {  	v7 =	vld [tilespmem:s0+$0x1030]  }
0x3f9: {  	v8 =	vld [tilespmem:s0+$0x1050]  }
0x3fa: {  	v9 =	vld [tilespmem:s0+$0x1060]  }
0x3fb: {  	v10 =	vld [tilespmem:s0+$0x1070]  }
0x3fc: {  	v11 =	vld [tilespmem:s0+$0x1400]  }
0x3fd: {  	v12 =	vld [tilespmem:s0+$0x1410]  }
0x3fe: {  	v13 =	vld [tilespmem:s0+$0x1420]  }
0x3ff: {  	v14 =	vld [tilespmem:s0+$0x1430]  }
0x400: {  	v15 =	vld [tilespmem:s0+$0x1440]  }
0x401: {  	v16 =	vld [tilespmem:s0+$0x1450]  }
0x402: {  	v17 =	vld [tilespmem:s0+$0x1460]  }
0x403: {  	v18 =	vld [tilespmem:s0+$0x1470]  }
0x404: {  	v19 =	vld [tilespmem:s0+$0x1800]  }
0x405: {  	v20 =	vld [tilespmem:s0+$0x1810]  }
0x406: {  	v21 =	vld [tilespmem:s0+$0x1820]  }
0x407: {  	v22 =	vld [tilespmem:s0+$0x1830]  }
0x408: {  	v23 =	vld [tilespmem:s0+$0x1840]  }
0x409: {  	v24 =	vld [tilespmem:s0+$0x1850]  }
0x40a: {  	v25 =	vld [tilespmem:s0+$0x1860]  }
0x40b: {  	v26 =	vld [tilespmem:s0+$0x1870]  }
0x40c: {  	v27 =	vld [tilespmem:s0+$0x1C00]  }
0x40d: {  	v28 =	vld [tilespmem:s0+$0x1C10]  }
0x40e: {  	v29 =	vld [tilespmem:s0+$0x1C20]  }
0x40f: {  	v30 =	vld [tilespmem:s0+$0x1C30]  }
0x410: {  	v31 =	vld [tilespmem:s0+$0x1C40]  }
0x411: {  	v32 =	vld [tilespmem:s0+$0x1C50]  }
0x412: {  	v33 =	vld [tilespmem:s0+$0x1C60]  }
0x413: {  	v34 =	vld [tilespmem:s0+$0x1C70]  }
0x414: {  	v35 =	vld [tilespmem:s0+$0x2000]  }
0x415: {  	v36 =	vld [tilespmem:s0+$0x2010]  }
0x416: {  	v37 =	vld [tilespmem:s0+$0x2020]  }
0x417: {  	v38 =	vld [tilespmem:s0+$0x2030]  }
0x418: {  	v39 =	vld [tilespmem:s0+$0x2040]  }
0x419: {  	v40 =	vld [tilespmem:s0+$0x2050]  }
0x41a: {  	v41 =	vld [tilespmem:s0+$0x2060]  }
0x41b: {  	v42 =	vld [tilespmem:s0+$0x2070]  }
0x41c: {  	v43 =	vld [tilespmem:s0+$0x2400]  }
0x41d: {  	v44 =	vld [tilespmem:s0+$0x2410]  }
0x41e: {  	v45 =	vld [tilespmem:s0+$0x2420]  }
0x41f: {  	v46 =	vld [tilespmem:s0+$0x2430]  }
0x420: {  	v47 =	vld [tilespmem:s0+$0x2440]  }
0x421: {  	v48 =	vld [tilespmem:s0+$0x2450]  }
0x422: {  	v49 =	vld [tilespmem:s0+$0x2460]  }
0x423: {  	[tilespmem:s0+$0xE470] =	vst.add.f32.msk $0xffff, v3  }
0x424: {  	v3 =	vld [tilespmem:s0+$0x1040]  }
0x425: {  	[tilespmem:s0+$0xD000] =	vst.add.f32.msk $0xffff, v4  }
0x426: {  	[tilespmem:s0+$0xD010] =	vst.add.f32.msk $0xffff, v5  }
0x427: {  	[tilespmem:s0+$0xD020] =	vst.add.f32.msk $0xffff, v6  }
0x428: {  	[tilespmem:s0+$0xD030] =	vst.add.f32.msk $0xffff, v7  }
0x429: {  	[tilespmem:s0+$0xD050] =	vst.add.f32.msk $0xffff, v8  }
0x42a: {  	[tilespmem:s0+$0xD060] =	vst.add.f32.msk $0xffff, v9  }
0x42b: {  	[tilespmem:s0+$0xD070] =	vst.add.f32.msk $0xffff, v10  }
0x42c: {  	[tilespmem:s0+$0xD400] =	vst.add.f32.msk $0xffff, v11  }
0x42d: {  	[tilespmem:s0+$0xD410] =	vst.add.f32.msk $0xffff, v12  }
0x42e: {  	[tilespmem:s0+$0xD420] =	vst.add.f32.msk $0xffff, v13  }
0x42f: {  	[tilespmem:s0+$0xD430] =	vst.add.f32.msk $0xffff, v14  }
0x430: {  	[tilespmem:s0+$0xD440] =	vst.add.f32.msk $0xffff, v15  }
0x431: {  	[tilespmem:s0+$0xD450] =	vst.add.f32.msk $0xffff, v16  }
0x432: {  	[tilespmem:s0+$0xD460] =	vst.add.f32.msk $0xffff, v17  }
0x433: {  	[tilespmem:s0+$0xD470] =	vst.add.f32.msk $0xffff, v18  }
0x434: {  	[tilespmem:s0+$0xD800] =	vst.add.f32.msk $0xffff, v19  }
0x435: {  	[tilespmem:s0+$0xD810] =	vst.add.f32.msk $0xffff, v20  }
0x436: {  	[tilespmem:s0+$0xD820] =	vst.add.f32.msk $0xffff, v21  }
0x437: {  	[tilespmem:s0+$0xD830] =	vst.add.f32.msk $0xffff, v22  }
0x438: {  	[tilespmem:s0+$0xD840] =	vst.add.f32.msk $0xffff, v23  }
0x439: {  	[tilespmem:s0+$0xD850] =	vst.add.f32.msk $0xffff, v24  }
0x43a: {  	[tilespmem:s0+$0xD860] =	vst.add.f32.msk $0xffff, v25  }
0x43b: {  	[tilespmem:s0+$0xD870] =	vst.add.f32.msk $0xffff, v26  }
0x43c: {  	[tilespmem:s0+$0xDC00] =	vst.add.f32.msk $0xffff, v27  }
0x43d: {  	[tilespmem:s0+$0xDC10] =	vst.add.f32.msk $0xffff, v28  }
0x43e: {  	[tilespmem:s0+$0xDC20] =	vst.add.f32.msk $0xffff, v29  }
0x43f: {  	[tilespmem:s0+$0xDC30] =	vst.add.f32.msk $0xffff, v30  }
0x440: {  	[tilespmem:s0+$0xDC40] =	vst.add.f32.msk $0xffff, v31  }
0x441: {  	[tilespmem:s0+$0xDC50] =	vst.add.f32.msk $0xffff, v32  }
0x442: {  	[tilespmem:s0+$0xDC60] =	vst.add.f32.msk $0xffff, v33  }
0x443: {  	[tilespmem:s0+$0xDC70] =	vst.add.f32.msk $0xffff, v34  }
0x444: {  	[tilespmem:s0+$0xE000] =	vst.add.f32.msk $0xffff, v35  }
0x445: {  	[tilespmem:s0+$0xE010] =	vst.add.f32.msk $0xffff, v36  }
0x446: {  	[tilespmem:s0+$0xE020] =	vst.add.f32.msk $0xffff, v37  }
0x447: {  	[tilespmem:s0+$0xE030] =	vst.add.f32.msk $0xffff, v38  }
0x448: {  	[tilespmem:s0+$0xE040] =	vst.add.f32.msk $0xffff, v39  }
0x449: {  	[tilespmem:s0+$0xE050] =	vst.add.f32.msk $0xffff, v40  }
0x44a: {  	[tilespmem:s0+$0xE060] =	vst.add.f32.msk $0xffff, v41  }
0x44b: {  	[tilespmem:s0+$0xE070] =	vst.add.f32.msk $0xffff, v42  }
0x44c: {  	[tilespmem:s0+$0xE400] =	vst.add.f32.msk $0xffff, v43  }
0x44d: {  	[tilespmem:s0+$0xE410] =	vst.add.f32.msk $0xffff, v44  }
0x44e: {  	[tilespmem:s0+$0xE420] =	vst.add.f32.msk $0xffff, v45  }
0x44f: {  	[tilespmem:s0+$0xE430] =	vst.add.f32.msk $0xffff, v46  }
0x450: {  	[tilespmem:s0+$0xE440] =	vst.add.f32.msk $0xffff, v47  }
0x451: {  	[tilespmem:s0+$0xE450] =	vst.add.f32.msk $0xffff, v48  }
0x452: {  	[tilespmem:s0+$0xE460] =	vst.add.f32.msk $0xffff, v49  }
0x453: {  	s29 =	simm.s32 $0x0;
	s31 =	rddreg [dreg:$0x8];
	[tilespmem:s0+$0xD040] =	vst.add.f32.msk $0xffff, v3  }
0x454: {  	[hbm4b:s31+s29] =	stream.linear.scatter [tilespmem:s30], [sflag:$0x5], $0x6000, $0x38;
	[tilespmem:$0x19000] =	vst v63  }
0x455: {  	_ =	swait.ge [sflag:s23], $0x6000  }
0x456: {  	[sflag:s23] =	ssyncset.done $0x0  }
0x457: {  	s7 =	simm.s32 $0x0;
	[sflag:s23] =	ssyncadd.s32 $0xFFFFA000  }
0x458: {  	s2 =	smul.u32 $0x1800, s7;
	_ =	swait.ge [sflag:s24], $0x6000  }
0x459: {  	s0 =	sand.u32 $0x380, s29;
	[sflag:s24] =	ssyncset.done $0x0  }
0x45a: {  	s2 =	sor.u32 s0, s2;
	[sflag:s24] =	ssyncadd.s32 $0xFFFFA000  }
0x45b: {  	v3 =	vld [tilespmem:s2+$0x7000];
	_ =	sdelay $0x3  }
0x45c: {  	s0 =	sadd.s32 $0x6000, s2  }
0x45d: {  	[tilespmem:s0+$0xD000] =	vst.add.f32.msk $0xffff, v3  }
0x45e: {  	v3 =	vld [tilespmem:s2+$0x7010];
	_ =	sdelay $0x4  }
0x45f: {  	[tilespmem:s0+$0xD010] =	vst.add.f32.msk $0xffff, v3  }
0x460: {  	v3 =	vld [tilespmem:s2+$0x7020];
	_ =	sdelay $0x4  }
0x461: {  	[tilespmem:s0+$0xD020] =	vst.add.f32.msk $0xffff, v3  }
0x462: {  	v3 =	vld [tilespmem:s2+$0x7030];
	_ =	sdelay $0x4  }
0x463: {  	[tilespmem:s0+$0xD030] =	vst.add.f32.msk $0xffff, v3  }
0x464: {  	v3 =	vld [tilespmem:s2+$0x7040];
	_ =	sdelay $0x4  }
0x465: {  	[tilespmem:s0+$0xD040] =	vst.add.f32.msk $0xffff, v3  }
0x466: {  	v3 =	vld [tilespmem:s2+$0x7050];
	_ =	sdelay $0x4  }
0x467: {  	[tilespmem:s0+$0xD050] =	vst.add.f32.msk $0xffff, v3  }
0x468: {  	v3 =	vld [tilespmem:s2+$0x7060];
	_ =	sdelay $0x4  }
0x469: {  	[tilespmem:s0+$0xD060] =	vst.add.f32.msk $0xffff, v3  }
0x46a: {  	v3 =	vld [tilespmem:s2+$0x7070];
	_ =	sdelay $0x4  }
0x46b: {  	[tilespmem:s0+$0xD070] =	vst.add.f32.msk $0xffff, v3  }
0x46c: {  	v3 =	vld [tilespmem:s2+$0x7400];
	_ =	sdelay $0x3  }
0x46d: {  	s11 =	sadd.s32 $0x6400, s2  }
0x46e: {  	[tilespmem:s11+$0xD000] =	vst.add.f32.msk $0xffff, v3  }
0x46f: {  	v3 =	vld [tilespmem:s2+$0x7410];
	_ =	sdelay $0x4  }
0x470: {  	[tilespmem:s11+$0xD010] =	vst.add.f32.msk $0xffff, v3  }
0x471: {  	v3 =	vld [tilespmem:s2+$0x7420];
	_ =	sdelay $0x4  }
0x472: {  	[tilespmem:s11+$0xD020] =	vst.add.f32.msk $0xffff, v3  }
0x473: {  	v3 =	vld [tilespmem:s2+$0x7430];
	_ =	sdelay $0x4  }
0x474: {  	[tilespmem:s11+$0xD030] =	vst.add.f32.msk $0xffff, v3  }
0x475: {  	v3 =	vld [tilespmem:s2+$0x7440];
	_ =	sdelay $0x4  }
0x476: {  	[tilespmem:s11+$0xD040] =	vst.add.f32.msk $0xffff, v3  }
0x477: {  	v3 =	vld [tilespmem:s2+$0x7450];
	_ =	sdelay $0x4  }
0x478: {  	[tilespmem:s11+$0xD050] =	vst.add.f32.msk $0xffff, v3  }
0x479: {  	v3 =	vld [tilespmem:s2+$0x7460];
	_ =	sdelay $0x4  }
0x47a: {  	[tilespmem:s11+$0xD060] =	vst.add.f32.msk $0xffff, v3  }
0x47b: {  	v3 =	vld [tilespmem:s2+$0x7470];
	_ =	sdelay $0x4  }
0x47c: {  	[tilespmem:s11+$0xD070] =	vst.add.f32.msk $0xffff, v3  }
0x47d: {  	v3 =	vld [tilespmem:s2+$0x7800];
	_ =	sdelay $0x3  }
0x47e: {  	s26 =	sadd.s32 $0x6800, s2  }
0x47f: {  	[tilespmem:s26+$0xD000] =	vst.add.f32.msk $0xffff, v3  }
0x480: {  	v3 =	vld [tilespmem:s2+$0x7810];
	_ =	sdelay $0x4  }
0x481: {  	[tilespmem:s26+$0xD010] =	vst.add.f32.msk $0xffff, v3  }
0x482: {  	v3 =	vld [tilespmem:s2+$0x7820];
	_ =	sdelay $0x4  }
0x483: {  	[tilespmem:s26+$0xD020] =	vst.add.f32.msk $0xffff, v3  }
0x484: {  	v3 =	vld [tilespmem:s2+$0x7830];
	_ =	sdelay $0x4  }
0x485: {  	[tilespmem:s26+$0xD030] =	vst.add.f32.msk $0xffff, v3  }
0x486: {  	v3 =	vld [tilespmem:s2+$0x7840];
	_ =	sdelay $0x4  }
0x487: {  	[tilespmem:s26+$0xD040] =	vst.add.f32.msk $0xffff, v3  }
0x488: {  	v3 =	vld [tilespmem:s2+$0x7850];
	_ =	sdelay $0x4  }
0x489: {  	[tilespmem:s26+$0xD050] =	vst.add.f32.msk $0xffff, v3  }
0x48a: {  	v3 =	vld [tilespmem:s2+$0x7860];
	_ =	sdelay $0x4  }
0x48b: {  	[tilespmem:s26+$0xD060] =	vst.add.f32.msk $0xffff, v3  }
0x48c: {  	v3 =	vld [tilespmem:s2+$0x7870];
	_ =	sdelay $0x4  }
0x48d: {  	[tilespmem:s26+$0xD070] =	vst.add.f32.msk $0xffff, v3  }
0x48e: {  	v3 =	vld [tilespmem:s2+$0x7C00];
	_ =	sdelay $0x3  }
0x48f: {  	s28 =	sadd.s32 $0x6C00, s2  }
0x490: {  	[tilespmem:s28+$0xD000] =	vst.add.f32.msk $0xffff, v3  }
0x491: {  	v3 =	vld [tilespmem:s2+$0x7C10];
	_ =	sdelay $0x4  }
0x492: {  	[tilespmem:s28+$0xD010] =	vst.add.f32.msk $0xffff, v3  }
0x493: {  	v3 =	vld [tilespmem:s2+$0x7C20];
	_ =	sdelay $0x4  }
0x494: {  	[tilespmem:s28+$0xD020] =	vst.add.f32.msk $0xffff, v3  }
0x495: {  	v3 =	vld [tilespmem:s2+$0x7C30];
	_ =	sdelay $0x4  }
0x496: {  	[tilespmem:s28+$0xD030] =	vst.add.f32.msk $0xffff, v3  }
0x497: {  	v3 =	vld [tilespmem:s2+$0x7C40];
	_ =	sdelay $0x4  }
0x498: {  	[tilespmem:s28+$0xD040] =	vst.add.f32.msk $0xffff, v3  }
0x499: {  	v3 =	vld [tilespmem:s2+$0x7C50];
	_ =	sdelay $0x4  }
0x49a: {  	[tilespmem:s28+$0xD050] =	vst.add.f32.msk $0xffff, v3  }
0x49b: {  	v3 =	vld [tilespmem:s2+$0x7C60];
	_ =	sdelay $0x4  }
0x49c: {  	[tilespmem:s28+$0xD060] =	vst.add.f32.msk $0xffff, v3  }
0x49d: {  	v3 =	vld [tilespmem:s2+$0x7C70];
	_ =	sdelay $0x4  }
0x49e: {  	[tilespmem:s28+$0xD070] =	vst.add.f32.msk $0xffff, v3  }
0x49f: {  	v3 =	vld [tilespmem:s2+$0x8000];
	_ =	sdelay $0x3  }
0x4a0: {  	s29 =	sadd.s32 $0x7000, s2  }
0x4a1: {  	[tilespmem:s29+$0xD000] =	vst.add.f32.msk $0xffff, v3  }
0x4a2: {  	v3 =	vld [tilespmem:s2+$0x8010];
	_ =	sdelay $0x4  }
0x4a3: {  	[tilespmem:s29+$0xD010] =	vst.add.f32.msk $0xffff, v3  }
0x4a4: {  	v3 =	vld [tilespmem:s2+$0x8020];
	_ =	sdelay $0x4  }
0x4a5: {  	[tilespmem:s29+$0xD020] =	vst.add.f32.msk $0xffff, v3  }
0x4a6: {  	v3 =	vld [tilespmem:s2+$0x8030];
	_ =	sdelay $0x4  }
0x4a7: {  	[tilespmem:s29+$0xD030] =	vst.add.f32.msk $0xffff, v3  }
0x4a8: {  	v3 =	vld [tilespmem:s2+$0x8040];
	_ =	sdelay $0x4  }
0x4a9: {  	[tilespmem:s29+$0xD040] =	vst.add.f32.msk $0xffff, v3  }
0x4aa: {  	v3 =	vld [tilespmem:s2+$0x8050];
	_ =	sdelay $0x4  }
0x4ab: {  	[tilespmem:s29+$0xD050] =	vst.add.f32.msk $0xffff, v3  }
0x4ac: {  	v3 =	vld [tilespmem:s2+$0x8060];
	_ =	sdelay $0x4  }
0x4ad: {  	[tilespmem:s29+$0xD060] =	vst.add.f32.msk $0xffff, v3  }
0x4ae: {  	v3 =	vld [tilespmem:s2+$0x8070];
	_ =	sdelay $0x4  }
0x4af: {  	[tilespmem:s29+$0xD070] =	vst.add.f32.msk $0xffff, v3  }
0x4b0: {  	v3 =	vld [tilespmem:s2+$0x8400];
	_ =	sdelay $0x3  }
0x4b1: {  	s11 =	sadd.s32 $0x7400, s2  }
0x4b2: {  	[tilespmem:s11+$0xD000] =	vst.add.f32.msk $0xffff, v3  }
0x4b3: {  	v3 =	vld [tilespmem:s2+$0x8410];
	_ =	sdelay $0x4  }
0x4b4: {  	[tilespmem:s11+$0xD010] =	vst.add.f32.msk $0xffff, v3  }
0x4b5: {  	v3 =	vld [tilespmem:s2+$0x8420];
	_ =	sdelay $0x4  }
0x4b6: {  	[tilespmem:s11+$0xD020] =	vst.add.f32.msk $0xffff, v3  }
0x4b7: {  	v3 =	vld [tilespmem:s2+$0x8430];
	_ =	sdelay $0x4  }
0x4b8: {  	[tilespmem:s11+$0xD030] =	vst.add.f32.msk $0xffff, v3  }
0x4b9: {  	v3 =	vld [tilespmem:s2+$0x8440];
	_ =	sdelay $0x4  }
0x4ba: {  	[tilespmem:s11+$0xD040] =	vst.add.f32.msk $0xffff, v3  }
0x4bb: {  	v3 =	vld [tilespmem:s2+$0x8450];
	_ =	sdelay $0x4  }
0x4bc: {  	[tilespmem:s11+$0xD050] =	vst.add.f32.msk $0xffff, v3  }
0x4bd: {  	v3 =	vld [tilespmem:s2+$0x8460];
	_ =	sdelay $0x4  }
0x4be: {  	[tilespmem:s11+$0xD060] =	vst.add.f32.msk $0xffff, v3  }
0x4bf: {  	v3 =	vld [tilespmem:s2+$0x8470];
	_ =	sdelay $0x1  }
0x4c0: {  	s31 =	simm.s32 $0x0;
	s26 =	simm.s32 $0x80  }
0x4c1: {  	s0 =	simm.s32 $0x2;
	s7 =	sand.u32 $0x380, s26;
	s2 =	smul.u32 $0x1800, s31  }
.LBB2_10:
0x4c2: {  	p0 =	sne.s32 s0, $0x1F  }
0x4c3: {  	s7 =	sor.u32 s7, s2;
	[tilespmem:s11+$0xD070] =	vst.add.f32.msk $0xffff, v3;
	s2 =	smov.u32 s0;
	s0 =	sadd.s32 $0x1, s0  }
0x4c4: {  	v3 =	vld [tilespmem:s7+$0x7000];
	_ =	sdelay $0x3  }
0x4c5: {  	s11 =	sadd.s32 $0x6000, s7  }
0x4c6: {  	[tilespmem:s11+$0xD000] =	vst.add.f32.msk $0xffff, v3  }
0x4c7: {  	v3 =	vld [tilespmem:s7+$0x7010];
	_ =	sdelay $0x4  }
0x4c8: {  	[tilespmem:s11+$0xD010] =	vst.add.f32.msk $0xffff, v3  }
0x4c9: {  	v3 =	vld [tilespmem:s7+$0x7020];
	_ =	sdelay $0x4  }
0x4ca: {  	[tilespmem:s11+$0xD020] =	vst.add.f32.msk $0xffff, v3  }
0x4cb: {  	v3 =	vld [tilespmem:s7+$0x7030];
	_ =	sdelay $0x4  }
0x4cc: {  	[tilespmem:s11+$0xD030] =	vst.add.f32.msk $0xffff, v3  }
0x4cd: {  	v3 =	vld [tilespmem:s7+$0x7040];
	_ =	sdelay $0x4  }
0x4ce: {  	[tilespmem:s11+$0xD040] =	vst.add.f32.msk $0xffff, v3  }
0x4cf: {  	v3 =	vld [tilespmem:s7+$0x7050];
	_ =	sdelay $0x4  }
0x4d0: {  	[tilespmem:s11+$0xD050] =	vst.add.f32.msk $0xffff, v3  }
0x4d1: {  	v3 =	vld [tilespmem:s7+$0x7060];
	_ =	sdelay $0x4  }
0x4d2: {  	[tilespmem:s11+$0xD060] =	vst.add.f32.msk $0xffff, v3  }
0x4d3: {  	v3 =	vld [tilespmem:s7+$0x7070];
	_ =	sdelay $0x4  }
0x4d4: {  	[tilespmem:s11+$0xD070] =	vst.add.f32.msk $0xffff, v3  }
0x4d5: {  	v3 =	vld [tilespmem:s7+$0x7400];
	_ =	sdelay $0x3  }
0x4d6: {  	s11 =	sadd.s32 $0x6400, s7  }
0x4d7: {  	[tilespmem:s11+$0xD000] =	vst.add.f32.msk $0xffff, v3  }
0x4d8: {  	v3 =	vld [tilespmem:s7+$0x7410];
	_ =	sdelay $0x4  }
0x4d9: {  	[tilespmem:s11+$0xD010] =	vst.add.f32.msk $0xffff, v3  }
0x4da: {  	v3 =	vld [tilespmem:s7+$0x7420];
	_ =	sdelay $0x4  }
0x4db: {  	[tilespmem:s11+$0xD020] =	vst.add.f32.msk $0xffff, v3  }
0x4dc: {  	v3 =	vld [tilespmem:s7+$0x7430];
	_ =	sdelay $0x4  }
0x4dd: {  	[tilespmem:s11+$0xD030] =	vst.add.f32.msk $0xffff, v3  }
0x4de: {  	v3 =	vld [tilespmem:s7+$0x7440];
	_ =	sdelay $0x4  }
0x4df: {  	[tilespmem:s11+$0xD040] =	vst.add.f32.msk $0xffff, v3  }
0x4e0: {  	v3 =	vld [tilespmem:s7+$0x7450];
	_ =	sdelay $0x4  }
0x4e1: {  	[tilespmem:s11+$0xD050] =	vst.add.f32.msk $0xffff, v3  }
0x4e2: {  	v3 =	vld [tilespmem:s7+$0x7460];
	_ =	sdelay $0x4  }
0x4e3: {  	[tilespmem:s11+$0xD060] =	vst.add.f32.msk $0xffff, v3  }
0x4e4: {  	v3 =	vld [tilespmem:s7+$0x7470];
	_ =	sdelay $0x4  }
0x4e5: {  	[tilespmem:s11+$0xD070] =	vst.add.f32.msk $0xffff, v3  }
0x4e6: {  	v3 =	vld [tilespmem:s7+$0x7800];
	_ =	sdelay $0x3  }
0x4e7: {  	s11 =	sadd.s32 $0x6800, s7  }
0x4e8: {  	[tilespmem:s11+$0xD000] =	vst.add.f32.msk $0xffff, v3  }
0x4e9: {  	v3 =	vld [tilespmem:s7+$0x7810];
	_ =	sdelay $0x4  }
0x4ea: {  	[tilespmem:s11+$0xD010] =	vst.add.f32.msk $0xffff, v3  }
0x4eb: {  	v3 =	vld [tilespmem:s7+$0x7820];
	_ =	sdelay $0x4  }
0x4ec: {  	[tilespmem:s11+$0xD020] =	vst.add.f32.msk $0xffff, v3  }
0x4ed: {  	v3 =	vld [tilespmem:s7+$0x7830];
	_ =	sdelay $0x4  }
0x4ee: {  	[tilespmem:s11+$0xD030] =	vst.add.f32.msk $0xffff, v3  }
0x4ef: {  	v3 =	vld [tilespmem:s7+$0x7840];
	_ =	sdelay $0x4  }
0x4f0: {  	[tilespmem:s11+$0xD040] =	vst.add.f32.msk $0xffff, v3  }
0x4f1: {  	v3 =	vld [tilespmem:s7+$0x7850];
	_ =	sdelay $0x4  }
0x4f2: {  	[tilespmem:s11+$0xD050] =	vst.add.f32.msk $0xffff, v3  }
0x4f3: {  	v3 =	vld [tilespmem:s7+$0x7860];
	_ =	sdelay $0x4  }
0x4f4: {  	[tilespmem:s11+$0xD060] =	vst.add.f32.msk $0xffff, v3  }
0x4f5: {  	v3 =	vld [tilespmem:s7+$0x7870];
	_ =	sdelay $0x4  }
0x4f6: {  	[tilespmem:s11+$0xD070] =	vst.add.f32.msk $0xffff, v3  }
0x4f7: {  	v3 =	vld [tilespmem:s7+$0x7C00];
	_ =	sdelay $0x3  }
0x4f8: {  	s11 =	sadd.s32 $0x6C00, s7  }
0x4f9: {  	[tilespmem:s11+$0xD000] =	vst.add.f32.msk $0xffff, v3  }
0x4fa: {  	v3 =	vld [tilespmem:s7+$0x7C10];
	_ =	sdelay $0x4  }
0x4fb: {  	[tilespmem:s11+$0xD010] =	vst.add.f32.msk $0xffff, v3  }
0x4fc: {  	v3 =	vld [tilespmem:s7+$0x7C20];
	_ =	sdelay $0x4  }
0x4fd: {  	[tilespmem:s11+$0xD020] =	vst.add.f32.msk $0xffff, v3  }
0x4fe: {  	v3 =	vld [tilespmem:s7+$0x7C30];
	_ =	sdelay $0x4  }
0x4ff: {  	[tilespmem:s11+$0xD030] =	vst.add.f32.msk $0xffff, v3  }
0x500: {  	v3 =	vld [tilespmem:s7+$0x7C40];
	_ =	sdelay $0x4  }
0x501: {  	[tilespmem:s11+$0xD040] =	vst.add.f32.msk $0xffff, v3  }
0x502: {  	v3 =	vld [tilespmem:s7+$0x7C50];
	_ =	sdelay $0x4  }
0x503: {  	[tilespmem:s11+$0xD050] =	vst.add.f32.msk $0xffff, v3  }
0x504: {  	v3 =	vld [tilespmem:s7+$0x7C60];
	_ =	sdelay $0x4  }
0x505: {  	[tilespmem:s11+$0xD060] =	vst.add.f32.msk $0xffff, v3  }
0x506: {  	v3 =	vld [tilespmem:s7+$0x7C70];
	_ =	sdelay $0x4  }
0x507: {  	[tilespmem:s11+$0xD070] =	vst.add.f32.msk $0xffff, v3  }
0x508: {  	v3 =	vld [tilespmem:s7+$0x8000];
	_ =	sdelay $0x3  }
0x509: {  	s11 =	sadd.s32 $0x7000, s7  }
0x50a: {  	[tilespmem:s11+$0xD000] =	vst.add.f32.msk $0xffff, v3  }
0x50b: {  	v3 =	vld [tilespmem:s7+$0x8010];
	_ =	sdelay $0x4  }
0x50c: {  	[tilespmem:s11+$0xD010] =	vst.add.f32.msk $0xffff, v3  }
0x50d: {  	v3 =	vld [tilespmem:s7+$0x8020];
	_ =	sdelay $0x4  }
0x50e: {  	[tilespmem:s11+$0xD020] =	vst.add.f32.msk $0xffff, v3  }
0x50f: {  	v3 =	vld [tilespmem:s7+$0x8030];
	_ =	sdelay $0x4  }
0x510: {  	[tilespmem:s11+$0xD030] =	vst.add.f32.msk $0xffff, v3  }
0x511: {  	v3 =	vld [tilespmem:s7+$0x8040];
	_ =	sdelay $0x4  }
0x512: {  	[tilespmem:s11+$0xD040] =	vst.add.f32.msk $0xffff, v3  }
0x513: {  	v3 =	vld [tilespmem:s7+$0x8050];
	_ =	sdelay $0x4  }
0x514: {  	[tilespmem:s11+$0xD050] =	vst.add.f32.msk $0xffff, v3  }
0x515: {  	v3 =	vld [tilespmem:s7+$0x8060];
	_ =	sdelay $0x4  }
0x516: {  	[tilespmem:s11+$0xD060] =	vst.add.f32.msk $0xffff, v3  }
0x517: {  	v3 =	vld [tilespmem:s7+$0x8070];
	_ =	sdelay $0x4  }
0x518: {  	[tilespmem:s11+$0xD070] =	vst.add.f32.msk $0xffff, v3  }
0x519: {  	v3 =	vld [tilespmem:s7+$0x8400];
	_ =	sdelay $0x3  }
0x51a: {  	s11 =	sadd.s32 $0x7400, s7  }
0x51b: {  	[tilespmem:s11+$0xD000] =	vst.add.f32.msk $0xffff, v3  }
0x51c: {  	v3 =	vld [tilespmem:s7+$0x8410];
	_ =	sdelay $0x4  }
0x51d: {  	[tilespmem:s11+$0xD010] =	vst.add.f32.msk $0xffff, v3  }
0x51e: {  	v3 =	vld [tilespmem:s7+$0x8420];
	_ =	sdelay $0x4  }
0x51f: {  	[tilespmem:s11+$0xD020] =	vst.add.f32.msk $0xffff, v3  }
0x520: {  	v3 =	vld [tilespmem:s7+$0x8430];
	_ =	sdelay $0x4  }
0x521: {  	[tilespmem:s11+$0xD030] =	vst.add.f32.msk $0xffff, v3  }
0x522: {  	v3 =	vld [tilespmem:s7+$0x8440];
	_ =	sdelay $0x4  }
0x523: {  	[tilespmem:s11+$0xD040] =	vst.add.f32.msk $0xffff, v3  }
0x524: {  	v3 =	vld [tilespmem:s7+$0x8450];
	_ =	sdelay $0x4  }
0x525: {  	[tilespmem:s11+$0xD050] =	vst.add.f32.msk $0xffff, v3  }
0x526: {  	v3 =	vld [tilespmem:s7+$0x8460];
	_ =	sdelay $0x4  }
0x527: {  	[tilespmem:s11+$0xD060] =	vst.add.f32.msk $0xffff, v3  }
.Ltmp4:
0x528: {  	v3 =	vld [tilespmem:s7+$0x8470];
	(pc) =	sbr.rel @p0 .LBB2_10-.Ltmp4, $4  }
0x529: {  	_ = 	snop  }
0x52a: {  	s2 =	sshrl.u32 s2, $0x3  }
0x52b: {  	s26 =	sadd.s32 $0x80, s26;
	s2 =	smul.u32 $0x1800, s2  }
0x52c: {  	s7 =	sand.u32 $0x380, s26  }
0x52d: {  	s0 =	sor.u32 s7, s2;
	[tilespmem:s11+$0xD070] =	vst.add.f32.msk $0xffff, v3  }
0x52e: {  	v3 =	vld [tilespmem:s0+$0x7000];
	_ =	sdelay $0x3  }
0x52f: {  	s2 =	sadd.s32 $0x6000, s0  }
0x530: {  	[tilespmem:s2+$0xD000] =	vst.add.f32.msk $0xffff, v3  }
0x531: {  	v3 =	vld [tilespmem:s0+$0x7010];
	_ =	sdelay $0x4  }
0x532: {  	[tilespmem:s2+$0xD010] =	vst.add.f32.msk $0xffff, v3  }
0x533: {  	v3 =	vld [tilespmem:s0+$0x7020];
	_ =	sdelay $0x4  }
0x534: {  	[tilespmem:s2+$0xD020] =	vst.add.f32.msk $0xffff, v3  }
0x535: {  	v3 =	vld [tilespmem:s0+$0x7030];
	_ =	sdelay $0x4  }
0x536: {  	[tilespmem:s2+$0xD030] =	vst.add.f32.msk $0xffff, v3  }
0x537: {  	v3 =	vld [tilespmem:s0+$0x7040];
	_ =	sdelay $0x4  }
0x538: {  	[tilespmem:s2+$0xD040] =	vst.add.f32.msk $0xffff, v3  }
0x539: {  	v3 =	vld [tilespmem:s0+$0x7050];
	_ =	sdelay $0x4  }
0x53a: {  	[tilespmem:s2+$0xD050] =	vst.add.f32.msk $0xffff, v3  }
0x53b: {  	v3 =	vld [tilespmem:s0+$0x7060];
	_ =	sdelay $0x4  }
0x53c: {  	[tilespmem:s2+$0xD060] =	vst.add.f32.msk $0xffff, v3  }
0x53d: {  	v3 =	vld [tilespmem:s0+$0x7070];
	_ =	sdelay $0x4  }
0x53e: {  	[tilespmem:s2+$0xD070] =	vst.add.f32.msk $0xffff, v3  }
0x53f: {  	v3 =	vld [tilespmem:s0+$0x7400];
	_ =	sdelay $0x3  }
0x540: {  	s29 =	sadd.s32 $0x6400, s0  }
0x541: {  	[tilespmem:s29+$0xD000] =	vst.add.f32.msk $0xffff, v3  }
0x542: {  	v3 =	vld [tilespmem:s0+$0x7410];
	_ =	sdelay $0x4  }
0x543: {  	[tilespmem:s29+$0xD010] =	vst.add.f32.msk $0xffff, v3  }
0x544: {  	v3 =	vld [tilespmem:s0+$0x7420];
	_ =	sdelay $0x4  }
0x545: {  	[tilespmem:s29+$0xD020] =	vst.add.f32.msk $0xffff, v3  }
0x546: {  	v3 =	vld [tilespmem:s0+$0x7430];
	_ =	sdelay $0x4  }
0x547: {  	[tilespmem:s29+$0xD030] =	vst.add.f32.msk $0xffff, v3  }
0x548: {  	v3 =	vld [tilespmem:s0+$0x7440];
	_ =	sdelay $0x4  }
0x549: {  	[tilespmem:s29+$0xD040] =	vst.add.f32.msk $0xffff, v3  }
0x54a: {  	v3 =	vld [tilespmem:s0+$0x7450];
	_ =	sdelay $0x4  }
0x54b: {  	[tilespmem:s29+$0xD050] =	vst.add.f32.msk $0xffff, v3  }
0x54c: {  	v3 =	vld [tilespmem:s0+$0x7460];
	_ =	sdelay $0x4  }
0x54d: {  	[tilespmem:s29+$0xD060] =	vst.add.f32.msk $0xffff, v3  }
0x54e: {  	v3 =	vld [tilespmem:s0+$0x7470];
	_ =	sdelay $0x4  }
0x54f: {  	[tilespmem:s29+$0xD070] =	vst.add.f32.msk $0xffff, v3  }
0x550: {  	v3 =	vld [tilespmem:s0+$0x7800];
	_ =	sdelay $0x3  }
0x551: {  	s31 =	sadd.s32 $0x6800, s0  }
0x552: {  	[tilespmem:s31+$0xD000] =	vst.add.f32.msk $0xffff, v3  }
0x553: {  	v3 =	vld [tilespmem:s0+$0x7810];
	_ =	sdelay $0x4  }
0x554: {  	[tilespmem:s31+$0xD010] =	vst.add.f32.msk $0xffff, v3  }
0x555: {  	v3 =	vld [tilespmem:s0+$0x7820];
	_ =	sdelay $0x4  }
0x556: {  	[tilespmem:s31+$0xD020] =	vst.add.f32.msk $0xffff, v3  }
0x557: {  	v3 =	vld [tilespmem:s0+$0x7830];
	_ =	sdelay $0x4  }
0x558: {  	[tilespmem:s31+$0xD030] =	vst.add.f32.msk $0xffff, v3  }
0x559: {  	v3 =	vld [tilespmem:s0+$0x7840];
	_ =	sdelay $0x4  }
0x55a: {  	[tilespmem:s31+$0xD040] =	vst.add.f32.msk $0xffff, v3  }
0x55b: {  	v3 =	vld [tilespmem:s0+$0x7850];
	_ =	sdelay $0x4  }
0x55c: {  	[tilespmem:s31+$0xD050] =	vst.add.f32.msk $0xffff, v3  }
0x55d: {  	v3 =	vld [tilespmem:s0+$0x7860];
	_ =	sdelay $0x4  }
0x55e: {  	[tilespmem:s31+$0xD060] =	vst.add.f32.msk $0xffff, v3  }
0x55f: {  	v3 =	vld [tilespmem:s0+$0x7870];
	_ =	sdelay $0x4  }
0x560: {  	[tilespmem:s31+$0xD070] =	vst.add.f32.msk $0xffff, v3  }
0x561: {  	v3 =	vld [tilespmem:s0+$0x7C00];
	_ =	sdelay $0x3  }
0x562: {  	s7 =	sadd.s32 $0x6C00, s0  }
0x563: {  	[tilespmem:s7+$0xD000] =	vst.add.f32.msk $0xffff, v3  }
0x564: {  	v3 =	vld [tilespmem:s0+$0x7C10];
	_ =	sdelay $0x4  }
0x565: {  	[tilespmem:s7+$0xD010] =	vst.add.f32.msk $0xffff, v3  }
0x566: {  	v3 =	vld [tilespmem:s0+$0x7C20];
	_ =	sdelay $0x4  }
0x567: {  	[tilespmem:s7+$0xD020] =	vst.add.f32.msk $0xffff, v3  }
0x568: {  	v3 =	vld [tilespmem:s0+$0x7C30];
	_ =	sdelay $0x4  }
0x569: {  	[tilespmem:s7+$0xD030] =	vst.add.f32.msk $0xffff, v3  }
0x56a: {  	v3 =	vld [tilespmem:s0+$0x7C40];
	_ =	sdelay $0x4  }
0x56b: {  	[tilespmem:s7+$0xD040] =	vst.add.f32.msk $0xffff, v3  }
0x56c: {  	v3 =	vld [tilespmem:s0+$0x7C50];
	_ =	sdelay $0x4  }
0x56d: {  	[tilespmem:s7+$0xD050] =	vst.add.f32.msk $0xffff, v3  }
0x56e: {  	v3 =	vld [tilespmem:s0+$0x7C60];
	_ =	sdelay $0x4  }
0x56f: {  	[tilespmem:s7+$0xD060] =	vst.add.f32.msk $0xffff, v3  }
0x570: {  	v3 =	vld [tilespmem:s0+$0x7C70];
	_ =	sdelay $0x4  }
0x571: {  	[tilespmem:s7+$0xD070] =	vst.add.f32.msk $0xffff, v3  }
0x572: {  	v3 =	vld [tilespmem:s0+$0x8000];
	_ =	sdelay $0x3  }
0x573: {  	s11 =	sadd.s32 $0x7000, s0  }
0x574: {  	[tilespmem:s11+$0xD000] =	vst.add.f32.msk $0xffff, v3  }
0x575: {  	v3 =	vld [tilespmem:s0+$0x8010];
	_ =	sdelay $0x4  }
0x576: {  	[tilespmem:s11+$0xD010] =	vst.add.f32.msk $0xffff, v3  }
0x577: {  	v3 =	vld [tilespmem:s0+$0x8020];
	_ =	sdelay $0x4  }
0x578: {  	[tilespmem:s11+$0xD020] =	vst.add.f32.msk $0xffff, v3  }
0x579: {  	v3 =	vld [tilespmem:s0+$0x8030];
	_ =	sdelay $0x4  }
0x57a: {  	[tilespmem:s11+$0xD030] =	vst.add.f32.msk $0xffff, v3  }
0x57b: {  	v3 =	vld [tilespmem:s0+$0x8040];
	_ =	sdelay $0x4  }
0x57c: {  	[tilespmem:s11+$0xD040] =	vst.add.f32.msk $0xffff, v3  }
0x57d: {  	v3 =	vld [tilespmem:s0+$0x8050];
	_ =	sdelay $0x4  }
0x57e: {  	[tilespmem:s11+$0xD050] =	vst.add.f32.msk $0xffff, v3  }
0x57f: {  	v3 =	vld [tilespmem:s0+$0x8060];
	_ =	sdelay $0x4  }
0x580: {  	[tilespmem:s11+$0xD060] =	vst.add.f32.msk $0xffff, v3  }
0x581: {  	v3 =	vld [tilespmem:s0+$0x8070];
	_ =	sdelay $0x4  }
0x582: {  	[tilespmem:s11+$0xD070] =	vst.add.f32.msk $0xffff, v3  }
0x583: {  	v3 =	vld [tilespmem:s0+$0x8400];
	_ =	sdelay $0x3  }
0x584: {  	s26 =	sadd.s32 $0x7400, s0  }
0x585: {  	[tilespmem:s26+$0xD000] =	vst.add.f32.msk $0xffff, v3  }
0x586: {  	v3 =	vld [tilespmem:s0+$0x8410];
	_ =	sdelay $0x4  }
0x587: {  	[tilespmem:s26+$0xD010] =	vst.add.f32.msk $0xffff, v3  }
0x588: {  	v3 =	vld [tilespmem:s0+$0x8420];
	_ =	sdelay $0x4  }
0x589: {  	[tilespmem:s26+$0xD020] =	vst.add.f32.msk $0xffff, v3  }
0x58a: {  	v3 =	vld [tilespmem:s0+$0x8430];
	_ =	sdelay $0x4  }
0x58b: {  	[tilespmem:s26+$0xD030] =	vst.add.f32.msk $0xffff, v3  }
0x58c: {  	v3 =	vld [tilespmem:s0+$0x8440];
	_ =	sdelay $0x4  }
0x58d: {  	[tilespmem:s26+$0xD040] =	vst.add.f32.msk $0xffff, v3  }
0x58e: {  	v3 =	vld [tilespmem:s0+$0x8450];
	_ =	sdelay $0x4  }
0x58f: {  	[tilespmem:s26+$0xD050] =	vst.add.f32.msk $0xffff, v3  }
0x590: {  	v3 =	vld [tilespmem:s0+$0x8460];
	_ =	sdelay $0x4  }
0x591: {  	[tilespmem:s26+$0xD060] =	vst.add.f32.msk $0xffff, v3  }
0x592: {  	v3 =	vld [tilespmem:s0+$0x8470];
	_ =	sdelay $0x4  }
0x593: {  	s28 =	rddreg [dreg:$0x9];
	[tilespmem:s26+$0xD070] =	vst.add.f32.msk $0xffff, v3  }
0x594: {  	[hbm4b:s28+s5] =	stream.linear.scatter [tilespmem:s19], [sflag:$0x6], $0x6000, $0x38;
	[tilespmem:$0x19000] =	vst v63  }
0x595: {  	_ =	swait.ge [sflag:s22], $0x6000  }
0x596: {  	[sflag:s22] =	ssyncset.done $0x0  }
0x597: {  	[sflag:s22] =	ssyncadd.s32 $0xFFFFA000  }
0x598: {  	_ =	swait.ge [sflag:s25], $0x6000  }
0x599: {  	s29 =	rddreg [dreg:$0xb]  }
0x59a: {  	s31 =	rddreg [dreg:$0xa];
	s2 =	sadd.s32 $0x1, s29  }
0x59b: {  	p0 =	sne.s32 s2, s31  }
.Ltmp5:
0x59c: {  	_ = 	snop;
	(pc) =	sbr.rel @p0 .LBB2_1-.Ltmp5, $3  }
0x59d: {  	_ =	sdelay $0x1  }
0x59e: {  	[sflag:s25] =	ssyncset.done $0x0  }
0x59f: {  	[sflag:s25] =	ssyncadd.s32 $0xFFFFA000  }
0x5a0: {  	_ =	sfence.sel $0x180000  }
0x5a1: {  	[bflag:$0x0] =	sbarrier.arrive $0xFFFF  }
0x5a2: {  	_ =	strace $0x90000047  }
0x5a3: {  	s0 =	stileid.u32;
	[bflag:$0x2] =	sbarrier.arrive $0xFFFF  }
0x5a4: {  	p0 =	sne.s32 s0, $0x0;
	s0 =	rddreg [dreg:$0x4]  }
0x5a5: {  	s0 =	sadd.s32 @!p0 $0x100000, s0  }
0x5a6: {  	[sflag:s0] =	ssyncadd.tile.s32 @!p0 $0x1;
	_ =	shalt  }
.Lfunc_end2:
_tile_overlayer_lowered:
.L_overlay_start_2:
0x5a7: {  	(tag) =	ssettag $0x2  }
0x5a8: {  	s0 =	rddreg [dreg:$0x0];
	s2 =	stileid.u32  }
0x5a9: {  	s1 =	rddreg [dreg:$0x1];
	p0 =	sne.s32 s2, $0x0  }
0x5aa: {  	s3 =	rddreg [dreg:$0x2];
	[bflag:$0x3] =	sbarrier.arrive $0xFFFF;
	s2 =	simm.s32 @!p0 $0x1C07  }
0x5ab: {  	[timem:s3], [sflag:s2] =	dma.local @!p0 [hbm:s0], s1  }
0x5ac: {  	s0 =	simm.s32 @!p0 $0x7  }
0x5ad: {  	_ =	swait.ge @!p0 [sflag:s0], s1  }
0x5ae: {  	s1 =	ssub.s32 @!p0 $0x0, s1;
	[sflag:s0] =	ssyncset.done @!p0 $0x0  }
0x5af: {  	[sflag:s0] =	ssyncadd.s32 @!p0 s1  }
0x5b0: {  	[bflag:$0x3] =	sbarrier.arrive $0xFFFF  }
0x5b1: {  	_ =	shalt  }

</sc_bundles>
